<compile_context>
chip_gen: v7x
topology: tpu7x:2x2x1
jax: 0.10.2.dev20260603
libtpu: 0.0.44.dev20260713+nightly
codegen_flags: <defaults>
</compile_context>

<pallas_src>
import functools

import jax
import jax.numpy as jnp
from jax import lax
from jax.experimental import pallas as pl
from jax.experimental.pallas import tpu as pltpu
from jax.experimental.pallas import tpu_sc as plsc


def _sc_gather_tt(action_1d, current_1d, ttm_t, B, N):
    info = plsc.get_sparse_core_info()
    NC, NS = info.num_cores, info.num_subcores
    NW = NC * NS
    assert B % NW == 0
    bpw = B // NW
    assert bpw % 16 == 0

    mesh = plsc.VectorSubcoreMesh(core_axis_name="c", subcore_axis_name="s")

    @functools.partial(
        pl.kernel,
        out_type=jax.ShapeDtypeStruct((B,), jnp.float32),
        mesh=mesh,
        scratch_types=[
            pltpu.VMEM((bpw,), jnp.int32),
            pltpu.VMEM((bpw,), jnp.int32),
            pltpu.VMEM((bpw * 16,), jnp.float32),
            pltpu.VMEM((bpw,), jnp.float32),
            pltpu.SemaphoreType.DMA,
            pltpu.SemaphoreType.DMA,
        ],
    )
    def sc_kernel(act_hbm, cur_hbm, ttm_hbm, tt_hbm,
                  act_v, cur_v, win_v, tt_v, sem_in, sem_g):
        wid = lax.axis_index("s") * NC + lax.axis_index("c")
        base = wid * bpw
        sl_all = pl.ds(base, bpw)
        cp_a = pltpu.async_copy(act_hbm.at[sl_all], act_v, sem_in)
        cp_c = pltpu.async_copy(cur_hbm.at[sl_all], cur_v, sem_in)
        cp_a.wait()
        cp_c.wait()

        for j in range(bpw // 16):
            av = act_v[pl.ds(j * 16, 16)]
            cv = cur_v[pl.ds(j * 16, 16)]
            lanes = pl.ds(base + j * 16, 16)
            for k in range(16):
                i = j * 16 + k
                a = av[k]
                c = cv[k]
                pltpu.async_copy(ttm_hbm.at[c, a, lanes],
                                 win_v.at[pl.ds(i * 16, 16)], sem_g)
        pltpu.make_async_copy(tt_hbm.at[pl.ds(0, bpw * 16)], win_v,
                              sem_g).wait()

        lane = lax.iota(jnp.int32, 16)
        for j in range(bpw // 16):
            acc = jnp.zeros((16,), jnp.float32)
            for k in range(16):
                i = j * 16 + k
                acc = jnp.where(lane == k, win_v[pl.ds(i * 16, 16)], acc)
            tt_v[pl.ds(j * 16, 16)] = acc

        pltpu.sync_copy(tt_v, tt_hbm.at[sl_all])

    return sc_kernel(action_1d, current_1d, ttm_t)


def _tc_select_body(act_ref, actc_ref, tw0_ref, dm_ref, comp_ref,
                    sw_ref, dmsel_ref, out_ref):
    a = act_ref[...]
    comp = comp_ref[...]
    row = lax.broadcasted_iota(jnp.int32, comp.shape, 0)
    onehot = row == a
    ac = actc_ref[...]
    col = lax.broadcasted_iota(jnp.int32, tw0_ref.shape, 1)
    sw_ref[...] = jnp.sum(jnp.where(col == ac, tw0_ref[...], 0.0), axis=1,
                          keepdims=True)
    dmsel_ref[...] = jnp.sum(jnp.where(onehot, dm_ref[...], 0.0), axis=0,
                             keepdims=True)
    is_drop = (a % 2 == 0) & (a != 0)
    hit = onehot | (row == a - 1)
    out_ref[...] = comp | (is_drop & hit).astype(jnp.int8)


def _tc_math_body(act_ref, cur_ref, ct_ref, uc_ref, tt_ref, sw_ref, dm_ref,
                  sst_ref, nl_ref):
    a = act_ref[...]
    cur = cur_ref[...]
    sst = jnp.maximum(ct_ref[...] + tt_ref[...], sw_ref[...])
    is_ret = (a == 0) & (cur != 0)
    sst_ref[...] = jnp.where(is_ret, 0.0, sst)
    nl_ref[...] = jnp.where(is_ret, 0.0, uc_ref[...] + dm_ref[...])


def kernel(action, current_node, current_time, used_capacity,
           travel_time_matrix, time_windows, demand, completed):
    B = action.shape[0]
    N = travel_time_matrix.shape[1]

    act1 = action.astype(jnp.int32)
    cur1 = current_node.reshape(B).astype(jnp.int32)

    ttm_t = jnp.transpose(travel_time_matrix, (1, 2, 0))
    tw0 = time_windows[:, :, 0]
    dm_t = jnp.transpose(demand, (1, 0))
    comp_t = jnp.transpose(completed.view(jnp.int8), (1, 0))

    tt = _sc_gather_tt(act1, cur1, ttm_t, B, N)

    bcols = 2048
    grid = B // bcols
    row_spec = pl.BlockSpec((1, bcols), lambda i: (0, i))
    mat_spec = pl.BlockSpec((N, bcols), lambda i: (0, i))
    act_row = act1.reshape(1, B)
    cur_row = cur1.reshape(1, B)
    col_spec = pl.BlockSpec((bcols, 1), lambda i: (i, 0))
    sw_c, dm_r, comp_out_t = pl.pallas_call(
        _tc_select_body,
        grid=(grid,),
        in_specs=[
            row_spec,
            col_spec,
            pl.BlockSpec((bcols, N), lambda i: (i, 0)),
            mat_spec,
            mat_spec,
        ],
        out_specs=[col_spec, row_spec, mat_spec],
        out_shape=[
            jax.ShapeDtypeStruct((B, 1), jnp.float32),
            jax.ShapeDtypeStruct((1, B), jnp.float32),
            jax.ShapeDtypeStruct((N, B), jnp.int8),
        ],
    )(act_row, act1.reshape(B, 1), tw0, dm_t, comp_t)
    sw_r = sw_c.reshape(1, B)

    full_row = pl.BlockSpec((1, B), lambda: (0, 0))
    sst_r, nl_r = pl.pallas_call(
        _tc_math_body,
        in_specs=[full_row] * 7,
        out_specs=[full_row, full_row],
        out_shape=[
            jax.ShapeDtypeStruct((1, B), jnp.float32),
            jax.ShapeDtypeStruct((1, B), jnp.float32),
        ],
    )(act_row, cur_row, current_time.reshape(1, B),
      used_capacity.reshape(1, B), tt.reshape(1, B), sw_r, dm_r)

    return (sst_r.reshape(B, 1), nl_r.reshape(B, 1),
            jnp.transpose(comp_out_t, (1, 0)).view(jnp.bool_))

# --- scband reference (transcript-rebuilt; emitter-appended) ---
"""Pipeline reference for scband-pdptwenv-54039278518385 (READ-ONLY COPY).

The authoritative reference and input builder live on the scoring server;
editing this copy changes nothing except your own understanding.
"""

import jax, jax.numpy as jnp
import numpy as np

B = 4096
N = 101

def setup_inputs(seed: int = 0) -> dict:
    key = jax.random.key(seed)
    ks = jax.random.split(key, 8)
    action = jax.random.randint(ks[0], (B,), 0, N)
    current_node = jax.random.randint(ks[1], (B, 1), 0, N)
    current_time = jax.random.uniform(ks[2], (B, 1), dtype=jnp.float32) * 100.0
    used_capacity = jax.random.uniform(ks[3], (B, 1), dtype=jnp.float32) * 8.0
    travel_time_matrix = jax.random.uniform(ks[4], (B, N, N), dtype=jnp.float32) * 50.0
    time_windows = jax.random.uniform(ks[5], (B, N, 2), dtype=jnp.float32) * 200.0
    demand = jax.random.normal(ks[6], (B, N), dtype=jnp.float32)
    completed = jnp.zeros((B, N), dtype=bool)
    return {
        'action': action,
        'current_node': current_node,
        'current_time': current_time,
        'used_capacity': used_capacity,
        'travel_time_matrix': travel_time_matrix,
        'time_windows': time_windows,
        'demand': demand,
        'completed': completed,
    }

def reference(action, current_node, current_time, used_capacity, travel_time_matrix, time_windows, demand, completed):
    # Faithful translation of PDPTWEnv.step core state-update math.
    batch_idx = jnp.arange(action.shape[0])
    curr = current_node[:, 0]
    # _get_travel_time: gather travel time from current node to action node
    travel_time = travel_time_matrix[batch_idx, curr, action][:, None]
    arrival_time = current_time + travel_time
    # gather_by_index(time_windows, action)[..., 0]
    start_window = time_windows[batch_idx, action, 0][:, None]
    service_start_time = jnp.maximum(arrival_time, start_window)
    is_return_to_depot = (action == 0) & (curr != 0)
    service_start_time = jnp.where(is_return_to_depot[:, None], jnp.zeros_like(service_start_time), service_start_time)
    # gather_by_index(demand, action).unsqueeze(-1)
    selected_demand = demand[batch_idx, action][:, None]
    new_load = used_capacity + selected_demand
    new_load = jnp.where(is_return_to_depot[:, None], jnp.zeros_like(new_load), new_load)
    # completion update: dropoff marks both dropoff node and its pickup partner complete
    is_dropoff = (action % 2 == 0) & (action != 0)
    partner_node = jnp.clip(action - 1, 0, None)
    completed_scattered = completed.at[batch_idx, action].set(True).at[batch_idx, partner_node].set(True)
    new_completed = jnp.where(is_dropoff[:, None], completed_scattered, completed)
    return service_start_time, new_load, new_completed

if __name__ == "__main__":
    import jax
    _d = setup_inputs()
    print(jax.jit(kernel)(*tuple(_d.values())))

</pallas_src>

<mosaic_0001>
#map = affine_map<(d0, d1) -> (0)>
#map1 = affine_map<(d0, d1) -> (0, 0, 0)>
module attributes {stable_mosaic.version = 14 : i64} {
  func.func @sc_kernel(%arg0: i32, %arg1: i32, %arg2: memref<4096xi32, #tpu.memory_space<hbm>>, %arg3: memref<4096xi32, #tpu.memory_space<hbm>>, %arg4: memref<101x101x4096xf32, #tpu.memory_space<hbm>>, %arg5: memref<4096xf32, #tpu.memory_space<hbm>>, %arg6: memref<128xi32, #tpu.memory_space<vmem>>, %arg7: memref<128xi32, #tpu.memory_space<vmem>>, %arg8: memref<2048xf32, #tpu.memory_space<vmem>>, %arg9: memref<128xf32, #tpu.memory_space<vmem>>, %arg10: memref<!tpu.dma_semaphore, #tpu.memory_space<semaphore_mem>>, %arg11: memref<!tpu.dma_semaphore, #tpu.memory_space<semaphore_mem>>) attributes {dimension_semantics = [#tpu.dimension_semantics<core_parallel>, #tpu.dimension_semantics<subcore_parallel>], iteration_bounds = array<i64: 2, 16>, scalar_prefetch = 0 : i64, scratch_operands = 6 : i64, tpu.core_type = #tpu.core_type<sc_vector_subcore>, window_params = [{transform_indices = #map}, {transform_indices = #map}, {transform_indices = #map1}, {transform_indices = #map}]} {
    %mul3A = arith.constant 2 : i32
    %mul3A_0 = arith.muli %arg1, %mul3A : i32
    %add3A = arith.addi %mul3A_0, %arg0 : i32
    %mul3A_1 = arith.constant 128 : i32
    %mul3A_2 = arith.muli %add3A, %mul3A_1 : i32
    %dma_start3A = tpu.memref_slice %arg2[%mul3A_2] : memref<4096xi32, #tpu.memory_space<hbm>> -> memref<128xi32, #tpu.memory_space<hbm>>
    %dma_start3A_3 = tpu.memref_slice %arg2[%mul3A_2] : memref<4096xi32, #tpu.memory_space<hbm>> -> memref<128xi32, #tpu.memory_space<hbm>>
    tpu.enqueue_dma source(%dma_start3A_3 : memref<128xi32, #tpu.memory_space<hbm>>) target(%arg6 : memref<128xi32, #tpu.memory_space<vmem>>) target_semaphore(%arg10 : memref<!tpu.dma_semaphore, #tpu.memory_space<semaphore_mem>>)
    %dma_start3A_4 = tpu.memref_slice %arg3[%mul3A_2] : memref<4096xi32, #tpu.memory_space<hbm>> -> memref<128xi32, #tpu.memory_space<hbm>>
    %dma_start3A_5 = tpu.memref_slice %arg3[%mul3A_2] : memref<4096xi32, #tpu.memory_space<hbm>> -> memref<128xi32, #tpu.memory_space<hbm>>
    tpu.enqueue_dma source(%dma_start3A_5 : memref<128xi32, #tpu.memory_space<hbm>>) target(%arg7 : memref<128xi32, #tpu.memory_space<vmem>>) target_semaphore(%arg10 : memref<!tpu.dma_semaphore, #tpu.memory_space<semaphore_mem>>)
    %dma_wait3A = tpu.memref_slice %arg2[%mul3A_2] : memref<4096xi32, #tpu.memory_space<hbm>> -> memref<128xi32, #tpu.memory_space<hbm>>
    %dma_wait3A_6 = tpu.memref_slice %arg2[%mul3A_2] : memref<4096xi32, #tpu.memory_space<hbm>> -> memref<128xi32, #tpu.memory_space<hbm>>
    tpu.wait_dma2 semaphore(%arg10 : memref<!tpu.dma_semaphore, #tpu.memory_space<semaphore_mem>>) src(%dma_wait3A_6 : memref<128xi32, #tpu.memory_space<hbm>>) dst(%arg6 : memref<128xi32, #tpu.memory_space<vmem>>)
    %dma_wait3A_7 = tpu.memref_slice %arg3[%mul3A_2] : memref<4096xi32, #tpu.memory_space<hbm>> -> memref<128xi32, #tpu.memory_space<hbm>>
    %dma_wait3A_8 = tpu.memref_slice %arg3[%mul3A_2] : memref<4096xi32, #tpu.memory_space<hbm>> -> memref<128xi32, #tpu.memory_space<hbm>>
    tpu.wait_dma2 semaphore(%arg10 : memref<!tpu.dma_semaphore, #tpu.memory_space<semaphore_mem>>) src(%dma_wait3A_8 : memref<128xi32, #tpu.memory_space<hbm>>) dst(%arg7 : memref<128xi32, #tpu.memory_space<vmem>>)
    %get3A = arith.constant 0 : index
    %get3A_9 = tpu.vector_load %arg6[%get3A] {strides = array<i32>} : memref<128xi32, #tpu.memory_space<vmem>>, vector<16xi32>,
    %get3A_10 = vector.shape_cast %get3A_9 : vector<16xi32> to vector<16xi32>
    %get3A_11 = arith.constant 0 : index
    %get3A_12 = tpu.vector_load %arg7[%get3A_11] {strides = array<i32>} : memref<128xi32, #tpu.memory_space<vmem>>, vector<16xi32>,
    %get3A_13 = vector.shape_cast %get3A_12 : vector<16xi32> to vector<16xi32>
    %add3A_14 = arith.constant 0 : i32
    %add3A_15 = arith.addi %mul3A_2, %add3A_14 : i32
    %slice3A = vector.extract_strided_slice %get3A_10 {offsets = [0], sizes = [1], strides = [1]} : vector<16xi32> to vector<1xi32>
    %squeeze3A = vector.extract %slice3A[0] : i32 from vector<1xi32>
    %slice3A_16 = vector.extract_strided_slice %get3A_13 {offsets = [0], sizes = [1], strides = [1]} : vector<16xi32> to vector<1xi32>
    %squeeze3A_17 = vector.extract %slice3A_16[0] : i32 from vector<1xi32>
    %dma_start3A_18 = arith.constant 0 : i32
    %dma_start3A_19 = tpu.memref_slice %arg8[%dma_start3A_18] : memref<2048xf32, #tpu.memory_space<vmem>> -> memref<16xf32, #tpu.memory_space<vmem>>
    %dma_start3A_20 = tpu.memref_slice %arg4[%squeeze3A_17, %squeeze3A, %add3A_15] : memref<101x101x4096xf32, #tpu.memory_space<hbm>> -> memref<1x1x16xf32, #tpu.memory_space<hbm>>
    %dma_start3A_21 = tpu.memref_squeeze %dma_start3A_20 : memref<1x1x16xf32, #tpu.memory_space<hbm>> -> memref<16xf32, #tpu.memory_space<hbm>>
    %dma_start3A_22 = arith.constant 0 : i32
    %dma_start3A_23 = tpu.memref_slice %arg8[%dma_start3A_22] : memref<2048xf32, #tpu.memory_space<vmem>> -> memref<16xf32, #tpu.memory_space<vmem>>
    %dma_start3A_24 = tpu.memref_slice %arg4[%squeeze3A_17, %squeeze3A, %add3A_15] : memref<101x101x4096xf32, #tpu.memory_space<hbm>> -> memref<1x1x16xf32, #tpu.memory_space<hbm>>
    %dma_start3A_25 = tpu.memref_squeeze %dma_start3A_24 : memref<1x1x16xf32, #tpu.memory_space<hbm>> -> memref<16xf32, #tpu.memory_space<hbm>>
    tpu.enqueue_dma source(%dma_start3A_25 : memref<16xf32, #tpu.memory_space<hbm>>) target(%dma_start3A_23 : memref<16xf32, #tpu.memory_space<vmem>>) target_semaphore(%arg11 : memref<!tpu.dma_semaphore, #tpu.memory_space<semaphore_mem>>)
    %slice3A_26 = vector.extract_strided_slice %get3A_10 {offsets = [1], sizes = [1], strides = [1]} : vector<16xi32> to vector<1xi32>
    %squeeze3A_27 = vector.extract %slice3A_26[0] : i32 from vector<1xi32>
    %slice3A_28 = vector.extract_strided_slice %get3A_13 {offsets = [1], sizes = [1], strides = [1]} : vector<16xi32> to vector<1xi32>
    %squeeze3A_29 = vector.extract %slice3A_28[0] : i32 from vector<1xi32>
    %dma_start3A_30 = arith.constant 16 : i32
    %dma_start3A_31 = tpu.memref_slice %arg8[%dma_start3A_30] : memref<2048xf32, #tpu.memory_space<vmem>> -> memref<16xf32, #tpu.memory_space<vmem>>
    %dma_start3A_32 = tpu.memref_slice %arg4[%squeeze3A_29, %squeeze3A_27, %add3A_15] : memref<101x101x4096xf32, #tpu.memory_space<hbm>> -> memref<1x1x16xf32, #tpu.memory_space<hbm>>
    %dma_start3A_33 = tpu.memref_squeeze %dma_start3A_32 : memref<1x1x16xf32, #tpu.memory_space<hbm>> -> memref<16xf32, #tpu.memory_space<hbm>>
    %dma_start3A_34 = arith.constant 16 : i32
    %dma_start3A_35 = tpu.memref_slice %arg8[%dma_start3A_34] : memref<2048xf32, #tpu.memory_space<vmem>> -> memref<16xf32, #tpu.memory_space<vmem>>
    %dma_start3A_36 = tpu.memref_slice %arg4[%squeeze3A_29, %squeeze3A_27, %add3A_15] : memref<101x101x4096xf32, #tpu.memory_space<hbm>> -> memref<1x1x16xf32, #tpu.memory_space<hbm>>
    %dma_start3A_37 = tpu.memref_squeeze %dma_start3A_36 : memref<1x1x16xf32, #tpu.memory_space<hbm>> -> memref<16xf32, #tpu.memory_space<hbm>>
    tpu.enqueue_dma source(%dma_start3A_37 : memref<16xf32, #tpu.memory_space<hbm>>) target(%dma_start3A_35 : memref<16xf32, #tpu.memory_space<vmem>>) target_semaphore(%arg11 : memref<!tpu.dma_semaphore, #tpu.memory_space<semaphore_mem>>)
    %slice3A_38 = vector.extract_strided_slice %get3A_10 {offsets = [2], sizes = [1], strides = [1]} : vector<16xi32> to vector<1xi32>
    %squeeze3A_39 = vector.extract %slice3A_38[0] : i32 from vector<1xi32>
    %slice3A_40 = vector.extract_strided_slice %get3A_13 {offsets = [2], sizes = [1], strides = [1]} : vector<16xi32> to vector<1xi32>
    %squeeze3A_41 = vector.extract %slice3A_40[0] : i32 from vector<1xi32>
    %dma_start3A_42 = arith.constant 32 : i32
    %dma_start3A_43 = tpu.memref_slice %arg8[%dma_start3A_42] : memref<2048xf32, #tpu.memory_space<vmem>> -> memref<16xf32, #tpu.memory_space<vmem>>
    %dma_start3A_44 = tpu.memref_slice %arg4[%squeeze3A_41, %squeeze3A_39, %add3A_15] : memref<101x101x4096xf32, #tpu.memory_space<hbm>> -> memref<1x1x16xf32, #tpu.memory_space<hbm>>
    %dma_start3A_45 = tpu.memref_squeeze %dma_start3A_44 : memref<1x1x16xf32, #tpu.memory_space<hbm>> -> memref<16xf32, #tpu.memory_space<hbm>>
    %dma_start3A_46 = arith.constant 32 : i32
    %dma_start3A_47 = tpu.memref_slice %arg8[%dma_start3A_46] : memref<2048xf32, #tpu.memory_space<vmem>> -> memref<16xf32, #tpu.memory_space<vmem>>
    %dma_start3A_48 = tpu.memref_slice %arg4[%squeeze3A_41, %squeeze3A_39, %add3A_15] : memref<101x101x4096xf32, #tpu.memory_space<hbm>> -> memref<1x1x16xf32, #tpu.memory_space<hbm>>
    %dma_start3A_49 = tpu.memref_squeeze %dma_start3A_48 : memref<1x1x16xf32, #tpu.memory_space<hbm>> -> memref<16xf32, #tpu.memory_space<hbm>>
    tpu.enqueue_dma source(%dma_start3A_49 : memref<16xf32, #tpu.memory_space<hbm>>) target(%dma_start3A_47 : memref<16xf32, #tpu.memory_space<vmem>>) target_semaphore(%arg11 : memref<!tpu.dma_semaphore, #tpu.memory_space<semaphore_mem>>)
    %slice3A_50 = vector.extract_strided_slice %get3A_10 {offsets = [3], sizes = [1], strides = [1]} : vector<16xi32> to vector<1xi32>
    %squeeze3A_51 = vector.extract %slice3A_50[0] : i32 from vector<1xi32>
    %slice3A_52 = vector.extract_strided_slice %get3A_13 {offsets = [3], sizes = [1], strides = [1]} : vector<16xi32> to vector<1xi32>
    %squeeze3A_53 = vector.extract %slice3A_52[0] : i32 from vector<1xi32>
    %dma_start3A_54 = arith.constant 48 : i32
    %dma_start3A_55 = tpu.memref_slice %arg8[%dma_start3A_54] : memref<2048xf32, #tpu.memory_space<vmem>> -> memref<16xf32, #tpu.memory_space<vmem>>
    %dma_start3A_56 = tpu.memref_slice %arg4[%squeeze3A_53, %squeeze3A_51, %add3A_15] : memref<101x101x4096xf32, #tpu.memory_space<hbm>> -> memref<1x1x16xf32, #tpu.memory_space<hbm>>
    %dma_start3A_57 = tpu.memref_squeeze %dma_start3A_56 : memref<1x1x16xf32, #tpu.memory_space<hbm>> -> memref<16xf32, #tpu.memory_space<hbm>>
    %dma_start3A_58 = arith.constant 48 : i32
    %dma_start3A_59 = tpu.memref_slice %arg8[%dma_start3A_58] : memref<2048xf32, #tpu.memory_space<vmem>> -> memref<16xf32, #tpu.memory_space<vmem>>
    %dma_start3A_60 = tpu.memref_slice %arg4[%squeeze3A_53, %squeeze3A_51, %add3A_15] : memref<101x101x4096xf32, #tpu.memory_space<hbm>> -> memref<1x1x16xf32, #tpu.memory_space<hbm>>
    %dma_start3A_61 = tpu.memref_squeeze %dma_start3A_60 : memref<1x1x16xf32, #tpu.memory_space<hbm>> -> memref<16xf32, #tpu.memory_space<hbm>>
    tpu.enqueue_dma source(%dma_start3A_61 : memref<16xf32, #tpu.memory_space<hbm>>) target(%dma_start3A_59 : memref<16xf32, #tpu.memory_space<vmem>>) target_semaphore(%arg11 : memref<!tpu.dma_semaphore, #tpu.memory_space<semaphore_mem>>)
    %slice3A_62 = vector.extract_strided_slice %get3A_10 {offsets = [4], sizes = [1], strides = [1]} : vector<16xi32> to vector<1xi32>
    %squeeze3A_63 = vector.extract %slice3A_62[0] : i32 from vector<1xi32>
    %slice3A_64 = vector.extract_strided_slice %get3A_13 {offsets = [4], sizes = [1], strides = [1]} : vector<16xi32> to vector<1xi32>
    %squeeze3A_65 = vector.extract %slice3A_64[0] : i32 from vector<1xi32>
    %dma_start3A_66 = arith.constant 64 : i32
    %dma_start3A_67 = tpu.memref_slice %arg8[%dma_start3A_66] : memref<2048xf32, #tpu.memory_space<vmem>> -> memref<16xf32, #tpu.memory_space<vmem>>
    %dma_start3A_68 = tpu.memref_slice %arg4[%squeeze3A_65, %squeeze3A_63, %add3A_15] : memref<101x101x4096xf32, #tpu.memory_space<hbm>> -> memref<1x1x16xf32, #tpu.memory_space<hbm>>
    %dma_start3A_69 = tpu.memref_squeeze %dma_start3A_68 : memref<1x1x16xf32, #tpu.memory_space<hbm>> -> memref<16xf32, #tpu.memory_space<hbm>>
    %dma_start3A_70 = arith.constant 64 : i32
    %dma_start3A_71 = tpu.memref_slice %arg8[%dma_start3A_70] : memref<2048xf32, #tpu.memory_space<vmem>> -> memref<16xf32, #tpu.memory_space<vmem>>
    %dma_start3A_72 = tpu.memref_slice %arg4[%squeeze3A_65, %squeeze3A_63, %add3A_15] : memref<101x101x4096xf32, #tpu.memory_space<hbm>> -> memref<1x1x16xf32, #tpu.memory_space<hbm>>
    %dma_start3A_73 = tpu.memref_squeeze %dma_start3A_72 : memref<1x1x16xf32, #tpu.memory_space<hbm>> -> memref<16xf32, #tpu.memory_space<hbm>>
    tpu.enqueue_dma source(%dma_start3A_73 : memref<16xf32, #tpu.memory_space<hbm>>) target(%dma_start3A_71 : memref<16xf32, #tpu.memory_space<vmem>>) target_semaphore(%arg11 : memref<!tpu.dma_semaphore, #tpu.memory_space<semaphore_mem>>)
    %slice3A_74 = vector.extract_strided_slice %get3A_10 {offsets = [5], sizes = [1], strides = [1]} : vector<16xi32> to vector<1xi32>
    %squeeze3A_75 = vector.extract %slice3A_74[0] : i32 from vector<1xi32>
    %slice3A_76 = vector.extract_strided_slice %get3A_13 {offsets = [5], sizes = [1], strides = [1]} : vector<16xi32> to vector<1xi32>
    %squeeze3A_77 = vector.extract %slice3A_76[0] : i32 from vector<1xi32>
    %dma_start3A_78 = arith.constant 80 : i32
    %dma_start3A_79 = tpu.memref_slice %arg8[%dma_start3A_78] : memref<2048xf32, #tpu.memory_space<vmem>> -> memref<16xf32, #tpu.memory_space<vmem>>
    %dma_start3A_80 = tpu.memref_slice %arg4[%squeeze3A_77, %squeeze3A_75, %add3A_15] : memref<101x101x4096xf32, #tpu.memory_space<hbm>> -> memref<1x1x16xf32, #tpu.memory_space<hbm>>
    %dma_start3A_81 = tpu.memref_squeeze %dma_start3A_80 : memref<1x1x16xf32, #tpu.memory_space<hbm>> -> memref<16xf32, #tpu.memory_space<hbm>>
    %dma_start3A_82 = arith.constant 80 : i32
    %dma_start3A_83 = tpu.memref_slice %arg8[%dma_start3A_82] : memref<2048xf32, #tpu.memory_space<vmem>> -> memref<16xf32, #tpu.memory_space<vmem>>
    %dma_start3A_84 = tpu.memref_slice %arg4[%squeeze3A_77, %squeeze3A_75, %add3A_15] : memref<101x101x4096xf32, #tpu.memory_space<hbm>> -> memref<1x1x16xf32, #tpu.memory_space<hbm>>
    %dma_start3A_85 = tpu.memref_squeeze %dma_start3A_84 : memref<1x1x16xf32, #tpu.memory_space<hbm>> -> memref<16xf32, #tpu.memory_space<hbm>>
    tpu.enqueue_dma source(%dma_start3A_85 : memref<16xf32, #tpu.memory_space<hbm>>) target(%dma_start3A_83 : memref<16xf32, #tpu.memory_space<vmem>>) target_semaphore(%arg11 : memref<!tpu.dma_semaphore, #tpu.memory_space<semaphore_mem>>)
    %slice3A_86 = vector.extract_strided_slice %get3A_10 {offsets = [6], sizes = [1], strides = [1]} : vector<16xi32> to vector<1xi32>
    %squeeze3A_87 = vector.extract %slice3A_86[0] : i32 from vector<1xi32>
    %slice3A_88 = vector.extract_strided_slice %get3A_13 {offsets = [6], sizes = [1], strides = [1]} : vector<16xi32> to vector<1xi32>
    %squeeze3A_89 = vector.extract %slice3A_88[0] : i32 from vector<1xi32>
    %dma_start3A_90 = arith.constant 96 : i32
    %dma_start3A_91 = tpu.memref_slice %arg8[%dma_start3A_90] : memref<2048xf32, #tpu.memory_space<vmem>> -> memref<16xf32, #tpu.memory_space<vmem>>
    %dma_start3A_92 = tpu.memref_slice %arg4[%squeeze3A_89, %squeeze3A_87, %add3A_15] : memref<101x101x4096xf32, #tpu.memory_space<hbm>> -> memref<1x1x16xf32, #tpu.memory_space<hbm>>
    %dma_start3A_93 = tpu.memref_squeeze %dma_start3A_92 : memref<1x1x16xf32, #tpu.memory_space<hbm>> -> memref<16xf32, #tpu.memory_space<hbm>>
    %dma_start3A_94 = arith.constant 96 : i32
    %dma_start3A_95 = tpu.memref_slice %arg8[%dma_start3A_94] : memref<2048xf32, #tpu.memory_space<vmem>> -> memref<16xf32, #tpu.memory_space<vmem>>
    %dma_start3A_96 = tpu.memref_slice %arg4[%squeeze3A_89, %squeeze3A_87, %add3A_15] : memref<101x101x4096xf32, #tpu.memory_space<hbm>> -> memref<1x1x16xf32, #tpu.memory_space<hbm>>
    %dma_start3A_97 = tpu.memref_squeeze %dma_start3A_96 : memref<1x1x16xf32, #tpu.memory_space<hbm>> -> memref<16xf32, #tpu.memory_space<hbm>>
    tpu.enqueue_dma source(%dma_start3A_97 : memref<16xf32, #tpu.memory_space<hbm>>) target(%dma_start3A_95 : memref<16xf32, #tpu.memory_space<vmem>>) target_semaphore(%arg11 : memref<!tpu.dma_semaphore, #tpu.memory_space<semaphore_mem>>)
    %slice3A_98 = vector.extract_strided_slice %get3A_10 {offsets = [7], sizes = [1], strides = [1]} : vector<16xi32> to vector<1xi32>
    %squeeze3A_99 = vector.extract %slice3A_98[0] : i32 from vector<1xi32>
    %slice3A_100 = vector.extract_strided_slice %get3A_13 {offsets = [7], sizes = [1], strides = [1]} : vector<16xi32> to vector<1xi32>
    %squeeze3A_101 = vector.extract %slice3A_100[0] : i32 from vector<1xi32>
    %dma_start3A_102 = arith.constant 112 : i32
    %dma_start3A_103 = tpu.memref_slice %arg8[%dma_start3A_102] : memref<2048xf32, #tpu.memory_space<vmem>> -> memref<16xf32, #tpu.memory_space<vmem>>
    %dma_start3A_104 = tpu.memref_slice %arg4[%squeeze3A_101, %squeeze3A_99, %add3A_15] : memref<101x101x4096xf32, #tpu.memory_space<hbm>> -> memref<1x1x16xf32, #tpu.memory_space<hbm>>
    %dma_start3A_105 = tpu.memref_squeeze %dma_start3A_104 : memref<1x1x16xf32, #tpu.memory_space<hbm>> -> memref<16xf32, #tpu.memory_space<hbm>>
    %dma_start3A_106 = arith.constant 112 : i32
    %dma_start3A_107 = tpu.memref_slice %arg8[%dma_start3A_106] : memref<2048xf32, #tpu.memory_space<vmem>> -> memref<16xf32, #tpu.memory_space<vmem>>
    %dma_start3A_108 = tpu.memref_slice %arg4[%squeeze3A_101, %squeeze3A_99, %add3A_15] : memref<101x101x4096xf32, #tpu.memory_space<hbm>> -> memref<1x1x16xf32, #tpu.memory_space<hbm>>
    %dma_start3A_109 = tpu.memref_squeeze %dma_start3A_108 : memref<1x1x16xf32, #tpu.memory_space<hbm>> -> memref<16xf32, #tpu.memory_space<hbm>>
    tpu.enqueue_dma source(%dma_start3A_109 : memref<16xf32, #tpu.memory_space<hbm>>) target(%dma_start3A_107 : memref<16xf32, #tpu.memory_space<vmem>>) target_semaphore(%arg11 : memref<!tpu.dma_semaphore, #tpu.memory_space<semaphore_mem>>)
    %slice3A_110 = vector.extract_strided_slice %get3A_10 {offsets = [8], sizes = [1], strides = [1]} : vector<16xi32> to vector<1xi32>
    %squeeze3A_111 = vector.extract %slice3A_110[0] : i32 from vector<1xi32>
    %slice3A_112 = vector.extract_strided_slice %get3A_13 {offsets = [8], sizes = [1], strides = [1]} : vector<16xi32> to vector<1xi32>
    %squeeze3A_113 = vector.extract %slice3A_112[0] : i32 from vector<1xi32>
    %dma_start3A_114 = arith.constant 128 : i32
    %dma_start3A_115 = tpu.memref_slice %arg8[%dma_start3A_114] : memref<2048xf32, #tpu.memory_space<vmem>> -> memref<16xf32, #tpu.memory_space<vmem>>
    %dma_start3A_116 = tpu.memref_slice %arg4[%squeeze3A_113, %squeeze3A_111, %add3A_15] : memref<101x101x4096xf32, #tpu.memory_space<hbm>> -> memref<1x1x16xf32, #tpu.memory_space<hbm>>
    %dma_start3A_117 = tpu.memref_squeeze %dma_start3A_116 : memref<1x1x16xf32, #tpu.memory_space<hbm>> -> memref<16xf32, #tpu.memory_space<hbm>>
    %dma_start3A_118 = arith.constant 128 : i32
    %dma_start3A_119 = tpu.memref_slice %arg8[%dma_start3A_118] : memref<2048xf32, #tpu.memory_space<vmem>> -> memref<16xf32, #tpu.memory_space<vmem>>
    %dma_start3A_120 = tpu.memref_slice %arg4[%squeeze3A_113, %squeeze3A_111, %add3A_15] : memref<101x101x4096xf32, #tpu.memory_space<hbm>> -> memref<1x1x16xf32, #tpu.memory_space<hbm>>
    %dma_start3A_121 = tpu.memref_squeeze %dma_start3A_120 : memref<1x1x16xf32, #tpu.memory_space<hbm>> -> memref<16xf32, #tpu.memory_space<hbm>>
    tpu.enqueue_dma source(%dma_start3A_121 : memref<16xf32, #tpu.memory_space<hbm>>) target(%dma_start3A_119 : memref<16xf32, #tpu.memory_space<vmem>>) target_semaphore(%arg11 : memref<!tpu.dma_semaphore, #tpu.memory_space<semaphore_mem>>)
    %slice3A_122 = vector.extract_strided_slice %get3A_10 {offsets = [9], sizes = [1], strides = [1]} : vector<16xi32> to vector<1xi32>
    %squeeze3A_123 = vector.extract %slice3A_122[0] : i32 from vector<1xi32>
    %slice3A_124 = vector.extract_strided_slice %get3A_13 {offsets = [9], sizes = [1], strides = [1]} : vector<16xi32> to vector<1xi32>
    %squeeze3A_125 = vector.extract %slice3A_124[0] : i32 from vector<1xi32>
    %dma_start3A_126 = arith.constant 144 : i32
    %dma_start3A_127 = tpu.memref_slice %arg8[%dma_start3A_126] : memref<2048xf32, #tpu.memory_space<vmem>> -> memref<16xf32, #tpu.memory_space<vmem>>
    %dma_start3A_128 = tpu.memref_slice %arg4[%squeeze3A_125, %squeeze3A_123, %add3A_15] : memref<101x101x4096xf32, #tpu.memory_space<hbm>> -> memref<1x1x16xf32, #tpu.memory_space<hbm>>
    %dma_start3A_129 = tpu.memref_squeeze %dma_start3A_128 : memref<1x1x16xf32, #tpu.memory_space<hbm>> -> memref<16xf32, #tpu.memory_space<hbm>>
    %dma_start3A_130 = arith.constant 144 : i32
    %dma_start3A_131 = tpu.memref_slice %arg8[%dma_start3A_130] : memref<2048xf32, #tpu.memory_space<vmem>> -> memref<16xf32, #tpu.memory_space<vmem>>
    %dma_start3A_132 = tpu.memref_slice %arg4[%squeeze3A_125, %squeeze3A_123, %add3A_15] : memref<101x101x4096xf32, #tpu.memory_space<hbm>> -> memref<1x1x16xf32, #tpu.memory_space<hbm>>
    %dma_start3A_133 = tpu.memref_squeeze %dma_start3A_132 : memref<1x1x16xf32, #tpu.memory_space<hbm>> -> memref<16xf32, #tpu.memory_space<hbm>>
    tpu.enqueue_dma source(%dma_start3A_133 : memref<16xf32, #tpu.memory_space<hbm>>) target(%dma_start3A_131 : memref<16xf32, #tpu.memory_space<vmem>>) target_semaphore(%arg11 : memref<!tpu.dma_semaphore, #tpu.memory_space<semaphore_mem>>)
    %slice3A_134 = vector.extract_strided_slice %get3A_10 {offsets = [10], sizes = [1], strides = [1]} : vector<16xi32> to vector<1xi32>
    %squeeze3A_135 = vector.extract %slice3A_134[0] : i32 from vector<1xi32>
    %slice3A_136 = vector.extract_strided_slice %get3A_13 {offsets = [10], sizes = [1], strides = [1]} : vector<16xi32> to vector<1xi32>
    %squeeze3A_137 = vector.extract %slice3A_136[0] : i32 from vector<1xi32>
    %dma_start3A_138 = arith.constant 160 : i32
    %dma_start3A_139 = tpu.memref_slice %arg8[%dma_start3A_138] : memref<2048xf32, #tpu.memory_space<vmem>> -> memref<16xf32, #tpu.memory_space<vmem>>
    %dma_start3A_140 = tpu.memref_slice %arg4[%squeeze3A_137, %squeeze3A_135, %add3A_15] : memref<101x101x4096xf32, #tpu.memory_space<hbm>> -> memref<1x1x16xf32, #tpu.memory_space<hbm>>
    %dma_start3A_141 = tpu.memref_squeeze %dma_start3A_140 : memref<1x1x16xf32, #tpu.memory_space<hbm>> -> memref<16xf32, #tpu.memory_space<hbm>>
    %dma_start3A_142 = arith.constant 160 : i32
    %dma_start3A_143 = tpu.memref_slice %arg8[%dma_start3A_142] : memref<2048xf32, #tpu.memory_space<vmem>> -> memref<16xf32, #tpu.memory_space<vmem>>
    %dma_start3A_144 = tpu.memref_slice %arg4[%squeeze3A_137, %squeeze3A_135, %add3A_15] : memref<101x101x4096xf32, #tpu.memory_space<hbm>> -> memref<1x1x16xf32, #tpu.memory_space<hbm>>
    %dma_start3A_145 = tpu.memref_squeeze %dma_start3A_144 : memref<1x1x16xf32, #tpu.memory_space<hbm>> -> memref<16xf32, #tpu.memory_space<hbm>>
    tpu.enqueue_dma source(%dma_start3A_145 : memref<16xf32, #tpu.memory_space<hbm>>) target(%dma_start3A_143 : memref<16xf32, #tpu.memory_space<vmem>>) target_semaphore(%arg11 : memref<!tpu.dma_semaphore, #tpu.memory_space<semaphore_mem>>)
    %slice3A_146 = vector.extract_strided_slice %get3A_10 {offsets = [11], sizes = [1], strides = [1]} : vector<16xi32> to vector<1xi32>
    %squeeze3A_147 = vector.extract %slice3A_146[0] : i32 from vector<1xi32>
    %slice3A_148 = vector.extract_strided_slice %get3A_13 {offsets = [11], sizes = [1], strides = [1]} : vector<16xi32> to vector<1xi32>
    %squeeze3A_149 = vector.extract %slice3A_148[0] : i32 from vector<1xi32>
    %dma_start3A_150 = arith.constant 176 : i32
    %dma_start3A_151 = tpu.memref_slice %arg8[%dma_start3A_150] : memref<2048xf32, #tpu.memory_space<vmem>> -> memref<16xf32, #tpu.memory_space<vmem>>
    %dma_start3A_152 = tpu.memref_slice %arg4[%squeeze3A_149, %squeeze3A_147, %add3A_15] : memref<101x101x4096xf32, #tpu.memory_space<hbm>> -> memref<1x1x16xf32, #tpu.memory_space<hbm>>
    %dma_start3A_153 = tpu.memref_squeeze %dma_start3A_152 : memref<1x1x16xf32, #tpu.memory_space<hbm>> -> memref<16xf32, #tpu.memory_space<hbm>>
    %dma_start3A_154 = arith.constant 176 : i32
    %dma_start3A_155 = tpu.memref_slice %arg8[%dma_start3A_154] : memref<2048xf32, #tpu.memory_space<vmem>> -> memref<16xf32, #tpu.memory_space<vmem>>
    %dma_start3A_156 = tpu.memref_slice %arg4[%squeeze3A_149, %squeeze3A_147, %add3A_15] : memref<101x101x4096xf32, #tpu.memory_space<hbm>> -> memref<1x1x16xf32, #tpu.memory_space<hbm>>
    %dma_start3A_157 = tpu.memref_squeeze %dma_start3A_156 : memref<1x1x16xf32, #tpu.memory_space<hbm>> -> memref<16xf32, #tpu.memory_space<hbm>>
    tpu.enqueue_dma source(%dma_start3A_157 : memref<16xf32, #tpu.memory_space<hbm>>) target(%dma_start3A_155 : memref<16xf32, #tpu.memory_space<vmem>>) target_semaphore(%arg11 : memref<!tpu.dma_semaphore, #tpu.memory_space<semaphore_mem>>)
    %slice3A_158 = vector.extract_strided_slice %get3A_10 {offsets = [12], sizes = [1], strides = [1]} : vector<16xi32> to vector<1xi32>
    %squeeze3A_159 = vector.extract %slice3A_158[0] : i32 from vector<1xi32>
    %slice3A_160 = vector.extract_strided_slice %get3A_13 {offsets = [12], sizes = [1], strides = [1]} : vector<16xi32> to vector<1xi32>
    %squeeze3A_161 = vector.extract %slice3A_160[0] : i32 from vector<1xi32>
    %dma_start3A_162 = arith.constant 192 : i32
    %dma_start3A_163 = tpu.memref_slice %arg8[%dma_start3A_162] : memref<2048xf32, #tpu.memory_space<vmem>> -> memref<16xf32, #tpu.memory_space<vmem>>
    %dma_start3A_164 = tpu.memref_slice %arg4[%squeeze3A_161, %squeeze3A_159, %add3A_15] : memref<101x101x4096xf32, #tpu.memory_space<hbm>> -> memref<1x1x16xf32, #tpu.memory_space<hbm>>
    %dma_start3A_165 = tpu.memref_squeeze %dma_start3A_164 : memref<1x1x16xf32, #tpu.memory_space<hbm>> -> memref<16xf32, #tpu.memory_space<hbm>>
    %dma_start3A_166 = arith.constant 192 : i32
    %dma_start3A_167 = tpu.memref_slice %arg8[%dma_start3A_166] : memref<2048xf32, #tpu.memory_space<vmem>> -> memref<16xf32, #tpu.memory_space<vmem>>
    %dma_start3A_168 = tpu.memref_slice %arg4[%squeeze3A_161, %squeeze3A_159, %add3A_15] : memref<101x101x4096xf32, #tpu.memory_space<hbm>> -> memref<1x1x16xf32, #tpu.memory_space<hbm>>
    %dma_start3A_169 = tpu.memref_squeeze %dma_start3A_168 : memref<1x1x16xf32, #tpu.memory_space<hbm>> -> memref<16xf32, #tpu.memory_space<hbm>>
    tpu.enqueue_dma source(%dma_start3A_169 : memref<16xf32, #tpu.memory_space<hbm>>) target(%dma_start3A_167 : memref<16xf32, #tpu.memory_space<vmem>>) target_semaphore(%arg11 : memref<!tpu.dma_semaphore, #tpu.memory_space<semaphore_mem>>)
    %slice3A_170 = vector.extract_strided_slice %get3A_10 {offsets = [13], sizes = [1], strides = [1]} : vector<16xi32> to vector<1xi32>
    %squeeze3A_171 = vector.extract %slice3A_170[0] : i32 from vector<1xi32>
    %slice3A_172 = vector.extract_strided_slice %get3A_13 {offsets = [13], sizes = [1], strides = [1]} : vector<16xi32> to vector<1xi32>
    %squeeze3A_173 = vector.extract %slice3A_172[0] : i32 from vector<1xi32>
    %dma_start3A_174 = arith.constant 208 : i32
    %dma_start3A_175 = tpu.memref_slice %arg8[%dma_start3A_174] : memref<2048xf32, #tpu.memory_space<vmem>> -> memref<16xf32, #tpu.memory_space<vmem>>
    %dma_start3A_176 = tpu.memref_slice %arg4[%squeeze3A_173, %squeeze3A_171, %add3A_15] : memref<101x101x4096xf32, #tpu.memory_space<hbm>> -> memref<1x1x16xf32, #tpu.memory_space<hbm>>
    %dma_start3A_177 = tpu.memref_squeeze %dma_start3A_176 : memref<1x1x16xf32, #tpu.memory_space<hbm>> -> memref<16xf32, #tpu.memory_space<hbm>>
    %dma_start3A_178 = arith.constant 208 : i32
    %dma_start3A_179 = tpu.memref_slice %arg8[%dma_start3A_178] : memref<2048xf32, #tpu.memory_space<vmem>> -> memref<16xf32, #tpu.memory_space<vmem>>
    %dma_start3A_180 = tpu.memref_slice %arg4[%squeeze3A_173, %squeeze3A_171, %add3A_15] : memref<101x101x4096xf32, #tpu.memory_space<hbm>> -> memref<1x1x16xf32, #tpu.memory_space<hbm>>
    %dma_start3A_181 = tpu.memref_squeeze %dma_start3A_180 : memref<1x1x16xf32, #tpu.memory_space<hbm>> -> memref<16xf32, #tpu.memory_space<hbm>>
    tpu.enqueue_dma source(%dma_start3A_181 : memref<16xf32, #tpu.memory_space<hbm>>) target(%dma_start3A_179 : memref<16xf32, #tpu.memory_space<vmem>>) target_semaphore(%arg11 : memref<!tpu.dma_semaphore, #tpu.memory_space<semaphore_mem>>)
    %slice3A_182 = vector.extract_strided_slice %get3A_10 {offsets = [14], sizes = [1], strides = [1]} : vector<16xi32> to vector<1xi32>
    %squeeze3A_183 = vector.extract %slice3A_182[0] : i32 from vector<1xi32>
    %slice3A_184 = vector.extract_strided_slice %get3A_13 {offsets = [14], sizes = [1], strides = [1]} : vector<16xi32> to vector<1xi32>
    %squeeze3A_185 = vector.extract %slice3A_184[0] : i32 from vector<1xi32>
    %dma_start3A_186 = arith.constant 224 : i32
    %dma_start3A_187 = tpu.memref_slice %arg8[%dma_start3A_186] : memref<2048xf32, #tpu.memory_space<vmem>> -> memref<16xf32, #tpu.memory_space<vmem>>
    %dma_start3A_188 = tpu.memref_slice %arg4[%squeeze3A_185, %squeeze3A_183, %add3A_15] : memref<101x101x4096xf32, #tpu.memory_space<hbm>> -> memref<1x1x16xf32, #tpu.memory_space<hbm>>
    %dma_start3A_189 = tpu.memref_squeeze %dma_start3A_188 : memref<1x1x16xf32, #tpu.memory_space<hbm>> -> memref<16xf32, #tpu.memory_space<hbm>>
    %dma_start3A_190 = arith.constant 224 : i32
    %dma_start3A_191 = tpu.memref_slice %arg8[%dma_start3A_190] : memref<2048xf32, #tpu.memory_space<vmem>> -> memref<16xf32, #tpu.memory_space<vmem>>
    %dma_start3A_192 = tpu.memref_slice %arg4[%squeeze3A_185, %squeeze3A_183, %add3A_15] : memref<101x101x4096xf32, #tpu.memory_space<hbm>> -> memref<1x1x16xf32, #tpu.memory_space<hbm>>
    %dma_start3A_193 = tpu.memref_squeeze %dma_start3A_192 : memref<1x1x16xf32, #tpu.memory_space<hbm>> -> memref<16xf32, #tpu.memory_space<hbm>>
    tpu.enqueue_dma source(%dma_start3A_193 : memref<16xf32, #tpu.memory_space<hbm>>) target(%dma_start3A_191 : memref<16xf32, #tpu.memory_space<vmem>>) target_semaphore(%arg11 : memref<!tpu.dma_semaphore, #tpu.memory_space<semaphore_mem>>)
    %slice3A_194 = vector.extract_strided_slice %get3A_10 {offsets = [15], sizes = [1], strides = [1]} : vector<16xi32> to vector<1xi32>
    %squeeze3A_195 = vector.extract %slice3A_194[0] : i32 from vector<1xi32>
    %slice3A_196 = vector.extract_strided_slice %get3A_13 {offsets = [15], sizes = [1], strides = [1]} : vector<16xi32> to vector<1xi32>
    %squeeze3A_197 = vector.extract %slice3A_196[0] : i32 from vector<1xi32>
    %dma_start3A_198 = arith.constant 240 : i32
    %dma_start3A_199 = tpu.memref_slice %arg8[%dma_start3A_198] : memref<2048xf32, #tpu.memory_space<vmem>> -> memref<16xf32, #tpu.memory_space<vmem>>
    %dma_start3A_200 = tpu.memref_slice %arg4[%squeeze3A_197, %squeeze3A_195, %add3A_15] : memref<101x101x4096xf32, #tpu.memory_space<hbm>> -> memref<1x1x16xf32, #tpu.memory_space<hbm>>
    %dma_start3A_201 = tpu.memref_squeeze %dma_start3A_200 : memref<1x1x16xf32, #tpu.memory_space<hbm>> -> memref<16xf32, #tpu.memory_space<hbm>>
    %dma_start3A_202 = arith.constant 240 : i32
    %dma_start3A_203 = tpu.memref_slice %arg8[%dma_start3A_202] : memref<2048xf32, #tpu.memory_space<vmem>> -> memref<16xf32, #tpu.memory_space<vmem>>
    %dma_start3A_204 = tpu.memref_slice %arg4[%squeeze3A_197, %squeeze3A_195, %add3A_15] : memref<101x101x4096xf32, #tpu.memory_space<hbm>> -> memref<1x1x16xf32, #tpu.memory_space<hbm>>
    %dma_start3A_205 = tpu.memref_squeeze %dma_start3A_204 : memref<1x1x16xf32, #tpu.memory_space<hbm>> -> memref<16xf32, #tpu.memory_space<hbm>>
    tpu.enqueue_dma source(%dma_start3A_205 : memref<16xf32, #tpu.memory_space<hbm>>) target(%dma_start3A_203 : memref<16xf32, #tpu.memory_space<vmem>>) target_semaphore(%arg11 : memref<!tpu.dma_semaphore, #tpu.memory_space<semaphore_mem>>)
    %get3A_206 = arith.constant 16 : index
    %get3A_207 = tpu.vector_load %arg6[%get3A_206] {strides = array<i32>} : memref<128xi32, #tpu.memory_space<vmem>>, vector<16xi32>,
    %get3A_208 = vector.shape_cast %get3A_207 : vector<16xi32> to vector<16xi32>
    %get3A_209 = arith.constant 16 : index
    %get3A_210 = tpu.vector_load %arg7[%get3A_209] {strides = array<i32>} : memref<128xi32, #tpu.memory_space<vmem>>, vector<16xi32>,
    %get3A_211 = vector.shape_cast %get3A_210 : vector<16xi32> to vector<16xi32>
    %add3A_212 = arith.constant 16 : i32
    %add3A_213 = arith.addi %mul3A_2, %add3A_212 : i32
    %slice3A_214 = vector.extract_strided_slice %get3A_208 {offsets = [0], sizes = [1], strides = [1]} : vector<16xi32> to vector<1xi32>
    %squeeze3A_215 = vector.extract %slice3A_214[0] : i32 from vector<1xi32>
    %slice3A_216 = vector.extract_strided_slice %get3A_211 {offsets = [0], sizes = [1], strides = [1]} : vector<16xi32> to vector<1xi32>
    %squeeze3A_217 = vector.extract %slice3A_216[0] : i32 from vector<1xi32>
    %dma_start3A_218 = arith.constant 256 : i32
    %dma_start3A_219 = tpu.memref_slice %arg8[%dma_start3A_218] : memref<2048xf32, #tpu.memory_space<vmem>> -> memref<16xf32, #tpu.memory_space<vmem>>
    %dma_start3A_220 = tpu.memref_slice %arg4[%squeeze3A_217, %squeeze3A_215, %add3A_213] : memref<101x101x4096xf32, #tpu.memory_space<hbm>> -> memref<1x1x16xf32, #tpu.memory_space<hbm>>
    %dma_start3A_221 = tpu.memref_squeeze %dma_start3A_220 : memref<1x1x16xf32, #tpu.memory_space<hbm>> -> memref<16xf32, #tpu.memory_space<hbm>>
    %dma_start3A_222 = arith.constant 256 : i32
    %dma_start3A_223 = tpu.memref_slice %arg8[%dma_start3A_222] : memref<2048xf32, #tpu.memory_space<vmem>> -> memref<16xf32, #tpu.memory_space<vmem>>
    %dma_start3A_224 = tpu.memref_slice %arg4[%squeeze3A_217, %squeeze3A_215, %add3A_213] : memref<101x101x4096xf32, #tpu.memory_space<hbm>> -> memref<1x1x16xf32, #tpu.memory_space<hbm>>
    %dma_start3A_225 = tpu.memref_squeeze %dma_start3A_224 : memref<1x1x16xf32, #tpu.memory_space<hbm>> -> memref<16xf32, #tpu.memory_space<hbm>>
    tpu.enqueue_dma source(%dma_start3A_225 : memref<16xf32, #tpu.memory_space<hbm>>) target(%dma_start3A_223 : memref<16xf32, #tpu.memory_space<vmem>>) target_semaphore(%arg11 : memref<!tpu.dma_semaphore, #tpu.memory_space<semaphore_mem>>)
    %slice3A_226 = vector.extract_strided_slice %get3A_208 {offsets = [1], sizes = [1], strides = [1]} : vector<16xi32> to vector<1xi32>
    %squeeze3A_227 = vector.extract %slice3A_226[0] : i32 from vector<1xi32>
    %slice3A_228 = vector.extract_strided_slice %get3A_211 {offsets = [1], sizes = [1], strides = [1]} : vector<16xi32> to vector<1xi32>
    %squeeze3A_229 = vector.extract %slice3A_228[0] : i32 from vector<1xi32>
    %dma_start3A_230 = arith.constant 272 : i32
    %dma_start3A_231 = tpu.memref_slice %arg8[%dma_start3A_230] : memref<2048xf32, #tpu.memory_space<vmem>> -> memref<16xf32, #tpu.memory_space<vmem>>
    %dma_start3A_232 = tpu.memref_slice %arg4[%squeeze3A_229, %squeeze3A_227, %add3A_213] : memref<101x101x4096xf32, #tpu.memory_space<hbm>> -> memref<1x1x16xf32, #tpu.memory_space<hbm>>
    %dma_start3A_233 = tpu.memref_squeeze %dma_start3A_232 : memref<1x1x16xf32, #tpu.memory_space<hbm>> -> memref<16xf32, #tpu.memory_space<hbm>>
    %dma_start3A_234 = arith.constant 272 : i32
    %dma_start3A_235 = tpu.memref_slice %arg8[%dma_start3A_234] : memref<2048xf32, #tpu.memory_space<vmem>> -> memref<16xf32, #tpu.memory_space<vmem>>
    %dma_start3A_236 = tpu.memref_slice %arg4[%squeeze3A_229, %squeeze3A_227, %add3A_213] : memref<101x101x4096xf32, #tpu.memory_space<hbm>> -> memref<1x1x16xf32, #tpu.memory_space<hbm>>
    %dma_start3A_237 = tpu.memref_squeeze %dma_start3A_236 : memref<1x1x16xf32, #tpu.memory_space<hbm>> -> memref<16xf32, #tpu.memory_space<hbm>>
    tpu.enqueue_dma source(%dma_start3A_237 : memref<16xf32, #tpu.memory_space<hbm>>) target(%dma_start3A_235 : memref<16xf32, #tpu.memory_space<vmem>>) target_semaphore(%arg11 : memref<!tpu.dma_semaphore, #tpu.memory_space<semaphore_mem>>)
    %slice3A_238 = vector.extract_strided_slice %get3A_208 {offsets = [2], sizes = [1], strides = [1]} : vector<16xi32> to vector<1xi32>
    %squeeze3A_239 = vector.extract %slice3A_238[0] : i32 from vector<1xi32>
    %slice3A_240 = vector.extract_strided_slice %get3A_211 {offsets = [2], sizes = [1], strides = [1]} : vector<16xi32> to vector<1xi32>
    %squeeze3A_241 = vector.extract %slice3A_240[0] : i32 from vector<1xi32>
    %dma_start3A_242 = arith.constant 288 : i32
    %dma_start3A_243 = tpu.memref_slice %arg8[%dma_start3A_242] : memref<2048xf32, #tpu.memory_space<vmem>> -> memref<16xf32, #tpu.memory_space<vmem>>
    %dma_start3A_244 = tpu.memref_slice %arg4[%squeeze3A_241, %squeeze3A_239, %add3A_213] : memref<101x101x4096xf32, #tpu.memory_space<hbm>> -> memref<1x1x16xf32, #tpu.memory_space<hbm>>
    %dma_start3A_245 = tpu.memref_squeeze %dma_start3A_244 : memref<1x1x16xf32, #tpu.memory_space<hbm>> -> memref<16xf32, #tpu.memory_space<hbm>>
    %dma_start3A_246 = arith.constant 288 : i32
    %dma_start3A_247 = tpu.memref_slice %arg8[%dma_start3A_246] : memref<2048xf32, #tpu.memory_space<vmem>> -> memref<16xf32, #tpu.memory_space<vmem>>
    %dma_start3A_248 = tpu.memref_slice %arg4[%squeeze3A_241, %squeeze3A_239, %add3A_213] : memref<101x101x4096xf32, #tpu.memory_space<hbm>> -> memref<1x1x16xf32, #tpu.memory_space<hbm>>
    %dma_start3A_249 = tpu.memref_squeeze %dma_start3A_248 : memref<1x1x16xf32, #tpu.memory_space<hbm>> -> memref<16xf32, #tpu.memory_space<hbm>>
    tpu.enqueue_dma source(%dma_start3A_249 : memref<16xf32, #tpu.memory_space<hbm>>) target(%dma_start3A_247 : memref<16xf32, #tpu.memory_space<vmem>>) target_semaphore(%arg11 : memref<!tpu.dma_semaphore, #tpu.memory_space<semaphore_mem>>)
    %slice3A_250 = vector.extract_strided_slice %get3A_208 {offsets = [3], sizes = [1], strides = [1]} : vector<16xi32> to vector<1xi32>
    %squeeze3A_251 = vector.extract %slice3A_250[0] : i32 from vector<1xi32>
    %slice3A_252 = vector.extract_strided_slice %get3A_211 {offsets = [3], sizes = [1], strides = [1]} : vector<16xi32> to vector<1xi32>
    %squeeze3A_253 = vector.extract %slice3A_252[0] : i32 from vector<1xi32>
    %dma_start3A_254 = arith.constant 304 : i32
    %dma_start3A_255 = tpu.memref_slice %arg8[%dma_start3A_254] : memref<2048xf32, #tpu.memory_space<vmem>> -> memref<16xf32, #tpu.memory_space<vmem>>
    %dma_start3A_256 = tpu.memref_slice %arg4[%squeeze3A_253, %squeeze3A_251, %add3A_213] : memref<101x101x4096xf32, #tpu.memory_space<hbm>> -> memref<1x1x16xf32, #tpu.memory_space<hbm>>
    %dma_start3A_257 = tpu.memref_squeeze %dma_start3A_256 : memref<1x1x16xf32, #tpu.memory_space<hbm>> -> memref<16xf32, #tpu.memory_space<hbm>>
    %dma_start3A_258 = arith.constant 304 : i32
    %dma_start3A_259 = tpu.memref_slice %arg8[%dma_start3A_258] : memref<2048xf32, #tpu.memory_space<vmem>> -> memref<16xf32, #tpu.memory_space<vmem>>
    %dma_start3A_260 = tpu.memref_slice %arg4[%squeeze3A_253, %squeeze3A_251, %add3A_213] : memref<101x101x4096xf32, #tpu.memory_space<hbm>> -> memref<1x1x16xf32, #tpu.memory_space<hbm>>
    %dma_start3A_261 = tpu.memref_squeeze %dma_start3A_260 : memref<1x1x16xf32, #tpu.memory_space<hbm>> -> memref<16xf32, #tpu.memory_space<hbm>>
    tpu.enqueue_dma source(%dma_start3A_261 : memref<16xf32, #tpu.memory_space<hbm>>) target(%dma_start3A_259 : memref<16xf32, #tpu.memory_space<vmem>>) target_semaphore(%arg11 : memref<!tpu.dma_semaphore, #tpu.memory_space<semaphore_mem>>)
    %slice3A_262 = vector.extract_strided_slice %get3A_208 {offsets = [4], sizes = [1], strides = [1]} : vector<16xi32> to vector<1xi32>
    %squeeze3A_263 = vector.extract %slice3A_262[0] : i32 from vector<1xi32>
    %slice3A_264 = vector.extract_strided_slice %get3A_211 {offsets = [4], sizes = [1], strides = [1]} : vector<16xi32> to vector<1xi32>
    %squeeze3A_265 = vector.extract %slice3A_264[0] : i32 from vector<1xi32>
    %dma_start3A_266 = arith.constant 320 : i32
    %dma_start3A_267 = tpu.memref_slice %arg8[%dma_start3A_266] : memref<2048xf32, #tpu.memory_space<vmem>> -> memref<16xf32, #tpu.memory_space<vmem>>
    %dma_start3A_268 = tpu.memref_slice %arg4[%squeeze3A_265, %squeeze3A_263, %add3A_213] : memref<101x101x4096xf32, #tpu.memory_space<hbm>> -> memref<1x1x16xf32, #tpu.memory_space<hbm>>
    %dma_start3A_269 = tpu.memref_squeeze %dma_start3A_268 : memref<1x1x16xf32, #tpu.memory_space<hbm>> -> memref<16xf32, #tpu.memory_space<hbm>>
    %dma_start3A_270 = arith.constant 320 : i32
    %dma_start3A_271 = tpu.memref_slice %arg8[%dma_start3A_270] : memref<2048xf32, #tpu.memory_space<vmem>> -> memref<16xf32, #tpu.memory_space<vmem>>
    %dma_start3A_272 = tpu.memref_slice %arg4[%squeeze3A_265, %squeeze3A_263, %add3A_213] : memref<101x101x4096xf32, #tpu.memory_space<hbm>> -> memref<1x1x16xf32, #tpu.memory_space<hbm>>
    %dma_start3A_273 = tpu.memref_squeeze %dma_start3A_272 : memref<1x1x16xf32, #tpu.memory_space<hbm>> -> memref<16xf32, #tpu.memory_space<hbm>>
    tpu.enqueue_dma source(%dma_start3A_273 : memref<16xf32, #tpu.memory_space<hbm>>) target(%dma_start3A_271 : memref<16xf32, #tpu.memory_space<vmem>>) target_semaphore(%arg11 : memref<!tpu.dma_semaphore, #tpu.memory_space<semaphore_mem>>)
    %slice3A_274 = vector.extract_strided_slice %get3A_208 {offsets = [5], sizes = [1], strides = [1]} : vector<16xi32> to vector<1xi32>
    %squeeze3A_275 = vector.extract %slice3A_274[0] : i32 from vector<1xi32>
    %slice3A_276 = vector.extract_strided_slice %get3A_211 {offsets = [5], sizes = [1], strides = [1]} : vector<16xi32> to vector<1xi32>
    %squeeze3A_277 = vector.extract %slice3A_276[0] : i32 from vector<1xi32>
    %dma_start3A_278 = arith.constant 336 : i32
    %dma_start3A_279 = tpu.memref_slice %arg8[%dma_start3A_278] : memref<2048xf32, #tpu.memory_space<vmem>> -> memref<16xf32, #tpu.memory_space<vmem>>
    %dma_start3A_280 = tpu.memref_slice %arg4[%squeeze3A_277, %squeeze3A_275, %add3A_213] : memref<101x101x4096xf32, #tpu.memory_space<hbm>> -> memref<1x1x16xf32, #tpu.memory_space<hbm>>
    %dma_start3A_281 = tpu.memref_squeeze %dma_start3A_280 : memref<1x1x16xf32, #tpu.memory_space<hbm>> -> memref<16xf32, #tpu.memory_space<hbm>>
    %dma_start3A_282 = arith.constant 336 : i32
    %dma_start3A_283 = tpu.memref_slice %arg8[%dma_start3A_282] : memref<2048xf32, #tpu.memory_space<vmem>> -> memref<16xf32, #tpu.memory_space<vmem>>
    %dma_start3A_284 = tpu.memref_slice %arg4[%squeeze3A_277, %squeeze3A_275, %add3A_213] : memref<101x101x4096xf32, #tpu.memory_space<hbm>> -> memref<1x1x16xf32, #tpu.memory_space<hbm>>
    %dma_start3A_285 = tpu.memref_squeeze %dma_start3A_284 : memref<1x1x16xf32, #tpu.memory_space<hbm>> -> memref<16xf32, #tpu.memory_space<hbm>>
    tpu.enqueue_dma source(%dma_start3A_285 : memref<16xf32, #tpu.memory_space<hbm>>) target(%dma_start3A_283 : memref<16xf32, #tpu.memory_space<vmem>>) target_semaphore(%arg11 : memref<!tpu.dma_semaphore, #tpu.memory_space<semaphore_mem>>)
    %slice3A_286 = vector.extract_strided_slice %get3A_208 {offsets = [6], sizes = [1], strides = [1]} : vector<16xi32> to vector<1xi32>
    %squeeze3A_287 = vector.extract %slice3A_286[0] : i32 from vector<1xi32>
    %slice3A_288 = vector.extract_strided_slice %get3A_211 {offsets = [6], sizes = [1], strides = [1]} : vector<16xi32> to vector<1xi32>
    %squeeze3A_289 = vector.extract %slice3A_288[0] : i32 from vector<1xi32>
    %dma_start3A_290 = arith.constant 352 : i32
    %dma_start3A_291 = tpu.memref_slice %arg8[%dma_start3A_290] : memref<2048xf32, #tpu.memory_space<vmem>> -> memref<16xf32, #tpu.memory_space<vmem>>
    %dma_start3A_292 = tpu.memref_slice %arg4[%squeeze3A_289, %squeeze3A_287, %add3A_213] : memref<101x101x4096xf32, #tpu.memory_space<hbm>> -> memref<1x1x16xf32, #tpu.memory_space<hbm>>
    %dma_start3A_293 = tpu.memref_squeeze %dma_start3A_292 : memref<1x1x16xf32, #tpu.memory_space<hbm>> -> memref<16xf32, #tpu.memory_space<hbm>>
    %dma_start3A_294 = arith.constant 352 : i32
    %dma_start3A_295 = tpu.memref_slice %arg8[%dma_start3A_294] : memref<2048xf32, #tpu.memory_space<vmem>> -> memref<16xf32, #tpu.memory_space<vmem>>
    %dma_start3A_296 = tpu.memref_slice %arg4[%squeeze3A_289, %squeeze3A_287, %add3A_213] : memref<101x101x4096xf32, #tpu.memory_space<hbm>> -> memref<1x1x16xf32, #tpu.memory_space<hbm>>
    %dma_start3A_297 = tpu.memref_squeeze %dma_start3A_296 : memref<1x1x16xf32, #tpu.memory_space<hbm>> -> memref<16xf32, #tpu.memory_space<hbm>>
    tpu.enqueue_dma source(%dma_start3A_297 : memref<16xf32, #tpu.memory_space<hbm>>) target(%dma_start3A_295 : memref<16xf32, #tpu.memory_space<vmem>>) target_semaphore(%arg11 : memref<!tpu.dma_semaphore, #tpu.memory_space<semaphore_mem>>)
    %slice3A_298 = vector.extract_strided_slice %get3A_208 {offsets = [7], sizes = [1], strides = [1]} : vector<16xi32> to vector<1xi32>
    %squeeze3A_299 = vector.extract %slice3A_298[0] : i32 from vector<1xi32>
    %slice3A_300 = vector.extract_strided_slice %get3A_211 {offsets = [7], sizes = [1], strides = [1]} : vector<16xi32> to vector<1xi32>
    %squeeze3A_301 = vector.extract %slice3A_300[0] : i32 from vector<1xi32>
    %dma_start3A_302 = arith.constant 368 : i32
    %dma_start3A_303 = tpu.memref_slice %arg8[%dma_start3A_302] : memref<2048xf32, #tpu.memory_space<vmem>> -> memref<16xf32, #tpu.memory_space<vmem>>
    %dma_start3A_304 = tpu.memref_slice %arg4[%squeeze3A_301, %squeeze3A_299, %add3A_213] : memref<101x101x4096xf32, #tpu.memory_space<hbm>> -> memref<1x1x16xf32, #tpu.memory_space<hbm>>
    %dma_start3A_305 = tpu.memref_squeeze %dma_start3A_304 : memref<1x1x16xf32, #tpu.memory_space<hbm>> -> memref<16xf32, #tpu.memory_space<hbm>>
    %dma_start3A_306 = arith.constant 368 : i32
    %dma_start3A_307 = tpu.memref_slice %arg8[%dma_start3A_306] : memref<2048xf32, #tpu.memory_space<vmem>> -> memref<16xf32, #tpu.memory_space<vmem>>
    %dma_start3A_308 = tpu.memref_slice %arg4[%squeeze3A_301, %squeeze3A_299, %add3A_213] : memref<101x101x4096xf32, #tpu.memory_space<hbm>> -> memref<1x1x16xf32, #tpu.memory_space<hbm>>
    %dma_start3A_309 = tpu.memref_squeeze %dma_start3A_308 : memref<1x1x16xf32, #tpu.memory_space<hbm>> -> memref<16xf32, #tpu.memory_space<hbm>>
    tpu.enqueue_dma source(%dma_start3A_309 : memref<16xf32, #tpu.memory_space<hbm>>) target(%dma_start3A_307 : memref<16xf32, #tpu.memory_space<vmem>>) target_semaphore(%arg11 : memref<!tpu.dma_semaphore, #tpu.memory_space<semaphore_mem>>)
    %slice3A_310 = vector.extract_strided_slice %get3A_208 {offsets = [8], sizes = [1], strides = [1]} : vector<16xi32> to vector<1xi32>
    %squeeze3A_311 = vector.extract %slice3A_310[0] : i32 from vector<1xi32>
    %slice3A_312 = vector.extract_strided_slice %get3A_211 {offsets = [8], sizes = [1], strides = [1]} : vector<16xi32> to vector<1xi32>
    %squeeze3A_313 = vector.extract %slice3A_312[0] : i32 from vector<1xi32>
    %dma_start3A_314 = arith.constant 384 : i32
    %dma_start3A_315 = tpu.memref_slice %arg8[%dma_start3A_314] : memref<2048xf32, #tpu.memory_space<vmem>> -> memref<16xf32, #tpu.memory_space<vmem>>
    %dma_start3A_316 = tpu.memref_slice %arg4[%squeeze3A_313, %squeeze3A_311, %add3A_213] : memref<101x101x4096xf32, #tpu.memory_space<hbm>> -> memref<1x1x16xf32, #tpu.memory_space<hbm>>
    %dma_start3A_317 = tpu.memref_squeeze %dma_start3A_316 : memref<1x1x16xf32, #tpu.memory_space<hbm>> -> memref<16xf32, #tpu.memory_space<hbm>>
    %dma_start3A_318 = arith.constant 384 : i32
    %dma_start3A_319 = tpu.memref_slice %arg8[%dma_start3A_318] : memref<2048xf32, #tpu.memory_space<vmem>> -> memref<16xf32, #tpu.memory_space<vmem>>
    %dma_start3A_320 = tpu.memref_slice %arg4[%squeeze3A_313, %squeeze3A_311, %add3A_213] : memref<101x101x4096xf32, #tpu.memory_space<hbm>> -> memref<1x1x16xf32, #tpu.memory_space<hbm>>
    %dma_start3A_321 = tpu.memref_squeeze %dma_start3A_320 : memref<1x1x16xf32, #tpu.memory_space<hbm>> -> memref<16xf32, #tpu.memory_space<hbm>>
    tpu.enqueue_dma source(%dma_start3A_321 : memref<16xf32, #tpu.memory_space<hbm>>) target(%dma_start3A_319 : memref<16xf32, #tpu.memory_space<vmem>>) target_semaphore(%arg11 : memref<!tpu.dma_semaphore, #tpu.memory_space<semaphore_mem>>)
    %slice3A_322 = vector.extract_strided_slice %get3A_208 {offsets = [9], sizes = [1], strides = [1]} : vector<16xi32> to vector<1xi32>
    %squeeze3A_323 = vector.extract %slice3A_322[0] : i32 from vector<1xi32>
    %slice3A_324 = vector.extract_strided_slice %get3A_211 {offsets = [9], sizes = [1], strides = [1]} : vector<16xi32> to vector<1xi32>
    %squeeze3A_325 = vector.extract %slice3A_324[0] : i32 from vector<1xi32>
    %dma_start3A_326 = arith.constant 400 : i32
    %dma_start3A_327 = tpu.memref_slice %arg8[%dma_start3A_326] : memref<2048xf32, #tpu.memory_space<vmem>> -> memref<16xf32, #tpu.memory_space<vmem>>
    %dma_start3A_328 = tpu.memref_slice %arg4[%squeeze3A_325, %squeeze3A_323, %add3A_213] : memref<101x101x4096xf32, #tpu.memory_space<hbm>> -> memref<1x1x16xf32, #tpu.memory_space<hbm>>
    %dma_start3A_329 = tpu.memref_squeeze %dma_start3A_328 : memref<1x1x16xf32, #tpu.memory_space<hbm>> -> memref<16xf32, #tpu.memory_space<hbm>>
    %dma_start3A_330 = arith.constant 400 : i32
    %dma_start3A_331 = tpu.memref_slice %arg8[%dma_start3A_330] : memref<2048xf32, #tpu.memory_space<vmem>> -> memref<16xf32, #tpu.memory_space<vmem>>
    %dma_start3A_332 = tpu.memref_slice %arg4[%squeeze3A_325, %squeeze3A_323, %add3A_213] : memref<101x101x4096xf32, #tpu.memory_space<hbm>> -> memref<1x1x16xf32, #tpu.memory_space<hbm>>
    %dma_start3A_333 = tpu.memref_squeeze %dma_start3A_332 : memref<1x1x16xf32, #tpu.memory_space<hbm>> -> memref<16xf32, #tpu.memory_space<hbm>>
    tpu.enqueue_dma source(%dma_start3A_333 : memref<16xf32, #tpu.memory_space<hbm>>) target(%dma_start3A_331 : memref<16xf32, #tpu.memory_space<vmem>>) target_semaphore(%arg11 : memref<!tpu.dma_semaphore, #tpu.memory_space<semaphore_mem>>)
    %slice3A_334 = vector.extract_strided_slice %get3A_208 {offsets = [10], sizes = [1], strides = [1]} : vector<16xi32> to vector<1xi32>
    %squeeze3A_335 = vector.extract %slice3A_334[0] : i32 from vector<1xi32>
    %slice3A_336 = vector.extract_strided_slice %get3A_211 {offsets = [10], sizes = [1], strides = [1]} : vector<16xi32> to vector<1xi32>
    %squeeze3A_337 = vector.extract %slice3A_336[0] : i32 from vector<1xi32>
    %dma_start3A_338 = arith.constant 416 : i32
    %dma_start3A_339 = tpu.memref_slice %arg8[%dma_start3A_338] : memref<2048xf32, #tpu.memory_space<vmem>> -> memref<16xf32, #tpu.memory_space<vmem>>
    %dma_start3A_340 = tpu.memref_slice %arg4[%squeeze3A_337, %squeeze3A_335, %add3A_213] : memref<101x101x4096xf32, #tpu.memory_space<hbm>> -> memref<1x1x16xf32, #tpu.memory_space<hbm>>
    %dma_start3A_341 = tpu.memref_squeeze %dma_start3A_340 : memref<1x1x16xf32, #tpu.memory_space<hbm>> -> memref<16xf32, #tpu.memory_space<hbm>>
    %dma_start3A_342 = arith.constant 416 : i32
    %dma_start3A_343 = tpu.memref_slice %arg8[%dma_start3A_342] : memref<2048xf32, #tpu.memory_space<vmem>> -> memref<16xf32, #tpu.memory_space<vmem>>
    %dma_start3A_344 = tpu.memref_slice %arg4[%squeeze3A_337, %squeeze3A_335, %add3A_213] : memref<101x101x4096xf32, #tpu.memory_space<hbm>> -> memref<1x1x16xf32, #tpu.memory_space<hbm>>
    %dma_start3A_345 = tpu.memref_squeeze %dma_start3A_344 : memref<1x1x16xf32, #tpu.memory_space<hbm>> -> memref<16xf32, #tpu.memory_space<hbm>>
    tpu.enqueue_dma source(%dma_start3A_345 : memref<16xf32, #tpu.memory_space<hbm>>) target(%dma_start3A_343 : memref<16xf32, #tpu.memory_space<vmem>>) target_semaphore(%arg11 : memref<!tpu.dma_semaphore, #tpu.memory_space<semaphore_mem>>)
    %slice3A_346 = vector.extract_strided_slice %get3A_208 {offsets = [11], sizes = [1], strides = [1]} : vector<16xi32> to vector<1xi32>
    %squeeze3A_347 = vector.extract %slice3A_346[0] : i32 from vector<1xi32>
    %slice3A_348 = vector.extract_strided_slice %get3A_211 {offsets = [11], sizes = [1], strides = [1]} : vector<16xi32> to vector<1xi32>
    %squeeze3A_349 = vector.extract %slice3A_348[0] : i32 from vector<1xi32>
    %dma_start3A_350 = arith.constant 432 : i32
    %dma_start3A_351 = tpu.memref_slice %arg8[%dma_start3A_350] : memref<2048xf32, #tpu.memory_space<vmem>> -> memref<16xf32, #tpu.memory_space<vmem>>
    %dma_start3A_352 = tpu.memref_slice %arg4[%squeeze3A_349, %squeeze3A_347, %add3A_213] : memref<101x101x4096xf32, #tpu.memory_space<hbm>> -> memref<1x1x16xf32, #tpu.memory_space<hbm>>
    %dma_start3A_353 = tpu.memref_squeeze %dma_start3A_352 : memref<1x1x16xf32, #tpu.memory_space<hbm>> -> memref<16xf32, #tpu.memory_space<hbm>>
    %dma_start3A_354 = arith.constant 432 : i32
    %dma_start3A_355 = tpu.memref_slice %arg8[%dma_start3A_354] : memref<2048xf32, #tpu.memory_space<vmem>> -> memref<16xf32, #tpu.memory_space<vmem>>
    %dma_start3A_356 = tpu.memref_slice %arg4[%squeeze3A_349, %squeeze3A_347, %add3A_213] : memref<101x101x4096xf32, #tpu.memory_space<hbm>> -> memref<1x1x16xf32, #tpu.memory_space<hbm>>
    %dma_start3A_357 = tpu.memref_squeeze %dma_start3A_356 : memref<1x1x16xf32, #tpu.memory_space<hbm>> -> memref<16xf32, #tpu.memory_space<hbm>>
    tpu.enqueue_dma source(%dma_start3A_357 : memref<16xf32, #tpu.memory_space<hbm>>) target(%dma_start3A_355 : memref<16xf32, #tpu.memory_space<vmem>>) target_semaphore(%arg11 : memref<!tpu.dma_semaphore, #tpu.memory_space<semaphore_mem>>)
    %slice3A_358 = vector.extract_strided_slice %get3A_208 {offsets = [12], sizes = [1], strides = [1]} : vector<16xi32> to vector<1xi32>
    %squeeze3A_359 = vector.extract %slice3A_358[0] : i32 from vector<1xi32>
    %slice3A_360 = vector.extract_strided_slice %get3A_211 {offsets = [12], sizes = [1], strides = [1]} : vector<16xi32> to vector<1xi32>
    %squeeze3A_361 = vector.extract %slice3A_360[0] : i32 from vector<1xi32>
    %dma_start3A_362 = arith.constant 448 : i32
    %dma_start3A_363 = tpu.memref_slice %arg8[%dma_start3A_362] : memref<2048xf32, #tpu.memory_space<vmem>> -> memref<16xf32, #tpu.memory_space<vmem>>
    %dma_start3A_364 = tpu.memref_slice %arg4[%squeeze3A_361, %squeeze3A_359, %add3A_213] : memref<101x101x4096xf32, #tpu.memory_space<hbm>> -> memref<1x1x16xf32, #tpu.memory_space<hbm>>
    %dma_start3A_365 = tpu.memref_squeeze %dma_start3A_364 : memref<1x1x16xf32, #tpu.memory_space<hbm>> -> memref<16xf32, #tpu.memory_space<hbm>>
    %dma_start3A_366 = arith.constant 448 : i32
    %dma_start3A_367 = tpu.memref_slice %arg8[%dma_start3A_366] : memref<2048xf32, #tpu.memory_space<vmem>> -> memref<16xf32, #tpu.memory_space<vmem>>
    %dma_start3A_368 = tpu.memref_slice %arg4[%squeeze3A_361, %squeeze3A_359, %add3A_213] : memref<101x101x4096xf32, #tpu.memory_space<hbm>> -> memref<1x1x16xf32, #tpu.memory_space<hbm>>
    %dma_start3A_369 = tpu.memref_squeeze %dma_start3A_368 : memref<1x1x16xf32, #tpu.memory_space<hbm>> -> memref<16xf32, #tpu.memory_space<hbm>>
    tpu.enqueue_dma source(%dma_start3A_369 : memref<16xf32, #tpu.memory_space<hbm>>) target(%dma_start3A_367 : memref<16xf32, #tpu.memory_space<vmem>>) target_semaphore(%arg11 : memref<!tpu.dma_semaphore, #tpu.memory_space<semaphore_mem>>)
    %slice3A_370 = vector.extract_strided_slice %get3A_208 {offsets = [13], sizes = [1], strides = [1]} : vector<16xi32> to vector<1xi32>
    %squeeze3A_371 = vector.extract %slice3A_370[0] : i32 from vector<1xi32>
    %slice3A_372 = vector.extract_strided_slice %get3A_211 {offsets = [13], sizes = [1], strides = [1]} : vector<16xi32> to vector<1xi32>
    %squeeze3A_373 = vector.extract %slice3A_372[0] : i32 from vector<1xi32>
    %dma_start3A_374 = arith.constant 464 : i32
    %dma_start3A_375 = tpu.memref_slice %arg8[%dma_start3A_374] : memref<2048xf32, #tpu.memory_space<vmem>> -> memref<16xf32, #tpu.memory_space<vmem>>
    %dma_start3A_376 = tpu.memref_slice %arg4[%squeeze3A_373, %squeeze3A_371, %add3A_213] : memref<101x101x4096xf32, #tpu.memory_space<hbm>> -> memref<1x1x16xf32, #tpu.memory_space<hbm>>
    %dma_start3A_377 = tpu.memref_squeeze %dma_start3A_376 : memref<1x1x16xf32, #tpu.memory_space<hbm>> -> memref<16xf32, #tpu.memory_space<hbm>>
    %dma_start3A_378 = arith.constant 464 : i32
    %dma_start3A_379 = tpu.memref_slice %arg8[%dma_start3A_378] : memref<2048xf32, #tpu.memory_space<vmem>> -> memref<16xf32, #tpu.memory_space<vmem>>
    %dma_start3A_380 = tpu.memref_slice %arg4[%squeeze3A_373, %squeeze3A_371, %add3A_213] : memref<101x101x4096xf32, #tpu.memory_space<hbm>> -> memref<1x1x16xf32, #tpu.memory_space<hbm>>
    %dma_start3A_381 = tpu.memref_squeeze %dma_start3A_380 : memref<1x1x16xf32, #tpu.memory_space<hbm>> -> memref<16xf32, #tpu.memory_space<hbm>>
    tpu.enqueue_dma source(%dma_start3A_381 : memref<16xf32, #tpu.memory_space<hbm>>) target(%dma_start3A_379 : memref<16xf32, #tpu.memory_space<vmem>>) target_semaphore(%arg11 : memref<!tpu.dma_semaphore, #tpu.memory_space<semaphore_mem>>)
    %slice3A_382 = vector.extract_strided_slice %get3A_208 {offsets = [14], sizes = [1], strides = [1]} : vector<16xi32> to vector<1xi32>
    %squeeze3A_383 = vector.extract %slice3A_382[0] : i32 from vector<1xi32>
    %slice3A_384 = vector.extract_strided_slice %get3A_211 {offsets = [14], sizes = [1], strides = [1]} : vector<16xi32> to vector<1xi32>
    %squeeze3A_385 = vector.extract %slice3A_384[0] : i32 from vector<1xi32>
    %dma_start3A_386 = arith.constant 480 : i32
    %dma_start3A_387 = tpu.memref_slice %arg8[%dma_start3A_386] : memref<2048xf32, #tpu.memory_space<vmem>> -> memref<16xf32, #tpu.memory_space<vmem>>
    %dma_start3A_388 = tpu.memref_slice %arg4[%squeeze3A_385, %squeeze3A_383, %add3A_213] : memref<101x101x4096xf32, #tpu.memory_space<hbm>> -> memref<1x1x16xf32, #tpu.memory_space<hbm>>
    %dma_start3A_389 = tpu.memref_squeeze %dma_start3A_388 : memref<1x1x16xf32, #tpu.memory_space<hbm>> -> memref<16xf32, #tpu.memory_space<hbm>>
    %dma_start3A_390 = arith.constant 480 : i32
    %dma_start3A_391 = tpu.memref_slice %arg8[%dma_start3A_390] : memref<2048xf32, #tpu.memory_space<vmem>> -> memref<16xf32, #tpu.memory_space<vmem>>
    %dma_start3A_392 = tpu.memref_slice %arg4[%squeeze3A_385, %squeeze3A_383, %add3A_213] : memref<101x101x4096xf32, #tpu.memory_space<hbm>> -> memref<1x1x16xf32, #tpu.memory_space<hbm>>
    %dma_start3A_393 = tpu.memref_squeeze %dma_start3A_392 : memref<1x1x16xf32, #tpu.memory_space<hbm>> -> memref<16xf32, #tpu.memory_space<hbm>>
    tpu.enqueue_dma source(%dma_start3A_393 : memref<16xf32, #tpu.memory_space<hbm>>) target(%dma_start3A_391 : memref<16xf32, #tpu.memory_space<vmem>>) target_semaphore(%arg11 : memref<!tpu.dma_semaphore, #tpu.memory_space<semaphore_mem>>)
    %slice3A_394 = vector.extract_strided_slice %get3A_208 {offsets = [15], sizes = [1], strides = [1]} : vector<16xi32> to vector<1xi32>
    %squeeze3A_395 = vector.extract %slice3A_394[0] : i32 from vector<1xi32>
    %slice3A_396 = vector.extract_strided_slice %get3A_211 {offsets = [15], sizes = [1], strides = [1]} : vector<16xi32> to vector<1xi32>
    %squeeze3A_397 = vector.extract %slice3A_396[0] : i32 from vector<1xi32>
    %dma_start3A_398 = arith.constant 496 : i32
    %dma_start3A_399 = tpu.memref_slice %arg8[%dma_start3A_398] : memref<2048xf32, #tpu.memory_space<vmem>> -> memref<16xf32, #tpu.memory_space<vmem>>
    %dma_start3A_400 = tpu.memref_slice %arg4[%squeeze3A_397, %squeeze3A_395, %add3A_213] : memref<101x101x4096xf32, #tpu.memory_space<hbm>> -> memref<1x1x16xf32, #tpu.memory_space<hbm>>
    %dma_start3A_401 = tpu.memref_squeeze %dma_start3A_400 : memref<1x1x16xf32, #tpu.memory_space<hbm>> -> memref<16xf32, #tpu.memory_space<hbm>>
    %dma_start3A_402 = arith.constant 496 : i32
    %dma_start3A_403 = tpu.memref_slice %arg8[%dma_start3A_402] : memref<2048xf32, #tpu.memory_space<vmem>> -> memref<16xf32, #tpu.memory_space<vmem>>
    %dma_start3A_404 = tpu.memref_slice %arg4[%squeeze3A_397, %squeeze3A_395, %add3A_213] : memref<101x101x4096xf32, #tpu.memory_space<hbm>> -> memref<1x1x16xf32, #tpu.memory_space<hbm>>
    %dma_start3A_405 = tpu.memref_squeeze %dma_start3A_404 : memref<1x1x16xf32, #tpu.memory_space<hbm>> -> memref<16xf32, #tpu.memory_space<hbm>>
    tpu.enqueue_dma source(%dma_start3A_405 : memref<16xf32, #tpu.memory_space<hbm>>) target(%dma_start3A_403 : memref<16xf32, #tpu.memory_space<vmem>>) target_semaphore(%arg11 : memref<!tpu.dma_semaphore, #tpu.memory_space<semaphore_mem>>)
    %get3A_406 = arith.constant 32 : index
    %get3A_407 = tpu.vector_load %arg6[%get3A_406] {strides = array<i32>} : memref<128xi32, #tpu.memory_space<vmem>>, vector<16xi32>,
    %get3A_408 = vector.shape_cast %get3A_407 : vector<16xi32> to vector<16xi32>
    %get3A_409 = arith.constant 32 : index
    %get3A_410 = tpu.vector_load %arg7[%get3A_409] {strides = array<i32>} : memref<128xi32, #tpu.memory_space<vmem>>, vector<16xi32>,
    %get3A_411 = vector.shape_cast %get3A_410 : vector<16xi32> to vector<16xi32>
    %add3A_412 = arith.constant 32 : i32
    %add3A_413 = arith.addi %mul3A_2, %add3A_412 : i32
    %slice3A_414 = vector.extract_strided_slice %get3A_408 {offsets = [0], sizes = [1], strides = [1]} : vector<16xi32> to vector<1xi32>
    %squeeze3A_415 = vector.extract %slice3A_414[0] : i32 from vector<1xi32>
    %slice3A_416 = vector.extract_strided_slice %get3A_411 {offsets = [0], sizes = [1], strides = [1]} : vector<16xi32> to vector<1xi32>
    %squeeze3A_417 = vector.extract %slice3A_416[0] : i32 from vector<1xi32>
    %dma_start3A_418 = arith.constant 512 : i32
    %dma_start3A_419 = tpu.memref_slice %arg8[%dma_start3A_418] : memref<2048xf32, #tpu.memory_space<vmem>> -> memref<16xf32, #tpu.memory_space<vmem>>
    %dma_start3A_420 = tpu.memref_slice %arg4[%squeeze3A_417, %squeeze3A_415, %add3A_413] : memref<101x101x4096xf32, #tpu.memory_space<hbm>> -> memref<1x1x16xf32, #tpu.memory_space<hbm>>
    %dma_start3A_421 = tpu.memref_squeeze %dma_start3A_420 : memref<1x1x16xf32, #tpu.memory_space<hbm>> -> memref<16xf32, #tpu.memory_space<hbm>>
    %dma_start3A_422 = arith.constant 512 : i32
    %dma_start3A_423 = tpu.memref_slice %arg8[%dma_start3A_422] : memref<2048xf32, #tpu.memory_space<vmem>> -> memref<16xf32, #tpu.memory_space<vmem>>
    %dma_start3A_424 = tpu.memref_slice %arg4[%squeeze3A_417, %squeeze3A_415, %add3A_413] : memref<101x101x4096xf32, #tpu.memory_space<hbm>> -> memref<1x1x16xf32, #tpu.memory_space<hbm>>
    %dma_start3A_425 = tpu.memref_squeeze %dma_start3A_424 : memref<1x1x16xf32, #tpu.memory_space<hbm>> -> memref<16xf32, #tpu.memory_space<hbm>>
    tpu.enqueue_dma source(%dma_start3A_425 : memref<16xf32, #tpu.memory_space<hbm>>) target(%dma_start3A_423 : memref<16xf32, #tpu.memory_space<vmem>>) target_semaphore(%arg11 : memref<!tpu.dma_semaphore, #tpu.memory_space<semaphore_mem>>)
    %slice3A_426 = vector.extract_strided_slice %get3A_408 {offsets = [1], sizes = [1], strides = [1]} : vector<16xi32> to vector<1xi32>
    %squeeze3A_427 = vector.extract %slice3A_426[0] : i32 from vector<1xi32>
    %slice3A_428 = vector.extract_strided_slice %get3A_411 {offsets = [1], sizes = [1], strides = [1]} : vector<16xi32> to vector<1xi32>
    %squeeze3A_429 = vector.extract %slice3A_428[0] : i32 from vector<1xi32>
    %dma_start3A_430 = arith.constant 528 : i32
    %dma_start3A_431 = tpu.memref_slice %arg8[%dma_start3A_430] : memref<2048xf32, #tpu.memory_space<vmem>> -> memref<16xf32, #tpu.memory_space<vmem>>
    %dma_start3A_432 = tpu.memref_slice %arg4[%squeeze3A_429, %squeeze3A_427, %add3A_413] : memref<101x101x4096xf32, #tpu.memory_space<hbm>> -> memref<1x1x16xf32, #tpu.memory_space<hbm>>
    %dma_start3A_433 = tpu.memref_squeeze %dma_start3A_432 : memref<1x1x16xf32, #tpu.memory_space<hbm>> -> memref<16xf32, #tpu.memory_space<hbm>>
    %dma_start3A_434 = arith.constant 528 : i32
    %dma_start3A_435 = tpu.memref_slice %arg8[%dma_start3A_434] : memref<2048xf32, #tpu.memory_space<vmem>> -> memref<16xf32, #tpu.memory_space<vmem>>
    %dma_start3A_436 = tpu.memref_slice %arg4[%squeeze3A_429, %squeeze3A_427, %add3A_413] : memref<101x101x4096xf32, #tpu.memory_space<hbm>> -> memref<1x1x16xf32, #tpu.memory_space<hbm>>
    %dma_start3A_437 = tpu.memref_squeeze %dma_start3A_436 : memref<1x1x16xf32, #tpu.memory_space<hbm>> -> memref<16xf32, #tpu.memory_space<hbm>>
    tpu.enqueue_dma source(%dma_start3A_437 : memref<16xf32, #tpu.memory_space<hbm>>) target(%dma_start3A_435 : memref<16xf32, #tpu.memory_space<vmem>>) target_semaphore(%arg11 : memref<!tpu.dma_semaphore, #tpu.memory_space<semaphore_mem>>)
    %slice3A_438 = vector.extract_strided_slice %get3A_408 {offsets = [2], sizes = [1], strides = [1]} : vector<16xi32> to vector<1xi32>
    %squeeze3A_439 = vector.extract %slice3A_438[0] : i32 from vector<1xi32>
    %slice3A_440 = vector.extract_strided_slice %get3A_411 {offsets = [2], sizes = [1], strides = [1]} : vector<16xi32> to vector<1xi32>
    %squeeze3A_441 = vector.extract %slice3A_440[0] : i32 from vector<1xi32>
    %dma_start3A_442 = arith.constant 544 : i32
    %dma_start3A_443 = tpu.memref_slice %arg8[%dma_start3A_442] : memref<2048xf32, #tpu.memory_space<vmem>> -> memref<16xf32, #tpu.memory_space<vmem>>
    %dma_start3A_444 = tpu.memref_slice %arg4[%squeeze3A_441, %squeeze3A_439, %add3A_413] : memref<101x101x4096xf32, #tpu.memory_space<hbm>> -> memref<1x1x16xf32, #tpu.memory_space<hbm>>
    %dma_start3A_445 = tpu.memref_squeeze %dma_start3A_444 : memref<1x1x16xf32, #tpu.memory_space<hbm>> -> memref<16xf32, #tpu.memory_space<hbm>>
    %dma_start3A_446 = arith.constant 544 : i32
    %dma_start3A_447 = tpu.memref_slice %arg8[%dma_start3A_446] : memref<2048xf32, #tpu.memory_space<vmem>> -> memref<16xf32, #tpu.memory_space<vmem>>
    %dma_start3A_448 = tpu.memref_slice %arg4[%squeeze3A_441, %squeeze3A_439, %add3A_413] : memref<101x101x4096xf32, #tpu.memory_space<hbm>> -> memref<1x1x16xf32, #tpu.memory_space<hbm>>
    %dma_start3A_449 = tpu.memref_squeeze %dma_start3A_448 : memref<1x1x16xf32, #tpu.memory_space<hbm>> -> memref<16xf32, #tpu.memory_space<hbm>>
    tpu.enqueue_dma source(%dma_start3A_449 : memref<16xf32, #tpu.memory_space<hbm>>) target(%dma_start3A_447 : memref<16xf32, #tpu.memory_space<vmem>>) target_semaphore(%arg11 : memref<!tpu.dma_semaphore, #tpu.memory_space<semaphore_mem>>)
    %slice3A_450 = vector.extract_strided_slice %get3A_408 {offsets = [3], sizes = [1], strides = [1]} : vector<16xi32> to vector<1xi32>
    %squeeze3A_451 = vector.extract %slice3A_450[0] : i32 from vector<1xi32>
    %slice3A_452 = vector.extract_strided_slice %get3A_411 {offsets = [3], sizes = [1], strides = [1]} : vector<16xi32> to vector<1xi32>
    %squeeze3A_453 = vector.extract %slice3A_452[0] : i32 from vector<1xi32>
    %dma_start3A_454 = arith.constant 560 : i32
    %dma_start3A_455 = tpu.memref_slice %arg8[%dma_start3A_454] : memref<2048xf32, #tpu.memory_space<vmem>> -> memref<16xf32, #tpu.memory_space<vmem>>
    %dma_start3A_456 = tpu.memref_slice %arg4[%squeeze3A_453, %squeeze3A_451, %add3A_413] : memref<101x101x4096xf32, #tpu.memory_space<hbm>> -> memref<1x1x16xf32, #tpu.memory_space<hbm>>
    %dma_start3A_457 = tpu.memref_squeeze %dma_start3A_456 : memref<1x1x16xf32, #tpu.memory_space<hbm>> -> memref<16xf32, #tpu.memory_space<hbm>>
    %dma_start3A_458 = arith.constant 560 : i32
    %dma_start3A_459 = tpu.memref_slice %arg8[%dma_start3A_458] : memref<2048xf32, #tpu.memory_space<vmem>> -> memref<16xf32, #tpu.memory_space<vmem>>
    %dma_start3A_460 = tpu.memref_slice %arg4[%squeeze3A_453, %squeeze3A_451, %add3A_413] : memref<101x101x4096xf32, #tpu.memory_space<hbm>> -> memref<1x1x16xf32, #tpu.memory_space<hbm>>
    %dma_start3A_461 = tpu.memref_squeeze %dma_start3A_460 : memref<1x1x16xf32, #tpu.memory_space<hbm>> -> memref<16xf32, #tpu.memory_space<hbm>>
    tpu.enqueue_dma source(%dma_start3A_461 : memref<16xf32, #tpu.memory_space<hbm>>) target(%dma_start3A_459 : memref<16xf32, #tpu.memory_space<vmem>>) target_semaphore(%arg11 : memref<!tpu.dma_semaphore, #tpu.memory_space<semaphore_mem>>)
    %slice3A_462 = vector.extract_strided_slice %get3A_408 {offsets = [4], sizes = [1], strides = [1]} : vector<16xi32> to vector<1xi32>
    %squeeze3A_463 = vector.extract %slice3A_462[0] : i32 from vector<1xi32>
    %slice3A_464 = vector.extract_strided_slice %get3A_411 {offsets = [4], sizes = [1], strides = [1]} : vector<16xi32> to vector<1xi32>
    %squeeze3A_465 = vector.extract %slice3A_464[0] : i32 from vector<1xi32>
    %dma_start3A_466 = arith.constant 576 : i32
    %dma_start3A_467 = tpu.memref_slice %arg8[%dma_start3A_466] : memref<2048xf32, #tpu.memory_space<vmem>> -> memref<16xf32, #tpu.memory_space<vmem>>
    %dma_start3A_468 = tpu.memref_slice %arg4[%squeeze3A_465, %squeeze3A_463, %add3A_413] : memref<101x101x4096xf32, #tpu.memory_space<hbm>> -> memref<1x1x16xf32, #tpu.memory_space<hbm>>
    %dma_start3A_469 = tpu.memref_squeeze %dma_start3A_468 : memref<1x1x16xf32, #tpu.memory_space<hbm>> -> memref<16xf32, #tpu.memory_space<hbm>>
    %dma_start3A_470 = arith.constant 576 : i32
    %dma_start3A_471 = tpu.memref_slice %arg8[%dma_start3A_470] : memref<2048xf32, #tpu.memory_space<vmem>> -> memref<16xf32, #tpu.memory_space<vmem>>
    %dma_start3A_472 = tpu.memref_slice %arg4[%squeeze3A_465, %squeeze3A_463, %add3A_413] : memref<101x101x4096xf32, #tpu.memory_space<hbm>> -> memref<1x1x16xf32, #tpu.memory_space<hbm>>
    %dma_start3A_473 = tpu.memref_squeeze %dma_start3A_472 : memref<1x1x16xf32, #tpu.memory_space<hbm>> -> memref<16xf32, #tpu.memory_space<hbm>>
    tpu.enqueue_dma source(%dma_start3A_473 : memref<16xf32, #tpu.memory_space<hbm>>) target(%dma_start3A_471 : memref<16xf32, #tpu.memory_space<vmem>>) target_semaphore(%arg11 : memref<!tpu.dma_semaphore, #tpu.memory_space<semaphore_mem>>)
    %slice3A_474 = vector.extract_strided_slice %get3A_408 {offsets = [5], sizes = [1], strides = [1]} : vector<16xi32> to vector<1xi32>
    %squeeze3A_475 = vector.extract %slice3A_474[0] : i32 from vector<1xi32>
    %slice3A_476 = vector.extract_strided_slice %get3A_411 {offsets = [5], sizes = [1], strides = [1]} : vector<16xi32> to vector<1xi32>
    %squeeze3A_477 = vector.extract %slice3A_476[0] : i32 from vector<1xi32>
    %dma_start3A_478 = arith.constant 592 : i32
    %dma_start3A_479 = tpu.memref_slice %arg8[%dma_start3A_478] : memref<2048xf32, #tpu.memory_space<vmem>> -> memref<16xf32, #tpu.memory_space<vmem>>
    %dma_start3A_480 = tpu.memref_slice %arg4[%squeeze3A_477, %squeeze3A_475, %add3A_413] : memref<101x101x4096xf32, #tpu.memory_space<hbm>> -> memref<1x1x16xf32, #tpu.memory_space<hbm>>
    %dma_start3A_481 = tpu.memref_squeeze %dma_start3A_480 : memref<1x1x16xf32, #tpu.memory_space<hbm>> -> memref<16xf32, #tpu.memory_space<hbm>>
    %dma_start3A_482 = arith.constant 592 : i32
    %dma_start3A_483 = tpu.memref_slice %arg8[%dma_start3A_482] : memref<2048xf32, #tpu.memory_space<vmem>> -> memref<16xf32, #tpu.memory_space<vmem>>
    %dma_start3A_484 = tpu.memref_slice %arg4[%squeeze3A_477, %squeeze3A_475, %add3A_413] : memref<101x101x4096xf32, #tpu.memory_space<hbm>> -> memref<1x1x16xf32, #tpu.memory_space<hbm>>
    %dma_start3A_485 = tpu.memref_squeeze %dma_start3A_484 : memref<1x1x16xf32, #tpu.memory_space<hbm>> -> memref<16xf32, #tpu.memory_space<hbm>>
    tpu.enqueue_dma source(%dma_start3A_485 : memref<16xf32, #tpu.memory_space<hbm>>) target(%dma_start3A_483 : memref<16xf32, #tpu.memory_space<vmem>>) target_semaphore(%arg11 : memref<!tpu.dma_semaphore, #tpu.memory_space<semaphore_mem>>)
    %slice3A_486 = vector.extract_strided_slice %get3A_408 {offsets = [6], sizes = [1], strides = [1]} : vector<16xi32> to vector<1xi32>
    %squeeze3A_487 = vector.extract %slice3A_486[0] : i32 from vector<1xi32>
    %slice3A_488 = vector.extract_strided_slice %get3A_411 {offsets = [6], sizes = [1], strides = [1]} : vector<16xi32> to vector<1xi32>
    %squeeze3A_489 = vector.extract %slice3A_488[0] : i32 from vector<1xi32>
    %dma_start3A_490 = arith.constant 608 : i32
    %dma_start3A_491 = tpu.memref_slice %arg8[%dma_start3A_490] : memref<2048xf32, #tpu.memory_space<vmem>> -> memref<16xf32, #tpu.memory_space<vmem>>
    %dma_start3A_492 = tpu.memref_slice %arg4[%squeeze3A_489, %squeeze3A_487, %add3A_413] : memref<101x101x4096xf32, #tpu.memory_space<hbm>> -> memref<1x1x16xf32, #tpu.memory_space<hbm>>
    %dma_start3A_493 = tpu.memref_squeeze %dma_start3A_492 : memref<1x1x16xf32, #tpu.memory_space<hbm>> -> memref<16xf32, #tpu.memory_space<hbm>>
    %dma_start3A_494 = arith.constant 608 : i32
    %dma_start3A_495 = tpu.memref_slice %arg8[%dma_start3A_494] : memref<2048xf32, #tpu.memory_space<vmem>> -> memref<16xf32, #tpu.memory_space<vmem>>
    %dma_start3A_496 = tpu.memref_slice %arg4[%squeeze3A_489, %squeeze3A_487, %add3A_413] : memref<101x101x4096xf32, #tpu.memory_space<hbm>> -> memref<1x1x16xf32, #tpu.memory_space<hbm>>
    %dma_start3A_497 = tpu.memref_squeeze %dma_start3A_496 : memref<1x1x16xf32, #tpu.memory_space<hbm>> -> memref<16xf32, #tpu.memory_space<hbm>>
    tpu.enqueue_dma source(%dma_start3A_497 : memref<16xf32, #tpu.memory_space<hbm>>) target(%dma_start3A_495 : memref<16xf32, #tpu.memory_space<vmem>>) target_semaphore(%arg11 : memref<!tpu.dma_semaphore, #tpu.memory_space<semaphore_mem>>)
    %slice3A_498 = vector.extract_strided_slice %get3A_408 {offsets = [7], sizes = [1], strides = [1]} : vector<16xi32> to vector<1xi32>
    %squeeze3A_499 = vector.extract %slice3A_498[0] : i32 from vector<1xi32>
    %slice3A_500 = vector.extract_strided_slice %get3A_411 {offsets = [7], sizes = [1], strides = [1]} : vector<16xi32> to vector<1xi32>
    %squeeze3A_501 = vector.extract %slice3A_500[0] : i32 from vector<1xi32>
    %dma_start3A_502 = arith.constant 624 : i32
    %dma_start3A_503 = tpu.memref_slice %arg8[%dma_start3A_502] : memref<2048xf32, #tpu.memory_space<vmem>> -> memref<16xf32, #tpu.memory_space<vmem>>
    %dma_start3A_504 = tpu.memref_slice %arg4[%squeeze3A_501, %squeeze3A_499, %add3A_413] : memref<101x101x4096xf32, #tpu.memory_space<hbm>> -> memref<1x1x16xf32, #tpu.memory_space<hbm>>
    %dma_start3A_505 = tpu.memref_squeeze %dma_start3A_504 : memref<1x1x16xf32, #tpu.memory_space<hbm>> -> memref<16xf32, #tpu.memory_space<hbm>>
    %dma_start3A_506 = arith.constant 624 : i32
    %dma_start3A_507 = tpu.memref_slice %arg8[%dma_start3A_506] : memref<2048xf32, #tpu.memory_space<vmem>> -> memref<16xf32, #tpu.memory_space<vmem>>
    %dma_start3A_508 = tpu.memref_slice %arg4[%squeeze3A_501, %squeeze3A_499, %add3A_413] : memref<101x101x4096xf32, #tpu.memory_space<hbm>> -> memref<1x1x16xf32, #tpu.memory_space<hbm>>
    %dma_start3A_509 = tpu.memref_squeeze %dma_start3A_508 : memref<1x1x16xf32, #tpu.memory_space<hbm>> -> memref<16xf32, #tpu.memory_space<hbm>>
    tpu.enqueue_dma source(%dma_start3A_509 : memref<16xf32, #tpu.memory_space<hbm>>) target(%dma_start3A_507 : memref<16xf32, #tpu.memory_space<vmem>>) target_semaphore(%arg11 : memref<!tpu.dma_semaphore, #tpu.memory_space<semaphore_mem>>)
    %slice3A_510 = vector.extract_strided_slice %get3A_408 {offsets = [8], sizes = [1], strides = [1]} : vector<16xi32> to vector<1xi32>
    %squeeze3A_511 = vector.extract %slice3A_510[0] : i32 from vector<1xi32>
    %slice3A_512 = vector.extract_strided_slice %get3A_411 {offsets = [8], sizes = [1], strides = [1]} : vector<16xi32> to vector<1xi32>
    %squeeze3A_513 = vector.extract %slice3A_512[0] : i32 from vector<1xi32>
    %dma_start3A_514 = arith.constant 640 : i32
    %dma_start3A_515 = tpu.memref_slice %arg8[%dma_start3A_514] : memref<2048xf32, #tpu.memory_space<vmem>> -> memref<16xf32, #tpu.memory_space<vmem>>
    %dma_start3A_516 = tpu.memref_slice %arg4[%squeeze3A_513, %squeeze3A_511, %add3A_413] : memref<101x101x4096xf32, #tpu.memory_space<hbm>> -> memref<1x1x16xf32, #tpu.memory_space<hbm>>
    %dma_start3A_517 = tpu.memref_squeeze %dma_start3A_516 : memref<1x1x16xf32, #tpu.memory_space<hbm>> -> memref<16xf32, #tpu.memory_space<hbm>>
    %dma_start3A_518 = arith.constant 640 : i32
    %dma_start3A_519 = tpu.memref_slice %arg8[%dma_start3A_518] : memref<2048xf32, #tpu.memory_space<vmem>> -> memref<16xf32, #tpu.memory_space<vmem>>
    %dma_start3A_520 = tpu.memref_slice %arg4[%squeeze3A_513, %squeeze3A_511, %add3A_413] : memref<101x101x4096xf32, #tpu.memory_space<hbm>> -> memref<1x1x16xf32, #tpu.memory_space<hbm>>
    %dma_start3A_521 = tpu.memref_squeeze %dma_start3A_520 : memref<1x1x16xf32, #tpu.memory_space<hbm>> -> memref<16xf32, #tpu.memory_space<hbm>>
    tpu.enqueue_dma source(%dma_start3A_521 : memref<16xf32, #tpu.memory_space<hbm>>) target(%dma_start3A_519 : memref<16xf32, #tpu.memory_space<vmem>>) target_semaphore(%arg11 : memref<!tpu.dma_semaphore, #tpu.memory_space<semaphore_mem>>)
    %slice3A_522 = vector.extract_strided_slice %get3A_408 {offsets = [9], sizes = [1], strides = [1]} : vector<16xi32> to vector<1xi32>
    %squeeze3A_523 = vector.extract %slice3A_522[0] : i32 from vector<1xi32>
    %slice3A_524 = vector.extract_strided_slice %get3A_411 {offsets = [9], sizes = [1], strides = [1]} : vector<16xi32> to vector<1xi32>
    %squeeze3A_525 = vector.extract %slice3A_524[0] : i32 from vector<1xi32>
    %dma_start3A_526 = arith.constant 656 : i32
    %dma_start3A_527 = tpu.memref_slice %arg8[%dma_start3A_526] : memref<2048xf32, #tpu.memory_space<vmem>> -> memref<16xf32, #tpu.memory_space<vmem>>
    %dma_start3A_528 = tpu.memref_slice %arg4[%squeeze3A_525, %squeeze3A_523, %add3A_413] : memref<101x101x4096xf32, #tpu.memory_space<hbm>> -> memref<1x1x16xf32, #tpu.memory_space<hbm>>
    %dma_start3A_529 = tpu.memref_squeeze %dma_start3A_528 : memref<1x1x16xf32, #tpu.memory_space<hbm>> -> memref<16xf32, #tpu.memory_space<hbm>>
    %dma_start3A_530 = arith.constant 656 : i32
    %dma_start3A_531 = tpu.memref_slice %arg8[%dma_start3A_530] : memref<2048xf32, #tpu.memory_space<vmem>> -> memref<16xf32, #tpu.memory_space<vmem>>
    %dma_start3A_532 = tpu.memref_slice %arg4[%squeeze3A_525, %squeeze3A_523, %add3A_413] : memref<101x101x4096xf32, #tpu.memory_space<hbm>> -> memref<1x1x16xf32, #tpu.memory_space<hbm>>
    %dma_start3A_533 = tpu.memref_squeeze %dma_start3A_532 : memref<1x1x16xf32, #tpu.memory_space<hbm>> -> memref<16xf32, #tpu.memory_space<hbm>>
    tpu.enqueue_dma source(%dma_start3A_533 : memref<16xf32, #tpu.memory_space<hbm>>) target(%dma_start3A_531 : memref<16xf32, #tpu.memory_space<vmem>>) target_semaphore(%arg11 : memref<!tpu.dma_semaphore, #tpu.memory_space<semaphore_mem>>)
    %slice3A_534 = vector.extract_strided_slice %get3A_408 {offsets = [10], sizes = [1], strides = [1]} : vector<16xi32> to vector<1xi32>
    %squeeze3A_535 = vector.extract %slice3A_534[0] : i32 from vector<1xi32>
    %slice3A_536 = vector.extract_strided_slice %get3A_411 {offsets = [10], sizes = [1], strides = [1]} : vector<16xi32> to vector<1xi32>
    %squeeze3A_537 = vector.extract %slice3A_536[0] : i32 from vector<1xi32>
    %dma_start3A_538 = arith.constant 672 : i32
    %dma_start3A_539 = tpu.memref_slice %arg8[%dma_start3A_538] : memref<2048xf32, #tpu.memory_space<vmem>> -> memref<16xf32, #tpu.memory_space<vmem>>
    %dma_start3A_540 = tpu.memref_slice %arg4[%squeeze3A_537, %squeeze3A_535, %add3A_413] : memref<101x101x4096xf32, #tpu.memory_space<hbm>> -> memref<1x1x16xf32, #tpu.memory_space<hbm>>
    %dma_start3A_541 = tpu.memref_squeeze %dma_start3A_540 : memref<1x1x16xf32, #tpu.memory_space<hbm>> -> memref<16xf32, #tpu.memory_space<hbm>>
    %dma_start3A_542 = arith.constant 672 : i32
    %dma_start3A_543 = tpu.memref_slice %arg8[%dma_start3A_542] : memref<2048xf32, #tpu.memory_space<vmem>> -> memref<16xf32, #tpu.memory_space<vmem>>
    %dma_start3A_544 = tpu.memref_slice %arg4[%squeeze3A_537, %squeeze3A_535, %add3A_413] : memref<101x101x4096xf32, #tpu.memory_space<hbm>> -> memref<1x1x16xf32, #tpu.memory_space<hbm>>
    %dma_start3A_545 = tpu.memref_squeeze %dma_start3A_544 : memref<1x1x16xf32, #tpu.memory_space<hbm>> -> memref<16xf32, #tpu.memory_space<hbm>>
    tpu.enqueue_dma source(%dma_start3A_545 : memref<16xf32, #tpu.memory_space<hbm>>) target(%dma_start3A_543 : memref<16xf32, #tpu.memory_space<vmem>>) target_semaphore(%arg11 : memref<!tpu.dma_semaphore, #tpu.memory_space<semaphore_mem>>)
    %slice3A_546 = vector.extract_strided_slice %get3A_408 {offsets = [11], sizes = [1], strides = [1]} : vector<16xi32> to vector<1xi32>
    %squeeze3A_547 = vector.extract %slice3A_546[0] : i32 from vector<1xi32>
    %slice3A_548 = vector.extract_strided_slice %get3A_411 {offsets = [11], sizes = [1], strides = [1]} : vector<16xi32> to vector<1xi32>
    %squeeze3A_549 = vector.extract %slice3A_548[0] : i32 from vector<1xi32>
    %dma_start3A_550 = arith.constant 688 : i32
    %dma_start3A_551 = tpu.memref_slice %arg8[%dma_start3A_550] : memref<2048xf32, #tpu.memory_space<vmem>> -> memref<16xf32, #tpu.memory_space<vmem>>
    %dma_start3A_552 = tpu.memref_slice %arg4[%squeeze3A_549, %squeeze3A_547, %add3A_413] : memref<101x101x4096xf32, #tpu.memory_space<hbm>> -> memref<1x1x16xf32, #tpu.memory_space<hbm>>
    %dma_start3A_553 = tpu.memref_squeeze %dma_start3A_552 : memref<1x1x16xf32, #tpu.memory_space<hbm>> -> memref<16xf32, #tpu.memory_space<hbm>>
    %dma_start3A_554 = arith.constant 688 : i32
    %dma_start3A_555 = tpu.memref_slice %arg8[%dma_start3A_554] : memref<2048xf32, #tpu.memory_space<vmem>> -> memref<16xf32, #tpu.memory_space<vmem>>
    %dma_start3A_556 = tpu.memref_slice %arg4[%squeeze3A_549, %squeeze3A_547, %add3A_413] : memref<101x101x4096xf32, #tpu.memory_space<hbm>> -> memref<1x1x16xf32, #tpu.memory_space<hbm>>
    %dma_start3A_557 = tpu.memref_squeeze %dma_start3A_556 : memref<1x1x16xf32, #tpu.memory_space<hbm>> -> memref<16xf32, #tpu.memory_space<hbm>>
    tpu.enqueue_dma source(%dma_start3A_557 : memref<16xf32, #tpu.memory_space<hbm>>) target(%dma_start3A_555 : memref<16xf32, #tpu.memory_space<vmem>>) target_semaphore(%arg11 : memref<!tpu.dma_semaphore, #tpu.memory_space<semaphore_mem>>)
    %slice3A_558 = vector.extract_strided_slice %get3A_408 {offsets = [12], sizes = [1], strides = [1]} : vector<16xi32> to vector<1xi32>
    %squeeze3A_559 = vector.extract %slice3A_558[0] : i32 from vector<1xi32>
    %slice3A_560 = vector.extract_strided_slice %get3A_411 {offsets = [12], sizes = [1], strides = [1]} : vector<16xi32> to vector<1xi32>
    %squeeze3A_561 = vector.extract %slice3A_560[0] : i32 from vector<1xi32>
    %dma_start3A_562 = arith.constant 704 : i32
    %dma_start3A_563 = tpu.memref_slice %arg8[%dma_start3A_562] : memref<2048xf32, #tpu.memory_space<vmem>> -> memref<16xf32, #tpu.memory_space<vmem>>
    %dma_start3A_564 = tpu.memref_slice %arg4[%squeeze3A_561, %squeeze3A_559, %add3A_413] : memref<101x101x4096xf32, #tpu.memory_space<hbm>> -> memref<1x1x16xf32, #tpu.memory_space<hbm>>
    %dma_start3A_565 = tpu.memref_squeeze %dma_start3A_564 : memref<1x1x16xf32, #tpu.memory_space<hbm>> -> memref<16xf32, #tpu.memory_space<hbm>>
    %dma_start3A_566 = arith.constant 704 : i32
    %dma_start3A_567 = tpu.memref_slice %arg8[%dma_start3A_566] : memref<2048xf32, #tpu.memory_space<vmem>> -> memref<16xf32, #tpu.memory_space<vmem>>
    %dma_start3A_568 = tpu.memref_slice %arg4[%squeeze3A_561, %squeeze3A_559, %add3A_413] : memref<101x101x4096xf32, #tpu.memory_space<hbm>> -> memref<1x1x16xf32, #tpu.memory_space<hbm>>
    %dma_start3A_569 = tpu.memref_squeeze %dma_start3A_568 : memref<1x1x16xf32, #tpu.memory_space<hbm>> -> memref<16xf32, #tpu.memory_space<hbm>>
    tpu.enqueue_dma source(%dma_start3A_569 : memref<16xf32, #tpu.memory_space<hbm>>) target(%dma_start3A_567 : memref<16xf32, #tpu.memory_space<vmem>>) target_semaphore(%arg11 : memref<!tpu.dma_semaphore, #tpu.memory_space<semaphore_mem>>)
    %slice3A_570 = vector.extract_strided_slice %get3A_408 {offsets = [13], sizes = [1], strides = [1]} : vector<16xi32> to vector<1xi32>
    %squeeze3A_571 = vector.extract %slice3A_570[0] : i32 from vector<1xi32>
    %slice3A_572 = vector.extract_strided_slice %get3A_411 {offsets = [13], sizes = [1], strides = [1]} : vector<16xi32> to vector<1xi32>
    %squeeze3A_573 = vector.extract %slice3A_572[0] : i32 from vector<1xi32>
    %dma_start3A_574 = arith.constant 720 : i32
    %dma_start3A_575 = tpu.memref_slice %arg8[%dma_start3A_574] : memref<2048xf32, #tpu.memory_space<vmem>> -> memref<16xf32, #tpu.memory_space<vmem>>
    %dma_start3A_576 = tpu.memref_slice %arg4[%squeeze3A_573, %squeeze3A_571, %add3A_413] : memref<101x101x4096xf32, #tpu.memory_space<hbm>> -> memref<1x1x16xf32, #tpu.memory_space<hbm>>
    %dma_start3A_577 = tpu.memref_squeeze %dma_start3A_576 : memref<1x1x16xf32, #tpu.memory_space<hbm>> -> memref<16xf32, #tpu.memory_space<hbm>>
    %dma_start3A_578 = arith.constant 720 : i32
    %dma_start3A_579 = tpu.memref_slice %arg8[%dma_start3A_578] : memref<2048xf32, #tpu.memory_space<vmem>> -> memref<16xf32, #tpu.memory_space<vmem>>
    %dma_start3A_580 = tpu.memref_slice %arg4[%squeeze3A_573, %squeeze3A_571, %add3A_413] : memref<101x101x4096xf32, #tpu.memory_space<hbm>> -> memref<1x1x16xf32, #tpu.memory_space<hbm>>
    %dma_start3A_581 = tpu.memref_squeeze %dma_start3A_580 : memref<1x1x16xf32, #tpu.memory_space<hbm>> -> memref<16xf32, #tpu.memory_space<hbm>>
    tpu.enqueue_dma source(%dma_start3A_581 : memref<16xf32, #tpu.memory_space<hbm>>) target(%dma_start3A_579 : memref<16xf32, #tpu.memory_space<vmem>>) target_semaphore(%arg11 : memref<!tpu.dma_semaphore, #tpu.memory_space<semaphore_mem>>)
    %slice3A_582 = vector.extract_strided_slice %get3A_408 {offsets = [14], sizes = [1], strides = [1]} : vector<16xi32> to vector<1xi32>
    %squeeze3A_583 = vector.extract %slice3A_582[0] : i32 from vector<1xi32>
    %slice3A_584 = vector.extract_strided_slice %get3A_411 {offsets = [14], sizes = [1], strides = [1]} : vector<16xi32> to vector<1xi32>
    %squeeze3A_585 = vector.extract %slice3A_584[0] : i32 from vector<1xi32>
    %dma_start3A_586 = arith.constant 736 : i32
    %dma_start3A_587 = tpu.memref_slice %arg8[%dma_start3A_586] : memref<2048xf32, #tpu.memory_space<vmem>> -> memref<16xf32, #tpu.memory_space<vmem>>
    %dma_start3A_588 = tpu.memref_slice %arg4[%squeeze3A_585, %squeeze3A_583, %add3A_413] : memref<101x101x4096xf32, #tpu.memory_space<hbm>> -> memref<1x1x16xf32, #tpu.memory_space<hbm>>
    %dma_start3A_589 = tpu.memref_squeeze %dma_start3A_588 : memref<1x1x16xf32, #tpu.memory_space<hbm>> -> memref<16xf32, #tpu.memory_space<hbm>>
    %dma_start3A_590 = arith.constant 736 : i32
    %dma_start3A_591 = tpu.memref_slice %arg8[%dma_start3A_590] : memref<2048xf32, #tpu.memory_space<vmem>> -> memref<16xf32, #tpu.memory_space<vmem>>
    %dma_start3A_592 = tpu.memref_slice %arg4[%squeeze3A_585, %squeeze3A_583, %add3A_413] : memref<101x101x4096xf32, #tpu.memory_space<hbm>> -> memref<1x1x16xf32, #tpu.memory_space<hbm>>
    %dma_start3A_593 = tpu.memref_squeeze %dma_start3A_592 : memref<1x1x16xf32, #tpu.memory_space<hbm>> -> memref<16xf32, #tpu.memory_space<hbm>>
    tpu.enqueue_dma source(%dma_start3A_593 : memref<16xf32, #tpu.memory_space<hbm>>) target(%dma_start3A_591 : memref<16xf32, #tpu.memory_space<vmem>>) target_semaphore(%arg11 : memref<!tpu.dma_semaphore, #tpu.memory_space<semaphore_mem>>)
    %slice3A_594 = vector.extract_strided_slice %get3A_408 {offsets = [15], sizes = [1], strides = [1]} : vector<16xi32> to vector<1xi32>
    %squeeze3A_595 = vector.extract %slice3A_594[0] : i32 from vector<1xi32>
    %slice3A_596 = vector.extract_strided_slice %get3A_411 {offsets = [15], sizes = [1], strides = [1]} : vector<16xi32> to vector<1xi32>
    %squeeze3A_597 = vector.extract %slice3A_596[0] : i32 from vector<1xi32>
    %dma_start3A_598 = arith.constant 752 : i32
    %dma_start3A_599 = tpu.memref_slice %arg8[%dma_start3A_598] : memref<2048xf32, #tpu.memory_space<vmem>> -> memref<16xf32, #tpu.memory_space<vmem>>
    %dma_start3A_600 = tpu.memref_slice %arg4[%squeeze3A_597, %squeeze3A_595, %add3A_413] : memref<101x101x4096xf32, #tpu.memory_space<hbm>> -> memref<1x1x16xf32, #tpu.memory_space<hbm>>
    %dma_start3A_601 = tpu.memref_squeeze %dma_start3A_600 : memref<1x1x16xf32, #tpu.memory_space<hbm>> -> memref<16xf32, #tpu.memory_space<hbm>>
    %dma_start3A_602 = arith.constant 752 : i32
    %dma_start3A_603 = tpu.memref_slice %arg8[%dma_start3A_602] : memref<2048xf32, #tpu.memory_space<vmem>> -> memref<16xf32, #tpu.memory_space<vmem>>
    %dma_start3A_604 = tpu.memref_slice %arg4[%squeeze3A_597, %squeeze3A_595, %add3A_413] : memref<101x101x4096xf32, #tpu.memory_space<hbm>> -> memref<1x1x16xf32, #tpu.memory_space<hbm>>
    %dma_start3A_605 = tpu.memref_squeeze %dma_start3A_604 : memref<1x1x16xf32, #tpu.memory_space<hbm>> -> memref<16xf32, #tpu.memory_space<hbm>>
    tpu.enqueue_dma source(%dma_start3A_605 : memref<16xf32, #tpu.memory_space<hbm>>) target(%dma_start3A_603 : memref<16xf32, #tpu.memory_space<vmem>>) target_semaphore(%arg11 : memref<!tpu.dma_semaphore, #tpu.memory_space<semaphore_mem>>)
    %get3A_606 = arith.constant 48 : index
    %get3A_607 = tpu.vector_load %arg6[%get3A_606] {strides = array<i32>} : memref<128xi32, #tpu.memory_space<vmem>>, vector<16xi32>,
    %get3A_608 = vector.shape_cast %get3A_607 : vector<16xi32> to vector<16xi32>
    %get3A_609 = arith.constant 48 : index
    %get3A_610 = tpu.vector_load %arg7[%get3A_609] {strides = array<i32>} : memref<128xi32, #tpu.memory_space<vmem>>, vector<16xi32>,
    %get3A_611 = vector.shape_cast %get3A_610 : vector<16xi32> to vector<16xi32>
    %add3A_612 = arith.constant 48 : i32
    %add3A_613 = arith.addi %mul3A_2, %add3A_612 : i32
    %slice3A_614 = vector.extract_strided_slice %get3A_608 {offsets = [0], sizes = [1], strides = [1]} : vector<16xi32> to vector<1xi32>
    %squeeze3A_615 = vector.extract %slice3A_614[0] : i32 from vector<1xi32>
    %slice3A_616 = vector.extract_strided_slice %get3A_611 {offsets = [0], sizes = [1], strides = [1]} : vector<16xi32> to vector<1xi32>
    %squeeze3A_617 = vector.extract %slice3A_616[0] : i32 from vector<1xi32>
    %dma_start3A_618 = arith.constant 768 : i32
    %dma_start3A_619 = tpu.memref_slice %arg8[%dma_start3A_618] : memref<2048xf32, #tpu.memory_space<vmem>> -> memref<16xf32, #tpu.memory_space<vmem>>
    %dma_start3A_620 = tpu.memref_slice %arg4[%squeeze3A_617, %squeeze3A_615, %add3A_613] : memref<101x101x4096xf32, #tpu.memory_space<hbm>> -> memref<1x1x16xf32, #tpu.memory_space<hbm>>
    %dma_start3A_621 = tpu.memref_squeeze %dma_start3A_620 : memref<1x1x16xf32, #tpu.memory_space<hbm>> -> memref<16xf32, #tpu.memory_space<hbm>>
    %dma_start3A_622 = arith.constant 768 : i32
    %dma_start3A_623 = tpu.memref_slice %arg8[%dma_start3A_622] : memref<2048xf32, #tpu.memory_space<vmem>> -> memref<16xf32, #tpu.memory_space<vmem>>
    %dma_start3A_624 = tpu.memref_slice %arg4[%squeeze3A_617, %squeeze3A_615, %add3A_613] : memref<101x101x4096xf32, #tpu.memory_space<hbm>> -> memref<1x1x16xf32, #tpu.memory_space<hbm>>
    %dma_start3A_625 = tpu.memref_squeeze %dma_start3A_624 : memref<1x1x16xf32, #tpu.memory_space<hbm>> -> memref<16xf32, #tpu.memory_space<hbm>>
    tpu.enqueue_dma source(%dma_start3A_625 : memref<16xf32, #tpu.memory_space<hbm>>) target(%dma_start3A_623 : memref<16xf32, #tpu.memory_space<vmem>>) target_semaphore(%arg11 : memref<!tpu.dma_semaphore, #tpu.memory_space<semaphore_mem>>)
    %slice3A_626 = vector.extract_strided_slice %get3A_608 {offsets = [1], sizes = [1], strides = [1]} : vector<16xi32> to vector<1xi32>
    %squeeze3A_627 = vector.extract %slice3A_626[0] : i32 from vector<1xi32>
    %slice3A_628 = vector.extract_strided_slice %get3A_611 {offsets = [1], sizes = [1], strides = [1]} : vector<16xi32> to vector<1xi32>
    %squeeze3A_629 = vector.extract %slice3A_628[0] : i32 from vector<1xi32>
    %dma_start3A_630 = arith.constant 784 : i32
    %dma_start3A_631 = tpu.memref_slice %arg8[%dma_start3A_630] : memref<2048xf32, #tpu.memory_space<vmem>> -> memref<16xf32, #tpu.memory_space<vmem>>
    %dma_start3A_632 = tpu.memref_slice %arg4[%squeeze3A_629, %squeeze3A_627, %add3A_613] : memref<101x101x4096xf32, #tpu.memory_space<hbm>> -> memref<1x1x16xf32, #tpu.memory_space<hbm>>
    %dma_start3A_633 = tpu.memref_squeeze %dma_start3A_632 : memref<1x1x16xf32, #tpu.memory_space<hbm>> -> memref<16xf32, #tpu.memory_space<hbm>>
    %dma_start3A_634 = arith.constant 784 : i32
    %dma_start3A_635 = tpu.memref_slice %arg8[%dma_start3A_634] : memref<2048xf32, #tpu.memory_space<vmem>> -> memref<16xf32, #tpu.memory_space<vmem>>
    %dma_start3A_636 = tpu.memref_slice %arg4[%squeeze3A_629, %squeeze3A_627, %add3A_613] : memref<101x101x4096xf32, #tpu.memory_space<hbm>> -> memref<1x1x16xf32, #tpu.memory_space<hbm>>
    %dma_start3A_637 = tpu.memref_squeeze %dma_start3A_636 : memref<1x1x16xf32, #tpu.memory_space<hbm>> -> memref<16xf32, #tpu.memory_space<hbm>>
    tpu.enqueue_dma source(%dma_start3A_637 : memref<16xf32, #tpu.memory_space<hbm>>) target(%dma_start3A_635 : memref<16xf32, #tpu.memory_space<vmem>>) target_semaphore(%arg11 : memref<!tpu.dma_semaphore, #tpu.memory_space<semaphore_mem>>)
    %slice3A_638 = vector.extract_strided_slice %get3A_608 {offsets = [2], sizes = [1], strides = [1]} : vector<16xi32> to vector<1xi32>
    %squeeze3A_639 = vector.extract %slice3A_638[0] : i32 from vector<1xi32>
    %slice3A_640 = vector.extract_strided_slice %get3A_611 {offsets = [2], sizes = [1], strides = [1]} : vector<16xi32> to vector<1xi32>
    %squeeze3A_641 = vector.extract %slice3A_640[0] : i32 from vector<1xi32>
    %dma_start3A_642 = arith.constant 800 : i32
    %dma_start3A_643 = tpu.memref_slice %arg8[%dma_start3A_642] : memref<2048xf32, #tpu.memory_space<vmem>> -> memref<16xf32, #tpu.memory_space<vmem>>
    %dma_start3A_644 = tpu.memref_slice %arg4[%squeeze3A_641, %squeeze3A_639, %add3A_613] : memref<101x101x4096xf32, #tpu.memory_space<hbm>> -> memref<1x1x16xf32, #tpu.memory_space<hbm>>
    %dma_start3A_645 = tpu.memref_squeeze %dma_start3A_644 : memref<1x1x16xf32, #tpu.memory_space<hbm>> -> memref<16xf32, #tpu.memory_space<hbm>>
    %dma_start3A_646 = arith.constant 800 : i32
    %dma_start3A_647 = tpu.memref_slice %arg8[%dma_start3A_646] : memref<2048xf32, #tpu.memory_space<vmem>> -> memref<16xf32, #tpu.memory_space<vmem>>
    %dma_start3A_648 = tpu.memref_slice %arg4[%squeeze3A_641, %squeeze3A_639, %add3A_613] : memref<101x101x4096xf32, #tpu.memory_space<hbm>> -> memref<1x1x16xf32, #tpu.memory_space<hbm>>
    %dma_start3A_649 = tpu.memref_squeeze %dma_start3A_648 : memref<1x1x16xf32, #tpu.memory_space<hbm>> -> memref<16xf32, #tpu.memory_space<hbm>>
    tpu.enqueue_dma source(%dma_start3A_649 : memref<16xf32, #tpu.memory_space<hbm>>) target(%dma_start3A_647 : memref<16xf32, #tpu.memory_space<vmem>>) target_semaphore(%arg11 : memref<!tpu.dma_semaphore, #tpu.memory_space<semaphore_mem>>)
    %slice3A_650 = vector.extract_strided_slice %get3A_608 {offsets = [3], sizes = [1], strides = [1]} : vector<16xi32> to vector<1xi32>
    %squeeze3A_651 = vector.extract %slice3A_650[0] : i32 from vector<1xi32>
    %slice3A_652 = vector.extract_strided_slice %get3A_611 {offsets = [3], sizes = [1], strides = [1]} : vector<16xi32> to vector<1xi32>
    %squeeze3A_653 = vector.extract %slice3A_652[0] : i32 from vector<1xi32>
    %dma_start3A_654 = arith.constant 816 : i32
    %dma_start3A_655 = tpu.memref_slice %arg8[%dma_start3A_654] : memref<2048xf32, #tpu.memory_space<vmem>> -> memref<16xf32, #tpu.memory_space<vmem>>
    %dma_start3A_656 = tpu.memref_slice %arg4[%squeeze3A_653, %squeeze3A_651, %add3A_613] : memref<101x101x4096xf32, #tpu.memory_space<hbm>> -> memref<1x1x16xf32, #tpu.memory_space<hbm>>
    %dma_start3A_657 = tpu.memref_squeeze %dma_start3A_656 : memref<1x1x16xf32, #tpu.memory_space<hbm>> -> memref<16xf32, #tpu.memory_space<hbm>>
    %dma_start3A_658 = arith.constant 816 : i32
    %dma_start3A_659 = tpu.memref_slice %arg8[%dma_start3A_658] : memref<2048xf32, #tpu.memory_space<vmem>> -> memref<16xf32, #tpu.memory_space<vmem>>
    %dma_start3A_660 = tpu.memref_slice %arg4[%squeeze3A_653, %squeeze3A_651, %add3A_613] : memref<101x101x4096xf32, #tpu.memory_space<hbm>> -> memref<1x1x16xf32, #tpu.memory_space<hbm>>
    %dma_start3A_661 = tpu.memref_squeeze %dma_start3A_660 : memref<1x1x16xf32, #tpu.memory_space<hbm>> -> memref<16xf32, #tpu.memory_space<hbm>>
    tpu.enqueue_dma source(%dma_start3A_661 : memref<16xf32, #tpu.memory_space<hbm>>) target(%dma_start3A_659 : memref<16xf32, #tpu.memory_space<vmem>>) target_semaphore(%arg11 : memref<!tpu.dma_semaphore, #tpu.memory_space<semaphore_mem>>)
    %slice3A_662 = vector.extract_strided_slice %get3A_608 {offsets = [4], sizes = [1], strides = [1]} : vector<16xi32> to vector<1xi32>
    %squeeze3A_663 = vector.extract %slice3A_662[0] : i32 from vector<1xi32>
    %slice3A_664 = vector.extract_strided_slice %get3A_611 {offsets = [4], sizes = [1], strides = [1]} : vector<16xi32> to vector<1xi32>
    %squeeze3A_665 = vector.extract %slice3A_664[0] : i32 from vector<1xi32>
    %dma_start3A_666 = arith.constant 832 : i32
    %dma_start3A_667 = tpu.memref_slice %arg8[%dma_start3A_666] : memref<2048xf32, #tpu.memory_space<vmem>> -> memref<16xf32, #tpu.memory_space<vmem>>
    %dma_start3A_668 = tpu.memref_slice %arg4[%squeeze3A_665, %squeeze3A_663, %add3A_613] : memref<101x101x4096xf32, #tpu.memory_space<hbm>> -> memref<1x1x16xf32, #tpu.memory_space<hbm>>
    %dma_start3A_669 = tpu.memref_squeeze %dma_start3A_668 : memref<1x1x16xf32, #tpu.memory_space<hbm>> -> memref<16xf32, #tpu.memory_space<hbm>>
    %dma_start3A_670 = arith.constant 832 : i32
    %dma_start3A_671 = tpu.memref_slice %arg8[%dma_start3A_670] : memref<2048xf32, #tpu.memory_space<vmem>> -> memref<16xf32, #tpu.memory_space<vmem>>
    %dma_start3A_672 = tpu.memref_slice %arg4[%squeeze3A_665, %squeeze3A_663, %add3A_613] : memref<101x101x4096xf32, #tpu.memory_space<hbm>> -> memref<1x1x16xf32, #tpu.memory_space<hbm>>
    %dma_start3A_673 = tpu.memref_squeeze %dma_start3A_672 : memref<1x1x16xf32, #tpu.memory_space<hbm>> -> memref<16xf32, #tpu.memory_space<hbm>>
    tpu.enqueue_dma source(%dma_start3A_673 : memref<16xf32, #tpu.memory_space<hbm>>) target(%dma_start3A_671 : memref<16xf32, #tpu.memory_space<vmem>>) target_semaphore(%arg11 : memref<!tpu.dma_semaphore, #tpu.memory_space<semaphore_mem>>)
    %slice3A_674 = vector.extract_strided_slice %get3A_608 {offsets = [5], sizes = [1], strides = [1]} : vector<16xi32> to vector<1xi32>
    %squeeze3A_675 = vector.extract %slice3A_674[0] : i32 from vector<1xi32>
    %slice3A_676 = vector.extract_strided_slice %get3A_611 {offsets = [5], sizes = [1], strides = [1]} : vector<16xi32> to vector<1xi32>
    %squeeze3A_677 = vector.extract %slice3A_676[0] : i32 from vector<1xi32>
    %dma_start3A_678 = arith.constant 848 : i32
    %dma_start3A_679 = tpu.memref_slice %arg8[%dma_start3A_678] : memref<2048xf32, #tpu.memory_space<vmem>> -> memref<16xf32, #tpu.memory_space<vmem>>
    %dma_start3A_680 = tpu.memref_slice %arg4[%squeeze3A_677, %squeeze3A_675, %add3A_613] : memref<101x101x4096xf32, #tpu.memory_space<hbm>> -> memref<1x1x16xf32, #tpu.memory_space<hbm>>
    %dma_start3A_681 = tpu.memref_squeeze %dma_start3A_680 : memref<1x1x16xf32, #tpu.memory_space<hbm>> -> memref<16xf32, #tpu.memory_space<hbm>>
    %dma_start3A_682 = arith.constant 848 : i32
    %dma_start3A_683 = tpu.memref_slice %arg8[%dma_start3A_682] : memref<2048xf32, #tpu.memory_space<vmem>> -> memref<16xf32, #tpu.memory_space<vmem>>
    %dma_start3A_684 = tpu.memref_slice %arg4[%squeeze3A_677, %squeeze3A_675, %add3A_613] : memref<101x101x4096xf32, #tpu.memory_space<hbm>> -> memref<1x1x16xf32, #tpu.memory_space<hbm>>
    %dma_start3A_685 = tpu.memref_squeeze %dma_start3A_684 : memref<1x1x16xf32, #tpu.memory_space<hbm>> -> memref<16xf32, #tpu.memory_space<hbm>>
    tpu.enqueue_dma source(%dma_start3A_685 : memref<16xf32, #tpu.memory_space<hbm>>) target(%dma_start3A_683 : memref<16xf32, #tpu.memory_space<vmem>>) target_semaphore(%arg11 : memref<!tpu.dma_semaphore, #tpu.memory_space<semaphore_mem>>)
    %slice3A_686 = vector.extract_strided_slice %get3A_608 {offsets = [6], sizes = [1], strides = [1]} : vector<16xi32> to vector<1xi32>
    %squeeze3A_687 = vector.extract %slice3A_686[0] : i32 from vector<1xi32>
    %slice3A_688 = vector.extract_strided_slice %get3A_611 {offsets = [6], sizes = [1], strides = [1]} : vector<16xi32> to vector<1xi32>
    %squeeze3A_689 = vector.extract %slice3A_688[0] : i32 from vector<1xi32>
    %dma_start3A_690 = arith.constant 864 : i32
    %dma_start3A_691 = tpu.memref_slice %arg8[%dma_start3A_690] : memref<2048xf32, #tpu.memory_space<vmem>> -> memref<16xf32, #tpu.memory_space<vmem>>
    %dma_start3A_692 = tpu.memref_slice %arg4[%squeeze3A_689, %squeeze3A_687, %add3A_613] : memref<101x101x4096xf32, #tpu.memory_space<hbm>> -> memref<1x1x16xf32, #tpu.memory_space<hbm>>
    %dma_start3A_693 = tpu.memref_squeeze %dma_start3A_692 : memref<1x1x16xf32, #tpu.memory_space<hbm>> -> memref<16xf32, #tpu.memory_space<hbm>>
    %dma_start3A_694 = arith.constant 864 : i32
    %dma_start3A_695 = tpu.memref_slice %arg8[%dma_start3A_694] : memref<2048xf32, #tpu.memory_space<vmem>> -> memref<16xf32, #tpu.memory_space<vmem>>
    %dma_start3A_696 = tpu.memref_slice %arg4[%squeeze3A_689, %squeeze3A_687, %add3A_613] : memref<101x101x4096xf32, #tpu.memory_space<hbm>> -> memref<1x1x16xf32, #tpu.memory_space<hbm>>
    %dma_start3A_697 = tpu.memref_squeeze %dma_start3A_696 : memref<1x1x16xf32, #tpu.memory_space<hbm>> -> memref<16xf32, #tpu.memory_space<hbm>>
    tpu.enqueue_dma source(%dma_start3A_697 : memref<16xf32, #tpu.memory_space<hbm>>) target(%dma_start3A_695 : memref<16xf32, #tpu.memory_space<vmem>>) target_semaphore(%arg11 : memref<!tpu.dma_semaphore, #tpu.memory_space<semaphore_mem>>)
    %slice3A_698 = vector.extract_strided_slice %get3A_608 {offsets = [7], sizes = [1], strides = [1]} : vector<16xi32> to vector<1xi32>
    %squeeze3A_699 = vector.extract %slice3A_698[0] : i32 from vector<1xi32>
    %slice3A_700 = vector.extract_strided_slice %get3A_611 {offsets = [7], sizes = [1], strides = [1]} : vector<16xi32> to vector<1xi32>
    %squeeze3A_701 = vector.extract %slice3A_700[0] : i32 from vector<1xi32>
    %dma_start3A_702 = arith.constant 880 : i32
    %dma_start3A_703 = tpu.memref_slice %arg8[%dma_start3A_702] : memref<2048xf32, #tpu.memory_space<vmem>> -> memref<16xf32, #tpu.memory_space<vmem>>
    %dma_start3A_704 = tpu.memref_slice %arg4[%squeeze3A_701, %squeeze3A_699, %add3A_613] : memref<101x101x4096xf32, #tpu.memory_space<hbm>> -> memref<1x1x16xf32, #tpu.memory_space<hbm>>
    %dma_start3A_705 = tpu.memref_squeeze %dma_start3A_704 : memref<1x1x16xf32, #tpu.memory_space<hbm>> -> memref<16xf32, #tpu.memory_space<hbm>>
    %dma_start3A_706 = arith.constant 880 : i32
    %dma_start3A_707 = tpu.memref_slice %arg8[%dma_start3A_706] : memref<2048xf32, #tpu.memory_space<vmem>> -> memref<16xf32, #tpu.memory_space<vmem>>
    %dma_start3A_708 = tpu.memref_slice %arg4[%squeeze3A_701, %squeeze3A_699, %add3A_613] : memref<101x101x4096xf32, #tpu.memory_space<hbm>> -> memref<1x1x16xf32, #tpu.memory_space<hbm>>
    %dma_start3A_709 = tpu.memref_squeeze %dma_start3A_708 : memref<1x1x16xf32, #tpu.memory_space<hbm>> -> memref<16xf32, #tpu.memory_space<hbm>>
    tpu.enqueue_dma source(%dma_start3A_709 : memref<16xf32, #tpu.memory_space<hbm>>) target(%dma_start3A_707 : memref<16xf32, #tpu.memory_space<vmem>>) target_semaphore(%arg11 : memref<!tpu.dma_semaphore, #tpu.memory_space<semaphore_mem>>)
    %slice3A_710 = vector.extract_strided_slice %get3A_608 {offsets = [8], sizes = [1], strides = [1]} : vector<16xi32> to vector<1xi32>
    %squeeze3A_711 = vector.extract %slice3A_710[0] : i32 from vector<1xi32>
    %slice3A_712 = vector.extract_strided_slice %get3A_611 {offsets = [8], sizes = [1], strides = [1]} : vector<16xi32> to vector<1xi32>
    %squeeze3A_713 = vector.extract %slice3A_712[0] : i32 from vector<1xi32>
    %dma_start3A_714 = arith.constant 896 : i32
    %dma_start3A_715 = tpu.memref_slice %arg8[%dma_start3A_714] : memref<2048xf32, #tpu.memory_space<vmem>> -> memref<16xf32, #tpu.memory_space<vmem>>
    %dma_start3A_716 = tpu.memref_slice %arg4[%squeeze3A_713, %squeeze3A_711, %add3A_613] : memref<101x101x4096xf32, #tpu.memory_space<hbm>> -> memref<1x1x16xf32, #tpu.memory_space<hbm>>
    %dma_start3A_717 = tpu.memref_squeeze %dma_start3A_716 : memref<1x1x16xf32, #tpu.memory_space<hbm>> -> memref<16xf32, #tpu.memory_space<hbm>>
    %dma_start3A_718 = arith.constant 896 : i32
    %dma_start3A_719 = tpu.memref_slice %arg8[%dma_start3A_718] : memref<2048xf32, #tpu.memory_space<vmem>> -> memref<16xf32, #tpu.memory_space<vmem>>
    %dma_start3A_720 = tpu.memref_slice %arg4[%squeeze3A_713, %squeeze3A_711, %add3A_613] : memref<101x101x4096xf32, #tpu.memory_space<hbm>> -> memref<1x1x16xf32, #tpu.memory_space<hbm>>
    %dma_start3A_721 = tpu.memref_squeeze %dma_start3A_720 : memref<1x1x16xf32, #tpu.memory_space<hbm>> -> memref<16xf32, #tpu.memory_space<hbm>>
    tpu.enqueue_dma source(%dma_start3A_721 : memref<16xf32, #tpu.memory_space<hbm>>) target(%dma_start3A_719 : memref<16xf32, #tpu.memory_space<vmem>>) target_semaphore(%arg11 : memref<!tpu.dma_semaphore, #tpu.memory_space<semaphore_mem>>)
    %slice3A_722 = vector.extract_strided_slice %get3A_608 {offsets = [9], sizes = [1], strides = [1]} : vector<16xi32> to vector<1xi32>
    %squeeze3A_723 = vector.extract %slice3A_722[0] : i32 from vector<1xi32>
    %slice3A_724 = vector.extract_strided_slice %get3A_611 {offsets = [9], sizes = [1], strides = [1]} : vector<16xi32> to vector<1xi32>
    %squeeze3A_725 = vector.extract %slice3A_724[0] : i32 from vector<1xi32>
    %dma_start3A_726 = arith.constant 912 : i32
    %dma_start3A_727 = tpu.memref_slice %arg8[%dma_start3A_726] : memref<2048xf32, #tpu.memory_space<vmem>> -> memref<16xf32, #tpu.memory_space<vmem>>
    %dma_start3A_728 = tpu.memref_slice %arg4[%squeeze3A_725, %squeeze3A_723, %add3A_613] : memref<101x101x4096xf32, #tpu.memory_space<hbm>> -> memref<1x1x16xf32, #tpu.memory_space<hbm>>
    %dma_start3A_729 = tpu.memref_squeeze %dma_start3A_728 : memref<1x1x16xf32, #tpu.memory_space<hbm>> -> memref<16xf32, #tpu.memory_space<hbm>>
    %dma_start3A_730 = arith.constant 912 : i32
    %dma_start3A_731 = tpu.memref_slice %arg8[%dma_start3A_730] : memref<2048xf32, #tpu.memory_space<vmem>> -> memref<16xf32, #tpu.memory_space<vmem>>
    %dma_start3A_732 = tpu.memref_slice %arg4[%squeeze3A_725, %squeeze3A_723, %add3A_613] : memref<101x101x4096xf32, #tpu.memory_space<hbm>> -> memref<1x1x16xf32, #tpu.memory_space<hbm>>
    %dma_start3A_733 = tpu.memref_squeeze %dma_start3A_732 : memref<1x1x16xf32, #tpu.memory_space<hbm>> -> memref<16xf32, #tpu.memory_space<hbm>>
    tpu.enqueue_dma source(%dma_start3A_733 : memref<16xf32, #tpu.memory_space<hbm>>) target(%dma_start3A_731 : memref<16xf32, #tpu.memory_space<vmem>>) target_semaphore(%arg11 : memref<!tpu.dma_semaphore, #tpu.memory_space<semaphore_mem>>)
    %slice3A_734 = vector.extract_strided_slice %get3A_608 {offsets = [10], sizes = [1], strides = [1]} : vector<16xi32> to vector<1xi32>
    %squeeze3A_735 = vector.extract %slice3A_734[0] : i32 from vector<1xi32>
    %slice3A_736 = vector.extract_strided_slice %get3A_611 {offsets = [10], sizes = [1], strides = [1]} : vector<16xi32> to vector<1xi32>
    %squeeze3A_737 = vector.extract %slice3A_736[0] : i32 from vector<1xi32>
    %dma_start3A_738 = arith.constant 928 : i32
    %dma_start3A_739 = tpu.memref_slice %arg8[%dma_start3A_738] : memref<2048xf32, #tpu.memory_space<vmem>> -> memref<16xf32, #tpu.memory_space<vmem>>
    %dma_start3A_740 = tpu.memref_slice %arg4[%squeeze3A_737, %squeeze3A_735, %add3A_613] : memref<101x101x4096xf32, #tpu.memory_space<hbm>> -> memref<1x1x16xf32, #tpu.memory_space<hbm>>
    %dma_start3A_741 = tpu.memref_squeeze %dma_start3A_740 : memref<1x1x16xf32, #tpu.memory_space<hbm>> -> memref<16xf32, #tpu.memory_space<hbm>>
    %dma_start3A_742 = arith.constant 928 : i32
    %dma_start3A_743 = tpu.memref_slice %arg8[%dma_start3A_742] : memref<2048xf32, #tpu.memory_space<vmem>> -> memref<16xf32, #tpu.memory_space<vmem>>
    %dma_start3A_744 = tpu.memref_slice %arg4[%squeeze3A_737, %squeeze3A_735, %add3A_613] : memref<101x101x4096xf32, #tpu.memory_space<hbm>> -> memref<1x1x16xf32, #tpu.memory_space<hbm>>
    %dma_start3A_745 = tpu.memref_squeeze %dma_start3A_744 : memref<1x1x16xf32, #tpu.memory_space<hbm>> -> memref<16xf32, #tpu.memory_space<hbm>>
    tpu.enqueue_dma source(%dma_start3A_745 : memref<16xf32, #tpu.memory_space<hbm>>) target(%dma_start3A_743 : memref<16xf32, #tpu.memory_space<vmem>>) target_semaphore(%arg11 : memref<!tpu.dma_semaphore, #tpu.memory_space<semaphore_mem>>)
    %slice3A_746 = vector.extract_strided_slice %get3A_608 {offsets = [11], sizes = [1], strides = [1]} : vector<16xi32> to vector<1xi32>
    %squeeze3A_747 = vector.extract %slice3A_746[0] : i32 from vector<1xi32>
    %slice3A_748 = vector.extract_strided_slice %get3A_611 {offsets = [11], sizes = [1], strides = [1]} : vector<16xi32> to vector<1xi32>
    %squeeze3A_749 = vector.extract %slice3A_748[0] : i32 from vector<1xi32>
    %dma_start3A_750 = arith.constant 944 : i32
    %dma_start3A_751 = tpu.memref_slice %arg8[%dma_start3A_750] : memref<2048xf32, #tpu.memory_space<vmem>> -> memref<16xf32, #tpu.memory_space<vmem>>
    %dma_start3A_752 = tpu.memref_slice %arg4[%squeeze3A_749, %squeeze3A_747, %add3A_613] : memref<101x101x4096xf32, #tpu.memory_space<hbm>> -> memref<1x1x16xf32, #tpu.memory_space<hbm>>
    %dma_start3A_753 = tpu.memref_squeeze %dma_start3A_752 : memref<1x1x16xf32, #tpu.memory_space<hbm>> -> memref<16xf32, #tpu.memory_space<hbm>>
    %dma_start3A_754 = arith.constant 944 : i32
    %dma_start3A_755 = tpu.memref_slice %arg8[%dma_start3A_754] : memref<2048xf32, #tpu.memory_space<vmem>> -> memref<16xf32, #tpu.memory_space<vmem>>
    %dma_start3A_756 = tpu.memref_slice %arg4[%squeeze3A_749, %squeeze3A_747, %add3A_613] : memref<101x101x4096xf32, #tpu.memory_space<hbm>> -> memref<1x1x16xf32, #tpu.memory_space<hbm>>
    %dma_start3A_757 = tpu.memref_squeeze %dma_start3A_756 : memref<1x1x16xf32, #tpu.memory_space<hbm>> -> memref<16xf32, #tpu.memory_space<hbm>>
    tpu.enqueue_dma source(%dma_start3A_757 : memref<16xf32, #tpu.memory_space<hbm>>) target(%dma_start3A_755 : memref<16xf32, #tpu.memory_space<vmem>>) target_semaphore(%arg11 : memref<!tpu.dma_semaphore, #tpu.memory_space<semaphore_mem>>)
    %slice3A_758 = vector.extract_strided_slice %get3A_608 {offsets = [12], sizes = [1], strides = [1]} : vector<16xi32> to vector<1xi32>
    %squeeze3A_759 = vector.extract %slice3A_758[0] : i32 from vector<1xi32>
    %slice3A_760 = vector.extract_strided_slice %get3A_611 {offsets = [12], sizes = [1], strides = [1]} : vector<16xi32> to vector<1xi32>
    %squeeze3A_761 = vector.extract %slice3A_760[0] : i32 from vector<1xi32>
    %dma_start3A_762 = arith.constant 960 : i32
    %dma_start3A_763 = tpu.memref_slice %arg8[%dma_start3A_762] : memref<2048xf32, #tpu.memory_space<vmem>> -> memref<16xf32, #tpu.memory_space<vmem>>
    %dma_start3A_764 = tpu.memref_slice %arg4[%squeeze3A_761, %squeeze3A_759, %add3A_613] : memref<101x101x4096xf32, #tpu.memory_space<hbm>> -> memref<1x1x16xf32, #tpu.memory_space<hbm>>
    %dma_start3A_765 = tpu.memref_squeeze %dma_start3A_764 : memref<1x1x16xf32, #tpu.memory_space<hbm>> -> memref<16xf32, #tpu.memory_space<hbm>>
    %dma_start3A_766 = arith.constant 960 : i32
    %dma_start3A_767 = tpu.memref_slice %arg8[%dma_start3A_766] : memref<2048xf32, #tpu.memory_space<vmem>> -> memref<16xf32, #tpu.memory_space<vmem>>
    %dma_start3A_768 = tpu.memref_slice %arg4[%squeeze3A_761, %squeeze3A_759, %add3A_613] : memref<101x101x4096xf32, #tpu.memory_space<hbm>> -> memref<1x1x16xf32, #tpu.memory_space<hbm>>
    %dma_start3A_769 = tpu.memref_squeeze %dma_start3A_768 : memref<1x1x16xf32, #tpu.memory_space<hbm>> -> memref<16xf32, #tpu.memory_space<hbm>>
    tpu.enqueue_dma source(%dma_start3A_769 : memref<16xf32, #tpu.memory_space<hbm>>) target(%dma_start3A_767 : memref<16xf32, #tpu.memory_space<vmem>>) target_semaphore(%arg11 : memref<!tpu.dma_semaphore, #tpu.memory_space<semaphore_mem>>)
    %slice3A_770 = vector.extract_strided_slice %get3A_608 {offsets = [13], sizes = [1], strides = [1]} : vector<16xi32> to vector<1xi32>
    %squeeze3A_771 = vector.extract %slice3A_770[0] : i32 from vector<1xi32>
    %slice3A_772 = vector.extract_strided_slice %get3A_611 {offsets = [13], sizes = [1], strides = [1]} : vector<16xi32> to vector<1xi32>
    %squeeze3A_773 = vector.extract %slice3A_772[0] : i32 from vector<1xi32>
    %dma_start3A_774 = arith.constant 976 : i32
    %dma_start3A_775 = tpu.memref_slice %arg8[%dma_start3A_774] : memref<2048xf32, #tpu.memory_space<vmem>> -> memref<16xf32, #tpu.memory_space<vmem>>
    %dma_start3A_776 = tpu.memref_slice %arg4[%squeeze3A_773, %squeeze3A_771, %add3A_613] : memref<101x101x4096xf32, #tpu.memory_space<hbm>> -> memref<1x1x16xf32, #tpu.memory_space<hbm>>
    %dma_start3A_777 = tpu.memref_squeeze %dma_start3A_776 : memref<1x1x16xf32, #tpu.memory_space<hbm>> -> memref<16xf32, #tpu.memory_space<hbm>>
    %dma_start3A_778 = arith.constant 976 : i32
    %dma_start3A_779 = tpu.memref_slice %arg8[%dma_start3A_778] : memref<2048xf32, #tpu.memory_space<vmem>> -> memref<16xf32, #tpu.memory_space<vmem>>
    %dma_start3A_780 = tpu.memref_slice %arg4[%squeeze3A_773, %squeeze3A_771, %add3A_613] : memref<101x101x4096xf32, #tpu.memory_space<hbm>> -> memref<1x1x16xf32, #tpu.memory_space<hbm>>
    %dma_start3A_781 = tpu.memref_squeeze %dma_start3A_780 : memref<1x1x16xf32, #tpu.memory_space<hbm>> -> memref<16xf32, #tpu.memory_space<hbm>>
    tpu.enqueue_dma source(%dma_start3A_781 : memref<16xf32, #tpu.memory_space<hbm>>) target(%dma_start3A_779 : memref<16xf32, #tpu.memory_space<vmem>>) target_semaphore(%arg11 : memref<!tpu.dma_semaphore, #tpu.memory_space<semaphore_mem>>)
    %slice3A_782 = vector.extract_strided_slice %get3A_608 {offsets = [14], sizes = [1], strides = [1]} : vector<16xi32> to vector<1xi32>
    %squeeze3A_783 = vector.extract %slice3A_782[0] : i32 from vector<1xi32>
    %slice3A_784 = vector.extract_strided_slice %get3A_611 {offsets = [14], sizes = [1], strides = [1]} : vector<16xi32> to vector<1xi32>
    %squeeze3A_785 = vector.extract %slice3A_784[0] : i32 from vector<1xi32>
    %dma_start3A_786 = arith.constant 992 : i32
    %dma_start3A_787 = tpu.memref_slice %arg8[%dma_start3A_786] : memref<2048xf32, #tpu.memory_space<vmem>> -> memref<16xf32, #tpu.memory_space<vmem>>
    %dma_start3A_788 = tpu.memref_slice %arg4[%squeeze3A_785, %squeeze3A_783, %add3A_613] : memref<101x101x4096xf32, #tpu.memory_space<hbm>> -> memref<1x1x16xf32, #tpu.memory_space<hbm>>
    %dma_start3A_789 = tpu.memref_squeeze %dma_start3A_788 : memref<1x1x16xf32, #tpu.memory_space<hbm>> -> memref<16xf32, #tpu.memory_space<hbm>>
    %dma_start3A_790 = arith.constant 992 : i32
    %dma_start3A_791 = tpu.memref_slice %arg8[%dma_start3A_790] : memref<2048xf32, #tpu.memory_space<vmem>> -> memref<16xf32, #tpu.memory_space<vmem>>
    %dma_start3A_792 = tpu.memref_slice %arg4[%squeeze3A_785, %squeeze3A_783, %add3A_613] : memref<101x101x4096xf32, #tpu.memory_space<hbm>> -> memref<1x1x16xf32, #tpu.memory_space<hbm>>
    %dma_start3A_793 = tpu.memref_squeeze %dma_start3A_792 : memref<1x1x16xf32, #tpu.memory_space<hbm>> -> memref<16xf32, #tpu.memory_space<hbm>>
    tpu.enqueue_dma source(%dma_start3A_793 : memref<16xf32, #tpu.memory_space<hbm>>) target(%dma_start3A_791 : memref<16xf32, #tpu.memory_space<vmem>>) target_semaphore(%arg11 : memref<!tpu.dma_semaphore, #tpu.memory_space<semaphore_mem>>)
    %slice3A_794 = vector.extract_strided_slice %get3A_608 {offsets = [15], sizes = [1], strides = [1]} : vector<16xi32> to vector<1xi32>
    %squeeze3A_795 = vector.extract %slice3A_794[0] : i32 from vector<1xi32>
    %slice3A_796 = vector.extract_strided_slice %get3A_611 {offsets = [15], sizes = [1], strides = [1]} : vector<16xi32> to vector<1xi32>
    %squeeze3A_797 = vector.extract %slice3A_796[0] : i32 from vector<1xi32>
    %dma_start3A_798 = arith.constant 1008 : i32
    %dma_start3A_799 = tpu.memref_slice %arg8[%dma_start3A_798] : memref<2048xf32, #tpu.memory_space<vmem>> -> memref<16xf32, #tpu.memory_space<vmem>>
    %dma_start3A_800 = tpu.memref_slice %arg4[%squeeze3A_797, %squeeze3A_795, %add3A_613] : memref<101x101x4096xf32, #tpu.memory_space<hbm>> -> memref<1x1x16xf32, #tpu.memory_space<hbm>>
    %dma_start3A_801 = tpu.memref_squeeze %dma_start3A_800 : memref<1x1x16xf32, #tpu.memory_space<hbm>> -> memref<16xf32, #tpu.memory_space<hbm>>
    %dma_start3A_802 = arith.constant 1008 : i32
    %dma_start3A_803 = tpu.memref_slice %arg8[%dma_start3A_802] : memref<2048xf32, #tpu.memory_space<vmem>> -> memref<16xf32, #tpu.memory_space<vmem>>
    %dma_start3A_804 = tpu.memref_slice %arg4[%squeeze3A_797, %squeeze3A_795, %add3A_613] : memref<101x101x4096xf32, #tpu.memory_space<hbm>> -> memref<1x1x16xf32, #tpu.memory_space<hbm>>
    %dma_start3A_805 = tpu.memref_squeeze %dma_start3A_804 : memref<1x1x16xf32, #tpu.memory_space<hbm>> -> memref<16xf32, #tpu.memory_space<hbm>>
    tpu.enqueue_dma source(%dma_start3A_805 : memref<16xf32, #tpu.memory_space<hbm>>) target(%dma_start3A_803 : memref<16xf32, #tpu.memory_space<vmem>>) target_semaphore(%arg11 : memref<!tpu.dma_semaphore, #tpu.memory_space<semaphore_mem>>)
    %get3A_806 = arith.constant 64 : index
    %get3A_807 = tpu.vector_load %arg6[%get3A_806] {strides = array<i32>} : memref<128xi32, #tpu.memory_space<vmem>>, vector<16xi32>,
    %get3A_808 = vector.shape_cast %get3A_807 : vector<16xi32> to vector<16xi32>
    %get3A_809 = arith.constant 64 : index
    %get3A_810 = tpu.vector_load %arg7[%get3A_809] {strides = array<i32>} : memref<128xi32, #tpu.memory_space<vmem>>, vector<16xi32>,
    %get3A_811 = vector.shape_cast %get3A_810 : vector<16xi32> to vector<16xi32>
    %add3A_812 = arith.constant 64 : i32
    %add3A_813 = arith.addi %mul3A_2, %add3A_812 : i32
    %slice3A_814 = vector.extract_strided_slice %get3A_808 {offsets = [0], sizes = [1], strides = [1]} : vector<16xi32> to vector<1xi32>
    %squeeze3A_815 = vector.extract %slice3A_814[0] : i32 from vector<1xi32>
    %slice3A_816 = vector.extract_strided_slice %get3A_811 {offsets = [0], sizes = [1], strides = [1]} : vector<16xi32> to vector<1xi32>
    %squeeze3A_817 = vector.extract %slice3A_816[0] : i32 from vector<1xi32>
    %dma_start3A_818 = arith.constant 1024 : i32
    %dma_start3A_819 = tpu.memref_slice %arg8[%dma_start3A_818] : memref<2048xf32, #tpu.memory_space<vmem>> -> memref<16xf32, #tpu.memory_space<vmem>>
    %dma_start3A_820 = tpu.memref_slice %arg4[%squeeze3A_817, %squeeze3A_815, %add3A_813] : memref<101x101x4096xf32, #tpu.memory_space<hbm>> -> memref<1x1x16xf32, #tpu.memory_space<hbm>>
    %dma_start3A_821 = tpu.memref_squeeze %dma_start3A_820 : memref<1x1x16xf32, #tpu.memory_space<hbm>> -> memref<16xf32, #tpu.memory_space<hbm>>
    %dma_start3A_822 = arith.constant 1024 : i32
    %dma_start3A_823 = tpu.memref_slice %arg8[%dma_start3A_822] : memref<2048xf32, #tpu.memory_space<vmem>> -> memref<16xf32, #tpu.memory_space<vmem>>
    %dma_start3A_824 = tpu.memref_slice %arg4[%squeeze3A_817, %squeeze3A_815, %add3A_813] : memref<101x101x4096xf32, #tpu.memory_space<hbm>> -> memref<1x1x16xf32, #tpu.memory_space<hbm>>
    %dma_start3A_825 = tpu.memref_squeeze %dma_start3A_824 : memref<1x1x16xf32, #tpu.memory_space<hbm>> -> memref<16xf32, #tpu.memory_space<hbm>>
    tpu.enqueue_dma source(%dma_start3A_825 : memref<16xf32, #tpu.memory_space<hbm>>) target(%dma_start3A_823 : memref<16xf32, #tpu.memory_space<vmem>>) target_semaphore(%arg11 : memref<!tpu.dma_semaphore, #tpu.memory_space<semaphore_mem>>)
    %slice3A_826 = vector.extract_strided_slice %get3A_808 {offsets = [1], sizes = [1], strides = [1]} : vector<16xi32> to vector<1xi32>
    %squeeze3A_827 = vector.extract %slice3A_826[0] : i32 from vector<1xi32>
    %slice3A_828 = vector.extract_strided_slice %get3A_811 {offsets = [1], sizes = [1], strides = [1]} : vector<16xi32> to vector<1xi32>
    %squeeze3A_829 = vector.extract %slice3A_828[0] : i32 from vector<1xi32>
    %dma_start3A_830 = arith.constant 1040 : i32
    %dma_start3A_831 = tpu.memref_slice %arg8[%dma_start3A_830] : memref<2048xf32, #tpu.memory_space<vmem>> -> memref<16xf32, #tpu.memory_space<vmem>>
    %dma_start3A_832 = tpu.memref_slice %arg4[%squeeze3A_829, %squeeze3A_827, %add3A_813] : memref<101x101x4096xf32, #tpu.memory_space<hbm>> -> memref<1x1x16xf32, #tpu.memory_space<hbm>>
    %dma_start3A_833 = tpu.memref_squeeze %dma_start3A_832 : memref<1x1x16xf32, #tpu.memory_space<hbm>> -> memref<16xf32, #tpu.memory_space<hbm>>
    %dma_start3A_834 = arith.constant 1040 : i32
    %dma_start3A_835 = tpu.memref_slice %arg8[%dma_start3A_834] : memref<2048xf32, #tpu.memory_space<vmem>> -> memref<16xf32, #tpu.memory_space<vmem>>
    %dma_start3A_836 = tpu.memref_slice %arg4[%squeeze3A_829, %squeeze3A_827, %add3A_813] : memref<101x101x4096xf32, #tpu.memory_space<hbm>> -> memref<1x1x16xf32, #tpu.memory_space<hbm>>
    %dma_start3A_837 = tpu.memref_squeeze %dma_start3A_836 : memref<1x1x16xf32, #tpu.memory_space<hbm>> -> memref<16xf32, #tpu.memory_space<hbm>>
    tpu.enqueue_dma source(%dma_start3A_837 : memref<16xf32, #tpu.memory_space<hbm>>) target(%dma_start3A_835 : memref<16xf32, #tpu.memory_space<vmem>>) target_semaphore(%arg11 : memref<!tpu.dma_semaphore, #tpu.memory_space<semaphore_mem>>)
    %slice3A_838 = vector.extract_strided_slice %get3A_808 {offsets = [2], sizes = [1], strides = [1]} : vector<16xi32> to vector<1xi32>
    %squeeze3A_839 = vector.extract %slice3A_838[0] : i32 from vector<1xi32>
    %slice3A_840 = vector.extract_strided_slice %get3A_811 {offsets = [2], sizes = [1], strides = [1]} : vector<16xi32> to vector<1xi32>
    %squeeze3A_841 = vector.extract %slice3A_840[0] : i32 from vector<1xi32>
    %dma_start3A_842 = arith.constant 1056 : i32
    %dma_start3A_843 = tpu.memref_slice %arg8[%dma_start3A_842] : memref<2048xf32, #tpu.memory_space<vmem>> -> memref<16xf32, #tpu.memory_space<vmem>>
    %dma_start3A_844 = tpu.memref_slice %arg4[%squeeze3A_841, %squeeze3A_839, %add3A_813] : memref<101x101x4096xf32, #tpu.memory_space<hbm>> -> memref<1x1x16xf32, #tpu.memory_space<hbm>>
    %dma_start3A_845 = tpu.memref_squeeze %dma_start3A_844 : memref<1x1x16xf32, #tpu.memory_space<hbm>> -> memref<16xf32, #tpu.memory_space<hbm>>
    %dma_start3A_846 = arith.constant 1056 : i32
    %dma_start3A_847 = tpu.memref_slice %arg8[%dma_start3A_846] : memref<2048xf32, #tpu.memory_space<vmem>> -> memref<16xf32, #tpu.memory_space<vmem>>
    %dma_start3A_848 = tpu.memref_slice %arg4[%squeeze3A_841, %squeeze3A_839, %add3A_813] : memref<101x101x4096xf32, #tpu.memory_space<hbm>> -> memref<1x1x16xf32, #tpu.memory_space<hbm>>
    %dma_start3A_849 = tpu.memref_squeeze %dma_start3A_848 : memref<1x1x16xf32, #tpu.memory_space<hbm>> -> memref<16xf32, #tpu.memory_space<hbm>>
    tpu.enqueue_dma source(%dma_start3A_849 : memref<16xf32, #tpu.memory_space<hbm>>) target(%dma_start3A_847 : memref<16xf32, #tpu.memory_space<vmem>>) target_semaphore(%arg11 : memref<!tpu.dma_semaphore, #tpu.memory_space<semaphore_mem>>)
    %slice3A_850 = vector.extract_strided_slice %get3A_808 {offsets = [3], sizes = [1], strides = [1]} : vector<16xi32> to vector<1xi32>
    %squeeze3A_851 = vector.extract %slice3A_850[0] : i32 from vector<1xi32>
    %slice3A_852 = vector.extract_strided_slice %get3A_811 {offsets = [3], sizes = [1], strides = [1]} : vector<16xi32> to vector<1xi32>
    %squeeze3A_853 = vector.extract %slice3A_852[0] : i32 from vector<1xi32>
    %dma_start3A_854 = arith.constant 1072 : i32
    %dma_start3A_855 = tpu.memref_slice %arg8[%dma_start3A_854] : memref<2048xf32, #tpu.memory_space<vmem>> -> memref<16xf32, #tpu.memory_space<vmem>>
    %dma_start3A_856 = tpu.memref_slice %arg4[%squeeze3A_853, %squeeze3A_851, %add3A_813] : memref<101x101x4096xf32, #tpu.memory_space<hbm>> -> memref<1x1x16xf32, #tpu.memory_space<hbm>>
    %dma_start3A_857 = tpu.memref_squeeze %dma_start3A_856 : memref<1x1x16xf32, #tpu.memory_space<hbm>> -> memref<16xf32, #tpu.memory_space<hbm>>
    %dma_start3A_858 = arith.constant 1072 : i32
    %dma_start3A_859 = tpu.memref_slice %arg8[%dma_start3A_858] : memref<2048xf32, #tpu.memory_space<vmem>> -> memref<16xf32, #tpu.memory_space<vmem>>
    %dma_start3A_860 = tpu.memref_slice %arg4[%squeeze3A_853, %squeeze3A_851, %add3A_813] : memref<101x101x4096xf32, #tpu.memory_space<hbm>> -> memref<1x1x16xf32, #tpu.memory_space<hbm>>
    %dma_start3A_861 = tpu.memref_squeeze %dma_start3A_860 : memref<1x1x16xf32, #tpu.memory_space<hbm>> -> memref<16xf32, #tpu.memory_space<hbm>>
    tpu.enqueue_dma source(%dma_start3A_861 : memref<16xf32, #tpu.memory_space<hbm>>) target(%dma_start3A_859 : memref<16xf32, #tpu.memory_space<vmem>>) target_semaphore(%arg11 : memref<!tpu.dma_semaphore, #tpu.memory_space<semaphore_mem>>)
    %slice3A_862 = vector.extract_strided_slice %get3A_808 {offsets = [4], sizes = [1], strides = [1]} : vector<16xi32> to vector<1xi32>
    %squeeze3A_863 = vector.extract %slice3A_862[0] : i32 from vector<1xi32>
    %slice3A_864 = vector.extract_strided_slice %get3A_811 {offsets = [4], sizes = [1], strides = [1]} : vector<16xi32> to vector<1xi32>
    %squeeze3A_865 = vector.extract %slice3A_864[0] : i32 from vector<1xi32>
    %dma_start3A_866 = arith.constant 1088 : i32
    %dma_start3A_867 = tpu.memref_slice %arg8[%dma_start3A_866] : memref<2048xf32, #tpu.memory_space<vmem>> -> memref<16xf32, #tpu.memory_space<vmem>>
    %dma_start3A_868 = tpu.memref_slice %arg4[%squeeze3A_865, %squeeze3A_863, %add3A_813] : memref<101x101x4096xf32, #tpu.memory_space<hbm>> -> memref<1x1x16xf32, #tpu.memory_space<hbm>>
    %dma_start3A_869 = tpu.memref_squeeze %dma_start3A_868 : memref<1x1x16xf32, #tpu.memory_space<hbm>> -> memref<16xf32, #tpu.memory_space<hbm>>
    %dma_start3A_870 = arith.constant 1088 : i32
    %dma_start3A_871 = tpu.memref_slice %arg8[%dma_start3A_870] : memref<2048xf32, #tpu.memory_space<vmem>> -> memref<16xf32, #tpu.memory_space<vmem>>
    %dma_start3A_872 = tpu.memref_slice %arg4[%squeeze3A_865, %squeeze3A_863, %add3A_813] : memref<101x101x4096xf32, #tpu.memory_space<hbm>> -> memref<1x1x16xf32, #tpu.memory_space<hbm>>
    %dma_start3A_873 = tpu.memref_squeeze %dma_start3A_872 : memref<1x1x16xf32, #tpu.memory_space<hbm>> -> memref<16xf32, #tpu.memory_space<hbm>>
    tpu.enqueue_dma source(%dma_start3A_873 : memref<16xf32, #tpu.memory_space<hbm>>) target(%dma_start3A_871 : memref<16xf32, #tpu.memory_space<vmem>>) target_semaphore(%arg11 : memref<!tpu.dma_semaphore, #tpu.memory_space<semaphore_mem>>)
    %slice3A_874 = vector.extract_strided_slice %get3A_808 {offsets = [5], sizes = [1], strides = [1]} : vector<16xi32> to vector<1xi32>
    %squeeze3A_875 = vector.extract %slice3A_874[0] : i32 from vector<1xi32>
    %slice3A_876 = vector.extract_strided_slice %get3A_811 {offsets = [5], sizes = [1], strides = [1]} : vector<16xi32> to vector<1xi32>
    %squeeze3A_877 = vector.extract %slice3A_876[0] : i32 from vector<1xi32>
    %dma_start3A_878 = arith.constant 1104 : i32
    %dma_start3A_879 = tpu.memref_slice %arg8[%dma_start3A_878] : memref<2048xf32, #tpu.memory_space<vmem>> -> memref<16xf32, #tpu.memory_space<vmem>>
    %dma_start3A_880 = tpu.memref_slice %arg4[%squeeze3A_877, %squeeze3A_875, %add3A_813] : memref<101x101x4096xf32, #tpu.memory_space<hbm>> -> memref<1x1x16xf32, #tpu.memory_space<hbm>>
    %dma_start3A_881 = tpu.memref_squeeze %dma_start3A_880 : memref<1x1x16xf32, #tpu.memory_space<hbm>> -> memref<16xf32, #tpu.memory_space<hbm>>
    %dma_start3A_882 = arith.constant 1104 : i32
    %dma_start3A_883 = tpu.memref_slice %arg8[%dma_start3A_882] : memref<2048xf32, #tpu.memory_space<vmem>> -> memref<16xf32, #tpu.memory_space<vmem>>
    %dma_start3A_884 = tpu.memref_slice %arg4[%squeeze3A_877, %squeeze3A_875, %add3A_813] : memref<101x101x4096xf32, #tpu.memory_space<hbm>> -> memref<1x1x16xf32, #tpu.memory_space<hbm>>
    %dma_start3A_885 = tpu.memref_squeeze %dma_start3A_884 : memref<1x1x16xf32, #tpu.memory_space<hbm>> -> memref<16xf32, #tpu.memory_space<hbm>>
    tpu.enqueue_dma source(%dma_start3A_885 : memref<16xf32, #tpu.memory_space<hbm>>) target(%dma_start3A_883 : memref<16xf32, #tpu.memory_space<vmem>>) target_semaphore(%arg11 : memref<!tpu.dma_semaphore, #tpu.memory_space<semaphore_mem>>)
    %slice3A_886 = vector.extract_strided_slice %get3A_808 {offsets = [6], sizes = [1], strides = [1]} : vector<16xi32> to vector<1xi32>
    %squeeze3A_887 = vector.extract %slice3A_886[0] : i32 from vector<1xi32>
    %slice3A_888 = vector.extract_strided_slice %get3A_811 {offsets = [6], sizes = [1], strides = [1]} : vector<16xi32> to vector<1xi32>
    %squeeze3A_889 = vector.extract %slice3A_888[0] : i32 from vector<1xi32>
    %dma_start3A_890 = arith.constant 1120 : i32
    %dma_start3A_891 = tpu.memref_slice %arg8[%dma_start3A_890] : memref<2048xf32, #tpu.memory_space<vmem>> -> memref<16xf32, #tpu.memory_space<vmem>>
    %dma_start3A_892 = tpu.memref_slice %arg4[%squeeze3A_889, %squeeze3A_887, %add3A_813] : memref<101x101x4096xf32, #tpu.memory_space<hbm>> -> memref<1x1x16xf32, #tpu.memory_space<hbm>>
    %dma_start3A_893 = tpu.memref_squeeze %dma_start3A_892 : memref<1x1x16xf32, #tpu.memory_space<hbm>> -> memref<16xf32, #tpu.memory_space<hbm>>
    %dma_start3A_894 = arith.constant 1120 : i32
    %dma_start3A_895 = tpu.memref_slice %arg8[%dma_start3A_894] : memref<2048xf32, #tpu.memory_space<vmem>> -> memref<16xf32, #tpu.memory_space<vmem>>
    %dma_start3A_896 = tpu.memref_slice %arg4[%squeeze3A_889, %squeeze3A_887, %add3A_813] : memref<101x101x4096xf32, #tpu.memory_space<hbm>> -> memref<1x1x16xf32, #tpu.memory_space<hbm>>
    %dma_start3A_897 = tpu.memref_squeeze %dma_start3A_896 : memref<1x1x16xf32, #tpu.memory_space<hbm>> -> memref<16xf32, #tpu.memory_space<hbm>>
    tpu.enqueue_dma source(%dma_start3A_897 : memref<16xf32, #tpu.memory_space<hbm>>) target(%dma_start3A_895 : memref<16xf32, #tpu.memory_space<vmem>>) target_semaphore(%arg11 : memref<!tpu.dma_semaphore, #tpu.memory_space<semaphore_mem>>)
    %slice3A_898 = vector.extract_strided_slice %get3A_808 {offsets = [7], sizes = [1], strides = [1]} : vector<16xi32> to vector<1xi32>
    %squeeze3A_899 = vector.extract %slice3A_898[0] : i32 from vector<1xi32>
    %slice3A_900 = vector.extract_strided_slice %get3A_811 {offsets = [7], sizes = [1], strides = [1]} : vector<16xi32> to vector<1xi32>
    %squeeze3A_901 = vector.extract %slice3A_900[0] : i32 from vector<1xi32>
    %dma_start3A_902 = arith.constant 1136 : i32
    %dma_start3A_903 = tpu.memref_slice %arg8[%dma_start3A_902] : memref<2048xf32, #tpu.memory_space<vmem>> -> memref<16xf32, #tpu.memory_space<vmem>>
    %dma_start3A_904 = tpu.memref_slice %arg4[%squeeze3A_901, %squeeze3A_899, %add3A_813] : memref<101x101x4096xf32, #tpu.memory_space<hbm>> -> memref<1x1x16xf32, #tpu.memory_space<hbm>>
    %dma_start3A_905 = tpu.memref_squeeze %dma_start3A_904 : memref<1x1x16xf32, #tpu.memory_space<hbm>> -> memref<16xf32, #tpu.memory_space<hbm>>
    %dma_start3A_906 = arith.constant 1136 : i32
    %dma_start3A_907 = tpu.memref_slice %arg8[%dma_start3A_906] : memref<2048xf32, #tpu.memory_space<vmem>> -> memref<16xf32, #tpu.memory_space<vmem>>
    %dma_start3A_908 = tpu.memref_slice %arg4[%squeeze3A_901, %squeeze3A_899, %add3A_813] : memref<101x101x4096xf32, #tpu.memory_space<hbm>> -> memref<1x1x16xf32, #tpu.memory_space<hbm>>
    %dma_start3A_909 = tpu.memref_squeeze %dma_start3A_908 : memref<1x1x16xf32, #tpu.memory_space<hbm>> -> memref<16xf32, #tpu.memory_space<hbm>>
    tpu.enqueue_dma source(%dma_start3A_909 : memref<16xf32, #tpu.memory_space<hbm>>) target(%dma_start3A_907 : memref<16xf32, #tpu.memory_space<vmem>>) target_semaphore(%arg11 : memref<!tpu.dma_semaphore, #tpu.memory_space<semaphore_mem>>)
    %slice3A_910 = vector.extract_strided_slice %get3A_808 {offsets = [8], sizes = [1], strides = [1]} : vector<16xi32> to vector<1xi32>
    %squeeze3A_911 = vector.extract %slice3A_910[0] : i32 from vector<1xi32>
    %slice3A_912 = vector.extract_strided_slice %get3A_811 {offsets = [8], sizes = [1], strides = [1]} : vector<16xi32> to vector<1xi32>
    %squeeze3A_913 = vector.extract %slice3A_912[0] : i32 from vector<1xi32>
    %dma_start3A_914 = arith.constant 1152 : i32
    %dma_start3A_915 = tpu.memref_slice %arg8[%dma_start3A_914] : memref<2048xf32, #tpu.memory_space<vmem>> -> memref<16xf32, #tpu.memory_space<vmem>>
    %dma_start3A_916 = tpu.memref_slice %arg4[%squeeze3A_913, %squeeze3A_911, %add3A_813] : memref<101x101x4096xf32, #tpu.memory_space<hbm>> -> memref<1x1x16xf32, #tpu.memory_space<hbm>>
    %dma_start3A_917 = tpu.memref_squeeze %dma_start3A_916 : memref<1x1x16xf32, #tpu.memory_space<hbm>> -> memref<16xf32, #tpu.memory_space<hbm>>
    %dma_start3A_918 = arith.constant 1152 : i32
    %dma_start3A_919 = tpu.memref_slice %arg8[%dma_start3A_918] : memref<2048xf32, #tpu.memory_space<vmem>> -> memref<16xf32, #tpu.memory_space<vmem>>
    %dma_start3A_920 = tpu.memref_slice %arg4[%squeeze3A_913, %squeeze3A_911, %add3A_813] : memref<101x101x4096xf32, #tpu.memory_space<hbm>> -> memref<1x1x16xf32, #tpu.memory_space<hbm>>
    %dma_start3A_921 = tpu.memref_squeeze %dma_start3A_920 : memref<1x1x16xf32, #tpu.memory_space<hbm>> -> memref<16xf32, #tpu.memory_space<hbm>>
    tpu.enqueue_dma source(%dma_start3A_921 : memref<16xf32, #tpu.memory_space<hbm>>) target(%dma_start3A_919 : memref<16xf32, #tpu.memory_space<vmem>>) target_semaphore(%arg11 : memref<!tpu.dma_semaphore, #tpu.memory_space<semaphore_mem>>)
    %slice3A_922 = vector.extract_strided_slice %get3A_808 {offsets = [9], sizes = [1], strides = [1]} : vector<16xi32> to vector<1xi32>
    %squeeze3A_923 = vector.extract %slice3A_922[0] : i32 from vector<1xi32>
    %slice3A_924 = vector.extract_strided_slice %get3A_811 {offsets = [9], sizes = [1], strides = [1]} : vector<16xi32> to vector<1xi32>
    %squeeze3A_925 = vector.extract %slice3A_924[0] : i32 from vector<1xi32>
    %dma_start3A_926 = arith.constant 1168 : i32
    %dma_start3A_927 = tpu.memref_slice %arg8[%dma_start3A_926] : memref<2048xf32, #tpu.memory_space<vmem>> -> memref<16xf32, #tpu.memory_space<vmem>>
    %dma_start3A_928 = tpu.memref_slice %arg4[%squeeze3A_925, %squeeze3A_923, %add3A_813] : memref<101x101x4096xf32, #tpu.memory_space<hbm>> -> memref<1x1x16xf32, #tpu.memory_space<hbm>>
    %dma_start3A_929 = tpu.memref_squeeze %dma_start3A_928 : memref<1x1x16xf32, #tpu.memory_space<hbm>> -> memref<16xf32, #tpu.memory_space<hbm>>
    %dma_start3A_930 = arith.constant 1168 : i32
    %dma_start3A_931 = tpu.memref_slice %arg8[%dma_start3A_930] : memref<2048xf32, #tpu.memory_space<vmem>> -> memref<16xf32, #tpu.memory_space<vmem>>
    %dma_start3A_932 = tpu.memref_slice %arg4[%squeeze3A_925, %squeeze3A_923, %add3A_813] : memref<101x101x4096xf32, #tpu.memory_space<hbm>> -> memref<1x1x16xf32, #tpu.memory_space<hbm>>
    %dma_start3A_933 = tpu.memref_squeeze %dma_start3A_932 : memref<1x1x16xf32, #tpu.memory_space<hbm>> -> memref<16xf32, #tpu.memory_space<hbm>>
    tpu.enqueue_dma source(%dma_start3A_933 : memref<16xf32, #tpu.memory_space<hbm>>) target(%dma_start3A_931 : memref<16xf32, #tpu.memory_space<vmem>>) target_semaphore(%arg11 : memref<!tpu.dma_semaphore, #tpu.memory_space<semaphore_mem>>)
    %slice3A_934 = vector.extract_strided_slice %get3A_808 {offsets = [10], sizes = [1], strides = [1]} : vector<16xi32> to vector<1xi32>
    %squeeze3A_935 = vector.extract %slice3A_934[0] : i32 from vector<1xi32>
    %slice3A_936 = vector.extract_strided_slice %get3A_811 {offsets = [10], sizes = [1], strides = [1]} : vector<16xi32> to vector<1xi32>
    %squeeze3A_937 = vector.extract %slice3A_936[0] : i32 from vector<1xi32>
    %dma_start3A_938 = arith.constant 1184 : i32
    %dma_start3A_939 = tpu.memref_slice %arg8[%dma_start3A_938] : memref<2048xf32, #tpu.memory_space<vmem>> -> memref<16xf32, #tpu.memory_space<vmem>>
    %dma_start3A_940 = tpu.memref_slice %arg4[%squeeze3A_937, %squeeze3A_935, %add3A_813] : memref<101x101x4096xf32, #tpu.memory_space<hbm>> -> memref<1x1x16xf32, #tpu.memory_space<hbm>>
    %dma_start3A_941 = tpu.memref_squeeze %dma_start3A_940 : memref<1x1x16xf32, #tpu.memory_space<hbm>> -> memref<16xf32, #tpu.memory_space<hbm>>
    %dma_start3A_942 = arith.constant 1184 : i32
    %dma_start3A_943 = tpu.memref_slice %arg8[%dma_start3A_942] : memref<2048xf32, #tpu.memory_space<vmem>> -> memref<16xf32, #tpu.memory_space<vmem>>
    %dma_start3A_944 = tpu.memref_slice %arg4[%squeeze3A_937, %squeeze3A_935, %add3A_813] : memref<101x101x4096xf32, #tpu.memory_space<hbm>> -> memref<1x1x16xf32, #tpu.memory_space<hbm>>
    %dma_start3A_945 = tpu.memref_squeeze %dma_start3A_944 : memref<1x1x16xf32, #tpu.memory_space<hbm>> -> memref<16xf32, #tpu.memory_space<hbm>>
    tpu.enqueue_dma source(%dma_start3A_945 : memref<16xf32, #tpu.memory_space<hbm>>) target(%dma_start3A_943 : memref<16xf32, #tpu.memory_space<vmem>>) target_semaphore(%arg11 : memref<!tpu.dma_semaphore, #tpu.memory_space<semaphore_mem>>)
    %slice3A_946 = vector.extract_strided_slice %get3A_808 {offsets = [11], sizes = [1], strides = [1]} : vector<16xi32> to vector<1xi32>
    %squeeze3A_947 = vector.extract %slice3A_946[0] : i32 from vector<1xi32>
    %slice3A_948 = vector.extract_strided_slice %get3A_811 {offsets = [11], sizes = [1], strides = [1]} : vector<16xi32> to vector<1xi32>
    %squeeze3A_949 = vector.extract %slice3A_948[0] : i32 from vector<1xi32>
    %dma_start3A_950 = arith.constant 1200 : i32
    %dma_start3A_951 = tpu.memref_slice %arg8[%dma_start3A_950] : memref<2048xf32, #tpu.memory_space<vmem>> -> memref<16xf32, #tpu.memory_space<vmem>>
    %dma_start3A_952 = tpu.memref_slice %arg4[%squeeze3A_949, %squeeze3A_947, %add3A_813] : memref<101x101x4096xf32, #tpu.memory_space<hbm>> -> memref<1x1x16xf32, #tpu.memory_space<hbm>>
    %dma_start3A_953 = tpu.memref_squeeze %dma_start3A_952 : memref<1x1x16xf32, #tpu.memory_space<hbm>> -> memref<16xf32, #tpu.memory_space<hbm>>
    %dma_start3A_954 = arith.constant 1200 : i32
    %dma_start3A_955 = tpu.memref_slice %arg8[%dma_start3A_954] : memref<2048xf32, #tpu.memory_space<vmem>> -> memref<16xf32, #tpu.memory_space<vmem>>
    %dma_start3A_956 = tpu.memref_slice %arg4[%squeeze3A_949, %squeeze3A_947, %add3A_813] : memref<101x101x4096xf32, #tpu.memory_space<hbm>> -> memref<1x1x16xf32, #tpu.memory_space<hbm>>
    %dma_start3A_957 = tpu.memref_squeeze %dma_start3A_956 : memref<1x1x16xf32, #tpu.memory_space<hbm>> -> memref<16xf32, #tpu.memory_space<hbm>>
    tpu.enqueue_dma source(%dma_start3A_957 : memref<16xf32, #tpu.memory_space<hbm>>) target(%dma_start3A_955 : memref<16xf32, #tpu.memory_space<vmem>>) target_semaphore(%arg11 : memref<!tpu.dma_semaphore, #tpu.memory_space<semaphore_mem>>)
    %slice3A_958 = vector.extract_strided_slice %get3A_808 {offsets = [12], sizes = [1], strides = [1]} : vector<16xi32> to vector<1xi32>
    %squeeze3A_959 = vector.extract %slice3A_958[0] : i32 from vector<1xi32>
    %slice3A_960 = vector.extract_strided_slice %get3A_811 {offsets = [12], sizes = [1], strides = [1]} : vector<16xi32> to vector<1xi32>
    %squeeze3A_961 = vector.extract %slice3A_960[0] : i32 from vector<1xi32>
    %dma_start3A_962 = arith.constant 1216 : i32
    %dma_start3A_963 = tpu.memref_slice %arg8[%dma_start3A_962] : memref<2048xf32, #tpu.memory_space<vmem>> -> memref<16xf32, #tpu.memory_space<vmem>>
    %dma_start3A_964 = tpu.memref_slice %arg4[%squeeze3A_961, %squeeze3A_959, %add3A_813] : memref<101x101x4096xf32, #tpu.memory_space<hbm>> -> memref<1x1x16xf32, #tpu.memory_space<hbm>>
    %dma_start3A_965 = tpu.memref_squeeze %dma_start3A_964 : memref<1x1x16xf32, #tpu.memory_space<hbm>> -> memref<16xf32, #tpu.memory_space<hbm>>
    %dma_start3A_966 = arith.constant 1216 : i32
    %dma_start3A_967 = tpu.memref_slice %arg8[%dma_start3A_966] : memref<2048xf32, #tpu.memory_space<vmem>> -> memref<16xf32, #tpu.memory_space<vmem>>
    %dma_start3A_968 = tpu.memref_slice %arg4[%squeeze3A_961, %squeeze3A_959, %add3A_813] : memref<101x101x4096xf32, #tpu.memory_space<hbm>> -> memref<1x1x16xf32, #tpu.memory_space<hbm>>
    %dma_start3A_969 = tpu.memref_squeeze %dma_start3A_968 : memref<1x1x16xf32, #tpu.memory_space<hbm>> -> memref<16xf32, #tpu.memory_space<hbm>>
    tpu.enqueue_dma source(%dma_start3A_969 : memref<16xf32, #tpu.memory_space<hbm>>) target(%dma_start3A_967 : memref<16xf32, #tpu.memory_space<vmem>>) target_semaphore(%arg11 : memref<!tpu.dma_semaphore, #tpu.memory_space<semaphore_mem>>)
    %slice3A_970 = vector.extract_strided_slice %get3A_808 {offsets = [13], sizes = [1], strides = [1]} : vector<16xi32> to vector<1xi32>
    %squeeze3A_971 = vector.extract %slice3A_970[0] : i32 from vector<1xi32>
    %slice3A_972 = vector.extract_strided_slice %get3A_811 {offsets = [13], sizes = [1], strides = [1]} : vector<16xi32> to vector<1xi32>
    %squeeze3A_973 = vector.extract %slice3A_972[0] : i32 from vector<1xi32>
    %dma_start3A_974 = arith.constant 1232 : i32
    %dma_start3A_975 = tpu.memref_slice %arg8[%dma_start3A_974] : memref<2048xf32, #tpu.memory_space<vmem>> -> memref<16xf32, #tpu.memory_space<vmem>>
    %dma_start3A_976 = tpu.memref_slice %arg4[%squeeze3A_973, %squeeze3A_971, %add3A_813] : memref<101x101x4096xf32, #tpu.memory_space<hbm>> -> memref<1x1x16xf32, #tpu.memory_space<hbm>>
    %dma_start3A_977 = tpu.memref_squeeze %dma_start3A_976 : memref<1x1x16xf32, #tpu.memory_space<hbm>> -> memref<16xf32, #tpu.memory_space<hbm>>
    %dma_start3A_978 = arith.constant 1232 : i32
    %dma_start3A_979 = tpu.memref_slice %arg8[%dma_start3A_978] : memref<2048xf32, #tpu.memory_space<vmem>> -> memref<16xf32, #tpu.memory_space<vmem>>
    %dma_start3A_980 = tpu.memref_slice %arg4[%squeeze3A_973, %squeeze3A_971, %add3A_813] : memref<101x101x4096xf32, #tpu.memory_space<hbm>> -> memref<1x1x16xf32, #tpu.memory_space<hbm>>
    %dma_start3A_981 = tpu.memref_squeeze %dma_start3A_980 : memref<1x1x16xf32, #tpu.memory_space<hbm>> -> memref<16xf32, #tpu.memory_space<hbm>>
    tpu.enqueue_dma source(%dma_start3A_981 : memref<16xf32, #tpu.memory_space<hbm>>) target(%dma_start3A_979 : memref<16xf32, #tpu.memory_space<vmem>>) target_semaphore(%arg11 : memref<!tpu.dma_semaphore, #tpu.memory_space<semaphore_mem>>)
    %slice3A_982 = vector.extract_strided_slice %get3A_808 {offsets = [14], sizes = [1], strides = [1]} : vector<16xi32> to vector<1xi32>
    %squeeze3A_983 = vector.extract %slice3A_982[0] : i32 from vector<1xi32>
    %slice3A_984 = vector.extract_strided_slice %get3A_811 {offsets = [14], sizes = [1], strides = [1]} : vector<16xi32> to vector<1xi32>
    %squeeze3A_985 = vector.extract %slice3A_984[0] : i32 from vector<1xi32>
    %dma_start3A_986 = arith.constant 1248 : i32
    %dma_start3A_987 = tpu.memref_slice %arg8[%dma_start3A_986] : memref<2048xf32, #tpu.memory_space<vmem>> -> memref<16xf32, #tpu.memory_space<vmem>>
    %dma_start3A_988 = tpu.memref_slice %arg4[%squeeze3A_985, %squeeze3A_983, %add3A_813] : memref<101x101x4096xf32, #tpu.memory_space<hbm>> -> memref<1x1x16xf32, #tpu.memory_space<hbm>>
    %dma_start3A_989 = tpu.memref_squeeze %dma_start3A_988 : memref<1x1x16xf32, #tpu.memory_space<hbm>> -> memref<16xf32, #tpu.memory_space<hbm>>
    %dma_start3A_990 = arith.constant 1248 : i32
    %dma_start3A_991 = tpu.memref_slice %arg8[%dma_start3A_990] : memref<2048xf32, #tpu.memory_space<vmem>> -> memref<16xf32, #tpu.memory_space<vmem>>
    %dma_start3A_992 = tpu.memref_slice %arg4[%squeeze3A_985, %squeeze3A_983, %add3A_813] : memref<101x101x4096xf32, #tpu.memory_space<hbm>> -> memref<1x1x16xf32, #tpu.memory_space<hbm>>
    %dma_start3A_993 = tpu.memref_squeeze %dma_start3A_992 : memref<1x1x16xf32, #tpu.memory_space<hbm>> -> memref<16xf32, #tpu.memory_space<hbm>>
    tpu.enqueue_dma source(%dma_start3A_993 : memref<16xf32, #tpu.memory_space<hbm>>) target(%dma_start3A_991 : memref<16xf32, #tpu.memory_space<vmem>>) target_semaphore(%arg11 : memref<!tpu.dma_semaphore, #tpu.memory_space<semaphore_mem>>)
    %slice3A_994 = vector.extract_strided_slice %get3A_808 {offsets = [15], sizes = [1], strides = [1]} : vector<16xi32> to vector<1xi32>
    %squeeze3A_995 = vector.extract %slice3A_994[0] : i32 from vector<1xi32>
    %slice3A_996 = vector.extract_strided_slice %get3A_811 {offsets = [15], sizes = [1], strides = [1]} : vector<16xi32> to vector<1xi32>
    %squeeze3A_997 = vector.extract %slice3A_996[0] : i32 from vector<1xi32>
    %dma_start3A_998 = arith.constant 1264 : i32
    %dma_start3A_999 = tpu.memref_slice %arg8[%dma_start3A_998] : memref<2048xf32, #tpu.memory_space<vmem>> -> memref<16xf32, #tpu.memory_space<vmem>>
    %dma_start3A_1000 = tpu.memref_slice %arg4[%squeeze3A_997, %squeeze3A_995, %add3A_813] : memref<101x101x4096xf32, #tpu.memory_space<hbm>> -> memref<1x1x16xf32, #tpu.memory_space<hbm>>
    %dma_start3A_1001 = tpu.memref_squeeze %dma_start3A_1000 : memref<1x1x16xf32, #tpu.memory_space<hbm>> -> memref<16xf32, #tpu.memory_space<hbm>>
    %dma_start3A_1002 = arith.constant 1264 : i32
    %dma_start3A_1003 = tpu.memref_slice %arg8[%dma_start3A_1002] : memref<2048xf32, #tpu.memory_space<vmem>> -> memref<16xf32, #tpu.memory_space<vmem>>
    %dma_start3A_1004 = tpu.memref_slice %arg4[%squeeze3A_997, %squeeze3A_995, %add3A_813] : memref<101x101x4096xf32, #tpu.memory_space<hbm>> -> memref<1x1x16xf32, #tpu.memory_space<hbm>>
    %dma_start3A_1005 = tpu.memref_squeeze %dma_start3A_1004 : memref<1x1x16xf32, #tpu.memory_space<hbm>> -> memref<16xf32, #tpu.memory_space<hbm>>
    tpu.enqueue_dma source(%dma_start3A_1005 : memref<16xf32, #tpu.memory_space<hbm>>) target(%dma_start3A_1003 : memref<16xf32, #tpu.memory_space<vmem>>) target_semaphore(%arg11 : memref<!tpu.dma_semaphore, #tpu.memory_space<semaphore_mem>>)
    %get3A_1006 = arith.constant 80 : index
    %get3A_1007 = tpu.vector_load %arg6[%get3A_1006] {strides = array<i32>} : memref<128xi32, #tpu.memory_space<vmem>>, vector<16xi32>,
    %get3A_1008 = vector.shape_cast %get3A_1007 : vector<16xi32> to vector<16xi32>
    %get3A_1009 = arith.constant 80 : index
    %get3A_1010 = tpu.vector_load %arg7[%get3A_1009] {strides = array<i32>} : memref<128xi32, #tpu.memory_space<vmem>>, vector<16xi32>,
    %get3A_1011 = vector.shape_cast %get3A_1010 : vector<16xi32> to vector<16xi32>
    %add3A_1012 = arith.constant 80 : i32
    %add3A_1013 = arith.addi %mul3A_2, %add3A_1012 : i32
    %slice3A_1014 = vector.extract_strided_slice %get3A_1008 {offsets = [0], sizes = [1], strides = [1]} : vector<16xi32> to vector<1xi32>
    %squeeze3A_1015 = vector.extract %slice3A_1014[0] : i32 from vector<1xi32>
    %slice3A_1016 = vector.extract_strided_slice %get3A_1011 {offsets = [0], sizes = [1], strides = [1]} : vector<16xi32> to vector<1xi32>
    %squeeze3A_1017 = vector.extract %slice3A_1016[0] : i32 from vector<1xi32>
    %dma_start3A_1018 = arith.constant 1280 : i32
    %dma_start3A_1019 = tpu.memref_slice %arg8[%dma_start3A_1018] : memref<2048xf32, #tpu.memory_space<vmem>> -> memref<16xf32, #tpu.memory_space<vmem>>
    %dma_start3A_1020 = tpu.memref_slice %arg4[%squeeze3A_1017, %squeeze3A_1015, %add3A_1013] : memref<101x101x4096xf32, #tpu.memory_space<hbm>> -> memref<1x1x16xf32, #tpu.memory_space<hbm>>
    %dma_start3A_1021 = tpu.memref_squeeze %dma_start3A_1020 : memref<1x1x16xf32, #tpu.memory_space<hbm>> -> memref<16xf32, #tpu.memory_space<hbm>>
    %dma_start3A_1022 = arith.constant 1280 : i32
    %dma_start3A_1023 = tpu.memref_slice %arg8[%dma_start3A_1022] : memref<2048xf32, #tpu.memory_space<vmem>> -> memref<16xf32, #tpu.memory_space<vmem>>
    %dma_start3A_1024 = tpu.memref_slice %arg4[%squeeze3A_1017, %squeeze3A_1015, %add3A_1013] : memref<101x101x4096xf32, #tpu.memory_space<hbm>> -> memref<1x1x16xf32, #tpu.memory_space<hbm>>
    %dma_start3A_1025 = tpu.memref_squeeze %dma_start3A_1024 : memref<1x1x16xf32, #tpu.memory_space<hbm>> -> memref<16xf32, #tpu.memory_space<hbm>>
    tpu.enqueue_dma source(%dma_start3A_1025 : memref<16xf32, #tpu.memory_space<hbm>>) target(%dma_start3A_1023 : memref<16xf32, #tpu.memory_space<vmem>>) target_semaphore(%arg11 : memref<!tpu.dma_semaphore, #tpu.memory_space<semaphore_mem>>)
    %slice3A_1026 = vector.extract_strided_slice %get3A_1008 {offsets = [1], sizes = [1], strides = [1]} : vector<16xi32> to vector<1xi32>
    %squeeze3A_1027 = vector.extract %slice3A_1026[0] : i32 from vector<1xi32>
    %slice3A_1028 = vector.extract_strided_slice %get3A_1011 {offsets = [1], sizes = [1], strides = [1]} : vector<16xi32> to vector<1xi32>
    %squeeze3A_1029 = vector.extract %slice3A_1028[0] : i32 from vector<1xi32>
    %dma_start3A_1030 = arith.constant 1296 : i32
    %dma_start3A_1031 = tpu.memref_slice %arg8[%dma_start3A_1030] : memref<2048xf32, #tpu.memory_space<vmem>> -> memref<16xf32, #tpu.memory_space<vmem>>
    %dma_start3A_1032 = tpu.memref_slice %arg4[%squeeze3A_1029, %squeeze3A_1027, %add3A_1013] : memref<101x101x4096xf32, #tpu.memory_space<hbm>> -> memref<1x1x16xf32, #tpu.memory_space<hbm>>
    %dma_start3A_1033 = tpu.memref_squeeze %dma_start3A_1032 : memref<1x1x16xf32, #tpu.memory_space<hbm>> -> memref<16xf32, #tpu.memory_space<hbm>>
    %dma_start3A_1034 = arith.constant 1296 : i32
    %dma_start3A_1035 = tpu.memref_slice %arg8[%dma_start3A_1034] : memref<2048xf32, #tpu.memory_space<vmem>> -> memref<16xf32, #tpu.memory_space<vmem>>
    %dma_start3A_1036 = tpu.memref_slice %arg4[%squeeze3A_1029, %squeeze3A_1027, %add3A_1013] : memref<101x101x4096xf32, #tpu.memory_space<hbm>> -> memref<1x1x16xf32, #tpu.memory_space<hbm>>
    %dma_start3A_1037 = tpu.memref_squeeze %dma_start3A_1036 : memref<1x1x16xf32, #tpu.memory_space<hbm>> -> memref<16xf32, #tpu.memory_space<hbm>>
    tpu.enqueue_dma source(%dma_start3A_1037 : memref<16xf32, #tpu.memory_space<hbm>>) target(%dma_start3A_1035 : memref<16xf32, #tpu.memory_space<vmem>>) target_semaphore(%arg11 : memref<!tpu.dma_semaphore, #tpu.memory_space<semaphore_mem>>)
    %slice3A_1038 = vector.extract_strided_slice %get3A_1008 {offsets = [2], sizes = [1], strides = [1]} : vector<16xi32> to vector<1xi32>
    %squeeze3A_1039 = vector.extract %slice3A_1038[0] : i32 from vector<1xi32>
    %slice3A_1040 = vector.extract_strided_slice %get3A_1011 {offsets = [2], sizes = [1], strides = [1]} : vector<16xi32> to vector<1xi32>
    %squeeze3A_1041 = vector.extract %slice3A_1040[0] : i32 from vector<1xi32>
    %dma_start3A_1042 = arith.constant 1312 : i32
    %dma_start3A_1043 = tpu.memref_slice %arg8[%dma_start3A_1042] : memref<2048xf32, #tpu.memory_space<vmem>> -> memref<16xf32, #tpu.memory_space<vmem>>
    %dma_start3A_1044 = tpu.memref_slice %arg4[%squeeze3A_1041, %squeeze3A_1039, %add3A_1013] : memref<101x101x4096xf32, #tpu.memory_space<hbm>> -> memref<1x1x16xf32, #tpu.memory_space<hbm>>
    %dma_start3A_1045 = tpu.memref_squeeze %dma_start3A_1044 : memref<1x1x16xf32, #tpu.memory_space<hbm>> -> memref<16xf32, #tpu.memory_space<hbm>>
    %dma_start3A_1046 = arith.constant 1312 : i32
    %dma_start3A_1047 = tpu.memref_slice %arg8[%dma_start3A_1046] : memref<2048xf32, #tpu.memory_space<vmem>> -> memref<16xf32, #tpu.memory_space<vmem>>
    %dma_start3A_1048 = tpu.memref_slice %arg4[%squeeze3A_1041, %squeeze3A_1039, %add3A_1013] : memref<101x101x4096xf32, #tpu.memory_space<hbm>> -> memref<1x1x16xf32, #tpu.memory_space<hbm>>
    %dma_start3A_1049 = tpu.memref_squeeze %dma_start3A_1048 : memref<1x1x16xf32, #tpu.memory_space<hbm>> -> memref<16xf32, #tpu.memory_space<hbm>>
    tpu.enqueue_dma source(%dma_start3A_1049 : memref<16xf32, #tpu.memory_space<hbm>>) target(%dma_start3A_1047 : memref<16xf32, #tpu.memory_space<vmem>>) target_semaphore(%arg11 : memref<!tpu.dma_semaphore, #tpu.memory_space<semaphore_mem>>)
    %slice3A_1050 = vector.extract_strided_slice %get3A_1008 {offsets = [3], sizes = [1], strides = [1]} : vector<16xi32> to vector<1xi32>
    %squeeze3A_1051 = vector.extract %slice3A_1050[0] : i32 from vector<1xi32>
    %slice3A_1052 = vector.extract_strided_slice %get3A_1011 {offsets = [3], sizes = [1], strides = [1]} : vector<16xi32> to vector<1xi32>
    %squeeze3A_1053 = vector.extract %slice3A_1052[0] : i32 from vector<1xi32>
    %dma_start3A_1054 = arith.constant 1328 : i32
    %dma_start3A_1055 = tpu.memref_slice %arg8[%dma_start3A_1054] : memref<2048xf32, #tpu.memory_space<vmem>> -> memref<16xf32, #tpu.memory_space<vmem>>
    %dma_start3A_1056 = tpu.memref_slice %arg4[%squeeze3A_1053, %squeeze3A_1051, %add3A_1013] : memref<101x101x4096xf32, #tpu.memory_space<hbm>> -> memref<1x1x16xf32, #tpu.memory_space<hbm>>
    %dma_start3A_1057 = tpu.memref_squeeze %dma_start3A_1056 : memref<1x1x16xf32, #tpu.memory_space<hbm>> -> memref<16xf32, #tpu.memory_space<hbm>>
    %dma_start3A_1058 = arith.constant 1328 : i32
    %dma_start3A_1059 = tpu.memref_slice %arg8[%dma_start3A_1058] : memref<2048xf32, #tpu.memory_space<vmem>> -> memref<16xf32, #tpu.memory_space<vmem>>
    %dma_start3A_1060 = tpu.memref_slice %arg4[%squeeze3A_1053, %squeeze3A_1051, %add3A_1013] : memref<101x101x4096xf32, #tpu.memory_space<hbm>> -> memref<1x1x16xf32, #tpu.memory_space<hbm>>
    %dma_start3A_1061 = tpu.memref_squeeze %dma_start3A_1060 : memref<1x1x16xf32, #tpu.memory_space<hbm>> -> memref<16xf32, #tpu.memory_space<hbm>>
    tpu.enqueue_dma source(%dma_start3A_1061 : memref<16xf32, #tpu.memory_space<hbm>>) target(%dma_start3A_1059 : memref<16xf32, #tpu.memory_space<vmem>>) target_semaphore(%arg11 : memref<!tpu.dma_semaphore, #tpu.memory_space<semaphore_mem>>)
    %slice3A_1062 = vector.extract_strided_slice %get3A_1008 {offsets = [4], sizes = [1], strides = [1]} : vector<16xi32> to vector<1xi32>
    %squeeze3A_1063 = vector.extract %slice3A_1062[0] : i32 from vector<1xi32>
    %slice3A_1064 = vector.extract_strided_slice %get3A_1011 {offsets = [4], sizes = [1], strides = [1]} : vector<16xi32> to vector<1xi32>
    %squeeze3A_1065 = vector.extract %slice3A_1064[0] : i32 from vector<1xi32>
    %dma_start3A_1066 = arith.constant 1344 : i32
    %dma_start3A_1067 = tpu.memref_slice %arg8[%dma_start3A_1066] : memref<2048xf32, #tpu.memory_space<vmem>> -> memref<16xf32, #tpu.memory_space<vmem>>
    %dma_start3A_1068 = tpu.memref_slice %arg4[%squeeze3A_1065, %squeeze3A_1063, %add3A_1013] : memref<101x101x4096xf32, #tpu.memory_space<hbm>> -> memref<1x1x16xf32, #tpu.memory_space<hbm>>
    %dma_start3A_1069 = tpu.memref_squeeze %dma_start3A_1068 : memref<1x1x16xf32, #tpu.memory_space<hbm>> -> memref<16xf32, #tpu.memory_space<hbm>>
    %dma_start3A_1070 = arith.constant 1344 : i32
    %dma_start3A_1071 = tpu.memref_slice %arg8[%dma_start3A_1070] : memref<2048xf32, #tpu.memory_space<vmem>> -> memref<16xf32, #tpu.memory_space<vmem>>
    %dma_start3A_1072 = tpu.memref_slice %arg4[%squeeze3A_1065, %squeeze3A_1063, %add3A_1013] : memref<101x101x4096xf32, #tpu.memory_space<hbm>> -> memref<1x1x16xf32, #tpu.memory_space<hbm>>
    %dma_start3A_1073 = tpu.memref_squeeze %dma_start3A_1072 : memref<1x1x16xf32, #tpu.memory_space<hbm>> -> memref<16xf32, #tpu.memory_space<hbm>>
    tpu.enqueue_dma source(%dma_start3A_1073 : memref<16xf32, #tpu.memory_space<hbm>>) target(%dma_start3A_1071 : memref<16xf32, #tpu.memory_space<vmem>>) target_semaphore(%arg11 : memref<!tpu.dma_semaphore, #tpu.memory_space<semaphore_mem>>)
    %slice3A_1074 = vector.extract_strided_slice %get3A_1008 {offsets = [5], sizes = [1], strides = [1]} : vector<16xi32> to vector<1xi32>
    %squeeze3A_1075 = vector.extract %slice3A_1074[0] : i32 from vector<1xi32>
    %slice3A_1076 = vector.extract_strided_slice %get3A_1011 {offsets = [5], sizes = [1], strides = [1]} : vector<16xi32> to vector<1xi32>
    %squeeze3A_1077 = vector.extract %slice3A_1076[0] : i32 from vector<1xi32>
    %dma_start3A_1078 = arith.constant 1360 : i32
    %dma_start3A_1079 = tpu.memref_slice %arg8[%dma_start3A_1078] : memref<2048xf32, #tpu.memory_space<vmem>> -> memref<16xf32, #tpu.memory_space<vmem>>
    %dma_start3A_1080 = tpu.memref_slice %arg4[%squeeze3A_1077, %squeeze3A_1075, %add3A_1013] : memref<101x101x4096xf32, #tpu.memory_space<hbm>> -> memref<1x1x16xf32, #tpu.memory_space<hbm>>
    %dma_start3A_1081 = tpu.memref_squeeze %dma_start3A_1080 : memref<1x1x16xf32, #tpu.memory_space<hbm>> -> memref<16xf32, #tpu.memory_space<hbm>>
    %dma_start3A_1082 = arith.constant 1360 : i32
    %dma_start3A_1083 = tpu.memref_slice %arg8[%dma_start3A_1082] : memref<2048xf32, #tpu.memory_space<vmem>> -> memref<16xf32, #tpu.memory_space<vmem>>
    %dma_start3A_1084 = tpu.memref_slice %arg4[%squeeze3A_1077, %squeeze3A_1075, %add3A_1013] : memref<101x101x4096xf32, #tpu.memory_space<hbm>> -> memref<1x1x16xf32, #tpu.memory_space<hbm>>
    %dma_start3A_1085 = tpu.memref_squeeze %dma_start3A_1084 : memref<1x1x16xf32, #tpu.memory_space<hbm>> -> memref<16xf32, #tpu.memory_space<hbm>>
    tpu.enqueue_dma source(%dma_start3A_1085 : memref<16xf32, #tpu.memory_space<hbm>>) target(%dma_start3A_1083 : memref<16xf32, #tpu.memory_space<vmem>>) target_semaphore(%arg11 : memref<!tpu.dma_semaphore, #tpu.memory_space<semaphore_mem>>)
    %slice3A_1086 = vector.extract_strided_slice %get3A_1008 {offsets = [6], sizes = [1], strides = [1]} : vector<16xi32> to vector<1xi32>
    %squeeze3A_1087 = vector.extract %slice3A_1086[0] : i32 from vector<1xi32>
    %slice3A_1088 = vector.extract_strided_slice %get3A_1011 {offsets = [6], sizes = [1], strides = [1]} : vector<16xi32> to vector<1xi32>
    %squeeze3A_1089 = vector.extract %slice3A_1088[0] : i32 from vector<1xi32>
    %dma_start3A_1090 = arith.constant 1376 : i32
    %dma_start3A_1091 = tpu.memref_slice %arg8[%dma_start3A_1090] : memref<2048xf32, #tpu.memory_space<vmem>> -> memref<16xf32, #tpu.memory_space<vmem>>
    %dma_start3A_1092 = tpu.memref_slice %arg4[%squeeze3A_1089, %squeeze3A_1087, %add3A_1013] : memref<101x101x4096xf32, #tpu.memory_space<hbm>> -> memref<1x1x16xf32, #tpu.memory_space<hbm>>
    %dma_start3A_1093 = tpu.memref_squeeze %dma_start3A_1092 : memref<1x1x16xf32, #tpu.memory_space<hbm>> -> memref<16xf32, #tpu.memory_space<hbm>>
    %dma_start3A_1094 = arith.constant 1376 : i32
    %dma_start3A_1095 = tpu.memref_slice %arg8[%dma_start3A_1094] : memref<2048xf32, #tpu.memory_space<vmem>> -> memref<16xf32, #tpu.memory_space<vmem>>
    %dma_start3A_1096 = tpu.memref_slice %arg4[%squeeze3A_1089, %squeeze3A_1087, %add3A_1013] : memref<101x101x4096xf32, #tpu.memory_space<hbm>> -> memref<1x1x16xf32, #tpu.memory_space<hbm>>
    %dma_start3A_1097 = tpu.memref_squeeze %dma_start3A_1096 : memref<1x1x16xf32, #tpu.memory_space<hbm>> -> memref<16xf32, #tpu.memory_space<hbm>>
    tpu.enqueue_dma source(%dma_start3A_1097 : memref<16xf32, #tpu.memory_space<hbm>>) target(%dma_start3A_1095 : memref<16xf32, #tpu.memory_space<vmem>>) target_semaphore(%arg11 : memref<!tpu.dma_semaphore, #tpu.memory_space<semaphore_mem>>)
    %slice3A_1098 = vector.extract_strided_slice %get3A_1008 {offsets = [7], sizes = [1], strides = [1]} : vector<16xi32> to vector<1xi32>
    %squeeze3A_1099 = vector.extract %slice3A_1098[0] : i32 from vector<1xi32>
    %slice3A_1100 = vector.extract_strided_slice %get3A_1011 {offsets = [7], sizes = [1], strides = [1]} : vector<16xi32> to vector<1xi32>
    %squeeze3A_1101 = vector.extract %slice3A_1100[0] : i32 from vector<1xi32>
    %dma_start3A_1102 = arith.constant 1392 : i32
    %dma_start3A_1103 = tpu.memref_slice %arg8[%dma_start3A_1102] : memref<2048xf32, #tpu.memory_space<vmem>> -> memref<16xf32, #tpu.memory_space<vmem>>
    %dma_start3A_1104 = tpu.memref_slice %arg4[%squeeze3A_1101, %squeeze3A_1099, %add3A_1013] : memref<101x101x4096xf32, #tpu.memory_space<hbm>> -> memref<1x1x16xf32, #tpu.memory_space<hbm>>
    %dma_start3A_1105 = tpu.memref_squeeze %dma_start3A_1104 : memref<1x1x16xf32, #tpu.memory_space<hbm>> -> memref<16xf32, #tpu.memory_space<hbm>>
    %dma_start3A_1106 = arith.constant 1392 : i32
    %dma_start3A_1107 = tpu.memref_slice %arg8[%dma_start3A_1106] : memref<2048xf32, #tpu.memory_space<vmem>> -> memref<16xf32, #tpu.memory_space<vmem>>
    %dma_start3A_1108 = tpu.memref_slice %arg4[%squeeze3A_1101, %squeeze3A_1099, %add3A_1013] : memref<101x101x4096xf32, #tpu.memory_space<hbm>> -> memref<1x1x16xf32, #tpu.memory_space<hbm>>
    %dma_start3A_1109 = tpu.memref_squeeze %dma_start3A_1108 : memref<1x1x16xf32, #tpu.memory_space<hbm>> -> memref<16xf32, #tpu.memory_space<hbm>>
    tpu.enqueue_dma source(%dma_start3A_1109 : memref<16xf32, #tpu.memory_space<hbm>>) target(%dma_start3A_1107 : memref<16xf32, #tpu.memory_space<vmem>>) target_semaphore(%arg11 : memref<!tpu.dma_semaphore, #tpu.memory_space<semaphore_mem>>)
    %slice3A_1110 = vector.extract_strided_slice %get3A_1008 {offsets = [8], sizes = [1], strides = [1]} : vector<16xi32> to vector<1xi32>
    %squeeze3A_1111 = vector.extract %slice3A_1110[0] : i32 from vector<1xi32>
    %slice3A_1112 = vector.extract_strided_slice %get3A_1011 {offsets = [8], sizes = [1], strides = [1]} : vector<16xi32> to vector<1xi32>
    %squeeze3A_1113 = vector.extract %slice3A_1112[0] : i32 from vector<1xi32>
    %dma_start3A_1114 = arith.constant 1408 : i32
    %dma_start3A_1115 = tpu.memref_slice %arg8[%dma_start3A_1114] : memref<2048xf32, #tpu.memory_space<vmem>> -> memref<16xf32, #tpu.memory_space<vmem>>
    %dma_start3A_1116 = tpu.memref_slice %arg4[%squeeze3A_1113, %squeeze3A_1111, %add3A_1013] : memref<101x101x4096xf32, #tpu.memory_space<hbm>> -> memref<1x1x16xf32, #tpu.memory_space<hbm>>
    %dma_start3A_1117 = tpu.memref_squeeze %dma_start3A_1116 : memref<1x1x16xf32, #tpu.memory_space<hbm>> -> memref<16xf32, #tpu.memory_space<hbm>>
    %dma_start3A_1118 = arith.constant 1408 : i32
    %dma_start3A_1119 = tpu.memref_slice %arg8[%dma_start3A_1118] : memref<2048xf32, #tpu.memory_space<vmem>> -> memref<16xf32, #tpu.memory_space<vmem>>
    %dma_start3A_1120 = tpu.memref_slice %arg4[%squeeze3A_1113, %squeeze3A_1111, %add3A_1013] : memref<101x101x4096xf32, #tpu.memory_space<hbm>> -> memref<1x1x16xf32, #tpu.memory_space<hbm>>
    %dma_start3A_1121 = tpu.memref_squeeze %dma_start3A_1120 : memref<1x1x16xf32, #tpu.memory_space<hbm>> -> memref<16xf32, #tpu.memory_space<hbm>>
    tpu.enqueue_dma source(%dma_start3A_1121 : memref<16xf32, #tpu.memory_space<hbm>>) target(%dma_start3A_1119 : memref<16xf32, #tpu.memory_space<vmem>>) target_semaphore(%arg11 : memref<!tpu.dma_semaphore, #tpu.memory_space<semaphore_mem>>)
    %slice3A_1122 = vector.extract_strided_slice %get3A_1008 {offsets = [9], sizes = [1], strides = [1]} : vector<16xi32> to vector<1xi32>
    %squeeze3A_1123 = vector.extract %slice3A_1122[0] : i32 from vector<1xi32>
    %slice3A_1124 = vector.extract_strided_slice %get3A_1011 {offsets = [9], sizes = [1], strides = [1]} : vector<16xi32> to vector<1xi32>
    %squeeze3A_1125 = vector.extract %slice3A_1124[0] : i32 from vector<1xi32>
    %dma_start3A_1126 = arith.constant 1424 : i32
    %dma_start3A_1127 = tpu.memref_slice %arg8[%dma_start3A_1126] : memref<2048xf32, #tpu.memory_space<vmem>> -> memref<16xf32, #tpu.memory_space<vmem>>
    %dma_start3A_1128 = tpu.memref_slice %arg4[%squeeze3A_1125, %squeeze3A_1123, %add3A_1013] : memref<101x101x4096xf32, #tpu.memory_space<hbm>> -> memref<1x1x16xf32, #tpu.memory_space<hbm>>
    %dma_start3A_1129 = tpu.memref_squeeze %dma_start3A_1128 : memref<1x1x16xf32, #tpu.memory_space<hbm>> -> memref<16xf32, #tpu.memory_space<hbm>>
    %dma_start3A_1130 = arith.constant 1424 : i32
    %dma_start3A_1131 = tpu.memref_slice %arg8[%dma_start3A_1130] : memref<2048xf32, #tpu.memory_space<vmem>> -> memref<16xf32, #tpu.memory_space<vmem>>
    %dma_start3A_1132 = tpu.memref_slice %arg4[%squeeze3A_1125, %squeeze3A_1123, %add3A_1013] : memref<101x101x4096xf32, #tpu.memory_space<hbm>> -> memref<1x1x16xf32, #tpu.memory_space<hbm>>
    %dma_start3A_1133 = tpu.memref_squeeze %dma_start3A_1132 : memref<1x1x16xf32, #tpu.memory_space<hbm>> -> memref<16xf32, #tpu.memory_space<hbm>>
    tpu.enqueue_dma source(%dma_start3A_1133 : memref<16xf32, #tpu.memory_space<hbm>>) target(%dma_start3A_1131 : memref<16xf32, #tpu.memory_space<vmem>>) target_semaphore(%arg11 : memref<!tpu.dma_semaphore, #tpu.memory_space<semaphore_mem>>)
    %slice3A_1134 = vector.extract_strided_slice %get3A_1008 {offsets = [10], sizes = [1], strides = [1]} : vector<16xi32> to vector<1xi32>
    %squeeze3A_1135 = vector.extract %slice3A_1134[0] : i32 from vector<1xi32>
    %slice3A_1136 = vector.extract_strided_slice %get3A_1011 {offsets = [10], sizes = [1], strides = [1]} : vector<16xi32> to vector<1xi32>
    %squeeze3A_1137 = vector.extract %slice3A_1136[0] : i32 from vector<1xi32>
    %dma_start3A_1138 = arith.constant 1440 : i32
    %dma_start3A_1139 = tpu.memref_slice %arg8[%dma_start3A_1138] : memref<2048xf32, #tpu.memory_space<vmem>> -> memref<16xf32, #tpu.memory_space<vmem>>
    %dma_start3A_1140 = tpu.memref_slice %arg4[%squeeze3A_1137, %squeeze3A_1135, %add3A_1013] : memref<101x101x4096xf32, #tpu.memory_space<hbm>> -> memref<1x1x16xf32, #tpu.memory_space<hbm>>
    %dma_start3A_1141 = tpu.memref_squeeze %dma_start3A_1140 : memref<1x1x16xf32, #tpu.memory_space<hbm>> -> memref<16xf32, #tpu.memory_space<hbm>>
    %dma_start3A_1142 = arith.constant 1440 : i32
    %dma_start3A_1143 = tpu.memref_slice %arg8[%dma_start3A_1142] : memref<2048xf32, #tpu.memory_space<vmem>> -> memref<16xf32, #tpu.memory_space<vmem>>
    %dma_start3A_1144 = tpu.memref_slice %arg4[%squeeze3A_1137, %squeeze3A_1135, %add3A_1013] : memref<101x101x4096xf32, #tpu.memory_space<hbm>> -> memref<1x1x16xf32, #tpu.memory_space<hbm>>
    %dma_start3A_1145 = tpu.memref_squeeze %dma_start3A_1144 : memref<1x1x16xf32, #tpu.memory_space<hbm>> -> memref<16xf32, #tpu.memory_space<hbm>>
    tpu.enqueue_dma source(%dma_start3A_1145 : memref<16xf32, #tpu.memory_space<hbm>>) target(%dma_start3A_1143 : memref<16xf32, #tpu.memory_space<vmem>>) target_semaphore(%arg11 : memref<!tpu.dma_semaphore, #tpu.memory_space<semaphore_mem>>)
    %slice3A_1146 = vector.extract_strided_slice %get3A_1008 {offsets = [11], sizes = [1], strides = [1]} : vector<16xi32> to vector<1xi32>
    %squeeze3A_1147 = vector.extract %slice3A_1146[0] : i32 from vector<1xi32>
    %slice3A_1148 = vector.extract_strided_slice %get3A_1011 {offsets = [11], sizes = [1], strides = [1]} : vector<16xi32> to vector<1xi32>
    %squeeze3A_1149 = vector.extract %slice3A_1148[0] : i32 from vector<1xi32>
    %dma_start3A_1150 = arith.constant 1456 : i32
    %dma_start3A_1151 = tpu.memref_slice %arg8[%dma_start3A_1150] : memref<2048xf32, #tpu.memory_space<vmem>> -> memref<16xf32, #tpu.memory_space<vmem>>
    %dma_start3A_1152 = tpu.memref_slice %arg4[%squeeze3A_1149, %squeeze3A_1147, %add3A_1013] : memref<101x101x4096xf32, #tpu.memory_space<hbm>> -> memref<1x1x16xf32, #tpu.memory_space<hbm>>
    %dma_start3A_1153 = tpu.memref_squeeze %dma_start3A_1152 : memref<1x1x16xf32, #tpu.memory_space<hbm>> -> memref<16xf32, #tpu.memory_space<hbm>>
    %dma_start3A_1154 = arith.constant 1456 : i32
    %dma_start3A_1155 = tpu.memref_slice %arg8[%dma_start3A_1154] : memref<2048xf32, #tpu.memory_space<vmem>> -> memref<16xf32, #tpu.memory_space<vmem>>
    %dma_start3A_1156 = tpu.memref_slice %arg4[%squeeze3A_1149, %squeeze3A_1147, %add3A_1013] : memref<101x101x4096xf32, #tpu.memory_space<hbm>> -> memref<1x1x16xf32, #tpu.memory_space<hbm>>
    %dma_start3A_1157 = tpu.memref_squeeze %dma_start3A_1156 : memref<1x1x16xf32, #tpu.memory_space<hbm>> -> memref<16xf32, #tpu.memory_space<hbm>>
    tpu.enqueue_dma source(%dma_start3A_1157 : memref<16xf32, #tpu.memory_space<hbm>>) target(%dma_start3A_1155 : memref<16xf32, #tpu.memory_space<vmem>>) target_semaphore(%arg11 : memref<!tpu.dma_semaphore, #tpu.memory_space<semaphore_mem>>)
    %slice3A_1158 = vector.extract_strided_slice %get3A_1008 {offsets = [12], sizes = [1], strides = [1]} : vector<16xi32> to vector<1xi32>
    %squeeze3A_1159 = vector.extract %slice3A_1158[0] : i32 from vector<1xi32>
    %slice3A_1160 = vector.extract_strided_slice %get3A_1011 {offsets = [12], sizes = [1], strides = [1]} : vector<16xi32> to vector<1xi32>
    %squeeze3A_1161 = vector.extract %slice3A_1160[0] : i32 from vector<1xi32>
    %dma_start3A_1162 = arith.constant 1472 : i32
    %dma_start3A_1163 = tpu.memref_slice %arg8[%dma_start3A_1162] : memref<2048xf32, #tpu.memory_space<vmem>> -> memref<16xf32, #tpu.memory_space<vmem>>
    %dma_start3A_1164 = tpu.memref_slice %arg4[%squeeze3A_1161, %squeeze3A_1159, %add3A_1013] : memref<101x101x4096xf32, #tpu.memory_space<hbm>> -> memref<1x1x16xf32, #tpu.memory_space<hbm>>
    %dma_start3A_1165 = tpu.memref_squeeze %dma_start3A_1164 : memref<1x1x16xf32, #tpu.memory_space<hbm>> -> memref<16xf32, #tpu.memory_space<hbm>>
    %dma_start3A_1166 = arith.constant 1472 : i32
    %dma_start3A_1167 = tpu.memref_slice %arg8[%dma_start3A_1166] : memref<2048xf32, #tpu.memory_space<vmem>> -> memref<16xf32, #tpu.memory_space<vmem>>
    %dma_start3A_1168 = tpu.memref_slice %arg4[%squeeze3A_1161, %squeeze3A_1159, %add3A_1013] : memref<101x101x4096xf32, #tpu.memory_space<hbm>> -> memref<1x1x16xf32, #tpu.memory_space<hbm>>
    %dma_start3A_1169 = tpu.memref_squeeze %dma_start3A_1168 : memref<1x1x16xf32, #tpu.memory_space<hbm>> -> memref<16xf32, #tpu.memory_space<hbm>>
    tpu.enqueue_dma source(%dma_start3A_1169 : memref<16xf32, #tpu.memory_space<hbm>>) target(%dma_start3A_1167 : memref<16xf32, #tpu.memory_space<vmem>>) target_semaphore(%arg11 : memref<!tpu.dma_semaphore, #tpu.memory_space<semaphore_mem>>)
    %slice3A_1170 = vector.extract_strided_slice %get3A_1008 {offsets = [13], sizes = [1], strides = [1]} : vector<16xi32> to vector<1xi32>
    %squeeze3A_1171 = vector.extract %slice3A_1170[0] : i32 from vector<1xi32>
    %slice3A_1172 = vector.extract_strided_slice %get3A_1011 {offsets = [13], sizes = [1], strides = [1]} : vector<16xi32> to vector<1xi32>
    %squeeze3A_1173 = vector.extract %slice3A_1172[0] : i32 from vector<1xi32>
    %dma_start3A_1174 = arith.constant 1488 : i32
    %dma_start3A_1175 = tpu.memref_slice %arg8[%dma_start3A_1174] : memref<2048xf32, #tpu.memory_space<vmem>> -> memref<16xf32, #tpu.memory_space<vmem>>
    %dma_start3A_1176 = tpu.memref_slice %arg4[%squeeze3A_1173, %squeeze3A_1171, %add3A_1013] : memref<101x101x4096xf32, #tpu.memory_space<hbm>> -> memref<1x1x16xf32, #tpu.memory_space<hbm>>
    %dma_start3A_1177 = tpu.memref_squeeze %dma_start3A_1176 : memref<1x1x16xf32, #tpu.memory_space<hbm>> -> memref<16xf32, #tpu.memory_space<hbm>>
    %dma_start3A_1178 = arith.constant 1488 : i32
    %dma_start3A_1179 = tpu.memref_slice %arg8[%dma_start3A_1178] : memref<2048xf32, #tpu.memory_space<vmem>> -> memref<16xf32, #tpu.memory_space<vmem>>
    %dma_start3A_1180 = tpu.memref_slice %arg4[%squeeze3A_1173, %squeeze3A_1171, %add3A_1013] : memref<101x101x4096xf32, #tpu.memory_space<hbm>> -> memref<1x1x16xf32, #tpu.memory_space<hbm>>
    %dma_start3A_1181 = tpu.memref_squeeze %dma_start3A_1180 : memref<1x1x16xf32, #tpu.memory_space<hbm>> -> memref<16xf32, #tpu.memory_space<hbm>>
    tpu.enqueue_dma source(%dma_start3A_1181 : memref<16xf32, #tpu.memory_space<hbm>>) target(%dma_start3A_1179 : memref<16xf32, #tpu.memory_space<vmem>>) target_semaphore(%arg11 : memref<!tpu.dma_semaphore, #tpu.memory_space<semaphore_mem>>)
    %slice3A_1182 = vector.extract_strided_slice %get3A_1008 {offsets = [14], sizes = [1], strides = [1]} : vector<16xi32> to vector<1xi32>
    %squeeze3A_1183 = vector.extract %slice3A_1182[0] : i32 from vector<1xi32>
    %slice3A_1184 = vector.extract_strided_slice %get3A_1011 {offsets = [14], sizes = [1], strides = [1]} : vector<16xi32> to vector<1xi32>
    %squeeze3A_1185 = vector.extract %slice3A_1184[0] : i32 from vector<1xi32>
    %dma_start3A_1186 = arith.constant 1504 : i32
    %dma_start3A_1187 = tpu.memref_slice %arg8[%dma_start3A_1186] : memref<2048xf32, #tpu.memory_space<vmem>> -> memref<16xf32, #tpu.memory_space<vmem>>
    %dma_start3A_1188 = tpu.memref_slice %arg4[%squeeze3A_1185, %squeeze3A_1183, %add3A_1013] : memref<101x101x4096xf32, #tpu.memory_space<hbm>> -> memref<1x1x16xf32, #tpu.memory_space<hbm>>
    %dma_start3A_1189 = tpu.memref_squeeze %dma_start3A_1188 : memref<1x1x16xf32, #tpu.memory_space<hbm>> -> memref<16xf32, #tpu.memory_space<hbm>>
    %dma_start3A_1190 = arith.constant 1504 : i32
    %dma_start3A_1191 = tpu.memref_slice %arg8[%dma_start3A_1190] : memref<2048xf32, #tpu.memory_space<vmem>> -> memref<16xf32, #tpu.memory_space<vmem>>
    %dma_start3A_1192 = tpu.memref_slice %arg4[%squeeze3A_1185, %squeeze3A_1183, %add3A_1013] : memref<101x101x4096xf32, #tpu.memory_space<hbm>> -> memref<1x1x16xf32, #tpu.memory_space<hbm>>
    %dma_start3A_1193 = tpu.memref_squeeze %dma_start3A_1192 : memref<1x1x16xf32, #tpu.memory_space<hbm>> -> memref<16xf32, #tpu.memory_space<hbm>>
    tpu.enqueue_dma source(%dma_start3A_1193 : memref<16xf32, #tpu.memory_space<hbm>>) target(%dma_start3A_1191 : memref<16xf32, #tpu.memory_space<vmem>>) target_semaphore(%arg11 : memref<!tpu.dma_semaphore, #tpu.memory_space<semaphore_mem>>)
    %slice3A_1194 = vector.extract_strided_slice %get3A_1008 {offsets = [15], sizes = [1], strides = [1]} : vector<16xi32> to vector<1xi32>
    %squeeze3A_1195 = vector.extract %slice3A_1194[0] : i32 from vector<1xi32>
    %slice3A_1196 = vector.extract_strided_slice %get3A_1011 {offsets = [15], sizes = [1], strides = [1]} : vector<16xi32> to vector<1xi32>
    %squeeze3A_1197 = vector.extract %slice3A_1196[0] : i32 from vector<1xi32>
    %dma_start3A_1198 = arith.constant 1520 : i32
    %dma_start3A_1199 = tpu.memref_slice %arg8[%dma_start3A_1198] : memref<2048xf32, #tpu.memory_space<vmem>> -> memref<16xf32, #tpu.memory_space<vmem>>
    %dma_start3A_1200 = tpu.memref_slice %arg4[%squeeze3A_1197, %squeeze3A_1195, %add3A_1013] : memref<101x101x4096xf32, #tpu.memory_space<hbm>> -> memref<1x1x16xf32, #tpu.memory_space<hbm>>
    %dma_start3A_1201 = tpu.memref_squeeze %dma_start3A_1200 : memref<1x1x16xf32, #tpu.memory_space<hbm>> -> memref<16xf32, #tpu.memory_space<hbm>>
    %dma_start3A_1202 = arith.constant 1520 : i32
    %dma_start3A_1203 = tpu.memref_slice %arg8[%dma_start3A_1202] : memref<2048xf32, #tpu.memory_space<vmem>> -> memref<16xf32, #tpu.memory_space<vmem>>
    %dma_start3A_1204 = tpu.memref_slice %arg4[%squeeze3A_1197, %squeeze3A_1195, %add3A_1013] : memref<101x101x4096xf32, #tpu.memory_space<hbm>> -> memref<1x1x16xf32, #tpu.memory_space<hbm>>
    %dma_start3A_1205 = tpu.memref_squeeze %dma_start3A_1204 : memref<1x1x16xf32, #tpu.memory_space<hbm>> -> memref<16xf32, #tpu.memory_space<hbm>>
    tpu.enqueue_dma source(%dma_start3A_1205 : memref<16xf32, #tpu.memory_space<hbm>>) target(%dma_start3A_1203 : memref<16xf32, #tpu.memory_space<vmem>>) target_semaphore(%arg11 : memref<!tpu.dma_semaphore, #tpu.memory_space<semaphore_mem>>)
    %get3A_1206 = arith.constant 96 : index
    %get3A_1207 = tpu.vector_load %arg6[%get3A_1206] {strides = array<i32>} : memref<128xi32, #tpu.memory_space<vmem>>, vector<16xi32>,
    %get3A_1208 = vector.shape_cast %get3A_1207 : vector<16xi32> to vector<16xi32>
    %get3A_1209 = arith.constant 96 : index
    %get3A_1210 = tpu.vector_load %arg7[%get3A_1209] {strides = array<i32>} : memref<128xi32, #tpu.memory_space<vmem>>, vector<16xi32>,
    %get3A_1211 = vector.shape_cast %get3A_1210 : vector<16xi32> to vector<16xi32>
    %add3A_1212 = arith.constant 96 : i32
    %add3A_1213 = arith.addi %mul3A_2, %add3A_1212 : i32
    %slice3A_1214 = vector.extract_strided_slice %get3A_1208 {offsets = [0], sizes = [1], strides = [1]} : vector<16xi32> to vector<1xi32>
    %squeeze3A_1215 = vector.extract %slice3A_1214[0] : i32 from vector<1xi32>
    %slice3A_1216 = vector.extract_strided_slice %get3A_1211 {offsets = [0], sizes = [1], strides = [1]} : vector<16xi32> to vector<1xi32>
    %squeeze3A_1217 = vector.extract %slice3A_1216[0] : i32 from vector<1xi32>
    %dma_start3A_1218 = arith.constant 1536 : i32
    %dma_start3A_1219 = tpu.memref_slice %arg8[%dma_start3A_1218] : memref<2048xf32, #tpu.memory_space<vmem>> -> memref<16xf32, #tpu.memory_space<vmem>>
    %dma_start3A_1220 = tpu.memref_slice %arg4[%squeeze3A_1217, %squeeze3A_1215, %add3A_1213] : memref<101x101x4096xf32, #tpu.memory_space<hbm>> -> memref<1x1x16xf32, #tpu.memory_space<hbm>>
    %dma_start3A_1221 = tpu.memref_squeeze %dma_start3A_1220 : memref<1x1x16xf32, #tpu.memory_space<hbm>> -> memref<16xf32, #tpu.memory_space<hbm>>
    %dma_start3A_1222 = arith.constant 1536 : i32
    %dma_start3A_1223 = tpu.memref_slice %arg8[%dma_start3A_1222] : memref<2048xf32, #tpu.memory_space<vmem>> -> memref<16xf32, #tpu.memory_space<vmem>>
    %dma_start3A_1224 = tpu.memref_slice %arg4[%squeeze3A_1217, %squeeze3A_1215, %add3A_1213] : memref<101x101x4096xf32, #tpu.memory_space<hbm>> -> memref<1x1x16xf32, #tpu.memory_space<hbm>>
    %dma_start3A_1225 = tpu.memref_squeeze %dma_start3A_1224 : memref<1x1x16xf32, #tpu.memory_space<hbm>> -> memref<16xf32, #tpu.memory_space<hbm>>
    tpu.enqueue_dma source(%dma_start3A_1225 : memref<16xf32, #tpu.memory_space<hbm>>) target(%dma_start3A_1223 : memref<16xf32, #tpu.memory_space<vmem>>) target_semaphore(%arg11 : memref<!tpu.dma_semaphore, #tpu.memory_space<semaphore_mem>>)
    %slice3A_1226 = vector.extract_strided_slice %get3A_1208 {offsets = [1], sizes = [1], strides = [1]} : vector<16xi32> to vector<1xi32>
    %squeeze3A_1227 = vector.extract %slice3A_1226[0] : i32 from vector<1xi32>
    %slice3A_1228 = vector.extract_strided_slice %get3A_1211 {offsets = [1], sizes = [1], strides = [1]} : vector<16xi32> to vector<1xi32>
    %squeeze3A_1229 = vector.extract %slice3A_1228[0] : i32 from vector<1xi32>
    %dma_start3A_1230 = arith.constant 1552 : i32
    %dma_start3A_1231 = tpu.memref_slice %arg8[%dma_start3A_1230] : memref<2048xf32, #tpu.memory_space<vmem>> -> memref<16xf32, #tpu.memory_space<vmem>>
    %dma_start3A_1232 = tpu.memref_slice %arg4[%squeeze3A_1229, %squeeze3A_1227, %add3A_1213] : memref<101x101x4096xf32, #tpu.memory_space<hbm>> -> memref<1x1x16xf32, #tpu.memory_space<hbm>>
    %dma_start3A_1233 = tpu.memref_squeeze %dma_start3A_1232 : memref<1x1x16xf32, #tpu.memory_space<hbm>> -> memref<16xf32, #tpu.memory_space<hbm>>
    %dma_start3A_1234 = arith.constant 1552 : i32
    %dma_start3A_1235 = tpu.memref_slice %arg8[%dma_start3A_1234] : memref<2048xf32, #tpu.memory_space<vmem>> -> memref<16xf32, #tpu.memory_space<vmem>>
    %dma_start3A_1236 = tpu.memref_slice %arg4[%squeeze3A_1229, %squeeze3A_1227, %add3A_1213] : memref<101x101x4096xf32, #tpu.memory_space<hbm>> -> memref<1x1x16xf32, #tpu.memory_space<hbm>>
    %dma_start3A_1237 = tpu.memref_squeeze %dma_start3A_1236 : memref<1x1x16xf32, #tpu.memory_space<hbm>> -> memref<16xf32, #tpu.memory_space<hbm>>
    tpu.enqueue_dma source(%dma_start3A_1237 : memref<16xf32, #tpu.memory_space<hbm>>) target(%dma_start3A_1235 : memref<16xf32, #tpu.memory_space<vmem>>) target_semaphore(%arg11 : memref<!tpu.dma_semaphore, #tpu.memory_space<semaphore_mem>>)
    %slice3A_1238 = vector.extract_strided_slice %get3A_1208 {offsets = [2], sizes = [1], strides = [1]} : vector<16xi32> to vector<1xi32>
    %squeeze3A_1239 = vector.extract %slice3A_1238[0] : i32 from vector<1xi32>
    %slice3A_1240 = vector.extract_strided_slice %get3A_1211 {offsets = [2], sizes = [1], strides = [1]} : vector<16xi32> to vector<1xi32>
    %squeeze3A_1241 = vector.extract %slice3A_1240[0] : i32 from vector<1xi32>
    %dma_start3A_1242 = arith.constant 1568 : i32
    %dma_start3A_1243 = tpu.memref_slice %arg8[%dma_start3A_1242] : memref<2048xf32, #tpu.memory_space<vmem>> -> memref<16xf32, #tpu.memory_space<vmem>>
    %dma_start3A_1244 = tpu.memref_slice %arg4[%squeeze3A_1241, %squeeze3A_1239, %add3A_1213] : memref<101x101x4096xf32, #tpu.memory_space<hbm>> -> memref<1x1x16xf32, #tpu.memory_space<hbm>>
    %dma_start3A_1245 = tpu.memref_squeeze %dma_start3A_1244 : memref<1x1x16xf32, #tpu.memory_space<hbm>> -> memref<16xf32, #tpu.memory_space<hbm>>
    %dma_start3A_1246 = arith.constant 1568 : i32
    %dma_start3A_1247 = tpu.memref_slice %arg8[%dma_start3A_1246] : memref<2048xf32, #tpu.memory_space<vmem>> -> memref<16xf32, #tpu.memory_space<vmem>>
    %dma_start3A_1248 = tpu.memref_slice %arg4[%squeeze3A_1241, %squeeze3A_1239, %add3A_1213] : memref<101x101x4096xf32, #tpu.memory_space<hbm>> -> memref<1x1x16xf32, #tpu.memory_space<hbm>>
    %dma_start3A_1249 = tpu.memref_squeeze %dma_start3A_1248 : memref<1x1x16xf32, #tpu.memory_space<hbm>> -> memref<16xf32, #tpu.memory_space<hbm>>
    tpu.enqueue_dma source(%dma_start3A_1249 : memref<16xf32, #tpu.memory_space<hbm>>) target(%dma_start3A_1247 : memref<16xf32, #tpu.memory_space<vmem>>) target_semaphore(%arg11 : memref<!tpu.dma_semaphore, #tpu.memory_space<semaphore_mem>>)
    %slice3A_1250 = vector.extract_strided_slice %get3A_1208 {offsets = [3], sizes = [1], strides = [1]} : vector<16xi32> to vector<1xi32>
    %squeeze3A_1251 = vector.extract %slice3A_1250[0] : i32 from vector<1xi32>
    %slice3A_1252 = vector.extract_strided_slice %get3A_1211 {offsets = [3], sizes = [1], strides = [1]} : vector<16xi32> to vector<1xi32>
    %squeeze3A_1253 = vector.extract %slice3A_1252[0] : i32 from vector<1xi32>
    %dma_start3A_1254 = arith.constant 1584 : i32
    %dma_start3A_1255 = tpu.memref_slice %arg8[%dma_start3A_1254] : memref<2048xf32, #tpu.memory_space<vmem>> -> memref<16xf32, #tpu.memory_space<vmem>>
    %dma_start3A_1256 = tpu.memref_slice %arg4[%squeeze3A_1253, %squeeze3A_1251, %add3A_1213] : memref<101x101x4096xf32, #tpu.memory_space<hbm>> -> memref<1x1x16xf32, #tpu.memory_space<hbm>>
    %dma_start3A_1257 = tpu.memref_squeeze %dma_start3A_1256 : memref<1x1x16xf32, #tpu.memory_space<hbm>> -> memref<16xf32, #tpu.memory_space<hbm>>
    %dma_start3A_1258 = arith.constant 1584 : i32
    %dma_start3A_1259 = tpu.memref_slice %arg8[%dma_start3A_1258] : memref<2048xf32, #tpu.memory_space<vmem>> -> memref<16xf32, #tpu.memory_space<vmem>>
    %dma_start3A_1260 = tpu.memref_slice %arg4[%squeeze3A_1253, %squeeze3A_1251, %add3A_1213] : memref<101x101x4096xf32, #tpu.memory_space<hbm>> -> memref<1x1x16xf32, #tpu.memory_space<hbm>>
    %dma_start3A_1261 = tpu.memref_squeeze %dma_start3A_1260 : memref<1x1x16xf32, #tpu.memory_space<hbm>> -> memref<16xf32, #tpu.memory_space<hbm>>
    tpu.enqueue_dma source(%dma_start3A_1261 : memref<16xf32, #tpu.memory_space<hbm>>) target(%dma_start3A_1259 : memref<16xf32, #tpu.memory_space<vmem>>) target_semaphore(%arg11 : memref<!tpu.dma_semaphore, #tpu.memory_space<semaphore_mem>>)
    %slice3A_1262 = vector.extract_strided_slice %get3A_1208 {offsets = [4], sizes = [1], strides = [1]} : vector<16xi32> to vector<1xi32>
    %squeeze3A_1263 = vector.extract %slice3A_1262[0] : i32 from vector<1xi32>
    %slice3A_1264 = vector.extract_strided_slice %get3A_1211 {offsets = [4], sizes = [1], strides = [1]} : vector<16xi32> to vector<1xi32>
    %squeeze3A_1265 = vector.extract %slice3A_1264[0] : i32 from vector<1xi32>
    %dma_start3A_1266 = arith.constant 1600 : i32
    %dma_start3A_1267 = tpu.memref_slice %arg8[%dma_start3A_1266] : memref<2048xf32, #tpu.memory_space<vmem>> -> memref<16xf32, #tpu.memory_space<vmem>>
    %dma_start3A_1268 = tpu.memref_slice %arg4[%squeeze3A_1265, %squeeze3A_1263, %add3A_1213] : memref<101x101x4096xf32, #tpu.memory_space<hbm>> -> memref<1x1x16xf32, #tpu.memory_space<hbm>>
    %dma_start3A_1269 = tpu.memref_squeeze %dma_start3A_1268 : memref<1x1x16xf32, #tpu.memory_space<hbm>> -> memref<16xf32, #tpu.memory_space<hbm>>
    %dma_start3A_1270 = arith.constant 1600 : i32
    %dma_start3A_1271 = tpu.memref_slice %arg8[%dma_start3A_1270] : memref<2048xf32, #tpu.memory_space<vmem>> -> memref<16xf32, #tpu.memory_space<vmem>>
    %dma_start3A_1272 = tpu.memref_slice %arg4[%squeeze3A_1265, %squeeze3A_1263, %add3A_1213] : memref<101x101x4096xf32, #tpu.memory_space<hbm>> -> memref<1x1x16xf32, #tpu.memory_space<hbm>>
    %dma_start3A_1273 = tpu.memref_squeeze %dma_start3A_1272 : memref<1x1x16xf32, #tpu.memory_space<hbm>> -> memref<16xf32, #tpu.memory_space<hbm>>
    tpu.enqueue_dma source(%dma_start3A_1273 : memref<16xf32, #tpu.memory_space<hbm>>) target(%dma_start3A_1271 : memref<16xf32, #tpu.memory_space<vmem>>) target_semaphore(%arg11 : memref<!tpu.dma_semaphore, #tpu.memory_space<semaphore_mem>>)
    %slice3A_1274 = vector.extract_strided_slice %get3A_1208 {offsets = [5], sizes = [1], strides = [1]} : vector<16xi32> to vector<1xi32>
    %squeeze3A_1275 = vector.extract %slice3A_1274[0] : i32 from vector<1xi32>
    %slice3A_1276 = vector.extract_strided_slice %get3A_1211 {offsets = [5], sizes = [1], strides = [1]} : vector<16xi32> to vector<1xi32>
    %squeeze3A_1277 = vector.extract %slice3A_1276[0] : i32 from vector<1xi32>
    %dma_start3A_1278 = arith.constant 1616 : i32
    %dma_start3A_1279 = tpu.memref_slice %arg8[%dma_start3A_1278] : memref<2048xf32, #tpu.memory_space<vmem>> -> memref<16xf32, #tpu.memory_space<vmem>>
    %dma_start3A_1280 = tpu.memref_slice %arg4[%squeeze3A_1277, %squeeze3A_1275, %add3A_1213] : memref<101x101x4096xf32, #tpu.memory_space<hbm>> -> memref<1x1x16xf32, #tpu.memory_space<hbm>>
    %dma_start3A_1281 = tpu.memref_squeeze %dma_start3A_1280 : memref<1x1x16xf32, #tpu.memory_space<hbm>> -> memref<16xf32, #tpu.memory_space<hbm>>
    %dma_start3A_1282 = arith.constant 1616 : i32
    %dma_start3A_1283 = tpu.memref_slice %arg8[%dma_start3A_1282] : memref<2048xf32, #tpu.memory_space<vmem>> -> memref<16xf32, #tpu.memory_space<vmem>>
    %dma_start3A_1284 = tpu.memref_slice %arg4[%squeeze3A_1277, %squeeze3A_1275, %add3A_1213] : memref<101x101x4096xf32, #tpu.memory_space<hbm>> -> memref<1x1x16xf32, #tpu.memory_space<hbm>>
    %dma_start3A_1285 = tpu.memref_squeeze %dma_start3A_1284 : memref<1x1x16xf32, #tpu.memory_space<hbm>> -> memref<16xf32, #tpu.memory_space<hbm>>
    tpu.enqueue_dma source(%dma_start3A_1285 : memref<16xf32, #tpu.memory_space<hbm>>) target(%dma_start3A_1283 : memref<16xf32, #tpu.memory_space<vmem>>) target_semaphore(%arg11 : memref<!tpu.dma_semaphore, #tpu.memory_space<semaphore_mem>>)
    %slice3A_1286 = vector.extract_strided_slice %get3A_1208 {offsets = [6], sizes = [1], strides = [1]} : vector<16xi32> to vector<1xi32>
    %squeeze3A_1287 = vector.extract %slice3A_1286[0] : i32 from vector<1xi32>
    %slice3A_1288 = vector.extract_strided_slice %get3A_1211 {offsets = [6], sizes = [1], strides = [1]} : vector<16xi32> to vector<1xi32>
    %squeeze3A_1289 = vector.extract %slice3A_1288[0] : i32 from vector<1xi32>
    %dma_start3A_1290 = arith.constant 1632 : i32
    %dma_start3A_1291 = tpu.memref_slice %arg8[%dma_start3A_1290] : memref<2048xf32, #tpu.memory_space<vmem>> -> memref<16xf32, #tpu.memory_space<vmem>>
    %dma_start3A_1292 = tpu.memref_slice %arg4[%squeeze3A_1289, %squeeze3A_1287, %add3A_1213] : memref<101x101x4096xf32, #tpu.memory_space<hbm>> -> memref<1x1x16xf32, #tpu.memory_space<hbm>>
    %dma_start3A_1293 = tpu.memref_squeeze %dma_start3A_1292 : memref<1x1x16xf32, #tpu.memory_space<hbm>> -> memref<16xf32, #tpu.memory_space<hbm>>
    %dma_start3A_1294 = arith.constant 1632 : i32
    %dma_start3A_1295 = tpu.memref_slice %arg8[%dma_start3A_1294] : memref<2048xf32, #tpu.memory_space<vmem>> -> memref<16xf32, #tpu.memory_space<vmem>>
    %dma_start3A_1296 = tpu.memref_slice %arg4[%squeeze3A_1289, %squeeze3A_1287, %add3A_1213] : memref<101x101x4096xf32, #tpu.memory_space<hbm>> -> memref<1x1x16xf32, #tpu.memory_space<hbm>>
    %dma_start3A_1297 = tpu.memref_squeeze %dma_start3A_1296 : memref<1x1x16xf32, #tpu.memory_space<hbm>> -> memref<16xf32, #tpu.memory_space<hbm>>
    tpu.enqueue_dma source(%dma_start3A_1297 : memref<16xf32, #tpu.memory_space<hbm>>) target(%dma_start3A_1295 : memref<16xf32, #tpu.memory_space<vmem>>) target_semaphore(%arg11 : memref<!tpu.dma_semaphore, #tpu.memory_space<semaphore_mem>>)
    %slice3A_1298 = vector.extract_strided_slice %get3A_1208 {offsets = [7], sizes = [1], strides = [1]} : vector<16xi32> to vector<1xi32>
    %squeeze3A_1299 = vector.extract %slice3A_1298[0] : i32 from vector<1xi32>
    %slice3A_1300 = vector.extract_strided_slice %get3A_1211 {offsets = [7], sizes = [1], strides = [1]} : vector<16xi32> to vector<1xi32>
    %squeeze3A_1301 = vector.extract %slice3A_1300[0] : i32 from vector<1xi32>
    %dma_start3A_1302 = arith.constant 1648 : i32
    %dma_start3A_1303 = tpu.memref_slice %arg8[%dma_start3A_1302] : memref<2048xf32, #tpu.memory_space<vmem>> -> memref<16xf32, #tpu.memory_space<vmem>>
    %dma_start3A_1304 = tpu.memref_slice %arg4[%squeeze3A_1301, %squeeze3A_1299, %add3A_1213] : memref<101x101x4096xf32, #tpu.memory_space<hbm>> -> memref<1x1x16xf32, #tpu.memory_space<hbm>>
    %dma_start3A_1305 = tpu.memref_squeeze %dma_start3A_1304 : memref<1x1x16xf32, #tpu.memory_space<hbm>> -> memref<16xf32, #tpu.memory_space<hbm>>
    %dma_start3A_1306 = arith.constant 1648 : i32
    %dma_start3A_1307 = tpu.memref_slice %arg8[%dma_start3A_1306] : memref<2048xf32, #tpu.memory_space<vmem>> -> memref<16xf32, #tpu.memory_space<vmem>>
    %dma_start3A_1308 = tpu.memref_slice %arg4[%squeeze3A_1301, %squeeze3A_1299, %add3A_1213] : memref<101x101x4096xf32, #tpu.memory_space<hbm>> -> memref<1x1x16xf32, #tpu.memory_space<hbm>>
    %dma_start3A_1309 = tpu.memref_squeeze %dma_start3A_1308 : memref<1x1x16xf32, #tpu.memory_space<hbm>> -> memref<16xf32, #tpu.memory_space<hbm>>
    tpu.enqueue_dma source(%dma_start3A_1309 : memref<16xf32, #tpu.memory_space<hbm>>) target(%dma_start3A_1307 : memref<16xf32, #tpu.memory_space<vmem>>) target_semaphore(%arg11 : memref<!tpu.dma_semaphore, #tpu.memory_space<semaphore_mem>>)
    %slice3A_1310 = vector.extract_strided_slice %get3A_1208 {offsets = [8], sizes = [1], strides = [1]} : vector<16xi32> to vector<1xi32>
    %squeeze3A_1311 = vector.extract %slice3A_1310[0] : i32 from vector<1xi32>
    %slice3A_1312 = vector.extract_strided_slice %get3A_1211 {offsets = [8], sizes = [1], strides = [1]} : vector<16xi32> to vector<1xi32>
    %squeeze3A_1313 = vector.extract %slice3A_1312[0] : i32 from vector<1xi32>
    %dma_start3A_1314 = arith.constant 1664 : i32
    %dma_start3A_1315 = tpu.memref_slice %arg8[%dma_start3A_1314] : memref<2048xf32, #tpu.memory_space<vmem>> -> memref<16xf32, #tpu.memory_space<vmem>>
    %dma_start3A_1316 = tpu.memref_slice %arg4[%squeeze3A_1313, %squeeze3A_1311, %add3A_1213] : memref<101x101x4096xf32, #tpu.memory_space<hbm>> -> memref<1x1x16xf32, #tpu.memory_space<hbm>>
    %dma_start3A_1317 = tpu.memref_squeeze %dma_start3A_1316 : memref<1x1x16xf32, #tpu.memory_space<hbm>> -> memref<16xf32, #tpu.memory_space<hbm>>
    %dma_start3A_1318 = arith.constant 1664 : i32
    %dma_start3A_1319 = tpu.memref_slice %arg8[%dma_start3A_1318] : memref<2048xf32, #tpu.memory_space<vmem>> -> memref<16xf32, #tpu.memory_space<vmem>>
    %dma_start3A_1320 = tpu.memref_slice %arg4[%squeeze3A_1313, %squeeze3A_1311, %add3A_1213] : memref<101x101x4096xf32, #tpu.memory_space<hbm>> -> memref<1x1x16xf32, #tpu.memory_space<hbm>>
    %dma_start3A_1321 = tpu.memref_squeeze %dma_start3A_1320 : memref<1x1x16xf32, #tpu.memory_space<hbm>> -> memref<16xf32, #tpu.memory_space<hbm>>
    tpu.enqueue_dma source(%dma_start3A_1321 : memref<16xf32, #tpu.memory_space<hbm>>) target(%dma_start3A_1319 : memref<16xf32, #tpu.memory_space<vmem>>) target_semaphore(%arg11 : memref<!tpu.dma_semaphore, #tpu.memory_space<semaphore_mem>>)
    %slice3A_1322 = vector.extract_strided_slice %get3A_1208 {offsets = [9], sizes = [1], strides = [1]} : vector<16xi32> to vector<1xi32>
    %squeeze3A_1323 = vector.extract %slice3A_1322[0] : i32 from vector<1xi32>
    %slice3A_1324 = vector.extract_strided_slice %get3A_1211 {offsets = [9], sizes = [1], strides = [1]} : vector<16xi32> to vector<1xi32>
    %squeeze3A_1325 = vector.extract %slice3A_1324[0] : i32 from vector<1xi32>
    %dma_start3A_1326 = arith.constant 1680 : i32
    %dma_start3A_1327 = tpu.memref_slice %arg8[%dma_start3A_1326] : memref<2048xf32, #tpu.memory_space<vmem>> -> memref<16xf32, #tpu.memory_space<vmem>>
    %dma_start3A_1328 = tpu.memref_slice %arg4[%squeeze3A_1325, %squeeze3A_1323, %add3A_1213] : memref<101x101x4096xf32, #tpu.memory_space<hbm>> -> memref<1x1x16xf32, #tpu.memory_space<hbm>>
    %dma_start3A_1329 = tpu.memref_squeeze %dma_start3A_1328 : memref<1x1x16xf32, #tpu.memory_space<hbm>> -> memref<16xf32, #tpu.memory_space<hbm>>
    %dma_start3A_1330 = arith.constant 1680 : i32
    %dma_start3A_1331 = tpu.memref_slice %arg8[%dma_start3A_1330] : memref<2048xf32, #tpu.memory_space<vmem>> -> memref<16xf32, #tpu.memory_space<vmem>>
    %dma_start3A_1332 = tpu.memref_slice %arg4[%squeeze3A_1325, %squeeze3A_1323, %add3A_1213] : memref<101x101x4096xf32, #tpu.memory_space<hbm>> -> memref<1x1x16xf32, #tpu.memory_space<hbm>>
    %dma_start3A_1333 = tpu.memref_squeeze %dma_start3A_1332 : memref<1x1x16xf32, #tpu.memory_space<hbm>> -> memref<16xf32, #tpu.memory_space<hbm>>
    tpu.enqueue_dma source(%dma_start3A_1333 : memref<16xf32, #tpu.memory_space<hbm>>) target(%dma_start3A_1331 : memref<16xf32, #tpu.memory_space<vmem>>) target_semaphore(%arg11 : memref<!tpu.dma_semaphore, #tpu.memory_space<semaphore_mem>>)
    %slice3A_1334 = vector.extract_strided_slice %get3A_1208 {offsets = [10], sizes = [1], strides = [1]} : vector<16xi32> to vector<1xi32>
    %squeeze3A_1335 = vector.extract %slice3A_1334[0] : i32 from vector<1xi32>
    %slice3A_1336 = vector.extract_strided_slice %get3A_1211 {offsets = [10], sizes = [1], strides = [1]} : vector<16xi32> to vector<1xi32>
    %squeeze3A_1337 = vector.extract %slice3A_1336[0] : i32 from vector<1xi32>
    %dma_start3A_1338 = arith.constant 1696 : i32
    %dma_start3A_1339 = tpu.memref_slice %arg8[%dma_start3A_1338] : memref<2048xf32, #tpu.memory_space<vmem>> -> memref<16xf32, #tpu.memory_space<vmem>>
    %dma_start3A_1340 = tpu.memref_slice %arg4[%squeeze3A_1337, %squeeze3A_1335, %add3A_1213] : memref<101x101x4096xf32, #tpu.memory_space<hbm>> -> memref<1x1x16xf32, #tpu.memory_space<hbm>>
    %dma_start3A_1341 = tpu.memref_squeeze %dma_start3A_1340 : memref<1x1x16xf32, #tpu.memory_space<hbm>> -> memref<16xf32, #tpu.memory_space<hbm>>
    %dma_start3A_1342 = arith.constant 1696 : i32
    %dma_start3A_1343 = tpu.memref_slice %arg8[%dma_start3A_1342] : memref<2048xf32, #tpu.memory_space<vmem>> -> memref<16xf32, #tpu.memory_space<vmem>>
    %dma_start3A_1344 = tpu.memref_slice %arg4[%squeeze3A_1337, %squeeze3A_1335, %add3A_1213] : memref<101x101x4096xf32, #tpu.memory_space<hbm>> -> memref<1x1x16xf32, #tpu.memory_space<hbm>>
    %dma_start3A_1345 = tpu.memref_squeeze %dma_start3A_1344 : memref<1x1x16xf32, #tpu.memory_space<hbm>> -> memref<16xf32, #tpu.memory_space<hbm>>
    tpu.enqueue_dma source(%dma_start3A_1345 : memref<16xf32, #tpu.memory_space<hbm>>) target(%dma_start3A_1343 : memref<16xf32, #tpu.memory_space<vmem>>) target_semaphore(%arg11 : memref<!tpu.dma_semaphore, #tpu.memory_space<semaphore_mem>>)
    %slice3A_1346 = vector.extract_strided_slice %get3A_1208 {offsets = [11], sizes = [1], strides = [1]} : vector<16xi32> to vector<1xi32>
    %squeeze3A_1347 = vector.extract %slice3A_1346[0] : i32 from vector<1xi32>
    %slice3A_1348 = vector.extract_strided_slice %get3A_1211 {offsets = [11], sizes = [1], strides = [1]} : vector<16xi32> to vector<1xi32>
    %squeeze3A_1349 = vector.extract %slice3A_1348[0] : i32 from vector<1xi32>
    %dma_start3A_1350 = arith.constant 1712 : i32
    %dma_start3A_1351 = tpu.memref_slice %arg8[%dma_start3A_1350] : memref<2048xf32, #tpu.memory_space<vmem>> -> memref<16xf32, #tpu.memory_space<vmem>>
    %dma_start3A_1352 = tpu.memref_slice %arg4[%squeeze3A_1349, %squeeze3A_1347, %add3A_1213] : memref<101x101x4096xf32, #tpu.memory_space<hbm>> -> memref<1x1x16xf32, #tpu.memory_space<hbm>>
    %dma_start3A_1353 = tpu.memref_squeeze %dma_start3A_1352 : memref<1x1x16xf32, #tpu.memory_space<hbm>> -> memref<16xf32, #tpu.memory_space<hbm>>
    %dma_start3A_1354 = arith.constant 1712 : i32
    %dma_start3A_1355 = tpu.memref_slice %arg8[%dma_start3A_1354] : memref<2048xf32, #tpu.memory_space<vmem>> -> memref<16xf32, #tpu.memory_space<vmem>>
    %dma_start3A_1356 = tpu.memref_slice %arg4[%squeeze3A_1349, %squeeze3A_1347, %add3A_1213] : memref<101x101x4096xf32, #tpu.memory_space<hbm>> -> memref<1x1x16xf32, #tpu.memory_space<hbm>>
    %dma_start3A_1357 = tpu.memref_squeeze %dma_start3A_1356 : memref<1x1x16xf32, #tpu.memory_space<hbm>> -> memref<16xf32, #tpu.memory_space<hbm>>
    tpu.enqueue_dma source(%dma_start3A_1357 : memref<16xf32, #tpu.memory_space<hbm>>) target(%dma_start3A_1355 : memref<16xf32, #tpu.memory_space<vmem>>) target_semaphore(%arg11 : memref<!tpu.dma_semaphore, #tpu.memory_space<semaphore_mem>>)
    %slice3A_1358 = vector.extract_strided_slice %get3A_1208 {offsets = [12], sizes = [1], strides = [1]} : vector<16xi32> to vector<1xi32>
    %squeeze3A_1359 = vector.extract %slice3A_1358[0] : i32 from vector<1xi32>
    %slice3A_1360 = vector.extract_strided_slice %get3A_1211 {offsets = [12], sizes = [1], strides = [1]} : vector<16xi32> to vector<1xi32>
    %squeeze3A_1361 = vector.extract %slice3A_1360[0] : i32 from vector<1xi32>
    %dma_start3A_1362 = arith.constant 1728 : i32
    %dma_start3A_1363 = tpu.memref_slice %arg8[%dma_start3A_1362] : memref<2048xf32, #tpu.memory_space<vmem>> -> memref<16xf32, #tpu.memory_space<vmem>>
    %dma_start3A_1364 = tpu.memref_slice %arg4[%squeeze3A_1361, %squeeze3A_1359, %add3A_1213] : memref<101x101x4096xf32, #tpu.memory_space<hbm>> -> memref<1x1x16xf32, #tpu.memory_space<hbm>>
    %dma_start3A_1365 = tpu.memref_squeeze %dma_start3A_1364 : memref<1x1x16xf32, #tpu.memory_space<hbm>> -> memref<16xf32, #tpu.memory_space<hbm>>
    %dma_start3A_1366 = arith.constant 1728 : i32
    %dma_start3A_1367 = tpu.memref_slice %arg8[%dma_start3A_1366] : memref<2048xf32, #tpu.memory_space<vmem>> -> memref<16xf32, #tpu.memory_space<vmem>>
    %dma_start3A_1368 = tpu.memref_slice %arg4[%squeeze3A_1361, %squeeze3A_1359, %add3A_1213] : memref<101x101x4096xf32, #tpu.memory_space<hbm>> -> memref<1x1x16xf32, #tpu.memory_space<hbm>>
    %dma_start3A_1369 = tpu.memref_squeeze %dma_start3A_1368 : memref<1x1x16xf32, #tpu.memory_space<hbm>> -> memref<16xf32, #tpu.memory_space<hbm>>
    tpu.enqueue_dma source(%dma_start3A_1369 : memref<16xf32, #tpu.memory_space<hbm>>) target(%dma_start3A_1367 : memref<16xf32, #tpu.memory_space<vmem>>) target_semaphore(%arg11 : memref<!tpu.dma_semaphore, #tpu.memory_space<semaphore_mem>>)
    %slice3A_1370 = vector.extract_strided_slice %get3A_1208 {offsets = [13], sizes = [1], strides = [1]} : vector<16xi32> to vector<1xi32>
    %squeeze3A_1371 = vector.extract %slice3A_1370[0] : i32 from vector<1xi32>
    %slice3A_1372 = vector.extract_strided_slice %get3A_1211 {offsets = [13], sizes = [1], strides = [1]} : vector<16xi32> to vector<1xi32>
    %squeeze3A_1373 = vector.extract %slice3A_1372[0] : i32 from vector<1xi32>
    %dma_start3A_1374 = arith.constant 1744 : i32
    %dma_start3A_1375 = tpu.memref_slice %arg8[%dma_start3A_1374] : memref<2048xf32, #tpu.memory_space<vmem>> -> memref<16xf32, #tpu.memory_space<vmem>>
    %dma_start3A_1376 = tpu.memref_slice %arg4[%squeeze3A_1373, %squeeze3A_1371, %add3A_1213] : memref<101x101x4096xf32, #tpu.memory_space<hbm>> -> memref<1x1x16xf32, #tpu.memory_space<hbm>>
    %dma_start3A_1377 = tpu.memref_squeeze %dma_start3A_1376 : memref<1x1x16xf32, #tpu.memory_space<hbm>> -> memref<16xf32, #tpu.memory_space<hbm>>
    %dma_start3A_1378 = arith.constant 1744 : i32
    %dma_start3A_1379 = tpu.memref_slice %arg8[%dma_start3A_1378] : memref<2048xf32, #tpu.memory_space<vmem>> -> memref<16xf32, #tpu.memory_space<vmem>>
    %dma_start3A_1380 = tpu.memref_slice %arg4[%squeeze3A_1373, %squeeze3A_1371, %add3A_1213] : memref<101x101x4096xf32, #tpu.memory_space<hbm>> -> memref<1x1x16xf32, #tpu.memory_space<hbm>>
    %dma_start3A_1381 = tpu.memref_squeeze %dma_start3A_1380 : memref<1x1x16xf32, #tpu.memory_space<hbm>> -> memref<16xf32, #tpu.memory_space<hbm>>
    tpu.enqueue_dma source(%dma_start3A_1381 : memref<16xf32, #tpu.memory_space<hbm>>) target(%dma_start3A_1379 : memref<16xf32, #tpu.memory_space<vmem>>) target_semaphore(%arg11 : memref<!tpu.dma_semaphore, #tpu.memory_space<semaphore_mem>>)
    %slice3A_1382 = vector.extract_strided_slice %get3A_1208 {offsets = [14], sizes = [1], strides = [1]} : vector<16xi32> to vector<1xi32>
    %squeeze3A_1383 = vector.extract %slice3A_1382[0] : i32 from vector<1xi32>
    %slice3A_1384 = vector.extract_strided_slice %get3A_1211 {offsets = [14], sizes = [1], strides = [1]} : vector<16xi32> to vector<1xi32>
    %squeeze3A_1385 = vector.extract %slice3A_1384[0] : i32 from vector<1xi32>
    %dma_start3A_1386 = arith.constant 1760 : i32
    %dma_start3A_1387 = tpu.memref_slice %arg8[%dma_start3A_1386] : memref<2048xf32, #tpu.memory_space<vmem>> -> memref<16xf32, #tpu.memory_space<vmem>>
    %dma_start3A_1388 = tpu.memref_slice %arg4[%squeeze3A_1385, %squeeze3A_1383, %add3A_1213] : memref<101x101x4096xf32, #tpu.memory_space<hbm>> -> memref<1x1x16xf32, #tpu.memory_space<hbm>>
    %dma_start3A_1389 = tpu.memref_squeeze %dma_start3A_1388 : memref<1x1x16xf32, #tpu.memory_space<hbm>> -> memref<16xf32, #tpu.memory_space<hbm>>
    %dma_start3A_1390 = arith.constant 1760 : i32
    %dma_start3A_1391 = tpu.memref_slice %arg8[%dma_start3A_1390] : memref<2048xf32, #tpu.memory_space<vmem>> -> memref<16xf32, #tpu.memory_space<vmem>>
    %dma_start3A_1392 = tpu.memref_slice %arg4[%squeeze3A_1385, %squeeze3A_1383, %add3A_1213] : memref<101x101x4096xf32, #tpu.memory_space<hbm>> -> memref<1x1x16xf32, #tpu.memory_space<hbm>>
    %dma_start3A_1393 = tpu.memref_squeeze %dma_start3A_1392 : memref<1x1x16xf32, #tpu.memory_space<hbm>> -> memref<16xf32, #tpu.memory_space<hbm>>
    tpu.enqueue_dma source(%dma_start3A_1393 : memref<16xf32, #tpu.memory_space<hbm>>) target(%dma_start3A_1391 : memref<16xf32, #tpu.memory_space<vmem>>) target_semaphore(%arg11 : memref<!tpu.dma_semaphore, #tpu.memory_space<semaphore_mem>>)
    %slice3A_1394 = vector.extract_strided_slice %get3A_1208 {offsets = [15], sizes = [1], strides = [1]} : vector<16xi32> to vector<1xi32>
    %squeeze3A_1395 = vector.extract %slice3A_1394[0] : i32 from vector<1xi32>
    %slice3A_1396 = vector.extract_strided_slice %get3A_1211 {offsets = [15], sizes = [1], strides = [1]} : vector<16xi32> to vector<1xi32>
    %squeeze3A_1397 = vector.extract %slice3A_1396[0] : i32 from vector<1xi32>
    %dma_start3A_1398 = arith.constant 1776 : i32
    %dma_start3A_1399 = tpu.memref_slice %arg8[%dma_start3A_1398] : memref<2048xf32, #tpu.memory_space<vmem>> -> memref<16xf32, #tpu.memory_space<vmem>>
    %dma_start3A_1400 = tpu.memref_slice %arg4[%squeeze3A_1397, %squeeze3A_1395, %add3A_1213] : memref<101x101x4096xf32, #tpu.memory_space<hbm>> -> memref<1x1x16xf32, #tpu.memory_space<hbm>>
    %dma_start3A_1401 = tpu.memref_squeeze %dma_start3A_1400 : memref<1x1x16xf32, #tpu.memory_space<hbm>> -> memref<16xf32, #tpu.memory_space<hbm>>
    %dma_start3A_1402 = arith.constant 1776 : i32
    %dma_start3A_1403 = tpu.memref_slice %arg8[%dma_start3A_1402] : memref<2048xf32, #tpu.memory_space<vmem>> -> memref<16xf32, #tpu.memory_space<vmem>>
    %dma_start3A_1404 = tpu.memref_slice %arg4[%squeeze3A_1397, %squeeze3A_1395, %add3A_1213] : memref<101x101x4096xf32, #tpu.memory_space<hbm>> -> memref<1x1x16xf32, #tpu.memory_space<hbm>>
    %dma_start3A_1405 = tpu.memref_squeeze %dma_start3A_1404 : memref<1x1x16xf32, #tpu.memory_space<hbm>> -> memref<16xf32, #tpu.memory_space<hbm>>
    tpu.enqueue_dma source(%dma_start3A_1405 : memref<16xf32, #tpu.memory_space<hbm>>) target(%dma_start3A_1403 : memref<16xf32, #tpu.memory_space<vmem>>) target_semaphore(%arg11 : memref<!tpu.dma_semaphore, #tpu.memory_space<semaphore_mem>>)
    %get3A_1406 = arith.constant 112 : index
    %get3A_1407 = tpu.vector_load %arg6[%get3A_1406] {strides = array<i32>} : memref<128xi32, #tpu.memory_space<vmem>>, vector<16xi32>,
    %get3A_1408 = vector.shape_cast %get3A_1407 : vector<16xi32> to vector<16xi32>
    %get3A_1409 = arith.constant 112 : index
    %get3A_1410 = tpu.vector_load %arg7[%get3A_1409] {strides = array<i32>} : memref<128xi32, #tpu.memory_space<vmem>>, vector<16xi32>,
    %get3A_1411 = vector.shape_cast %get3A_1410 : vector<16xi32> to vector<16xi32>
    %add3A_1412 = arith.constant 112 : i32
    %add3A_1413 = arith.addi %mul3A_2, %add3A_1412 : i32
    %slice3A_1414 = vector.extract_strided_slice %get3A_1408 {offsets = [0], sizes = [1], strides = [1]} : vector<16xi32> to vector<1xi32>
    %squeeze3A_1415 = vector.extract %slice3A_1414[0] : i32 from vector<1xi32>
    %slice3A_1416 = vector.extract_strided_slice %get3A_1411 {offsets = [0], sizes = [1], strides = [1]} : vector<16xi32> to vector<1xi32>
    %squeeze3A_1417 = vector.extract %slice3A_1416[0] : i32 from vector<1xi32>
    %dma_start3A_1418 = arith.constant 1792 : i32
    %dma_start3A_1419 = tpu.memref_slice %arg8[%dma_start3A_1418] : memref<2048xf32, #tpu.memory_space<vmem>> -> memref<16xf32, #tpu.memory_space<vmem>>
    %dma_start3A_1420 = tpu.memref_slice %arg4[%squeeze3A_1417, %squeeze3A_1415, %add3A_1413] : memref<101x101x4096xf32, #tpu.memory_space<hbm>> -> memref<1x1x16xf32, #tpu.memory_space<hbm>>
    %dma_start3A_1421 = tpu.memref_squeeze %dma_start3A_1420 : memref<1x1x16xf32, #tpu.memory_space<hbm>> -> memref<16xf32, #tpu.memory_space<hbm>>
    %dma_start3A_1422 = arith.constant 1792 : i32
    %dma_start3A_1423 = tpu.memref_slice %arg8[%dma_start3A_1422] : memref<2048xf32, #tpu.memory_space<vmem>> -> memref<16xf32, #tpu.memory_space<vmem>>
    %dma_start3A_1424 = tpu.memref_slice %arg4[%squeeze3A_1417, %squeeze3A_1415, %add3A_1413] : memref<101x101x4096xf32, #tpu.memory_space<hbm>> -> memref<1x1x16xf32, #tpu.memory_space<hbm>>
    %dma_start3A_1425 = tpu.memref_squeeze %dma_start3A_1424 : memref<1x1x16xf32, #tpu.memory_space<hbm>> -> memref<16xf32, #tpu.memory_space<hbm>>
    tpu.enqueue_dma source(%dma_start3A_1425 : memref<16xf32, #tpu.memory_space<hbm>>) target(%dma_start3A_1423 : memref<16xf32, #tpu.memory_space<vmem>>) target_semaphore(%arg11 : memref<!tpu.dma_semaphore, #tpu.memory_space<semaphore_mem>>)
    %slice3A_1426 = vector.extract_strided_slice %get3A_1408 {offsets = [1], sizes = [1], strides = [1]} : vector<16xi32> to vector<1xi32>
    %squeeze3A_1427 = vector.extract %slice3A_1426[0] : i32 from vector<1xi32>
    %slice3A_1428 = vector.extract_strided_slice %get3A_1411 {offsets = [1], sizes = [1], strides = [1]} : vector<16xi32> to vector<1xi32>
    %squeeze3A_1429 = vector.extract %slice3A_1428[0] : i32 from vector<1xi32>
    %dma_start3A_1430 = arith.constant 1808 : i32
    %dma_start3A_1431 = tpu.memref_slice %arg8[%dma_start3A_1430] : memref<2048xf32, #tpu.memory_space<vmem>> -> memref<16xf32, #tpu.memory_space<vmem>>
    %dma_start3A_1432 = tpu.memref_slice %arg4[%squeeze3A_1429, %squeeze3A_1427, %add3A_1413] : memref<101x101x4096xf32, #tpu.memory_space<hbm>> -> memref<1x1x16xf32, #tpu.memory_space<hbm>>
    %dma_start3A_1433 = tpu.memref_squeeze %dma_start3A_1432 : memref<1x1x16xf32, #tpu.memory_space<hbm>> -> memref<16xf32, #tpu.memory_space<hbm>>
    %dma_start3A_1434 = arith.constant 1808 : i32
    %dma_start3A_1435 = tpu.memref_slice %arg8[%dma_start3A_1434] : memref<2048xf32, #tpu.memory_space<vmem>> -> memref<16xf32, #tpu.memory_space<vmem>>
    %dma_start3A_1436 = tpu.memref_slice %arg4[%squeeze3A_1429, %squeeze3A_1427, %add3A_1413] : memref<101x101x4096xf32, #tpu.memory_space<hbm>> -> memref<1x1x16xf32, #tpu.memory_space<hbm>>
    %dma_start3A_1437 = tpu.memref_squeeze %dma_start3A_1436 : memref<1x1x16xf32, #tpu.memory_space<hbm>> -> memref<16xf32, #tpu.memory_space<hbm>>
    tpu.enqueue_dma source(%dma_start3A_1437 : memref<16xf32, #tpu.memory_space<hbm>>) target(%dma_start3A_1435 : memref<16xf32, #tpu.memory_space<vmem>>) target_semaphore(%arg11 : memref<!tpu.dma_semaphore, #tpu.memory_space<semaphore_mem>>)
    %slice3A_1438 = vector.extract_strided_slice %get3A_1408 {offsets = [2], sizes = [1], strides = [1]} : vector<16xi32> to vector<1xi32>
    %squeeze3A_1439 = vector.extract %slice3A_1438[0] : i32 from vector<1xi32>
    %slice3A_1440 = vector.extract_strided_slice %get3A_1411 {offsets = [2], sizes = [1], strides = [1]} : vector<16xi32> to vector<1xi32>
    %squeeze3A_1441 = vector.extract %slice3A_1440[0] : i32 from vector<1xi32>
    %dma_start3A_1442 = arith.constant 1824 : i32
    %dma_start3A_1443 = tpu.memref_slice %arg8[%dma_start3A_1442] : memref<2048xf32, #tpu.memory_space<vmem>> -> memref<16xf32, #tpu.memory_space<vmem>>
    %dma_start3A_1444 = tpu.memref_slice %arg4[%squeeze3A_1441, %squeeze3A_1439, %add3A_1413] : memref<101x101x4096xf32, #tpu.memory_space<hbm>> -> memref<1x1x16xf32, #tpu.memory_space<hbm>>
    %dma_start3A_1445 = tpu.memref_squeeze %dma_start3A_1444 : memref<1x1x16xf32, #tpu.memory_space<hbm>> -> memref<16xf32, #tpu.memory_space<hbm>>
    %dma_start3A_1446 = arith.constant 1824 : i32
    %dma_start3A_1447 = tpu.memref_slice %arg8[%dma_start3A_1446] : memref<2048xf32, #tpu.memory_space<vmem>> -> memref<16xf32, #tpu.memory_space<vmem>>
    %dma_start3A_1448 = tpu.memref_slice %arg4[%squeeze3A_1441, %squeeze3A_1439, %add3A_1413] : memref<101x101x4096xf32, #tpu.memory_space<hbm>> -> memref<1x1x16xf32, #tpu.memory_space<hbm>>
    %dma_start3A_1449 = tpu.memref_squeeze %dma_start3A_1448 : memref<1x1x16xf32, #tpu.memory_space<hbm>> -> memref<16xf32, #tpu.memory_space<hbm>>
    tpu.enqueue_dma source(%dma_start3A_1449 : memref<16xf32, #tpu.memory_space<hbm>>) target(%dma_start3A_1447 : memref<16xf32, #tpu.memory_space<vmem>>) target_semaphore(%arg11 : memref<!tpu.dma_semaphore, #tpu.memory_space<semaphore_mem>>)
    %slice3A_1450 = vector.extract_strided_slice %get3A_1408 {offsets = [3], sizes = [1], strides = [1]} : vector<16xi32> to vector<1xi32>
    %squeeze3A_1451 = vector.extract %slice3A_1450[0] : i32 from vector<1xi32>
    %slice3A_1452 = vector.extract_strided_slice %get3A_1411 {offsets = [3], sizes = [1], strides = [1]} : vector<16xi32> to vector<1xi32>
    %squeeze3A_1453 = vector.extract %slice3A_1452[0] : i32 from vector<1xi32>
    %dma_start3A_1454 = arith.constant 1840 : i32
    %dma_start3A_1455 = tpu.memref_slice %arg8[%dma_start3A_1454] : memref<2048xf32, #tpu.memory_space<vmem>> -> memref<16xf32, #tpu.memory_space<vmem>>
    %dma_start3A_1456 = tpu.memref_slice %arg4[%squeeze3A_1453, %squeeze3A_1451, %add3A_1413] : memref<101x101x4096xf32, #tpu.memory_space<hbm>> -> memref<1x1x16xf32, #tpu.memory_space<hbm>>
    %dma_start3A_1457 = tpu.memref_squeeze %dma_start3A_1456 : memref<1x1x16xf32, #tpu.memory_space<hbm>> -> memref<16xf32, #tpu.memory_space<hbm>>
    %dma_start3A_1458 = arith.constant 1840 : i32
    %dma_start3A_1459 = tpu.memref_slice %arg8[%dma_start3A_1458] : memref<2048xf32, #tpu.memory_space<vmem>> -> memref<16xf32, #tpu.memory_space<vmem>>
    %dma_start3A_1460 = tpu.memref_slice %arg4[%squeeze3A_1453, %squeeze3A_1451, %add3A_1413] : memref<101x101x4096xf32, #tpu.memory_space<hbm>> -> memref<1x1x16xf32, #tpu.memory_space<hbm>>
    %dma_start3A_1461 = tpu.memref_squeeze %dma_start3A_1460 : memref<1x1x16xf32, #tpu.memory_space<hbm>> -> memref<16xf32, #tpu.memory_space<hbm>>
    tpu.enqueue_dma source(%dma_start3A_1461 : memref<16xf32, #tpu.memory_space<hbm>>) target(%dma_start3A_1459 : memref<16xf32, #tpu.memory_space<vmem>>) target_semaphore(%arg11 : memref<!tpu.dma_semaphore, #tpu.memory_space<semaphore_mem>>)
    %slice3A_1462 = vector.extract_strided_slice %get3A_1408 {offsets = [4], sizes = [1], strides = [1]} : vector<16xi32> to vector<1xi32>
    %squeeze3A_1463 = vector.extract %slice3A_1462[0] : i32 from vector<1xi32>
    %slice3A_1464 = vector.extract_strided_slice %get3A_1411 {offsets = [4], sizes = [1], strides = [1]} : vector<16xi32> to vector<1xi32>
    %squeeze3A_1465 = vector.extract %slice3A_1464[0] : i32 from vector<1xi32>
    %dma_start3A_1466 = arith.constant 1856 : i32
    %dma_start3A_1467 = tpu.memref_slice %arg8[%dma_start3A_1466] : memref<2048xf32, #tpu.memory_space<vmem>> -> memref<16xf32, #tpu.memory_space<vmem>>
    %dma_start3A_1468 = tpu.memref_slice %arg4[%squeeze3A_1465, %squeeze3A_1463, %add3A_1413] : memref<101x101x4096xf32, #tpu.memory_space<hbm>> -> memref<1x1x16xf32, #tpu.memory_space<hbm>>
    %dma_start3A_1469 = tpu.memref_squeeze %dma_start3A_1468 : memref<1x1x16xf32, #tpu.memory_space<hbm>> -> memref<16xf32, #tpu.memory_space<hbm>>
    %dma_start3A_1470 = arith.constant 1856 : i32
    %dma_start3A_1471 = tpu.memref_slice %arg8[%dma_start3A_1470] : memref<2048xf32, #tpu.memory_space<vmem>> -> memref<16xf32, #tpu.memory_space<vmem>>
    %dma_start3A_1472 = tpu.memref_slice %arg4[%squeeze3A_1465, %squeeze3A_1463, %add3A_1413] : memref<101x101x4096xf32, #tpu.memory_space<hbm>> -> memref<1x1x16xf32, #tpu.memory_space<hbm>>
    %dma_start3A_1473 = tpu.memref_squeeze %dma_start3A_1472 : memref<1x1x16xf32, #tpu.memory_space<hbm>> -> memref<16xf32, #tpu.memory_space<hbm>>
    tpu.enqueue_dma source(%dma_start3A_1473 : memref<16xf32, #tpu.memory_space<hbm>>) target(%dma_start3A_1471 : memref<16xf32, #tpu.memory_space<vmem>>) target_semaphore(%arg11 : memref<!tpu.dma_semaphore, #tpu.memory_space<semaphore_mem>>)
    %slice3A_1474 = vector.extract_strided_slice %get3A_1408 {offsets = [5], sizes = [1], strides = [1]} : vector<16xi32> to vector<1xi32>
    %squeeze3A_1475 = vector.extract %slice3A_1474[0] : i32 from vector<1xi32>
    %slice3A_1476 = vector.extract_strided_slice %get3A_1411 {offsets = [5], sizes = [1], strides = [1]} : vector<16xi32> to vector<1xi32>
    %squeeze3A_1477 = vector.extract %slice3A_1476[0] : i32 from vector<1xi32>
    %dma_start3A_1478 = arith.constant 1872 : i32
    %dma_start3A_1479 = tpu.memref_slice %arg8[%dma_start3A_1478] : memref<2048xf32, #tpu.memory_space<vmem>> -> memref<16xf32, #tpu.memory_space<vmem>>
    %dma_start3A_1480 = tpu.memref_slice %arg4[%squeeze3A_1477, %squeeze3A_1475, %add3A_1413] : memref<101x101x4096xf32, #tpu.memory_space<hbm>> -> memref<1x1x16xf32, #tpu.memory_space<hbm>>
    %dma_start3A_1481 = tpu.memref_squeeze %dma_start3A_1480 : memref<1x1x16xf32, #tpu.memory_space<hbm>> -> memref<16xf32, #tpu.memory_space<hbm>>
    %dma_start3A_1482 = arith.constant 1872 : i32
    %dma_start3A_1483 = tpu.memref_slice %arg8[%dma_start3A_1482] : memref<2048xf32, #tpu.memory_space<vmem>> -> memref<16xf32, #tpu.memory_space<vmem>>
    %dma_start3A_1484 = tpu.memref_slice %arg4[%squeeze3A_1477, %squeeze3A_1475, %add3A_1413] : memref<101x101x4096xf32, #tpu.memory_space<hbm>> -> memref<1x1x16xf32, #tpu.memory_space<hbm>>
    %dma_start3A_1485 = tpu.memref_squeeze %dma_start3A_1484 : memref<1x1x16xf32, #tpu.memory_space<hbm>> -> memref<16xf32, #tpu.memory_space<hbm>>
    tpu.enqueue_dma source(%dma_start3A_1485 : memref<16xf32, #tpu.memory_space<hbm>>) target(%dma_start3A_1483 : memref<16xf32, #tpu.memory_space<vmem>>) target_semaphore(%arg11 : memref<!tpu.dma_semaphore, #tpu.memory_space<semaphore_mem>>)
    %slice3A_1486 = vector.extract_strided_slice %get3A_1408 {offsets = [6], sizes = [1], strides = [1]} : vector<16xi32> to vector<1xi32>
    %squeeze3A_1487 = vector.extract %slice3A_1486[0] : i32 from vector<1xi32>
    %slice3A_1488 = vector.extract_strided_slice %get3A_1411 {offsets = [6], sizes = [1], strides = [1]} : vector<16xi32> to vector<1xi32>
    %squeeze3A_1489 = vector.extract %slice3A_1488[0] : i32 from vector<1xi32>
    %dma_start3A_1490 = arith.constant 1888 : i32
    %dma_start3A_1491 = tpu.memref_slice %arg8[%dma_start3A_1490] : memref<2048xf32, #tpu.memory_space<vmem>> -> memref<16xf32, #tpu.memory_space<vmem>>
    %dma_start3A_1492 = tpu.memref_slice %arg4[%squeeze3A_1489, %squeeze3A_1487, %add3A_1413] : memref<101x101x4096xf32, #tpu.memory_space<hbm>> -> memref<1x1x16xf32, #tpu.memory_space<hbm>>
    %dma_start3A_1493 = tpu.memref_squeeze %dma_start3A_1492 : memref<1x1x16xf32, #tpu.memory_space<hbm>> -> memref<16xf32, #tpu.memory_space<hbm>>
    %dma_start3A_1494 = arith.constant 1888 : i32
    %dma_start3A_1495 = tpu.memref_slice %arg8[%dma_start3A_1494] : memref<2048xf32, #tpu.memory_space<vmem>> -> memref<16xf32, #tpu.memory_space<vmem>>
    %dma_start3A_1496 = tpu.memref_slice %arg4[%squeeze3A_1489, %squeeze3A_1487, %add3A_1413] : memref<101x101x4096xf32, #tpu.memory_space<hbm>> -> memref<1x1x16xf32, #tpu.memory_space<hbm>>
    %dma_start3A_1497 = tpu.memref_squeeze %dma_start3A_1496 : memref<1x1x16xf32, #tpu.memory_space<hbm>> -> memref<16xf32, #tpu.memory_space<hbm>>
    tpu.enqueue_dma source(%dma_start3A_1497 : memref<16xf32, #tpu.memory_space<hbm>>) target(%dma_start3A_1495 : memref<16xf32, #tpu.memory_space<vmem>>) target_semaphore(%arg11 : memref<!tpu.dma_semaphore, #tpu.memory_space<semaphore_mem>>)
    %slice3A_1498 = vector.extract_strided_slice %get3A_1408 {offsets = [7], sizes = [1], strides = [1]} : vector<16xi32> to vector<1xi32>
    %squeeze3A_1499 = vector.extract %slice3A_1498[0] : i32 from vector<1xi32>
    %slice3A_1500 = vector.extract_strided_slice %get3A_1411 {offsets = [7], sizes = [1], strides = [1]} : vector<16xi32> to vector<1xi32>
    %squeeze3A_1501 = vector.extract %slice3A_1500[0] : i32 from vector<1xi32>
    %dma_start3A_1502 = arith.constant 1904 : i32
    %dma_start3A_1503 = tpu.memref_slice %arg8[%dma_start3A_1502] : memref<2048xf32, #tpu.memory_space<vmem>> -> memref<16xf32, #tpu.memory_space<vmem>>
    %dma_start3A_1504 = tpu.memref_slice %arg4[%squeeze3A_1501, %squeeze3A_1499, %add3A_1413] : memref<101x101x4096xf32, #tpu.memory_space<hbm>> -> memref<1x1x16xf32, #tpu.memory_space<hbm>>
    %dma_start3A_1505 = tpu.memref_squeeze %dma_start3A_1504 : memref<1x1x16xf32, #tpu.memory_space<hbm>> -> memref<16xf32, #tpu.memory_space<hbm>>
    %dma_start3A_1506 = arith.constant 1904 : i32
    %dma_start3A_1507 = tpu.memref_slice %arg8[%dma_start3A_1506] : memref<2048xf32, #tpu.memory_space<vmem>> -> memref<16xf32, #tpu.memory_space<vmem>>
    %dma_start3A_1508 = tpu.memref_slice %arg4[%squeeze3A_1501, %squeeze3A_1499, %add3A_1413] : memref<101x101x4096xf32, #tpu.memory_space<hbm>> -> memref<1x1x16xf32, #tpu.memory_space<hbm>>
    %dma_start3A_1509 = tpu.memref_squeeze %dma_start3A_1508 : memref<1x1x16xf32, #tpu.memory_space<hbm>> -> memref<16xf32, #tpu.memory_space<hbm>>
    tpu.enqueue_dma source(%dma_start3A_1509 : memref<16xf32, #tpu.memory_space<hbm>>) target(%dma_start3A_1507 : memref<16xf32, #tpu.memory_space<vmem>>) target_semaphore(%arg11 : memref<!tpu.dma_semaphore, #tpu.memory_space<semaphore_mem>>)
    %slice3A_1510 = vector.extract_strided_slice %get3A_1408 {offsets = [8], sizes = [1], strides = [1]} : vector<16xi32> to vector<1xi32>
    %squeeze3A_1511 = vector.extract %slice3A_1510[0] : i32 from vector<1xi32>
    %slice3A_1512 = vector.extract_strided_slice %get3A_1411 {offsets = [8], sizes = [1], strides = [1]} : vector<16xi32> to vector<1xi32>
    %squeeze3A_1513 = vector.extract %slice3A_1512[0] : i32 from vector<1xi32>
    %dma_start3A_1514 = arith.constant 1920 : i32
    %dma_start3A_1515 = tpu.memref_slice %arg8[%dma_start3A_1514] : memref<2048xf32, #tpu.memory_space<vmem>> -> memref<16xf32, #tpu.memory_space<vmem>>
    %dma_start3A_1516 = tpu.memref_slice %arg4[%squeeze3A_1513, %squeeze3A_1511, %add3A_1413] : memref<101x101x4096xf32, #tpu.memory_space<hbm>> -> memref<1x1x16xf32, #tpu.memory_space<hbm>>
    %dma_start3A_1517 = tpu.memref_squeeze %dma_start3A_1516 : memref<1x1x16xf32, #tpu.memory_space<hbm>> -> memref<16xf32, #tpu.memory_space<hbm>>
    %dma_start3A_1518 = arith.constant 1920 : i32
    %dma_start3A_1519 = tpu.memref_slice %arg8[%dma_start3A_1518] : memref<2048xf32, #tpu.memory_space<vmem>> -> memref<16xf32, #tpu.memory_space<vmem>>
    %dma_start3A_1520 = tpu.memref_slice %arg4[%squeeze3A_1513, %squeeze3A_1511, %add3A_1413] : memref<101x101x4096xf32, #tpu.memory_space<hbm>> -> memref<1x1x16xf32, #tpu.memory_space<hbm>>
    %dma_start3A_1521 = tpu.memref_squeeze %dma_start3A_1520 : memref<1x1x16xf32, #tpu.memory_space<hbm>> -> memref<16xf32, #tpu.memory_space<hbm>>
    tpu.enqueue_dma source(%dma_start3A_1521 : memref<16xf32, #tpu.memory_space<hbm>>) target(%dma_start3A_1519 : memref<16xf32, #tpu.memory_space<vmem>>) target_semaphore(%arg11 : memref<!tpu.dma_semaphore, #tpu.memory_space<semaphore_mem>>)
    %slice3A_1522 = vector.extract_strided_slice %get3A_1408 {offsets = [9], sizes = [1], strides = [1]} : vector<16xi32> to vector<1xi32>
    %squeeze3A_1523 = vector.extract %slice3A_1522[0] : i32 from vector<1xi32>
    %slice3A_1524 = vector.extract_strided_slice %get3A_1411 {offsets = [9], sizes = [1], strides = [1]} : vector<16xi32> to vector<1xi32>
    %squeeze3A_1525 = vector.extract %slice3A_1524[0] : i32 from vector<1xi32>
    %dma_start3A_1526 = arith.constant 1936 : i32
    %dma_start3A_1527 = tpu.memref_slice %arg8[%dma_start3A_1526] : memref<2048xf32, #tpu.memory_space<vmem>> -> memref<16xf32, #tpu.memory_space<vmem>>
    %dma_start3A_1528 = tpu.memref_slice %arg4[%squeeze3A_1525, %squeeze3A_1523, %add3A_1413] : memref<101x101x4096xf32, #tpu.memory_space<hbm>> -> memref<1x1x16xf32, #tpu.memory_space<hbm>>
    %dma_start3A_1529 = tpu.memref_squeeze %dma_start3A_1528 : memref<1x1x16xf32, #tpu.memory_space<hbm>> -> memref<16xf32, #tpu.memory_space<hbm>>
    %dma_start3A_1530 = arith.constant 1936 : i32
    %dma_start3A_1531 = tpu.memref_slice %arg8[%dma_start3A_1530] : memref<2048xf32, #tpu.memory_space<vmem>> -> memref<16xf32, #tpu.memory_space<vmem>>
    %dma_start3A_1532 = tpu.memref_slice %arg4[%squeeze3A_1525, %squeeze3A_1523, %add3A_1413] : memref<101x101x4096xf32, #tpu.memory_space<hbm>> -> memref<1x1x16xf32, #tpu.memory_space<hbm>>
    %dma_start3A_1533 = tpu.memref_squeeze %dma_start3A_1532 : memref<1x1x16xf32, #tpu.memory_space<hbm>> -> memref<16xf32, #tpu.memory_space<hbm>>
    tpu.enqueue_dma source(%dma_start3A_1533 : memref<16xf32, #tpu.memory_space<hbm>>) target(%dma_start3A_1531 : memref<16xf32, #tpu.memory_space<vmem>>) target_semaphore(%arg11 : memref<!tpu.dma_semaphore, #tpu.memory_space<semaphore_mem>>)
    %slice3A_1534 = vector.extract_strided_slice %get3A_1408 {offsets = [10], sizes = [1], strides = [1]} : vector<16xi32> to vector<1xi32>
    %squeeze3A_1535 = vector.extract %slice3A_1534[0] : i32 from vector<1xi32>
    %slice3A_1536 = vector.extract_strided_slice %get3A_1411 {offsets = [10], sizes = [1], strides = [1]} : vector<16xi32> to vector<1xi32>
    %squeeze3A_1537 = vector.extract %slice3A_1536[0] : i32 from vector<1xi32>
    %dma_start3A_1538 = arith.constant 1952 : i32
    %dma_start3A_1539 = tpu.memref_slice %arg8[%dma_start3A_1538] : memref<2048xf32, #tpu.memory_space<vmem>> -> memref<16xf32, #tpu.memory_space<vmem>>
    %dma_start3A_1540 = tpu.memref_slice %arg4[%squeeze3A_1537, %squeeze3A_1535, %add3A_1413] : memref<101x101x4096xf32, #tpu.memory_space<hbm>> -> memref<1x1x16xf32, #tpu.memory_space<hbm>>
    %dma_start3A_1541 = tpu.memref_squeeze %dma_start3A_1540 : memref<1x1x16xf32, #tpu.memory_space<hbm>> -> memref<16xf32, #tpu.memory_space<hbm>>
    %dma_start3A_1542 = arith.constant 1952 : i32
    %dma_start3A_1543 = tpu.memref_slice %arg8[%dma_start3A_1542] : memref<2048xf32, #tpu.memory_space<vmem>> -> memref<16xf32, #tpu.memory_space<vmem>>
    %dma_start3A_1544 = tpu.memref_slice %arg4[%squeeze3A_1537, %squeeze3A_1535, %add3A_1413] : memref<101x101x4096xf32, #tpu.memory_space<hbm>> -> memref<1x1x16xf32, #tpu.memory_space<hbm>>
    %dma_start3A_1545 = tpu.memref_squeeze %dma_start3A_1544 : memref<1x1x16xf32, #tpu.memory_space<hbm>> -> memref<16xf32, #tpu.memory_space<hbm>>
    tpu.enqueue_dma source(%dma_start3A_1545 : memref<16xf32, #tpu.memory_space<hbm>>) target(%dma_start3A_1543 : memref<16xf32, #tpu.memory_space<vmem>>) target_semaphore(%arg11 : memref<!tpu.dma_semaphore, #tpu.memory_space<semaphore_mem>>)
    %slice3A_1546 = vector.extract_strided_slice %get3A_1408 {offsets = [11], sizes = [1], strides = [1]} : vector<16xi32> to vector<1xi32>
    %squeeze3A_1547 = vector.extract %slice3A_1546[0] : i32 from vector<1xi32>
    %slice3A_1548 = vector.extract_strided_slice %get3A_1411 {offsets = [11], sizes = [1], strides = [1]} : vector<16xi32> to vector<1xi32>
    %squeeze3A_1549 = vector.extract %slice3A_1548[0] : i32 from vector<1xi32>
    %dma_start3A_1550 = arith.constant 1968 : i32
    %dma_start3A_1551 = tpu.memref_slice %arg8[%dma_start3A_1550] : memref<2048xf32, #tpu.memory_space<vmem>> -> memref<16xf32, #tpu.memory_space<vmem>>
    %dma_start3A_1552 = tpu.memref_slice %arg4[%squeeze3A_1549, %squeeze3A_1547, %add3A_1413] : memref<101x101x4096xf32, #tpu.memory_space<hbm>> -> memref<1x1x16xf32, #tpu.memory_space<hbm>>
    %dma_start3A_1553 = tpu.memref_squeeze %dma_start3A_1552 : memref<1x1x16xf32, #tpu.memory_space<hbm>> -> memref<16xf32, #tpu.memory_space<hbm>>
    %dma_start3A_1554 = arith.constant 1968 : i32
    %dma_start3A_1555 = tpu.memref_slice %arg8[%dma_start3A_1554] : memref<2048xf32, #tpu.memory_space<vmem>> -> memref<16xf32, #tpu.memory_space<vmem>>
    %dma_start3A_1556 = tpu.memref_slice %arg4[%squeeze3A_1549, %squeeze3A_1547, %add3A_1413] : memref<101x101x4096xf32, #tpu.memory_space<hbm>> -> memref<1x1x16xf32, #tpu.memory_space<hbm>>
    %dma_start3A_1557 = tpu.memref_squeeze %dma_start3A_1556 : memref<1x1x16xf32, #tpu.memory_space<hbm>> -> memref<16xf32, #tpu.memory_space<hbm>>
    tpu.enqueue_dma source(%dma_start3A_1557 : memref<16xf32, #tpu.memory_space<hbm>>) target(%dma_start3A_1555 : memref<16xf32, #tpu.memory_space<vmem>>) target_semaphore(%arg11 : memref<!tpu.dma_semaphore, #tpu.memory_space<semaphore_mem>>)
    %slice3A_1558 = vector.extract_strided_slice %get3A_1408 {offsets = [12], sizes = [1], strides = [1]} : vector<16xi32> to vector<1xi32>
    %squeeze3A_1559 = vector.extract %slice3A_1558[0] : i32 from vector<1xi32>
    %slice3A_1560 = vector.extract_strided_slice %get3A_1411 {offsets = [12], sizes = [1], strides = [1]} : vector<16xi32> to vector<1xi32>
    %squeeze3A_1561 = vector.extract %slice3A_1560[0] : i32 from vector<1xi32>
    %dma_start3A_1562 = arith.constant 1984 : i32
    %dma_start3A_1563 = tpu.memref_slice %arg8[%dma_start3A_1562] : memref<2048xf32, #tpu.memory_space<vmem>> -> memref<16xf32, #tpu.memory_space<vmem>>
    %dma_start3A_1564 = tpu.memref_slice %arg4[%squeeze3A_1561, %squeeze3A_1559, %add3A_1413] : memref<101x101x4096xf32, #tpu.memory_space<hbm>> -> memref<1x1x16xf32, #tpu.memory_space<hbm>>
    %dma_start3A_1565 = tpu.memref_squeeze %dma_start3A_1564 : memref<1x1x16xf32, #tpu.memory_space<hbm>> -> memref<16xf32, #tpu.memory_space<hbm>>
    %dma_start3A_1566 = arith.constant 1984 : i32
    %dma_start3A_1567 = tpu.memref_slice %arg8[%dma_start3A_1566] : memref<2048xf32, #tpu.memory_space<vmem>> -> memref<16xf32, #tpu.memory_space<vmem>>
    %dma_start3A_1568 = tpu.memref_slice %arg4[%squeeze3A_1561, %squeeze3A_1559, %add3A_1413] : memref<101x101x4096xf32, #tpu.memory_space<hbm>> -> memref<1x1x16xf32, #tpu.memory_space<hbm>>
    %dma_start3A_1569 = tpu.memref_squeeze %dma_start3A_1568 : memref<1x1x16xf32, #tpu.memory_space<hbm>> -> memref<16xf32, #tpu.memory_space<hbm>>
    tpu.enqueue_dma source(%dma_start3A_1569 : memref<16xf32, #tpu.memory_space<hbm>>) target(%dma_start3A_1567 : memref<16xf32, #tpu.memory_space<vmem>>) target_semaphore(%arg11 : memref<!tpu.dma_semaphore, #tpu.memory_space<semaphore_mem>>)
    %slice3A_1570 = vector.extract_strided_slice %get3A_1408 {offsets = [13], sizes = [1], strides = [1]} : vector<16xi32> to vector<1xi32>
    %squeeze3A_1571 = vector.extract %slice3A_1570[0] : i32 from vector<1xi32>
    %slice3A_1572 = vector.extract_strided_slice %get3A_1411 {offsets = [13], sizes = [1], strides = [1]} : vector<16xi32> to vector<1xi32>
    %squeeze3A_1573 = vector.extract %slice3A_1572[0] : i32 from vector<1xi32>
    %dma_start3A_1574 = arith.constant 2000 : i32
    %dma_start3A_1575 = tpu.memref_slice %arg8[%dma_start3A_1574] : memref<2048xf32, #tpu.memory_space<vmem>> -> memref<16xf32, #tpu.memory_space<vmem>>
    %dma_start3A_1576 = tpu.memref_slice %arg4[%squeeze3A_1573, %squeeze3A_1571, %add3A_1413] : memref<101x101x4096xf32, #tpu.memory_space<hbm>> -> memref<1x1x16xf32, #tpu.memory_space<hbm>>
    %dma_start3A_1577 = tpu.memref_squeeze %dma_start3A_1576 : memref<1x1x16xf32, #tpu.memory_space<hbm>> -> memref<16xf32, #tpu.memory_space<hbm>>
    %dma_start3A_1578 = arith.constant 2000 : i32
    %dma_start3A_1579 = tpu.memref_slice %arg8[%dma_start3A_1578] : memref<2048xf32, #tpu.memory_space<vmem>> -> memref<16xf32, #tpu.memory_space<vmem>>
    %dma_start3A_1580 = tpu.memref_slice %arg4[%squeeze3A_1573, %squeeze3A_1571, %add3A_1413] : memref<101x101x4096xf32, #tpu.memory_space<hbm>> -> memref<1x1x16xf32, #tpu.memory_space<hbm>>
    %dma_start3A_1581 = tpu.memref_squeeze %dma_start3A_1580 : memref<1x1x16xf32, #tpu.memory_space<hbm>> -> memref<16xf32, #tpu.memory_space<hbm>>
    tpu.enqueue_dma source(%dma_start3A_1581 : memref<16xf32, #tpu.memory_space<hbm>>) target(%dma_start3A_1579 : memref<16xf32, #tpu.memory_space<vmem>>) target_semaphore(%arg11 : memref<!tpu.dma_semaphore, #tpu.memory_space<semaphore_mem>>)
    %slice3A_1582 = vector.extract_strided_slice %get3A_1408 {offsets = [14], sizes = [1], strides = [1]} : vector<16xi32> to vector<1xi32>
    %squeeze3A_1583 = vector.extract %slice3A_1582[0] : i32 from vector<1xi32>
    %slice3A_1584 = vector.extract_strided_slice %get3A_1411 {offsets = [14], sizes = [1], strides = [1]} : vector<16xi32> to vector<1xi32>
    %squeeze3A_1585 = vector.extract %slice3A_1584[0] : i32 from vector<1xi32>
    %dma_start3A_1586 = arith.constant 2016 : i32
    %dma_start3A_1587 = tpu.memref_slice %arg8[%dma_start3A_1586] : memref<2048xf32, #tpu.memory_space<vmem>> -> memref<16xf32, #tpu.memory_space<vmem>>
    %dma_start3A_1588 = tpu.memref_slice %arg4[%squeeze3A_1585, %squeeze3A_1583, %add3A_1413] : memref<101x101x4096xf32, #tpu.memory_space<hbm>> -> memref<1x1x16xf32, #tpu.memory_space<hbm>>
    %dma_start3A_1589 = tpu.memref_squeeze %dma_start3A_1588 : memref<1x1x16xf32, #tpu.memory_space<hbm>> -> memref<16xf32, #tpu.memory_space<hbm>>
    %dma_start3A_1590 = arith.constant 2016 : i32
    %dma_start3A_1591 = tpu.memref_slice %arg8[%dma_start3A_1590] : memref<2048xf32, #tpu.memory_space<vmem>> -> memref<16xf32, #tpu.memory_space<vmem>>
    %dma_start3A_1592 = tpu.memref_slice %arg4[%squeeze3A_1585, %squeeze3A_1583, %add3A_1413] : memref<101x101x4096xf32, #tpu.memory_space<hbm>> -> memref<1x1x16xf32, #tpu.memory_space<hbm>>
    %dma_start3A_1593 = tpu.memref_squeeze %dma_start3A_1592 : memref<1x1x16xf32, #tpu.memory_space<hbm>> -> memref<16xf32, #tpu.memory_space<hbm>>
    tpu.enqueue_dma source(%dma_start3A_1593 : memref<16xf32, #tpu.memory_space<hbm>>) target(%dma_start3A_1591 : memref<16xf32, #tpu.memory_space<vmem>>) target_semaphore(%arg11 : memref<!tpu.dma_semaphore, #tpu.memory_space<semaphore_mem>>)
    %slice3A_1594 = vector.extract_strided_slice %get3A_1408 {offsets = [15], sizes = [1], strides = [1]} : vector<16xi32> to vector<1xi32>
    %squeeze3A_1595 = vector.extract %slice3A_1594[0] : i32 from vector<1xi32>
    %slice3A_1596 = vector.extract_strided_slice %get3A_1411 {offsets = [15], sizes = [1], strides = [1]} : vector<16xi32> to vector<1xi32>
    %squeeze3A_1597 = vector.extract %slice3A_1596[0] : i32 from vector<1xi32>
    %dma_start3A_1598 = arith.constant 2032 : i32
    %dma_start3A_1599 = tpu.memref_slice %arg8[%dma_start3A_1598] : memref<2048xf32, #tpu.memory_space<vmem>> -> memref<16xf32, #tpu.memory_space<vmem>>
    %dma_start3A_1600 = tpu.memref_slice %arg4[%squeeze3A_1597, %squeeze3A_1595, %add3A_1413] : memref<101x101x4096xf32, #tpu.memory_space<hbm>> -> memref<1x1x16xf32, #tpu.memory_space<hbm>>
    %dma_start3A_1601 = tpu.memref_squeeze %dma_start3A_1600 : memref<1x1x16xf32, #tpu.memory_space<hbm>> -> memref<16xf32, #tpu.memory_space<hbm>>
    %dma_start3A_1602 = arith.constant 2032 : i32
    %dma_start3A_1603 = tpu.memref_slice %arg8[%dma_start3A_1602] : memref<2048xf32, #tpu.memory_space<vmem>> -> memref<16xf32, #tpu.memory_space<vmem>>
    %dma_start3A_1604 = tpu.memref_slice %arg4[%squeeze3A_1597, %squeeze3A_1595, %add3A_1413] : memref<101x101x4096xf32, #tpu.memory_space<hbm>> -> memref<1x1x16xf32, #tpu.memory_space<hbm>>
    %dma_start3A_1605 = tpu.memref_squeeze %dma_start3A_1604 : memref<1x1x16xf32, #tpu.memory_space<hbm>> -> memref<16xf32, #tpu.memory_space<hbm>>
    tpu.enqueue_dma source(%dma_start3A_1605 : memref<16xf32, #tpu.memory_space<hbm>>) target(%dma_start3A_1603 : memref<16xf32, #tpu.memory_space<vmem>>) target_semaphore(%arg11 : memref<!tpu.dma_semaphore, #tpu.memory_space<semaphore_mem>>)
    %dma_wait3A_1606 = arith.constant 0 : i32
    %dma_wait3A_1607 = tpu.memref_slice %arg5[%dma_wait3A_1606] : memref<4096xf32, #tpu.memory_space<hbm>> -> memref<2048xf32, #tpu.memory_space<hbm>>
    %dma_wait3A_1608 = arith.constant 0 : i32
    %dma_wait3A_1609 = tpu.memref_slice %arg5[%dma_wait3A_1608] : memref<4096xf32, #tpu.memory_space<hbm>> -> memref<2048xf32, #tpu.memory_space<hbm>>
    tpu.wait_dma2 semaphore(%arg11 : memref<!tpu.dma_semaphore, #tpu.memory_space<semaphore_mem>>) src(%dma_wait3A_1609 : memref<2048xf32, #tpu.memory_space<hbm>>) dst(%arg8 : memref<2048xf32, #tpu.memory_space<vmem>>)
    %iota3A = tpu.iota {dimensions = array<i32: 0>} : vector<16xi32>
    %broadcast_in_dim3A = arith.constant 0.000000e+00 : f32
    %broadcast_in_dim3A_1610 = vector.broadcast %broadcast_in_dim3A : f32 to vector<16xf32>
    %eq3A = arith.constant 0 : i32
    %eq3A_1611 = vector.broadcast %eq3A : i32 to vector<16xi32>
    %eq3A_1612 = arith.cmpi eq, %iota3A, %eq3A_1611 : vector<16xi32>
    %get3A_1613 = arith.constant 0 : index
    %get3A_1614 = tpu.vector_load %arg8[%get3A_1613] {strides = array<i32>} : memref<2048xf32, #tpu.memory_space<vmem>>, vector<16xf32>,
    %get3A_1615 = vector.shape_cast %get3A_1614 : vector<16xf32> to vector<16xf32>
    %select_n3A = arith.select %eq3A_1612, %get3A_1615, %broadcast_in_dim3A_1610 : vector<16xi1>, vector<16xf32>
    %eq3A_1616 = arith.constant 1 : i32
    %eq3A_1617 = vector.broadcast %eq3A_1616 : i32 to vector<16xi32>
    %eq3A_1618 = arith.cmpi eq, %iota3A, %eq3A_1617 : vector<16xi32>
    %get3A_1619 = arith.constant 16 : index
    %get3A_1620 = tpu.vector_load %arg8[%get3A_1619] {strides = array<i32>} : memref<2048xf32, #tpu.memory_space<vmem>>, vector<16xf32>,
    %get3A_1621 = vector.shape_cast %get3A_1620 : vector<16xf32> to vector<16xf32>
    %select_n3A_1622 = arith.select %eq3A_1618, %get3A_1621, %select_n3A : vector<16xi1>, vector<16xf32>
    %eq3A_1623 = arith.constant 2 : i32
    %eq3A_1624 = vector.broadcast %eq3A_1623 : i32 to vector<16xi32>
    %eq3A_1625 = arith.cmpi eq, %iota3A, %eq3A_1624 : vector<16xi32>
    %get3A_1626 = arith.constant 32 : index
    %get3A_1627 = tpu.vector_load %arg8[%get3A_1626] {strides = array<i32>} : memref<2048xf32, #tpu.memory_space<vmem>>, vector<16xf32>,
    %get3A_1628 = vector.shape_cast %get3A_1627 : vector<16xf32> to vector<16xf32>
    %select_n3A_1629 = arith.select %eq3A_1625, %get3A_1628, %select_n3A_1622 : vector<16xi1>, vector<16xf32>
    %eq3A_1630 = arith.constant 3 : i32
    %eq3A_1631 = vector.broadcast %eq3A_1630 : i32 to vector<16xi32>
    %eq3A_1632 = arith.cmpi eq, %iota3A, %eq3A_1631 : vector<16xi32>
    %get3A_1633 = arith.constant 48 : index
    %get3A_1634 = tpu.vector_load %arg8[%get3A_1633] {strides = array<i32>} : memref<2048xf32, #tpu.memory_space<vmem>>, vector<16xf32>,
    %get3A_1635 = vector.shape_cast %get3A_1634 : vector<16xf32> to vector<16xf32>
    %select_n3A_1636 = arith.select %eq3A_1632, %get3A_1635, %select_n3A_1629 : vector<16xi1>, vector<16xf32>
    %eq3A_1637 = arith.constant 4 : i32
    %eq3A_1638 = vector.broadcast %eq3A_1637 : i32 to vector<16xi32>
    %eq3A_1639 = arith.cmpi eq, %iota3A, %eq3A_1638 : vector<16xi32>
    %get3A_1640 = arith.constant 64 : index
    %get3A_1641 = tpu.vector_load %arg8[%get3A_1640] {strides = array<i32>} : memref<2048xf32, #tpu.memory_space<vmem>>, vector<16xf32>,
    %get3A_1642 = vector.shape_cast %get3A_1641 : vector<16xf32> to vector<16xf32>
    %select_n3A_1643 = arith.select %eq3A_1639, %get3A_1642, %select_n3A_1636 : vector<16xi1>, vector<16xf32>
    %eq3A_1644 = arith.constant 5 : i32
    %eq3A_1645 = vector.broadcast %eq3A_1644 : i32 to vector<16xi32>
    %eq3A_1646 = arith.cmpi eq, %iota3A, %eq3A_1645 : vector<16xi32>
    %get3A_1647 = arith.constant 80 : index
    %get3A_1648 = tpu.vector_load %arg8[%get3A_1647] {strides = array<i32>} : memref<2048xf32, #tpu.memory_space<vmem>>, vector<16xf32>,
    %get3A_1649 = vector.shape_cast %get3A_1648 : vector<16xf32> to vector<16xf32>
    %select_n3A_1650 = arith.select %eq3A_1646, %get3A_1649, %select_n3A_1643 : vector<16xi1>, vector<16xf32>
    %eq3A_1651 = arith.constant 6 : i32
    %eq3A_1652 = vector.broadcast %eq3A_1651 : i32 to vector<16xi32>
    %eq3A_1653 = arith.cmpi eq, %iota3A, %eq3A_1652 : vector<16xi32>
    %get3A_1654 = arith.constant 96 : index
    %get3A_1655 = tpu.vector_load %arg8[%get3A_1654] {strides = array<i32>} : memref<2048xf32, #tpu.memory_space<vmem>>, vector<16xf32>,
    %get3A_1656 = vector.shape_cast %get3A_1655 : vector<16xf32> to vector<16xf32>
    %select_n3A_1657 = arith.select %eq3A_1653, %get3A_1656, %select_n3A_1650 : vector<16xi1>, vector<16xf32>
    %eq3A_1658 = arith.constant 7 : i32
    %eq3A_1659 = vector.broadcast %eq3A_1658 : i32 to vector<16xi32>
    %eq3A_1660 = arith.cmpi eq, %iota3A, %eq3A_1659 : vector<16xi32>
    %get3A_1661 = arith.constant 112 : index
    %get3A_1662 = tpu.vector_load %arg8[%get3A_1661] {strides = array<i32>} : memref<2048xf32, #tpu.memory_space<vmem>>, vector<16xf32>,
    %get3A_1663 = vector.shape_cast %get3A_1662 : vector<16xf32> to vector<16xf32>
    %select_n3A_1664 = arith.select %eq3A_1660, %get3A_1663, %select_n3A_1657 : vector<16xi1>, vector<16xf32>
    %eq3A_1665 = arith.constant 8 : i32
    %eq3A_1666 = vector.broadcast %eq3A_1665 : i32 to vector<16xi32>
    %eq3A_1667 = arith.cmpi eq, %iota3A, %eq3A_1666 : vector<16xi32>
    %get3A_1668 = arith.constant 128 : index
    %get3A_1669 = tpu.vector_load %arg8[%get3A_1668] {strides = array<i32>} : memref<2048xf32, #tpu.memory_space<vmem>>, vector<16xf32>,
    %get3A_1670 = vector.shape_cast %get3A_1669 : vector<16xf32> to vector<16xf32>
    %select_n3A_1671 = arith.select %eq3A_1667, %get3A_1670, %select_n3A_1664 : vector<16xi1>, vector<16xf32>
    %eq3A_1672 = arith.constant 9 : i32
    %eq3A_1673 = vector.broadcast %eq3A_1672 : i32 to vector<16xi32>
    %eq3A_1674 = arith.cmpi eq, %iota3A, %eq3A_1673 : vector<16xi32>
    %get3A_1675 = arith.constant 144 : index
    %get3A_1676 = tpu.vector_load %arg8[%get3A_1675] {strides = array<i32>} : memref<2048xf32, #tpu.memory_space<vmem>>, vector<16xf32>,
    %get3A_1677 = vector.shape_cast %get3A_1676 : vector<16xf32> to vector<16xf32>
    %select_n3A_1678 = arith.select %eq3A_1674, %get3A_1677, %select_n3A_1671 : vector<16xi1>, vector<16xf32>
    %eq3A_1679 = arith.constant 10 : i32
    %eq3A_1680 = vector.broadcast %eq3A_1679 : i32 to vector<16xi32>
    %eq3A_1681 = arith.cmpi eq, %iota3A, %eq3A_1680 : vector<16xi32>
    %get3A_1682 = arith.constant 160 : index
    %get3A_1683 = tpu.vector_load %arg8[%get3A_1682] {strides = array<i32>} : memref<2048xf32, #tpu.memory_space<vmem>>, vector<16xf32>,
    %get3A_1684 = vector.shape_cast %get3A_1683 : vector<16xf32> to vector<16xf32>
    %select_n3A_1685 = arith.select %eq3A_1681, %get3A_1684, %select_n3A_1678 : vector<16xi1>, vector<16xf32>
    %eq3A_1686 = arith.constant 11 : i32
    %eq3A_1687 = vector.broadcast %eq3A_1686 : i32 to vector<16xi32>
    %eq3A_1688 = arith.cmpi eq, %iota3A, %eq3A_1687 : vector<16xi32>
    %get3A_1689 = arith.constant 176 : index
    %get3A_1690 = tpu.vector_load %arg8[%get3A_1689] {strides = array<i32>} : memref<2048xf32, #tpu.memory_space<vmem>>, vector<16xf32>,
    %get3A_1691 = vector.shape_cast %get3A_1690 : vector<16xf32> to vector<16xf32>
    %select_n3A_1692 = arith.select %eq3A_1688, %get3A_1691, %select_n3A_1685 : vector<16xi1>, vector<16xf32>
    %eq3A_1693 = arith.constant 12 : i32
    %eq3A_1694 = vector.broadcast %eq3A_1693 : i32 to vector<16xi32>
    %eq3A_1695 = arith.cmpi eq, %iota3A, %eq3A_1694 : vector<16xi32>
    %get3A_1696 = arith.constant 192 : index
    %get3A_1697 = tpu.vector_load %arg8[%get3A_1696] {strides = array<i32>} : memref<2048xf32, #tpu.memory_space<vmem>>, vector<16xf32>,
    %get3A_1698 = vector.shape_cast %get3A_1697 : vector<16xf32> to vector<16xf32>
    %select_n3A_1699 = arith.select %eq3A_1695, %get3A_1698, %select_n3A_1692 : vector<16xi1>, vector<16xf32>
    %eq3A_1700 = arith.constant 13 : i32
    %eq3A_1701 = vector.broadcast %eq3A_1700 : i32 to vector<16xi32>
    %eq3A_1702 = arith.cmpi eq, %iota3A, %eq3A_1701 : vector<16xi32>
    %get3A_1703 = arith.constant 208 : index
    %get3A_1704 = tpu.vector_load %arg8[%get3A_1703] {strides = array<i32>} : memref<2048xf32, #tpu.memory_space<vmem>>, vector<16xf32>,
    %get3A_1705 = vector.shape_cast %get3A_1704 : vector<16xf32> to vector<16xf32>
    %select_n3A_1706 = arith.select %eq3A_1702, %get3A_1705, %select_n3A_1699 : vector<16xi1>, vector<16xf32>
    %eq3A_1707 = arith.constant 14 : i32
    %eq3A_1708 = vector.broadcast %eq3A_1707 : i32 to vector<16xi32>
    %eq3A_1709 = arith.cmpi eq, %iota3A, %eq3A_1708 : vector<16xi32>
    %get3A_1710 = arith.constant 224 : index
    %get3A_1711 = tpu.vector_load %arg8[%get3A_1710] {strides = array<i32>} : memref<2048xf32, #tpu.memory_space<vmem>>, vector<16xf32>,
    %get3A_1712 = vector.shape_cast %get3A_1711 : vector<16xf32> to vector<16xf32>
    %select_n3A_1713 = arith.select %eq3A_1709, %get3A_1712, %select_n3A_1706 : vector<16xi1>, vector<16xf32>
    %eq3A_1714 = arith.constant 15 : i32
    %eq3A_1715 = vector.broadcast %eq3A_1714 : i32 to vector<16xi32>
    %eq3A_1716 = arith.cmpi eq, %iota3A, %eq3A_1715 : vector<16xi32>
    %get3A_1717 = arith.constant 240 : index
    %get3A_1718 = tpu.vector_load %arg8[%get3A_1717] {strides = array<i32>} : memref<2048xf32, #tpu.memory_space<vmem>>, vector<16xf32>,
    %get3A_1719 = vector.shape_cast %get3A_1718 : vector<16xf32> to vector<16xf32>
    %select_n3A_1720 = arith.select %eq3A_1716, %get3A_1719, %select_n3A_1713 : vector<16xi1>, vector<16xf32>
    %swap3A = arith.constant 0 : index
    %swap3A_1721 = tpu.vector_load %arg9[%swap3A] {strides = array<i32>} : memref<128xf32, #tpu.memory_space<vmem>>, vector<16xf32>,
    %swap3A_1722 = vector.shape_cast %swap3A_1721 : vector<16xf32> to vector<16xf32>
    %swap3A_1723 = vector.shape_cast %select_n3A_1720 : vector<16xf32> to vector<16xf32>
    tpu.vector_store %arg9[%swap3A], %swap3A_1723 {strides = array<i32>} : memref<128xf32, #tpu.memory_space<vmem>>, vector<16xf32>,
    %broadcast_in_dim3A_1724 = arith.constant 0.000000e+00 : f32
    %broadcast_in_dim3A_1725 = vector.broadcast %broadcast_in_dim3A_1724 : f32 to vector<16xf32>
    %eq3A_1726 = arith.constant 0 : i32
    %eq3A_1727 = vector.broadcast %eq3A_1726 : i32 to vector<16xi32>
    %eq3A_1728 = arith.cmpi eq, %iota3A, %eq3A_1727 : vector<16xi32>
    %get3A_1729 = arith.constant 256 : index
    %get3A_1730 = tpu.vector_load %arg8[%get3A_1729] {strides = array<i32>} : memref<2048xf32, #tpu.memory_space<vmem>>, vector<16xf32>,
    %get3A_1731 = vector.shape_cast %get3A_1730 : vector<16xf32> to vector<16xf32>
    %select_n3A_1732 = arith.select %eq3A_1728, %get3A_1731, %broadcast_in_dim3A_1725 : vector<16xi1>, vector<16xf32>
    %eq3A_1733 = arith.constant 1 : i32
    %eq3A_1734 = vector.broadcast %eq3A_1733 : i32 to vector<16xi32>
    %eq3A_1735 = arith.cmpi eq, %iota3A, %eq3A_1734 : vector<16xi32>
    %get3A_1736 = arith.constant 272 : index
    %get3A_1737 = tpu.vector_load %arg8[%get3A_1736] {strides = array<i32>} : memref<2048xf32, #tpu.memory_space<vmem>>, vector<16xf32>,
    %get3A_1738 = vector.shape_cast %get3A_1737 : vector<16xf32> to vector<16xf32>
    %select_n3A_1739 = arith.select %eq3A_1735, %get3A_1738, %select_n3A_1732 : vector<16xi1>, vector<16xf32>
    %eq3A_1740 = arith.constant 2 : i32
    %eq3A_1741 = vector.broadcast %eq3A_1740 : i32 to vector<16xi32>
    %eq3A_1742 = arith.cmpi eq, %iota3A, %eq3A_1741 : vector<16xi32>
    %get3A_1743 = arith.constant 288 : index
    %get3A_1744 = tpu.vector_load %arg8[%get3A_1743] {strides = array<i32>} : memref<2048xf32, #tpu.memory_space<vmem>>, vector<16xf32>,
    %get3A_1745 = vector.shape_cast %get3A_1744 : vector<16xf32> to vector<16xf32>
    %select_n3A_1746 = arith.select %eq3A_1742, %get3A_1745, %select_n3A_1739 : vector<16xi1>, vector<16xf32>
    %eq3A_1747 = arith.constant 3 : i32
    %eq3A_1748 = vector.broadcast %eq3A_1747 : i32 to vector<16xi32>
    %eq3A_1749 = arith.cmpi eq, %iota3A, %eq3A_1748 : vector<16xi32>
    %get3A_1750 = arith.constant 304 : index
    %get3A_1751 = tpu.vector_load %arg8[%get3A_1750] {strides = array<i32>} : memref<2048xf32, #tpu.memory_space<vmem>>, vector<16xf32>,
    %get3A_1752 = vector.shape_cast %get3A_1751 : vector<16xf32> to vector<16xf32>
    %select_n3A_1753 = arith.select %eq3A_1749, %get3A_1752, %select_n3A_1746 : vector<16xi1>, vector<16xf32>
    %eq3A_1754 = arith.constant 4 : i32
    %eq3A_1755 = vector.broadcast %eq3A_1754 : i32 to vector<16xi32>
    %eq3A_1756 = arith.cmpi eq, %iota3A, %eq3A_1755 : vector<16xi32>
    %get3A_1757 = arith.constant 320 : index
    %get3A_1758 = tpu.vector_load %arg8[%get3A_1757] {strides = array<i32>} : memref<2048xf32, #tpu.memory_space<vmem>>, vector<16xf32>,
    %get3A_1759 = vector.shape_cast %get3A_1758 : vector<16xf32> to vector<16xf32>
    %select_n3A_1760 = arith.select %eq3A_1756, %get3A_1759, %select_n3A_1753 : vector<16xi1>, vector<16xf32>
    %eq3A_1761 = arith.constant 5 : i32
    %eq3A_1762 = vector.broadcast %eq3A_1761 : i32 to vector<16xi32>
    %eq3A_1763 = arith.cmpi eq, %iota3A, %eq3A_1762 : vector<16xi32>
    %get3A_1764 = arith.constant 336 : index
    %get3A_1765 = tpu.vector_load %arg8[%get3A_1764] {strides = array<i32>} : memref<2048xf32, #tpu.memory_space<vmem>>, vector<16xf32>,
    %get3A_1766 = vector.shape_cast %get3A_1765 : vector<16xf32> to vector<16xf32>
    %select_n3A_1767 = arith.select %eq3A_1763, %get3A_1766, %select_n3A_1760 : vector<16xi1>, vector<16xf32>
    %eq3A_1768 = arith.constant 6 : i32
    %eq3A_1769 = vector.broadcast %eq3A_1768 : i32 to vector<16xi32>
    %eq3A_1770 = arith.cmpi eq, %iota3A, %eq3A_1769 : vector<16xi32>
    %get3A_1771 = arith.constant 352 : index
    %get3A_1772 = tpu.vector_load %arg8[%get3A_1771] {strides = array<i32>} : memref<2048xf32, #tpu.memory_space<vmem>>, vector<16xf32>,
    %get3A_1773 = vector.shape_cast %get3A_1772 : vector<16xf32> to vector<16xf32>
    %select_n3A_1774 = arith.select %eq3A_1770, %get3A_1773, %select_n3A_1767 : vector<16xi1>, vector<16xf32>
    %eq3A_1775 = arith.constant 7 : i32
    %eq3A_1776 = vector.broadcast %eq3A_1775 : i32 to vector<16xi32>
    %eq3A_1777 = arith.cmpi eq, %iota3A, %eq3A_1776 : vector<16xi32>
    %get3A_1778 = arith.constant 368 : index
    %get3A_1779 = tpu.vector_load %arg8[%get3A_1778] {strides = array<i32>} : memref<2048xf32, #tpu.memory_space<vmem>>, vector<16xf32>,
    %get3A_1780 = vector.shape_cast %get3A_1779 : vector<16xf32> to vector<16xf32>
    %select_n3A_1781 = arith.select %eq3A_1777, %get3A_1780, %select_n3A_1774 : vector<16xi1>, vector<16xf32>
    %eq3A_1782 = arith.constant 8 : i32
    %eq3A_1783 = vector.broadcast %eq3A_1782 : i32 to vector<16xi32>
    %eq3A_1784 = arith.cmpi eq, %iota3A, %eq3A_1783 : vector<16xi32>
    %get3A_1785 = arith.constant 384 : index
    %get3A_1786 = tpu.vector_load %arg8[%get3A_1785] {strides = array<i32>} : memref<2048xf32, #tpu.memory_space<vmem>>, vector<16xf32>,
    %get3A_1787 = vector.shape_cast %get3A_1786 : vector<16xf32> to vector<16xf32>
    %select_n3A_1788 = arith.select %eq3A_1784, %get3A_1787, %select_n3A_1781 : vector<16xi1>, vector<16xf32>
    %eq3A_1789 = arith.constant 9 : i32
    %eq3A_1790 = vector.broadcast %eq3A_1789 : i32 to vector<16xi32>
    %eq3A_1791 = arith.cmpi eq, %iota3A, %eq3A_1790 : vector<16xi32>
    %get3A_1792 = arith.constant 400 : index
    %get3A_1793 = tpu.vector_load %arg8[%get3A_1792] {strides = array<i32>} : memref<2048xf32, #tpu.memory_space<vmem>>, vector<16xf32>,
    %get3A_1794 = vector.shape_cast %get3A_1793 : vector<16xf32> to vector<16xf32>
    %select_n3A_1795 = arith.select %eq3A_1791, %get3A_1794, %select_n3A_1788 : vector<16xi1>, vector<16xf32>
    %eq3A_1796 = arith.constant 10 : i32
    %eq3A_1797 = vector.broadcast %eq3A_1796 : i32 to vector<16xi32>
    %eq3A_1798 = arith.cmpi eq, %iota3A, %eq3A_1797 : vector<16xi32>
    %get3A_1799 = arith.constant 416 : index
    %get3A_1800 = tpu.vector_load %arg8[%get3A_1799] {strides = array<i32>} : memref<2048xf32, #tpu.memory_space<vmem>>, vector<16xf32>,
    %get3A_1801 = vector.shape_cast %get3A_1800 : vector<16xf32> to vector<16xf32>
    %select_n3A_1802 = arith.select %eq3A_1798, %get3A_1801, %select_n3A_1795 : vector<16xi1>, vector<16xf32>
    %eq3A_1803 = arith.constant 11 : i32
    %eq3A_1804 = vector.broadcast %eq3A_1803 : i32 to vector<16xi32>
    %eq3A_1805 = arith.cmpi eq, %iota3A, %eq3A_1804 : vector<16xi32>
    %get3A_1806 = arith.constant 432 : index
    %get3A_1807 = tpu.vector_load %arg8[%get3A_1806] {strides = array<i32>} : memref<2048xf32, #tpu.memory_space<vmem>>, vector<16xf32>,
    %get3A_1808 = vector.shape_cast %get3A_1807 : vector<16xf32> to vector<16xf32>
    %select_n3A_1809 = arith.select %eq3A_1805, %get3A_1808, %select_n3A_1802 : vector<16xi1>, vector<16xf32>
    %eq3A_1810 = arith.constant 12 : i32
    %eq3A_1811 = vector.broadcast %eq3A_1810 : i32 to vector<16xi32>
    %eq3A_1812 = arith.cmpi eq, %iota3A, %eq3A_1811 : vector<16xi32>
    %get3A_1813 = arith.constant 448 : index
    %get3A_1814 = tpu.vector_load %arg8[%get3A_1813] {strides = array<i32>} : memref<2048xf32, #tpu.memory_space<vmem>>, vector<16xf32>,
    %get3A_1815 = vector.shape_cast %get3A_1814 : vector<16xf32> to vector<16xf32>
    %select_n3A_1816 = arith.select %eq3A_1812, %get3A_1815, %select_n3A_1809 : vector<16xi1>, vector<16xf32>
    %eq3A_1817 = arith.constant 13 : i32
    %eq3A_1818 = vector.broadcast %eq3A_1817 : i32 to vector<16xi32>
    %eq3A_1819 = arith.cmpi eq, %iota3A, %eq3A_1818 : vector<16xi32>
    %get3A_1820 = arith.constant 464 : index
    %get3A_1821 = tpu.vector_load %arg8[%get3A_1820] {strides = array<i32>} : memref<2048xf32, #tpu.memory_space<vmem>>, vector<16xf32>,
    %get3A_1822 = vector.shape_cast %get3A_1821 : vector<16xf32> to vector<16xf32>
    %select_n3A_1823 = arith.select %eq3A_1819, %get3A_1822, %select_n3A_1816 : vector<16xi1>, vector<16xf32>
    %eq3A_1824 = arith.constant 14 : i32
    %eq3A_1825 = vector.broadcast %eq3A_1824 : i32 to vector<16xi32>
    %eq3A_1826 = arith.cmpi eq, %iota3A, %eq3A_1825 : vector<16xi32>
    %get3A_1827 = arith.constant 480 : index
    %get3A_1828 = tpu.vector_load %arg8[%get3A_1827] {strides = array<i32>} : memref<2048xf32, #tpu.memory_space<vmem>>, vector<16xf32>,
    %get3A_1829 = vector.shape_cast %get3A_1828 : vector<16xf32> to vector<16xf32>
    %select_n3A_1830 = arith.select %eq3A_1826, %get3A_1829, %select_n3A_1823 : vector<16xi1>, vector<16xf32>
    %eq3A_1831 = arith.constant 15 : i32
    %eq3A_1832 = vector.broadcast %eq3A_1831 : i32 to vector<16xi32>
    %eq3A_1833 = arith.cmpi eq, %iota3A, %eq3A_1832 : vector<16xi32>
    %get3A_1834 = arith.constant 496 : index
    %get3A_1835 = tpu.vector_load %arg8[%get3A_1834] {strides = array<i32>} : memref<2048xf32, #tpu.memory_space<vmem>>, vector<16xf32>,
    %get3A_1836 = vector.shape_cast %get3A_1835 : vector<16xf32> to vector<16xf32>
    %select_n3A_1837 = arith.select %eq3A_1833, %get3A_1836, %select_n3A_1830 : vector<16xi1>, vector<16xf32>
    %swap3A_1838 = arith.constant 16 : index
    %swap3A_1839 = tpu.vector_load %arg9[%swap3A_1838] {strides = array<i32>} : memref<128xf32, #tpu.memory_space<vmem>>, vector<16xf32>,
    %swap3A_1840 = vector.shape_cast %swap3A_1839 : vector<16xf32> to vector<16xf32>
    %swap3A_1841 = vector.shape_cast %select_n3A_1837 : vector<16xf32> to vector<16xf32>
    tpu.vector_store %arg9[%swap3A_1838], %swap3A_1841 {strides = array<i32>} : memref<128xf32, #tpu.memory_space<vmem>>, vector<16xf32>,
    %broadcast_in_dim3A_1842 = arith.constant 0.000000e+00 : f32
    %broadcast_in_dim3A_1843 = vector.broadcast %broadcast_in_dim3A_1842 : f32 to vector<16xf32>
    %eq3A_1844 = arith.constant 0 : i32
    %eq3A_1845 = vector.broadcast %eq3A_1844 : i32 to vector<16xi32>
    %eq3A_1846 = arith.cmpi eq, %iota3A, %eq3A_1845 : vector<16xi32>
    %get3A_1847 = arith.constant 512 : index
    %get3A_1848 = tpu.vector_load %arg8[%get3A_1847] {strides = array<i32>} : memref<2048xf32, #tpu.memory_space<vmem>>, vector<16xf32>,
    %get3A_1849 = vector.shape_cast %get3A_1848 : vector<16xf32> to vector<16xf32>
    %select_n3A_1850 = arith.select %eq3A_1846, %get3A_1849, %broadcast_in_dim3A_1843 : vector<16xi1>, vector<16xf32>
    %eq3A_1851 = arith.constant 1 : i32
    %eq3A_1852 = vector.broadcast %eq3A_1851 : i32 to vector<16xi32>
    %eq3A_1853 = arith.cmpi eq, %iota3A, %eq3A_1852 : vector<16xi32>
    %get3A_1854 = arith.constant 528 : index
    %get3A_1855 = tpu.vector_load %arg8[%get3A_1854] {strides = array<i32>} : memref<2048xf32, #tpu.memory_space<vmem>>, vector<16xf32>,
    %get3A_1856 = vector.shape_cast %get3A_1855 : vector<16xf32> to vector<16xf32>
    %select_n3A_1857 = arith.select %eq3A_1853, %get3A_1856, %select_n3A_1850 : vector<16xi1>, vector<16xf32>
    %eq3A_1858 = arith.constant 2 : i32
    %eq3A_1859 = vector.broadcast %eq3A_1858 : i32 to vector<16xi32>
    %eq3A_1860 = arith.cmpi eq, %iota3A, %eq3A_1859 : vector<16xi32>
    %get3A_1861 = arith.constant 544 : index
    %get3A_1862 = tpu.vector_load %arg8[%get3A_1861] {strides = array<i32>} : memref<2048xf32, #tpu.memory_space<vmem>>, vector<16xf32>,
    %get3A_1863 = vector.shape_cast %get3A_1862 : vector<16xf32> to vector<16xf32>
    %select_n3A_1864 = arith.select %eq3A_1860, %get3A_1863, %select_n3A_1857 : vector<16xi1>, vector<16xf32>
    %eq3A_1865 = arith.constant 3 : i32
    %eq3A_1866 = vector.broadcast %eq3A_1865 : i32 to vector<16xi32>
    %eq3A_1867 = arith.cmpi eq, %iota3A, %eq3A_1866 : vector<16xi32>
    %get3A_1868 = arith.constant 560 : index
    %get3A_1869 = tpu.vector_load %arg8[%get3A_1868] {strides = array<i32>} : memref<2048xf32, #tpu.memory_space<vmem>>, vector<16xf32>,
    %get3A_1870 = vector.shape_cast %get3A_1869 : vector<16xf32> to vector<16xf32>
    %select_n3A_1871 = arith.select %eq3A_1867, %get3A_1870, %select_n3A_1864 : vector<16xi1>, vector<16xf32>
    %eq3A_1872 = arith.constant 4 : i32
    %eq3A_1873 = vector.broadcast %eq3A_1872 : i32 to vector<16xi32>
    %eq3A_1874 = arith.cmpi eq, %iota3A, %eq3A_1873 : vector<16xi32>
    %get3A_1875 = arith.constant 576 : index
    %get3A_1876 = tpu.vector_load %arg8[%get3A_1875] {strides = array<i32>} : memref<2048xf32, #tpu.memory_space<vmem>>, vector<16xf32>,
    %get3A_1877 = vector.shape_cast %get3A_1876 : vector<16xf32> to vector<16xf32>
    %select_n3A_1878 = arith.select %eq3A_1874, %get3A_1877, %select_n3A_1871 : vector<16xi1>, vector<16xf32>
    %eq3A_1879 = arith.constant 5 : i32
    %eq3A_1880 = vector.broadcast %eq3A_1879 : i32 to vector<16xi32>
    %eq3A_1881 = arith.cmpi eq, %iota3A, %eq3A_1880 : vector<16xi32>
    %get3A_1882 = arith.constant 592 : index
    %get3A_1883 = tpu.vector_load %arg8[%get3A_1882] {strides = array<i32>} : memref<2048xf32, #tpu.memory_space<vmem>>, vector<16xf32>,
    %get3A_1884 = vector.shape_cast %get3A_1883 : vector<16xf32> to vector<16xf32>
    %select_n3A_1885 = arith.select %eq3A_1881, %get3A_1884, %select_n3A_1878 : vector<16xi1>, vector<16xf32>
    %eq3A_1886 = arith.constant 6 : i32
    %eq3A_1887 = vector.broadcast %eq3A_1886 : i32 to vector<16xi32>
    %eq3A_1888 = arith.cmpi eq, %iota3A, %eq3A_1887 : vector<16xi32>
    %get3A_1889 = arith.constant 608 : index
    %get3A_1890 = tpu.vector_load %arg8[%get3A_1889] {strides = array<i32>} : memref<2048xf32, #tpu.memory_space<vmem>>, vector<16xf32>,
    %get3A_1891 = vector.shape_cast %get3A_1890 : vector<16xf32> to vector<16xf32>
    %select_n3A_1892 = arith.select %eq3A_1888, %get3A_1891, %select_n3A_1885 : vector<16xi1>, vector<16xf32>
    %eq3A_1893 = arith.constant 7 : i32
    %eq3A_1894 = vector.broadcast %eq3A_1893 : i32 to vector<16xi32>
    %eq3A_1895 = arith.cmpi eq, %iota3A, %eq3A_1894 : vector<16xi32>
    %get3A_1896 = arith.constant 624 : index
    %get3A_1897 = tpu.vector_load %arg8[%get3A_1896] {strides = array<i32>} : memref<2048xf32, #tpu.memory_space<vmem>>, vector<16xf32>,
    %get3A_1898 = vector.shape_cast %get3A_1897 : vector<16xf32> to vector<16xf32>
    %select_n3A_1899 = arith.select %eq3A_1895, %get3A_1898, %select_n3A_1892 : vector<16xi1>, vector<16xf32>
    %eq3A_1900 = arith.constant 8 : i32
    %eq3A_1901 = vector.broadcast %eq3A_1900 : i32 to vector<16xi32>
    %eq3A_1902 = arith.cmpi eq, %iota3A, %eq3A_1901 : vector<16xi32>
    %get3A_1903 = arith.constant 640 : index
    %get3A_1904 = tpu.vector_load %arg8[%get3A_1903] {strides = array<i32>} : memref<2048xf32, #tpu.memory_space<vmem>>, vector<16xf32>,
    %get3A_1905 = vector.shape_cast %get3A_1904 : vector<16xf32> to vector<16xf32>
    %select_n3A_1906 = arith.select %eq3A_1902, %get3A_1905, %select_n3A_1899 : vector<16xi1>, vector<16xf32>
    %eq3A_1907 = arith.constant 9 : i32
    %eq3A_1908 = vector.broadcast %eq3A_1907 : i32 to vector<16xi32>
    %eq3A_1909 = arith.cmpi eq, %iota3A, %eq3A_1908 : vector<16xi32>
    %get3A_1910 = arith.constant 656 : index
    %get3A_1911 = tpu.vector_load %arg8[%get3A_1910] {strides = array<i32>} : memref<2048xf32, #tpu.memory_space<vmem>>, vector<16xf32>,
    %get3A_1912 = vector.shape_cast %get3A_1911 : vector<16xf32> to vector<16xf32>
    %select_n3A_1913 = arith.select %eq3A_1909, %get3A_1912, %select_n3A_1906 : vector<16xi1>, vector<16xf32>
    %eq3A_1914 = arith.constant 10 : i32
    %eq3A_1915 = vector.broadcast %eq3A_1914 : i32 to vector<16xi32>
    %eq3A_1916 = arith.cmpi eq, %iota3A, %eq3A_1915 : vector<16xi32>
    %get3A_1917 = arith.constant 672 : index
    %get3A_1918 = tpu.vector_load %arg8[%get3A_1917] {strides = array<i32>} : memref<2048xf32, #tpu.memory_space<vmem>>, vector<16xf32>,
    %get3A_1919 = vector.shape_cast %get3A_1918 : vector<16xf32> to vector<16xf32>
    %select_n3A_1920 = arith.select %eq3A_1916, %get3A_1919, %select_n3A_1913 : vector<16xi1>, vector<16xf32>
    %eq3A_1921 = arith.constant 11 : i32
    %eq3A_1922 = vector.broadcast %eq3A_1921 : i32 to vector<16xi32>
    %eq3A_1923 = arith.cmpi eq, %iota3A, %eq3A_1922 : vector<16xi32>
    %get3A_1924 = arith.constant 688 : index
    %get3A_1925 = tpu.vector_load %arg8[%get3A_1924] {strides = array<i32>} : memref<2048xf32, #tpu.memory_space<vmem>>, vector<16xf32>,
    %get3A_1926 = vector.shape_cast %get3A_1925 : vector<16xf32> to vector<16xf32>
    %select_n3A_1927 = arith.select %eq3A_1923, %get3A_1926, %select_n3A_1920 : vector<16xi1>, vector<16xf32>
    %eq3A_1928 = arith.constant 12 : i32
    %eq3A_1929 = vector.broadcast %eq3A_1928 : i32 to vector<16xi32>
    %eq3A_1930 = arith.cmpi eq, %iota3A, %eq3A_1929 : vector<16xi32>
    %get3A_1931 = arith.constant 704 : index
    %get3A_1932 = tpu.vector_load %arg8[%get3A_1931] {strides = array<i32>} : memref<2048xf32, #tpu.memory_space<vmem>>, vector<16xf32>,
    %get3A_1933 = vector.shape_cast %get3A_1932 : vector<16xf32> to vector<16xf32>
    %select_n3A_1934 = arith.select %eq3A_1930, %get3A_1933, %select_n3A_1927 : vector<16xi1>, vector<16xf32>
    %eq3A_1935 = arith.constant 13 : i32
    %eq3A_1936 = vector.broadcast %eq3A_1935 : i32 to vector<16xi32>
    %eq3A_1937 = arith.cmpi eq, %iota3A, %eq3A_1936 : vector<16xi32>
    %get3A_1938 = arith.constant 720 : index
    %get3A_1939 = tpu.vector_load %arg8[%get3A_1938] {strides = array<i32>} : memref<2048xf32, #tpu.memory_space<vmem>>, vector<16xf32>,
    %get3A_1940 = vector.shape_cast %get3A_1939 : vector<16xf32> to vector<16xf32>
    %select_n3A_1941 = arith.select %eq3A_1937, %get3A_1940, %select_n3A_1934 : vector<16xi1>, vector<16xf32>
    %eq3A_1942 = arith.constant 14 : i32
    %eq3A_1943 = vector.broadcast %eq3A_1942 : i32 to vector<16xi32>
    %eq3A_1944 = arith.cmpi eq, %iota3A, %eq3A_1943 : vector<16xi32>
    %get3A_1945 = arith.constant 736 : index
    %get3A_1946 = tpu.vector_load %arg8[%get3A_1945] {strides = array<i32>} : memref<2048xf32, #tpu.memory_space<vmem>>, vector<16xf32>,
    %get3A_1947 = vector.shape_cast %get3A_1946 : vector<16xf32> to vector<16xf32>
    %select_n3A_1948 = arith.select %eq3A_1944, %get3A_1947, %select_n3A_1941 : vector<16xi1>, vector<16xf32>
    %eq3A_1949 = arith.constant 15 : i32
    %eq3A_1950 = vector.broadcast %eq3A_1949 : i32 to vector<16xi32>
    %eq3A_1951 = arith.cmpi eq, %iota3A, %eq3A_1950 : vector<16xi32>
    %get3A_1952 = arith.constant 752 : index
    %get3A_1953 = tpu.vector_load %arg8[%get3A_1952] {strides = array<i32>} : memref<2048xf32, #tpu.memory_space<vmem>>, vector<16xf32>,
    %get3A_1954 = vector.shape_cast %get3A_1953 : vector<16xf32> to vector<16xf32>
    %select_n3A_1955 = arith.select %eq3A_1951, %get3A_1954, %select_n3A_1948 : vector<16xi1>, vector<16xf32>
    %swap3A_1956 = arith.constant 32 : index
    %swap3A_1957 = tpu.vector_load %arg9[%swap3A_1956] {strides = array<i32>} : memref<128xf32, #tpu.memory_space<vmem>>, vector<16xf32>,
    %swap3A_1958 = vector.shape_cast %swap3A_1957 : vector<16xf32> to vector<16xf32>
    %swap3A_1959 = vector.shape_cast %select_n3A_1955 : vector<16xf32> to vector<16xf32>
    tpu.vector_store %arg9[%swap3A_1956], %swap3A_1959 {strides = array<i32>} : memref<128xf32, #tpu.memory_space<vmem>>, vector<16xf32>,
    %broadcast_in_dim3A_1960 = arith.constant 0.000000e+00 : f32
    %broadcast_in_dim3A_1961 = vector.broadcast %broadcast_in_dim3A_1960 : f32 to vector<16xf32>
    %eq3A_1962 = arith.constant 0 : i32
    %eq3A_1963 = vector.broadcast %eq3A_1962 : i32 to vector<16xi32>
    %eq3A_1964 = arith.cmpi eq, %iota3A, %eq3A_1963 : vector<16xi32>
    %get3A_1965 = arith.constant 768 : index
    %get3A_1966 = tpu.vector_load %arg8[%get3A_1965] {strides = array<i32>} : memref<2048xf32, #tpu.memory_space<vmem>>, vector<16xf32>,
    %get3A_1967 = vector.shape_cast %get3A_1966 : vector<16xf32> to vector<16xf32>
    %select_n3A_1968 = arith.select %eq3A_1964, %get3A_1967, %broadcast_in_dim3A_1961 : vector<16xi1>, vector<16xf32>
    %eq3A_1969 = arith.constant 1 : i32
    %eq3A_1970 = vector.broadcast %eq3A_1969 : i32 to vector<16xi32>
    %eq3A_1971 = arith.cmpi eq, %iota3A, %eq3A_1970 : vector<16xi32>
    %get3A_1972 = arith.constant 784 : index
    %get3A_1973 = tpu.vector_load %arg8[%get3A_1972] {strides = array<i32>} : memref<2048xf32, #tpu.memory_space<vmem>>, vector<16xf32>,
    %get3A_1974 = vector.shape_cast %get3A_1973 : vector<16xf32> to vector<16xf32>
    %select_n3A_1975 = arith.select %eq3A_1971, %get3A_1974, %select_n3A_1968 : vector<16xi1>, vector<16xf32>
    %eq3A_1976 = arith.constant 2 : i32
    %eq3A_1977 = vector.broadcast %eq3A_1976 : i32 to vector<16xi32>
    %eq3A_1978 = arith.cmpi eq, %iota3A, %eq3A_1977 : vector<16xi32>
    %get3A_1979 = arith.constant 800 : index
    %get3A_1980 = tpu.vector_load %arg8[%get3A_1979] {strides = array<i32>} : memref<2048xf32, #tpu.memory_space<vmem>>, vector<16xf32>,
    %get3A_1981 = vector.shape_cast %get3A_1980 : vector<16xf32> to vector<16xf32>
    %select_n3A_1982 = arith.select %eq3A_1978, %get3A_1981, %select_n3A_1975 : vector<16xi1>, vector<16xf32>
    %eq3A_1983 = arith.constant 3 : i32
    %eq3A_1984 = vector.broadcast %eq3A_1983 : i32 to vector<16xi32>
    %eq3A_1985 = arith.cmpi eq, %iota3A, %eq3A_1984 : vector<16xi32>
    %get3A_1986 = arith.constant 816 : index
    %get3A_1987 = tpu.vector_load %arg8[%get3A_1986] {strides = array<i32>} : memref<2048xf32, #tpu.memory_space<vmem>>, vector<16xf32>,
    %get3A_1988 = vector.shape_cast %get3A_1987 : vector<16xf32> to vector<16xf32>
    %select_n3A_1989 = arith.select %eq3A_1985, %get3A_1988, %select_n3A_1982 : vector<16xi1>, vector<16xf32>
    %eq3A_1990 = arith.constant 4 : i32
    %eq3A_1991 = vector.broadcast %eq3A_1990 : i32 to vector<16xi32>
    %eq3A_1992 = arith.cmpi eq, %iota3A, %eq3A_1991 : vector<16xi32>
    %get3A_1993 = arith.constant 832 : index
    %get3A_1994 = tpu.vector_load %arg8[%get3A_1993] {strides = array<i32>} : memref<2048xf32, #tpu.memory_space<vmem>>, vector<16xf32>,
    %get3A_1995 = vector.shape_cast %get3A_1994 : vector<16xf32> to vector<16xf32>
    %select_n3A_1996 = arith.select %eq3A_1992, %get3A_1995, %select_n3A_1989 : vector<16xi1>, vector<16xf32>
    %eq3A_1997 = arith.constant 5 : i32
    %eq3A_1998 = vector.broadcast %eq3A_1997 : i32 to vector<16xi32>
    %eq3A_1999 = arith.cmpi eq, %iota3A, %eq3A_1998 : vector<16xi32>
    %get3A_2000 = arith.constant 848 : index
    %get3A_2001 = tpu.vector_load %arg8[%get3A_2000] {strides = array<i32>} : memref<2048xf32, #tpu.memory_space<vmem>>, vector<16xf32>,
    %get3A_2002 = vector.shape_cast %get3A_2001 : vector<16xf32> to vector<16xf32>
    %select_n3A_2003 = arith.select %eq3A_1999, %get3A_2002, %select_n3A_1996 : vector<16xi1>, vector<16xf32>
    %eq3A_2004 = arith.constant 6 : i32
    %eq3A_2005 = vector.broadcast %eq3A_2004 : i32 to vector<16xi32>
    %eq3A_2006 = arith.cmpi eq, %iota3A, %eq3A_2005 : vector<16xi32>
    %get3A_2007 = arith.constant 864 : index
    %get3A_2008 = tpu.vector_load %arg8[%get3A_2007] {strides = array<i32>} : memref<2048xf32, #tpu.memory_space<vmem>>, vector<16xf32>,
    %get3A_2009 = vector.shape_cast %get3A_2008 : vector<16xf32> to vector<16xf32>
    %select_n3A_2010 = arith.select %eq3A_2006, %get3A_2009, %select_n3A_2003 : vector<16xi1>, vector<16xf32>
    %eq3A_2011 = arith.constant 7 : i32
    %eq3A_2012 = vector.broadcast %eq3A_2011 : i32 to vector<16xi32>
    %eq3A_2013 = arith.cmpi eq, %iota3A, %eq3A_2012 : vector<16xi32>
    %get3A_2014 = arith.constant 880 : index
    %get3A_2015 = tpu.vector_load %arg8[%get3A_2014] {strides = array<i32>} : memref<2048xf32, #tpu.memory_space<vmem>>, vector<16xf32>,
    %get3A_2016 = vector.shape_cast %get3A_2015 : vector<16xf32> to vector<16xf32>
    %select_n3A_2017 = arith.select %eq3A_2013, %get3A_2016, %select_n3A_2010 : vector<16xi1>, vector<16xf32>
    %eq3A_2018 = arith.constant 8 : i32
    %eq3A_2019 = vector.broadcast %eq3A_2018 : i32 to vector<16xi32>
    %eq3A_2020 = arith.cmpi eq, %iota3A, %eq3A_2019 : vector<16xi32>
    %get3A_2021 = arith.constant 896 : index
    %get3A_2022 = tpu.vector_load %arg8[%get3A_2021] {strides = array<i32>} : memref<2048xf32, #tpu.memory_space<vmem>>, vector<16xf32>,
    %get3A_2023 = vector.shape_cast %get3A_2022 : vector<16xf32> to vector<16xf32>
    %select_n3A_2024 = arith.select %eq3A_2020, %get3A_2023, %select_n3A_2017 : vector<16xi1>, vector<16xf32>
    %eq3A_2025 = arith.constant 9 : i32
    %eq3A_2026 = vector.broadcast %eq3A_2025 : i32 to vector<16xi32>
    %eq3A_2027 = arith.cmpi eq, %iota3A, %eq3A_2026 : vector<16xi32>
    %get3A_2028 = arith.constant 912 : index
    %get3A_2029 = tpu.vector_load %arg8[%get3A_2028] {strides = array<i32>} : memref<2048xf32, #tpu.memory_space<vmem>>, vector<16xf32>,
    %get3A_2030 = vector.shape_cast %get3A_2029 : vector<16xf32> to vector<16xf32>
    %select_n3A_2031 = arith.select %eq3A_2027, %get3A_2030, %select_n3A_2024 : vector<16xi1>, vector<16xf32>
    %eq3A_2032 = arith.constant 10 : i32
    %eq3A_2033 = vector.broadcast %eq3A_2032 : i32 to vector<16xi32>
    %eq3A_2034 = arith.cmpi eq, %iota3A, %eq3A_2033 : vector<16xi32>
    %get3A_2035 = arith.constant 928 : index
    %get3A_2036 = tpu.vector_load %arg8[%get3A_2035] {strides = array<i32>} : memref<2048xf32, #tpu.memory_space<vmem>>, vector<16xf32>,
    %get3A_2037 = vector.shape_cast %get3A_2036 : vector<16xf32> to vector<16xf32>
    %select_n3A_2038 = arith.select %eq3A_2034, %get3A_2037, %select_n3A_2031 : vector<16xi1>, vector<16xf32>
    %eq3A_2039 = arith.constant 11 : i32
    %eq3A_2040 = vector.broadcast %eq3A_2039 : i32 to vector<16xi32>
    %eq3A_2041 = arith.cmpi eq, %iota3A, %eq3A_2040 : vector<16xi32>
    %get3A_2042 = arith.constant 944 : index
    %get3A_2043 = tpu.vector_load %arg8[%get3A_2042] {strides = array<i32>} : memref<2048xf32, #tpu.memory_space<vmem>>, vector<16xf32>,
    %get3A_2044 = vector.shape_cast %get3A_2043 : vector<16xf32> to vector<16xf32>
    %select_n3A_2045 = arith.select %eq3A_2041, %get3A_2044, %select_n3A_2038 : vector<16xi1>, vector<16xf32>
    %eq3A_2046 = arith.constant 12 : i32
    %eq3A_2047 = vector.broadcast %eq3A_2046 : i32 to vector<16xi32>
    %eq3A_2048 = arith.cmpi eq, %iota3A, %eq3A_2047 : vector<16xi32>
    %get3A_2049 = arith.constant 960 : index
    %get3A_2050 = tpu.vector_load %arg8[%get3A_2049] {strides = array<i32>} : memref<2048xf32, #tpu.memory_space<vmem>>, vector<16xf32>,
    %get3A_2051 = vector.shape_cast %get3A_2050 : vector<16xf32> to vector<16xf32>
    %select_n3A_2052 = arith.select %eq3A_2048, %get3A_2051, %select_n3A_2045 : vector<16xi1>, vector<16xf32>
    %eq3A_2053 = arith.constant 13 : i32
    %eq3A_2054 = vector.broadcast %eq3A_2053 : i32 to vector<16xi32>
    %eq3A_2055 = arith.cmpi eq, %iota3A, %eq3A_2054 : vector<16xi32>
    %get3A_2056 = arith.constant 976 : index
    %get3A_2057 = tpu.vector_load %arg8[%get3A_2056] {strides = array<i32>} : memref<2048xf32, #tpu.memory_space<vmem>>, vector<16xf32>,
    %get3A_2058 = vector.shape_cast %get3A_2057 : vector<16xf32> to vector<16xf32>
    %select_n3A_2059 = arith.select %eq3A_2055, %get3A_2058, %select_n3A_2052 : vector<16xi1>, vector<16xf32>
    %eq3A_2060 = arith.constant 14 : i32
    %eq3A_2061 = vector.broadcast %eq3A_2060 : i32 to vector<16xi32>
    %eq3A_2062 = arith.cmpi eq, %iota3A, %eq3A_2061 : vector<16xi32>
    %get3A_2063 = arith.constant 992 : index
    %get3A_2064 = tpu.vector_load %arg8[%get3A_2063] {strides = array<i32>} : memref<2048xf32, #tpu.memory_space<vmem>>, vector<16xf32>,
    %get3A_2065 = vector.shape_cast %get3A_2064 : vector<16xf32> to vector<16xf32>
    %select_n3A_2066 = arith.select %eq3A_2062, %get3A_2065, %select_n3A_2059 : vector<16xi1>, vector<16xf32>
    %eq3A_2067 = arith.constant 15 : i32
    %eq3A_2068 = vector.broadcast %eq3A_2067 : i32 to vector<16xi32>
    %eq3A_2069 = arith.cmpi eq, %iota3A, %eq3A_2068 : vector<16xi32>
    %get3A_2070 = arith.constant 1008 : index
    %get3A_2071 = tpu.vector_load %arg8[%get3A_2070] {strides = array<i32>} : memref<2048xf32, #tpu.memory_space<vmem>>, vector<16xf32>,
    %get3A_2072 = vector.shape_cast %get3A_2071 : vector<16xf32> to vector<16xf32>
    %select_n3A_2073 = arith.select %eq3A_2069, %get3A_2072, %select_n3A_2066 : vector<16xi1>, vector<16xf32>
    %swap3A_2074 = arith.constant 48 : index
    %swap3A_2075 = tpu.vector_load %arg9[%swap3A_2074] {strides = array<i32>} : memref<128xf32, #tpu.memory_space<vmem>>, vector<16xf32>,
    %swap3A_2076 = vector.shape_cast %swap3A_2075 : vector<16xf32> to vector<16xf32>
    %swap3A_2077 = vector.shape_cast %select_n3A_2073 : vector<16xf32> to vector<16xf32>
    tpu.vector_store %arg9[%swap3A_2074], %swap3A_2077 {strides = array<i32>} : memref<128xf32, #tpu.memory_space<vmem>>, vector<16xf32>,
    %broadcast_in_dim3A_2078 = arith.constant 0.000000e+00 : f32
    %broadcast_in_dim3A_2079 = vector.broadcast %broadcast_in_dim3A_2078 : f32 to vector<16xf32>
    %eq3A_2080 = arith.constant 0 : i32
    %eq3A_2081 = vector.broadcast %eq3A_2080 : i32 to vector<16xi32>
    %eq3A_2082 = arith.cmpi eq, %iota3A, %eq3A_2081 : vector<16xi32>
    %get3A_2083 = arith.constant 1024 : index
    %get3A_2084 = tpu.vector_load %arg8[%get3A_2083] {strides = array<i32>} : memref<2048xf32, #tpu.memory_space<vmem>>, vector<16xf32>,
    %get3A_2085 = vector.shape_cast %get3A_2084 : vector<16xf32> to vector<16xf32>
    %select_n3A_2086 = arith.select %eq3A_2082, %get3A_2085, %broadcast_in_dim3A_2079 : vector<16xi1>, vector<16xf32>
    %eq3A_2087 = arith.constant 1 : i32
    %eq3A_2088 = vector.broadcast %eq3A_2087 : i32 to vector<16xi32>
    %eq3A_2089 = arith.cmpi eq, %iota3A, %eq3A_2088 : vector<16xi32>
    %get3A_2090 = arith.constant 1040 : index
    %get3A_2091 = tpu.vector_load %arg8[%get3A_2090] {strides = array<i32>} : memref<2048xf32, #tpu.memory_space<vmem>>, vector<16xf32>,
    %get3A_2092 = vector.shape_cast %get3A_2091 : vector<16xf32> to vector<16xf32>
    %select_n3A_2093 = arith.select %eq3A_2089, %get3A_2092, %select_n3A_2086 : vector<16xi1>, vector<16xf32>
    %eq3A_2094 = arith.constant 2 : i32
    %eq3A_2095 = vector.broadcast %eq3A_2094 : i32 to vector<16xi32>
    %eq3A_2096 = arith.cmpi eq, %iota3A, %eq3A_2095 : vector<16xi32>
    %get3A_2097 = arith.constant 1056 : index
    %get3A_2098 = tpu.vector_load %arg8[%get3A_2097] {strides = array<i32>} : memref<2048xf32, #tpu.memory_space<vmem>>, vector<16xf32>,
    %get3A_2099 = vector.shape_cast %get3A_2098 : vector<16xf32> to vector<16xf32>
    %select_n3A_2100 = arith.select %eq3A_2096, %get3A_2099, %select_n3A_2093 : vector<16xi1>, vector<16xf32>
    %eq3A_2101 = arith.constant 3 : i32
    %eq3A_2102 = vector.broadcast %eq3A_2101 : i32 to vector<16xi32>
    %eq3A_2103 = arith.cmpi eq, %iota3A, %eq3A_2102 : vector<16xi32>
    %get3A_2104 = arith.constant 1072 : index
    %get3A_2105 = tpu.vector_load %arg8[%get3A_2104] {strides = array<i32>} : memref<2048xf32, #tpu.memory_space<vmem>>, vector<16xf32>,
    %get3A_2106 = vector.shape_cast %get3A_2105 : vector<16xf32> to vector<16xf32>
    %select_n3A_2107 = arith.select %eq3A_2103, %get3A_2106, %select_n3A_2100 : vector<16xi1>, vector<16xf32>
    %eq3A_2108 = arith.constant 4 : i32
    %eq3A_2109 = vector.broadcast %eq3A_2108 : i32 to vector<16xi32>
    %eq3A_2110 = arith.cmpi eq, %iota3A, %eq3A_2109 : vector<16xi32>
    %get3A_2111 = arith.constant 1088 : index
    %get3A_2112 = tpu.vector_load %arg8[%get3A_2111] {strides = array<i32>} : memref<2048xf32, #tpu.memory_space<vmem>>, vector<16xf32>,
    %get3A_2113 = vector.shape_cast %get3A_2112 : vector<16xf32> to vector<16xf32>
    %select_n3A_2114 = arith.select %eq3A_2110, %get3A_2113, %select_n3A_2107 : vector<16xi1>, vector<16xf32>
    %eq3A_2115 = arith.constant 5 : i32
    %eq3A_2116 = vector.broadcast %eq3A_2115 : i32 to vector<16xi32>
    %eq3A_2117 = arith.cmpi eq, %iota3A, %eq3A_2116 : vector<16xi32>
    %get3A_2118 = arith.constant 1104 : index
    %get3A_2119 = tpu.vector_load %arg8[%get3A_2118] {strides = array<i32>} : memref<2048xf32, #tpu.memory_space<vmem>>, vector<16xf32>,
    %get3A_2120 = vector.shape_cast %get3A_2119 : vector<16xf32> to vector<16xf32>
    %select_n3A_2121 = arith.select %eq3A_2117, %get3A_2120, %select_n3A_2114 : vector<16xi1>, vector<16xf32>
    %eq3A_2122 = arith.constant 6 : i32
    %eq3A_2123 = vector.broadcast %eq3A_2122 : i32 to vector<16xi32>
    %eq3A_2124 = arith.cmpi eq, %iota3A, %eq3A_2123 : vector<16xi32>
    %get3A_2125 = arith.constant 1120 : index
    %get3A_2126 = tpu.vector_load %arg8[%get3A_2125] {strides = array<i32>} : memref<2048xf32, #tpu.memory_space<vmem>>, vector<16xf32>,
    %get3A_2127 = vector.shape_cast %get3A_2126 : vector<16xf32> to vector<16xf32>
    %select_n3A_2128 = arith.select %eq3A_2124, %get3A_2127, %select_n3A_2121 : vector<16xi1>, vector<16xf32>
    %eq3A_2129 = arith.constant 7 : i32
    %eq3A_2130 = vector.broadcast %eq3A_2129 : i32 to vector<16xi32>
    %eq3A_2131 = arith.cmpi eq, %iota3A, %eq3A_2130 : vector<16xi32>
    %get3A_2132 = arith.constant 1136 : index
    %get3A_2133 = tpu.vector_load %arg8[%get3A_2132] {strides = array<i32>} : memref<2048xf32, #tpu.memory_space<vmem>>, vector<16xf32>,
    %get3A_2134 = vector.shape_cast %get3A_2133 : vector<16xf32> to vector<16xf32>
    %select_n3A_2135 = arith.select %eq3A_2131, %get3A_2134, %select_n3A_2128 : vector<16xi1>, vector<16xf32>
    %eq3A_2136 = arith.constant 8 : i32
    %eq3A_2137 = vector.broadcast %eq3A_2136 : i32 to vector<16xi32>
    %eq3A_2138 = arith.cmpi eq, %iota3A, %eq3A_2137 : vector<16xi32>
    %get3A_2139 = arith.constant 1152 : index
    %get3A_2140 = tpu.vector_load %arg8[%get3A_2139] {strides = array<i32>} : memref<2048xf32, #tpu.memory_space<vmem>>, vector<16xf32>,
    %get3A_2141 = vector.shape_cast %get3A_2140 : vector<16xf32> to vector<16xf32>
    %select_n3A_2142 = arith.select %eq3A_2138, %get3A_2141, %select_n3A_2135 : vector<16xi1>, vector<16xf32>
    %eq3A_2143 = arith.constant 9 : i32
    %eq3A_2144 = vector.broadcast %eq3A_2143 : i32 to vector<16xi32>
    %eq3A_2145 = arith.cmpi eq, %iota3A, %eq3A_2144 : vector<16xi32>
    %get3A_2146 = arith.constant 1168 : index
    %get3A_2147 = tpu.vector_load %arg8[%get3A_2146] {strides = array<i32>} : memref<2048xf32, #tpu.memory_space<vmem>>, vector<16xf32>,
    %get3A_2148 = vector.shape_cast %get3A_2147 : vector<16xf32> to vector<16xf32>
    %select_n3A_2149 = arith.select %eq3A_2145, %get3A_2148, %select_n3A_2142 : vector<16xi1>, vector<16xf32>
    %eq3A_2150 = arith.constant 10 : i32
    %eq3A_2151 = vector.broadcast %eq3A_2150 : i32 to vector<16xi32>
    %eq3A_2152 = arith.cmpi eq, %iota3A, %eq3A_2151 : vector<16xi32>
    %get3A_2153 = arith.constant 1184 : index
    %get3A_2154 = tpu.vector_load %arg8[%get3A_2153] {strides = array<i32>} : memref<2048xf32, #tpu.memory_space<vmem>>, vector<16xf32>,
    %get3A_2155 = vector.shape_cast %get3A_2154 : vector<16xf32> to vector<16xf32>
    %select_n3A_2156 = arith.select %eq3A_2152, %get3A_2155, %select_n3A_2149 : vector<16xi1>, vector<16xf32>
    %eq3A_2157 = arith.constant 11 : i32
    %eq3A_2158 = vector.broadcast %eq3A_2157 : i32 to vector<16xi32>
    %eq3A_2159 = arith.cmpi eq, %iota3A, %eq3A_2158 : vector<16xi32>
    %get3A_2160 = arith.constant 1200 : index
    %get3A_2161 = tpu.vector_load %arg8[%get3A_2160] {strides = array<i32>} : memref<2048xf32, #tpu.memory_space<vmem>>, vector<16xf32>,
    %get3A_2162 = vector.shape_cast %get3A_2161 : vector<16xf32> to vector<16xf32>
    %select_n3A_2163 = arith.select %eq3A_2159, %get3A_2162, %select_n3A_2156 : vector<16xi1>, vector<16xf32>
    %eq3A_2164 = arith.constant 12 : i32
    %eq3A_2165 = vector.broadcast %eq3A_2164 : i32 to vector<16xi32>
    %eq3A_2166 = arith.cmpi eq, %iota3A, %eq3A_2165 : vector<16xi32>
    %get3A_2167 = arith.constant 1216 : index
    %get3A_2168 = tpu.vector_load %arg8[%get3A_2167] {strides = array<i32>} : memref<2048xf32, #tpu.memory_space<vmem>>, vector<16xf32>,
    %get3A_2169 = vector.shape_cast %get3A_2168 : vector<16xf32> to vector<16xf32>
    %select_n3A_2170 = arith.select %eq3A_2166, %get3A_2169, %select_n3A_2163 : vector<16xi1>, vector<16xf32>
    %eq3A_2171 = arith.constant 13 : i32
    %eq3A_2172 = vector.broadcast %eq3A_2171 : i32 to vector<16xi32>
    %eq3A_2173 = arith.cmpi eq, %iota3A, %eq3A_2172 : vector<16xi32>
    %get3A_2174 = arith.constant 1232 : index
    %get3A_2175 = tpu.vector_load %arg8[%get3A_2174] {strides = array<i32>} : memref<2048xf32, #tpu.memory_space<vmem>>, vector<16xf32>,
    %get3A_2176 = vector.shape_cast %get3A_2175 : vector<16xf32> to vector<16xf32>
    %select_n3A_2177 = arith.select %eq3A_2173, %get3A_2176, %select_n3A_2170 : vector<16xi1>, vector<16xf32>
    %eq3A_2178 = arith.constant 14 : i32
    %eq3A_2179 = vector.broadcast %eq3A_2178 : i32 to vector<16xi32>
    %eq3A_2180 = arith.cmpi eq, %iota3A, %eq3A_2179 : vector<16xi32>
    %get3A_2181 = arith.constant 1248 : index
    %get3A_2182 = tpu.vector_load %arg8[%get3A_2181] {strides = array<i32>} : memref<2048xf32, #tpu.memory_space<vmem>>, vector<16xf32>,
    %get3A_2183 = vector.shape_cast %get3A_2182 : vector<16xf32> to vector<16xf32>
    %select_n3A_2184 = arith.select %eq3A_2180, %get3A_2183, %select_n3A_2177 : vector<16xi1>, vector<16xf32>
    %eq3A_2185 = arith.constant 15 : i32
    %eq3A_2186 = vector.broadcast %eq3A_2185 : i32 to vector<16xi32>
    %eq3A_2187 = arith.cmpi eq, %iota3A, %eq3A_2186 : vector<16xi32>
    %get3A_2188 = arith.constant 1264 : index
    %get3A_2189 = tpu.vector_load %arg8[%get3A_2188] {strides = array<i32>} : memref<2048xf32, #tpu.memory_space<vmem>>, vector<16xf32>,
    %get3A_2190 = vector.shape_cast %get3A_2189 : vector<16xf32> to vector<16xf32>
    %select_n3A_2191 = arith.select %eq3A_2187, %get3A_2190, %select_n3A_2184 : vector<16xi1>, vector<16xf32>
    %swap3A_2192 = arith.constant 64 : index
    %swap3A_2193 = tpu.vector_load %arg9[%swap3A_2192] {strides = array<i32>} : memref<128xf32, #tpu.memory_space<vmem>>, vector<16xf32>,
    %swap3A_2194 = vector.shape_cast %swap3A_2193 : vector<16xf32> to vector<16xf32>
    %swap3A_2195 = vector.shape_cast %select_n3A_2191 : vector<16xf32> to vector<16xf32>
    tpu.vector_store %arg9[%swap3A_2192], %swap3A_2195 {strides = array<i32>} : memref<128xf32, #tpu.memory_space<vmem>>, vector<16xf32>,
    %broadcast_in_dim3A_2196 = arith.constant 0.000000e+00 : f32
    %broadcast_in_dim3A_2197 = vector.broadcast %broadcast_in_dim3A_2196 : f32 to vector<16xf32>
    %eq3A_2198 = arith.constant 0 : i32
    %eq3A_2199 = vector.broadcast %eq3A_2198 : i32 to vector<16xi32>
    %eq3A_2200 = arith.cmpi eq, %iota3A, %eq3A_2199 : vector<16xi32>
    %get3A_2201 = arith.constant 1280 : index
    %get3A_2202 = tpu.vector_load %arg8[%get3A_2201] {strides = array<i32>} : memref<2048xf32, #tpu.memory_space<vmem>>, vector<16xf32>,
    %get3A_2203 = vector.shape_cast %get3A_2202 : vector<16xf32> to vector<16xf32>
    %select_n3A_2204 = arith.select %eq3A_2200, %get3A_2203, %broadcast_in_dim3A_2197 : vector<16xi1>, vector<16xf32>
    %eq3A_2205 = arith.constant 1 : i32
    %eq3A_2206 = vector.broadcast %eq3A_2205 : i32 to vector<16xi32>
    %eq3A_2207 = arith.cmpi eq, %iota3A, %eq3A_2206 : vector<16xi32>
    %get3A_2208 = arith.constant 1296 : index
    %get3A_2209 = tpu.vector_load %arg8[%get3A_2208] {strides = array<i32>} : memref<2048xf32, #tpu.memory_space<vmem>>, vector<16xf32>,
    %get3A_2210 = vector.shape_cast %get3A_2209 : vector<16xf32> to vector<16xf32>
    %select_n3A_2211 = arith.select %eq3A_2207, %get3A_2210, %select_n3A_2204 : vector<16xi1>, vector<16xf32>
    %eq3A_2212 = arith.constant 2 : i32
    %eq3A_2213 = vector.broadcast %eq3A_2212 : i32 to vector<16xi32>
    %eq3A_2214 = arith.cmpi eq, %iota3A, %eq3A_2213 : vector<16xi32>
    %get3A_2215 = arith.constant 1312 : index
    %get3A_2216 = tpu.vector_load %arg8[%get3A_2215] {strides = array<i32>} : memref<2048xf32, #tpu.memory_space<vmem>>, vector<16xf32>,
    %get3A_2217 = vector.shape_cast %get3A_2216 : vector<16xf32> to vector<16xf32>
    %select_n3A_2218 = arith.select %eq3A_2214, %get3A_2217, %select_n3A_2211 : vector<16xi1>, vector<16xf32>
    %eq3A_2219 = arith.constant 3 : i32
    %eq3A_2220 = vector.broadcast %eq3A_2219 : i32 to vector<16xi32>
    %eq3A_2221 = arith.cmpi eq, %iota3A, %eq3A_2220 : vector<16xi32>
    %get3A_2222 = arith.constant 1328 : index
    %get3A_2223 = tpu.vector_load %arg8[%get3A_2222] {strides = array<i32>} : memref<2048xf32, #tpu.memory_space<vmem>>, vector<16xf32>,
    %get3A_2224 = vector.shape_cast %get3A_2223 : vector<16xf32> to vector<16xf32>
    %select_n3A_2225 = arith.select %eq3A_2221, %get3A_2224, %select_n3A_2218 : vector<16xi1>, vector<16xf32>
    %eq3A_2226 = arith.constant 4 : i32
    %eq3A_2227 = vector.broadcast %eq3A_2226 : i32 to vector<16xi32>
    %eq3A_2228 = arith.cmpi eq, %iota3A, %eq3A_2227 : vector<16xi32>
    %get3A_2229 = arith.constant 1344 : index
    %get3A_2230 = tpu.vector_load %arg8[%get3A_2229] {strides = array<i32>} : memref<2048xf32, #tpu.memory_space<vmem>>, vector<16xf32>,
    %get3A_2231 = vector.shape_cast %get3A_2230 : vector<16xf32> to vector<16xf32>
    %select_n3A_2232 = arith.select %eq3A_2228, %get3A_2231, %select_n3A_2225 : vector<16xi1>, vector<16xf32>
    %eq3A_2233 = arith.constant 5 : i32
    %eq3A_2234 = vector.broadcast %eq3A_2233 : i32 to vector<16xi32>
    %eq3A_2235 = arith.cmpi eq, %iota3A, %eq3A_2234 : vector<16xi32>
    %get3A_2236 = arith.constant 1360 : index
    %get3A_2237 = tpu.vector_load %arg8[%get3A_2236] {strides = array<i32>} : memref<2048xf32, #tpu.memory_space<vmem>>, vector<16xf32>,
    %get3A_2238 = vector.shape_cast %get3A_2237 : vector<16xf32> to vector<16xf32>
    %select_n3A_2239 = arith.select %eq3A_2235, %get3A_2238, %select_n3A_2232 : vector<16xi1>, vector<16xf32>
    %eq3A_2240 = arith.constant 6 : i32
    %eq3A_2241 = vector.broadcast %eq3A_2240 : i32 to vector<16xi32>
    %eq3A_2242 = arith.cmpi eq, %iota3A, %eq3A_2241 : vector<16xi32>
    %get3A_2243 = arith.constant 1376 : index
    %get3A_2244 = tpu.vector_load %arg8[%get3A_2243] {strides = array<i32>} : memref<2048xf32, #tpu.memory_space<vmem>>, vector<16xf32>,
    %get3A_2245 = vector.shape_cast %get3A_2244 : vector<16xf32> to vector<16xf32>
    %select_n3A_2246 = arith.select %eq3A_2242, %get3A_2245, %select_n3A_2239 : vector<16xi1>, vector<16xf32>
    %eq3A_2247 = arith.constant 7 : i32
    %eq3A_2248 = vector.broadcast %eq3A_2247 : i32 to vector<16xi32>
    %eq3A_2249 = arith.cmpi eq, %iota3A, %eq3A_2248 : vector<16xi32>
    %get3A_2250 = arith.constant 1392 : index
    %get3A_2251 = tpu.vector_load %arg8[%get3A_2250] {strides = array<i32>} : memref<2048xf32, #tpu.memory_space<vmem>>, vector<16xf32>,
    %get3A_2252 = vector.shape_cast %get3A_2251 : vector<16xf32> to vector<16xf32>
    %select_n3A_2253 = arith.select %eq3A_2249, %get3A_2252, %select_n3A_2246 : vector<16xi1>, vector<16xf32>
    %eq3A_2254 = arith.constant 8 : i32
    %eq3A_2255 = vector.broadcast %eq3A_2254 : i32 to vector<16xi32>
    %eq3A_2256 = arith.cmpi eq, %iota3A, %eq3A_2255 : vector<16xi32>
    %get3A_2257 = arith.constant 1408 : index
    %get3A_2258 = tpu.vector_load %arg8[%get3A_2257] {strides = array<i32>} : memref<2048xf32, #tpu.memory_space<vmem>>, vector<16xf32>,
    %get3A_2259 = vector.shape_cast %get3A_2258 : vector<16xf32> to vector<16xf32>
    %select_n3A_2260 = arith.select %eq3A_2256, %get3A_2259, %select_n3A_2253 : vector<16xi1>, vector<16xf32>
    %eq3A_2261 = arith.constant 9 : i32
    %eq3A_2262 = vector.broadcast %eq3A_2261 : i32 to vector<16xi32>
    %eq3A_2263 = arith.cmpi eq, %iota3A, %eq3A_2262 : vector<16xi32>
    %get3A_2264 = arith.constant 1424 : index
    %get3A_2265 = tpu.vector_load %arg8[%get3A_2264] {strides = array<i32>} : memref<2048xf32, #tpu.memory_space<vmem>>, vector<16xf32>,
    %get3A_2266 = vector.shape_cast %get3A_2265 : vector<16xf32> to vector<16xf32>
    %select_n3A_2267 = arith.select %eq3A_2263, %get3A_2266, %select_n3A_2260 : vector<16xi1>, vector<16xf32>
    %eq3A_2268 = arith.constant 10 : i32
    %eq3A_2269 = vector.broadcast %eq3A_2268 : i32 to vector<16xi32>
    %eq3A_2270 = arith.cmpi eq, %iota3A, %eq3A_2269 : vector<16xi32>
    %get3A_2271 = arith.constant 1440 : index
    %get3A_2272 = tpu.vector_load %arg8[%get3A_2271] {strides = array<i32>} : memref<2048xf32, #tpu.memory_space<vmem>>, vector<16xf32>,
    %get3A_2273 = vector.shape_cast %get3A_2272 : vector<16xf32> to vector<16xf32>
    %select_n3A_2274 = arith.select %eq3A_2270, %get3A_2273, %select_n3A_2267 : vector<16xi1>, vector<16xf32>
    %eq3A_2275 = arith.constant 11 : i32
    %eq3A_2276 = vector.broadcast %eq3A_2275 : i32 to vector<16xi32>
    %eq3A_2277 = arith.cmpi eq, %iota3A, %eq3A_2276 : vector<16xi32>
    %get3A_2278 = arith.constant 1456 : index
    %get3A_2279 = tpu.vector_load %arg8[%get3A_2278] {strides = array<i32>} : memref<2048xf32, #tpu.memory_space<vmem>>, vector<16xf32>,
    %get3A_2280 = vector.shape_cast %get3A_2279 : vector<16xf32> to vector<16xf32>
    %select_n3A_2281 = arith.select %eq3A_2277, %get3A_2280, %select_n3A_2274 : vector<16xi1>, vector<16xf32>
    %eq3A_2282 = arith.constant 12 : i32
    %eq3A_2283 = vector.broadcast %eq3A_2282 : i32 to vector<16xi32>
    %eq3A_2284 = arith.cmpi eq, %iota3A, %eq3A_2283 : vector<16xi32>
    %get3A_2285 = arith.constant 1472 : index
    %get3A_2286 = tpu.vector_load %arg8[%get3A_2285] {strides = array<i32>} : memref<2048xf32, #tpu.memory_space<vmem>>, vector<16xf32>,
    %get3A_2287 = vector.shape_cast %get3A_2286 : vector<16xf32> to vector<16xf32>
    %select_n3A_2288 = arith.select %eq3A_2284, %get3A_2287, %select_n3A_2281 : vector<16xi1>, vector<16xf32>
    %eq3A_2289 = arith.constant 13 : i32
    %eq3A_2290 = vector.broadcast %eq3A_2289 : i32 to vector<16xi32>
    %eq3A_2291 = arith.cmpi eq, %iota3A, %eq3A_2290 : vector<16xi32>
    %get3A_2292 = arith.constant 1488 : index
    %get3A_2293 = tpu.vector_load %arg8[%get3A_2292] {strides = array<i32>} : memref<2048xf32, #tpu.memory_space<vmem>>, vector<16xf32>,
    %get3A_2294 = vector.shape_cast %get3A_2293 : vector<16xf32> to vector<16xf32>
    %select_n3A_2295 = arith.select %eq3A_2291, %get3A_2294, %select_n3A_2288 : vector<16xi1>, vector<16xf32>
    %eq3A_2296 = arith.constant 14 : i32
    %eq3A_2297 = vector.broadcast %eq3A_2296 : i32 to vector<16xi32>
    %eq3A_2298 = arith.cmpi eq, %iota3A, %eq3A_2297 : vector<16xi32>
    %get3A_2299 = arith.constant 1504 : index
    %get3A_2300 = tpu.vector_load %arg8[%get3A_2299] {strides = array<i32>} : memref<2048xf32, #tpu.memory_space<vmem>>, vector<16xf32>,
    %get3A_2301 = vector.shape_cast %get3A_2300 : vector<16xf32> to vector<16xf32>
    %select_n3A_2302 = arith.select %eq3A_2298, %get3A_2301, %select_n3A_2295 : vector<16xi1>, vector<16xf32>
    %eq3A_2303 = arith.constant 15 : i32
    %eq3A_2304 = vector.broadcast %eq3A_2303 : i32 to vector<16xi32>
    %eq3A_2305 = arith.cmpi eq, %iota3A, %eq3A_2304 : vector<16xi32>
    %get3A_2306 = arith.constant 1520 : index
    %get3A_2307 = tpu.vector_load %arg8[%get3A_2306] {strides = array<i32>} : memref<2048xf32, #tpu.memory_space<vmem>>, vector<16xf32>,
    %get3A_2308 = vector.shape_cast %get3A_2307 : vector<16xf32> to vector<16xf32>
    %select_n3A_2309 = arith.select %eq3A_2305, %get3A_2308, %select_n3A_2302 : vector<16xi1>, vector<16xf32>
    %swap3A_2310 = arith.constant 80 : index
    %swap3A_2311 = tpu.vector_load %arg9[%swap3A_2310] {strides = array<i32>} : memref<128xf32, #tpu.memory_space<vmem>>, vector<16xf32>,
    %swap3A_2312 = vector.shape_cast %swap3A_2311 : vector<16xf32> to vector<16xf32>
    %swap3A_2313 = vector.shape_cast %select_n3A_2309 : vector<16xf32> to vector<16xf32>
    tpu.vector_store %arg9[%swap3A_2310], %swap3A_2313 {strides = array<i32>} : memref<128xf32, #tpu.memory_space<vmem>>, vector<16xf32>,
    %broadcast_in_dim3A_2314 = arith.constant 0.000000e+00 : f32
    %broadcast_in_dim3A_2315 = vector.broadcast %broadcast_in_dim3A_2314 : f32 to vector<16xf32>
    %eq3A_2316 = arith.constant 0 : i32
    %eq3A_2317 = vector.broadcast %eq3A_2316 : i32 to vector<16xi32>
    %eq3A_2318 = arith.cmpi eq, %iota3A, %eq3A_2317 : vector<16xi32>
    %get3A_2319 = arith.constant 1536 : index
    %get3A_2320 = tpu.vector_load %arg8[%get3A_2319] {strides = array<i32>} : memref<2048xf32, #tpu.memory_space<vmem>>, vector<16xf32>,
    %get3A_2321 = vector.shape_cast %get3A_2320 : vector<16xf32> to vector<16xf32>
    %select_n3A_2322 = arith.select %eq3A_2318, %get3A_2321, %broadcast_in_dim3A_2315 : vector<16xi1>, vector<16xf32>
    %eq3A_2323 = arith.constant 1 : i32
    %eq3A_2324 = vector.broadcast %eq3A_2323 : i32 to vector<16xi32>
    %eq3A_2325 = arith.cmpi eq, %iota3A, %eq3A_2324 : vector<16xi32>
    %get3A_2326 = arith.constant 1552 : index
    %get3A_2327 = tpu.vector_load %arg8[%get3A_2326] {strides = array<i32>} : memref<2048xf32, #tpu.memory_space<vmem>>, vector<16xf32>,
    %get3A_2328 = vector.shape_cast %get3A_2327 : vector<16xf32> to vector<16xf32>
    %select_n3A_2329 = arith.select %eq3A_2325, %get3A_2328, %select_n3A_2322 : vector<16xi1>, vector<16xf32>
    %eq3A_2330 = arith.constant 2 : i32
    %eq3A_2331 = vector.broadcast %eq3A_2330 : i32 to vector<16xi32>
    %eq3A_2332 = arith.cmpi eq, %iota3A, %eq3A_2331 : vector<16xi32>
    %get3A_2333 = arith.constant 1568 : index
    %get3A_2334 = tpu.vector_load %arg8[%get3A_2333] {strides = array<i32>} : memref<2048xf32, #tpu.memory_space<vmem>>, vector<16xf32>,
    %get3A_2335 = vector.shape_cast %get3A_2334 : vector<16xf32> to vector<16xf32>
    %select_n3A_2336 = arith.select %eq3A_2332, %get3A_2335, %select_n3A_2329 : vector<16xi1>, vector<16xf32>
    %eq3A_2337 = arith.constant 3 : i32
    %eq3A_2338 = vector.broadcast %eq3A_2337 : i32 to vector<16xi32>
    %eq3A_2339 = arith.cmpi eq, %iota3A, %eq3A_2338 : vector<16xi32>
    %get3A_2340 = arith.constant 1584 : index
    %get3A_2341 = tpu.vector_load %arg8[%get3A_2340] {strides = array<i32>} : memref<2048xf32, #tpu.memory_space<vmem>>, vector<16xf32>,
    %get3A_2342 = vector.shape_cast %get3A_2341 : vector<16xf32> to vector<16xf32>
    %select_n3A_2343 = arith.select %eq3A_2339, %get3A_2342, %select_n3A_2336 : vector<16xi1>, vector<16xf32>
    %eq3A_2344 = arith.constant 4 : i32
    %eq3A_2345 = vector.broadcast %eq3A_2344 : i32 to vector<16xi32>
    %eq3A_2346 = arith.cmpi eq, %iota3A, %eq3A_2345 : vector<16xi32>
    %get3A_2347 = arith.constant 1600 : index
    %get3A_2348 = tpu.vector_load %arg8[%get3A_2347] {strides = array<i32>} : memref<2048xf32, #tpu.memory_space<vmem>>, vector<16xf32>,
    %get3A_2349 = vector.shape_cast %get3A_2348 : vector<16xf32> to vector<16xf32>
    %select_n3A_2350 = arith.select %eq3A_2346, %get3A_2349, %select_n3A_2343 : vector<16xi1>, vector<16xf32>
    %eq3A_2351 = arith.constant 5 : i32
    %eq3A_2352 = vector.broadcast %eq3A_2351 : i32 to vector<16xi32>
    %eq3A_2353 = arith.cmpi eq, %iota3A, %eq3A_2352 : vector<16xi32>
    %get3A_2354 = arith.constant 1616 : index
    %get3A_2355 = tpu.vector_load %arg8[%get3A_2354] {strides = array<i32>} : memref<2048xf32, #tpu.memory_space<vmem>>, vector<16xf32>,
    %get3A_2356 = vector.shape_cast %get3A_2355 : vector<16xf32> to vector<16xf32>
    %select_n3A_2357 = arith.select %eq3A_2353, %get3A_2356, %select_n3A_2350 : vector<16xi1>, vector<16xf32>
    %eq3A_2358 = arith.constant 6 : i32
    %eq3A_2359 = vector.broadcast %eq3A_2358 : i32 to vector<16xi32>
    %eq3A_2360 = arith.cmpi eq, %iota3A, %eq3A_2359 : vector<16xi32>
    %get3A_2361 = arith.constant 1632 : index
    %get3A_2362 = tpu.vector_load %arg8[%get3A_2361] {strides = array<i32>} : memref<2048xf32, #tpu.memory_space<vmem>>, vector<16xf32>,
    %get3A_2363 = vector.shape_cast %get3A_2362 : vector<16xf32> to vector<16xf32>
    %select_n3A_2364 = arith.select %eq3A_2360, %get3A_2363, %select_n3A_2357 : vector<16xi1>, vector<16xf32>
    %eq3A_2365 = arith.constant 7 : i32
    %eq3A_2366 = vector.broadcast %eq3A_2365 : i32 to vector<16xi32>
    %eq3A_2367 = arith.cmpi eq, %iota3A, %eq3A_2366 : vector<16xi32>
    %get3A_2368 = arith.constant 1648 : index
    %get3A_2369 = tpu.vector_load %arg8[%get3A_2368] {strides = array<i32>} : memref<2048xf32, #tpu.memory_space<vmem>>, vector<16xf32>,
    %get3A_2370 = vector.shape_cast %get3A_2369 : vector<16xf32> to vector<16xf32>
    %select_n3A_2371 = arith.select %eq3A_2367, %get3A_2370, %select_n3A_2364 : vector<16xi1>, vector<16xf32>
    %eq3A_2372 = arith.constant 8 : i32
    %eq3A_2373 = vector.broadcast %eq3A_2372 : i32 to vector<16xi32>
    %eq3A_2374 = arith.cmpi eq, %iota3A, %eq3A_2373 : vector<16xi32>
    %get3A_2375 = arith.constant 1664 : index
    %get3A_2376 = tpu.vector_load %arg8[%get3A_2375] {strides = array<i32>} : memref<2048xf32, #tpu.memory_space<vmem>>, vector<16xf32>,
    %get3A_2377 = vector.shape_cast %get3A_2376 : vector<16xf32> to vector<16xf32>
    %select_n3A_2378 = arith.select %eq3A_2374, %get3A_2377, %select_n3A_2371 : vector<16xi1>, vector<16xf32>
    %eq3A_2379 = arith.constant 9 : i32
    %eq3A_2380 = vector.broadcast %eq3A_2379 : i32 to vector<16xi32>
    %eq3A_2381 = arith.cmpi eq, %iota3A, %eq3A_2380 : vector<16xi32>
    %get3A_2382 = arith.constant 1680 : index
    %get3A_2383 = tpu.vector_load %arg8[%get3A_2382] {strides = array<i32>} : memref<2048xf32, #tpu.memory_space<vmem>>, vector<16xf32>,
    %get3A_2384 = vector.shape_cast %get3A_2383 : vector<16xf32> to vector<16xf32>
    %select_n3A_2385 = arith.select %eq3A_2381, %get3A_2384, %select_n3A_2378 : vector<16xi1>, vector<16xf32>
    %eq3A_2386 = arith.constant 10 : i32
    %eq3A_2387 = vector.broadcast %eq3A_2386 : i32 to vector<16xi32>
    %eq3A_2388 = arith.cmpi eq, %iota3A, %eq3A_2387 : vector<16xi32>
    %get3A_2389 = arith.constant 1696 : index
    %get3A_2390 = tpu.vector_load %arg8[%get3A_2389] {strides = array<i32>} : memref<2048xf32, #tpu.memory_space<vmem>>, vector<16xf32>,
    %get3A_2391 = vector.shape_cast %get3A_2390 : vector<16xf32> to vector<16xf32>
    %select_n3A_2392 = arith.select %eq3A_2388, %get3A_2391, %select_n3A_2385 : vector<16xi1>, vector<16xf32>
    %eq3A_2393 = arith.constant 11 : i32
    %eq3A_2394 = vector.broadcast %eq3A_2393 : i32 to vector<16xi32>
    %eq3A_2395 = arith.cmpi eq, %iota3A, %eq3A_2394 : vector<16xi32>
    %get3A_2396 = arith.constant 1712 : index
    %get3A_2397 = tpu.vector_load %arg8[%get3A_2396] {strides = array<i32>} : memref<2048xf32, #tpu.memory_space<vmem>>, vector<16xf32>,
    %get3A_2398 = vector.shape_cast %get3A_2397 : vector<16xf32> to vector<16xf32>
    %select_n3A_2399 = arith.select %eq3A_2395, %get3A_2398, %select_n3A_2392 : vector<16xi1>, vector<16xf32>
    %eq3A_2400 = arith.constant 12 : i32
    %eq3A_2401 = vector.broadcast %eq3A_2400 : i32 to vector<16xi32>
    %eq3A_2402 = arith.cmpi eq, %iota3A, %eq3A_2401 : vector<16xi32>
    %get3A_2403 = arith.constant 1728 : index
    %get3A_2404 = tpu.vector_load %arg8[%get3A_2403] {strides = array<i32>} : memref<2048xf32, #tpu.memory_space<vmem>>, vector<16xf32>,
    %get3A_2405 = vector.shape_cast %get3A_2404 : vector<16xf32> to vector<16xf32>
    %select_n3A_2406 = arith.select %eq3A_2402, %get3A_2405, %select_n3A_2399 : vector<16xi1>, vector<16xf32>
    %eq3A_2407 = arith.constant 13 : i32
    %eq3A_2408 = vector.broadcast %eq3A_2407 : i32 to vector<16xi32>
    %eq3A_2409 = arith.cmpi eq, %iota3A, %eq3A_2408 : vector<16xi32>
    %get3A_2410 = arith.constant 1744 : index
    %get3A_2411 = tpu.vector_load %arg8[%get3A_2410] {strides = array<i32>} : memref<2048xf32, #tpu.memory_space<vmem>>, vector<16xf32>,
    %get3A_2412 = vector.shape_cast %get3A_2411 : vector<16xf32> to vector<16xf32>
    %select_n3A_2413 = arith.select %eq3A_2409, %get3A_2412, %select_n3A_2406 : vector<16xi1>, vector<16xf32>
    %eq3A_2414 = arith.constant 14 : i32
    %eq3A_2415 = vector.broadcast %eq3A_2414 : i32 to vector<16xi32>
    %eq3A_2416 = arith.cmpi eq, %iota3A, %eq3A_2415 : vector<16xi32>
    %get3A_2417 = arith.constant 1760 : index
    %get3A_2418 = tpu.vector_load %arg8[%get3A_2417] {strides = array<i32>} : memref<2048xf32, #tpu.memory_space<vmem>>, vector<16xf32>,
    %get3A_2419 = vector.shape_cast %get3A_2418 : vector<16xf32> to vector<16xf32>
    %select_n3A_2420 = arith.select %eq3A_2416, %get3A_2419, %select_n3A_2413 : vector<16xi1>, vector<16xf32>
    %eq3A_2421 = arith.constant 15 : i32
    %eq3A_2422 = vector.broadcast %eq3A_2421 : i32 to vector<16xi32>
    %eq3A_2423 = arith.cmpi eq, %iota3A, %eq3A_2422 : vector<16xi32>
    %get3A_2424 = arith.constant 1776 : index
    %get3A_2425 = tpu.vector_load %arg8[%get3A_2424] {strides = array<i32>} : memref<2048xf32, #tpu.memory_space<vmem>>, vector<16xf32>,
    %get3A_2426 = vector.shape_cast %get3A_2425 : vector<16xf32> to vector<16xf32>
    %select_n3A_2427 = arith.select %eq3A_2423, %get3A_2426, %select_n3A_2420 : vector<16xi1>, vector<16xf32>
    %swap3A_2428 = arith.constant 96 : index
    %swap3A_2429 = tpu.vector_load %arg9[%swap3A_2428] {strides = array<i32>} : memref<128xf32, #tpu.memory_space<vmem>>, vector<16xf32>,
    %swap3A_2430 = vector.shape_cast %swap3A_2429 : vector<16xf32> to vector<16xf32>
    %swap3A_2431 = vector.shape_cast %select_n3A_2427 : vector<16xf32> to vector<16xf32>
    tpu.vector_store %arg9[%swap3A_2428], %swap3A_2431 {strides = array<i32>} : memref<128xf32, #tpu.memory_space<vmem>>, vector<16xf32>,
    %broadcast_in_dim3A_2432 = arith.constant 0.000000e+00 : f32
    %broadcast_in_dim3A_2433 = vector.broadcast %broadcast_in_dim3A_2432 : f32 to vector<16xf32>
    %eq3A_2434 = arith.constant 0 : i32
    %eq3A_2435 = vector.broadcast %eq3A_2434 : i32 to vector<16xi32>
    %eq3A_2436 = arith.cmpi eq, %iota3A, %eq3A_2435 : vector<16xi32>
    %get3A_2437 = arith.constant 1792 : index
    %get3A_2438 = tpu.vector_load %arg8[%get3A_2437] {strides = array<i32>} : memref<2048xf32, #tpu.memory_space<vmem>>, vector<16xf32>,
    %get3A_2439 = vector.shape_cast %get3A_2438 : vector<16xf32> to vector<16xf32>
    %select_n3A_2440 = arith.select %eq3A_2436, %get3A_2439, %broadcast_in_dim3A_2433 : vector<16xi1>, vector<16xf32>
    %eq3A_2441 = arith.constant 1 : i32
    %eq3A_2442 = vector.broadcast %eq3A_2441 : i32 to vector<16xi32>
    %eq3A_2443 = arith.cmpi eq, %iota3A, %eq3A_2442 : vector<16xi32>
    %get3A_2444 = arith.constant 1808 : index
    %get3A_2445 = tpu.vector_load %arg8[%get3A_2444] {strides = array<i32>} : memref<2048xf32, #tpu.memory_space<vmem>>, vector<16xf32>,
    %get3A_2446 = vector.shape_cast %get3A_2445 : vector<16xf32> to vector<16xf32>
    %select_n3A_2447 = arith.select %eq3A_2443, %get3A_2446, %select_n3A_2440 : vector<16xi1>, vector<16xf32>
    %eq3A_2448 = arith.constant 2 : i32
    %eq3A_2449 = vector.broadcast %eq3A_2448 : i32 to vector<16xi32>
    %eq3A_2450 = arith.cmpi eq, %iota3A, %eq3A_2449 : vector<16xi32>
    %get3A_2451 = arith.constant 1824 : index
    %get3A_2452 = tpu.vector_load %arg8[%get3A_2451] {strides = array<i32>} : memref<2048xf32, #tpu.memory_space<vmem>>, vector<16xf32>,
    %get3A_2453 = vector.shape_cast %get3A_2452 : vector<16xf32> to vector<16xf32>
    %select_n3A_2454 = arith.select %eq3A_2450, %get3A_2453, %select_n3A_2447 : vector<16xi1>, vector<16xf32>
    %eq3A_2455 = arith.constant 3 : i32
    %eq3A_2456 = vector.broadcast %eq3A_2455 : i32 to vector<16xi32>
    %eq3A_2457 = arith.cmpi eq, %iota3A, %eq3A_2456 : vector<16xi32>
    %get3A_2458 = arith.constant 1840 : index
    %get3A_2459 = tpu.vector_load %arg8[%get3A_2458] {strides = array<i32>} : memref<2048xf32, #tpu.memory_space<vmem>>, vector<16xf32>,
    %get3A_2460 = vector.shape_cast %get3A_2459 : vector<16xf32> to vector<16xf32>
    %select_n3A_2461 = arith.select %eq3A_2457, %get3A_2460, %select_n3A_2454 : vector<16xi1>, vector<16xf32>
    %eq3A_2462 = arith.constant 4 : i32
    %eq3A_2463 = vector.broadcast %eq3A_2462 : i32 to vector<16xi32>
    %eq3A_2464 = arith.cmpi eq, %iota3A, %eq3A_2463 : vector<16xi32>
    %get3A_2465 = arith.constant 1856 : index
    %get3A_2466 = tpu.vector_load %arg8[%get3A_2465] {strides = array<i32>} : memref<2048xf32, #tpu.memory_space<vmem>>, vector<16xf32>,
    %get3A_2467 = vector.shape_cast %get3A_2466 : vector<16xf32> to vector<16xf32>
    %select_n3A_2468 = arith.select %eq3A_2464, %get3A_2467, %select_n3A_2461 : vector<16xi1>, vector<16xf32>
    %eq3A_2469 = arith.constant 5 : i32
    %eq3A_2470 = vector.broadcast %eq3A_2469 : i32 to vector<16xi32>
    %eq3A_2471 = arith.cmpi eq, %iota3A, %eq3A_2470 : vector<16xi32>
    %get3A_2472 = arith.constant 1872 : index
    %get3A_2473 = tpu.vector_load %arg8[%get3A_2472] {strides = array<i32>} : memref<2048xf32, #tpu.memory_space<vmem>>, vector<16xf32>,
    %get3A_2474 = vector.shape_cast %get3A_2473 : vector<16xf32> to vector<16xf32>
    %select_n3A_2475 = arith.select %eq3A_2471, %get3A_2474, %select_n3A_2468 : vector<16xi1>, vector<16xf32>
    %eq3A_2476 = arith.constant 6 : i32
    %eq3A_2477 = vector.broadcast %eq3A_2476 : i32 to vector<16xi32>
    %eq3A_2478 = arith.cmpi eq, %iota3A, %eq3A_2477 : vector<16xi32>
    %get3A_2479 = arith.constant 1888 : index
    %get3A_2480 = tpu.vector_load %arg8[%get3A_2479] {strides = array<i32>} : memref<2048xf32, #tpu.memory_space<vmem>>, vector<16xf32>,
    %get3A_2481 = vector.shape_cast %get3A_2480 : vector<16xf32> to vector<16xf32>
    %select_n3A_2482 = arith.select %eq3A_2478, %get3A_2481, %select_n3A_2475 : vector<16xi1>, vector<16xf32>
    %eq3A_2483 = arith.constant 7 : i32
    %eq3A_2484 = vector.broadcast %eq3A_2483 : i32 to vector<16xi32>
    %eq3A_2485 = arith.cmpi eq, %iota3A, %eq3A_2484 : vector<16xi32>
    %get3A_2486 = arith.constant 1904 : index
    %get3A_2487 = tpu.vector_load %arg8[%get3A_2486] {strides = array<i32>} : memref<2048xf32, #tpu.memory_space<vmem>>, vector<16xf32>,
    %get3A_2488 = vector.shape_cast %get3A_2487 : vector<16xf32> to vector<16xf32>
    %select_n3A_2489 = arith.select %eq3A_2485, %get3A_2488, %select_n3A_2482 : vector<16xi1>, vector<16xf32>
    %eq3A_2490 = arith.constant 8 : i32
    %eq3A_2491 = vector.broadcast %eq3A_2490 : i32 to vector<16xi32>
    %eq3A_2492 = arith.cmpi eq, %iota3A, %eq3A_2491 : vector<16xi32>
    %get3A_2493 = arith.constant 1920 : index
    %get3A_2494 = tpu.vector_load %arg8[%get3A_2493] {strides = array<i32>} : memref<2048xf32, #tpu.memory_space<vmem>>, vector<16xf32>,
    %get3A_2495 = vector.shape_cast %get3A_2494 : vector<16xf32> to vector<16xf32>
    %select_n3A_2496 = arith.select %eq3A_2492, %get3A_2495, %select_n3A_2489 : vector<16xi1>, vector<16xf32>
    %eq3A_2497 = arith.constant 9 : i32
    %eq3A_2498 = vector.broadcast %eq3A_2497 : i32 to vector<16xi32>
    %eq3A_2499 = arith.cmpi eq, %iota3A, %eq3A_2498 : vector<16xi32>
    %get3A_2500 = arith.constant 1936 : index
    %get3A_2501 = tpu.vector_load %arg8[%get3A_2500] {strides = array<i32>} : memref<2048xf32, #tpu.memory_space<vmem>>, vector<16xf32>,
    %get3A_2502 = vector.shape_cast %get3A_2501 : vector<16xf32> to vector<16xf32>
    %select_n3A_2503 = arith.select %eq3A_2499, %get3A_2502, %select_n3A_2496 : vector<16xi1>, vector<16xf32>
    %eq3A_2504 = arith.constant 10 : i32
    %eq3A_2505 = vector.broadcast %eq3A_2504 : i32 to vector<16xi32>
    %eq3A_2506 = arith.cmpi eq, %iota3A, %eq3A_2505 : vector<16xi32>
    %get3A_2507 = arith.constant 1952 : index
    %get3A_2508 = tpu.vector_load %arg8[%get3A_2507] {strides = array<i32>} : memref<2048xf32, #tpu.memory_space<vmem>>, vector<16xf32>,
    %get3A_2509 = vector.shape_cast %get3A_2508 : vector<16xf32> to vector<16xf32>
    %select_n3A_2510 = arith.select %eq3A_2506, %get3A_2509, %select_n3A_2503 : vector<16xi1>, vector<16xf32>
    %eq3A_2511 = arith.constant 11 : i32
    %eq3A_2512 = vector.broadcast %eq3A_2511 : i32 to vector<16xi32>
    %eq3A_2513 = arith.cmpi eq, %iota3A, %eq3A_2512 : vector<16xi32>
    %get3A_2514 = arith.constant 1968 : index
    %get3A_2515 = tpu.vector_load %arg8[%get3A_2514] {strides = array<i32>} : memref<2048xf32, #tpu.memory_space<vmem>>, vector<16xf32>,
    %get3A_2516 = vector.shape_cast %get3A_2515 : vector<16xf32> to vector<16xf32>
    %select_n3A_2517 = arith.select %eq3A_2513, %get3A_2516, %select_n3A_2510 : vector<16xi1>, vector<16xf32>
    %eq3A_2518 = arith.constant 12 : i32
    %eq3A_2519 = vector.broadcast %eq3A_2518 : i32 to vector<16xi32>
    %eq3A_2520 = arith.cmpi eq, %iota3A, %eq3A_2519 : vector<16xi32>
    %get3A_2521 = arith.constant 1984 : index
    %get3A_2522 = tpu.vector_load %arg8[%get3A_2521] {strides = array<i32>} : memref<2048xf32, #tpu.memory_space<vmem>>, vector<16xf32>,
    %get3A_2523 = vector.shape_cast %get3A_2522 : vector<16xf32> to vector<16xf32>
    %select_n3A_2524 = arith.select %eq3A_2520, %get3A_2523, %select_n3A_2517 : vector<16xi1>, vector<16xf32>
    %eq3A_2525 = arith.constant 13 : i32
    %eq3A_2526 = vector.broadcast %eq3A_2525 : i32 to vector<16xi32>
    %eq3A_2527 = arith.cmpi eq, %iota3A, %eq3A_2526 : vector<16xi32>
    %get3A_2528 = arith.constant 2000 : index
    %get3A_2529 = tpu.vector_load %arg8[%get3A_2528] {strides = array<i32>} : memref<2048xf32, #tpu.memory_space<vmem>>, vector<16xf32>,
    %get3A_2530 = vector.shape_cast %get3A_2529 : vector<16xf32> to vector<16xf32>
    %select_n3A_2531 = arith.select %eq3A_2527, %get3A_2530, %select_n3A_2524 : vector<16xi1>, vector<16xf32>
    %eq3A_2532 = arith.constant 14 : i32
    %eq3A_2533 = vector.broadcast %eq3A_2532 : i32 to vector<16xi32>
    %eq3A_2534 = arith.cmpi eq, %iota3A, %eq3A_2533 : vector<16xi32>
    %get3A_2535 = arith.constant 2016 : index
    %get3A_2536 = tpu.vector_load %arg8[%get3A_2535] {strides = array<i32>} : memref<2048xf32, #tpu.memory_space<vmem>>, vector<16xf32>,
    %get3A_2537 = vector.shape_cast %get3A_2536 : vector<16xf32> to vector<16xf32>
    %select_n3A_2538 = arith.select %eq3A_2534, %get3A_2537, %select_n3A_2531 : vector<16xi1>, vector<16xf32>
    %eq3A_2539 = arith.constant 15 : i32
    %eq3A_2540 = vector.broadcast %eq3A_2539 : i32 to vector<16xi32>
    %eq3A_2541 = arith.cmpi eq, %iota3A, %eq3A_2540 : vector<16xi32>
    %get3A_2542 = arith.constant 2032 : index
    %get3A_2543 = tpu.vector_load %arg8[%get3A_2542] {strides = array<i32>} : memref<2048xf32, #tpu.memory_space<vmem>>, vector<16xf32>,
    %get3A_2544 = vector.shape_cast %get3A_2543 : vector<16xf32> to vector<16xf32>
    %select_n3A_2545 = arith.select %eq3A_2541, %get3A_2544, %select_n3A_2538 : vector<16xi1>, vector<16xf32>
    %swap3A_2546 = arith.constant 112 : index
    %swap3A_2547 = tpu.vector_load %arg9[%swap3A_2546] {strides = array<i32>} : memref<128xf32, #tpu.memory_space<vmem>>, vector<16xf32>,
    %swap3A_2548 = vector.shape_cast %swap3A_2547 : vector<16xf32> to vector<16xf32>
    %swap3A_2549 = vector.shape_cast %select_n3A_2545 : vector<16xf32> to vector<16xf32>
    tpu.vector_store %arg9[%swap3A_2546], %swap3A_2549 {strides = array<i32>} : memref<128xf32, #tpu.memory_space<vmem>>, vector<16xf32>,
    "tpu.region"() ({
      %run_scoped3A = tpu.sem_alloc : memref<!tpu.dma_semaphore, #tpu.memory_space<semaphore_mem>>
      %dma_start3A_2550 = tpu.memref_slice %arg5[%mul3A_2] : memref<4096xf32, #tpu.memory_space<hbm>> -> memref<128xf32, #tpu.memory_space<hbm>>
      %dma_start3A_2551 = tpu.memref_slice %arg5[%mul3A_2] : memref<4096xf32, #tpu.memory_space<hbm>> -> memref<128xf32, #tpu.memory_space<hbm>>
      tpu.enqueue_dma source(%arg9 : memref<128xf32, #tpu.memory_space<vmem>>) target(%dma_start3A_2551 : memref<128xf32, #tpu.memory_space<hbm>>) target_semaphore(%run_scoped3A : memref<!tpu.dma_semaphore, #tpu.memory_space<semaphore_mem>>)
      %dma_wait3A_2552 = tpu.memref_slice %arg5[%mul3A_2] : memref<4096xf32, #tpu.memory_space<hbm>> -> memref<128xf32, #tpu.memory_space<hbm>>
      %dma_wait3A_2553 = tpu.memref_slice %arg5[%mul3A_2] : memref<4096xf32, #tpu.memory_space<hbm>> -> memref<128xf32, #tpu.memory_space<hbm>>
      tpu.wait_dma2 semaphore(%run_scoped3A : memref<!tpu.dma_semaphore, #tpu.memory_space<semaphore_mem>>) src(%arg9 : memref<128xf32, #tpu.memory_space<vmem>>) dst(%dma_wait3A_2553 : memref<128xf32, #tpu.memory_space<hbm>>)
      tpu.yield
    }) : () -> ()
    return
  }
}

module attributes {stable_mosaic.version = 14 : i64} {
  func.func @_tc_select_body(%arg0: i32, %arg1: memref<1x2048xi32, #tpu.memory_space<vmem>>, %arg2: memref<2048x1xi32, #tpu.memory_space<vmem>>, %arg3: memref<2048x101xf32, #tpu.memory_space<vmem>>, %arg4: memref<101x2048xf32, #tpu.memory_space<vmem>>, %arg5: memref<101x2048xi8, #tpu.memory_space<vmem>>, %arg6: memref<2048x1xf32, #tpu.memory_space<vmem>>, %arg7: memref<1x2048xf32, #tpu.memory_space<vmem>>, %arg8: memref<101x2048xi8, #tpu.memory_space<vmem>>) attributes {dimension_semantics = [#tpu.dimension_semantics<arbitrary>], iteration_bounds = array<i64: 2>, scalar_prefetch = 0 : i64, scratch_operands = 0 : i64, tpu.core_type = #tpu.core_type<tc>, window_params = [{transform_indices = @transform_0, window_bounds = array<i64: 1, 2048>}, {transform_indices = @transform_1, window_bounds = array<i64: 2048, 1>}, {transform_indices = @transform_2, window_bounds = array<i64: 2048, 101>}, {transform_indices = @transform_3, window_bounds = array<i64: 101, 2048>}, {transform_indices = @transform_4, window_bounds = array<i64: 101, 2048>}, {transform_indices = @transform_5, window_bounds = array<i64: 2048, 1>}, {transform_indices = @transform_6, window_bounds = array<i64: 1, 2048>}, {transform_indices = @transform_7, window_bounds = array<i64: 101, 2048>}]} {
    %get3A = arith.constant 0 : index
    %get3A_0 = arith.constant 0 : index
    %get3A_1 = vector.load %arg1[%get3A, %get3A_0] : memref<1x2048xi32, #tpu.memory_space<vmem>>, vector<1x2048xi32>
    %get3A_2 = arith.constant 0 : index
    %get3A_3 = arith.constant 0 : index
    %get3A_4 = vector.load %arg5[%get3A_2, %get3A_3] : memref<101x2048xi8, #tpu.memory_space<vmem>>, vector<101x2048xi8>
    %iota3A = tpu.iota {dimensions = array<i32: 0>} : vector<101x2048xi32>
    %eq3A = vector.broadcast %get3A_1 : vector<1x2048xi32> to vector<101x2048xi32>
    %eq3A_5 = arith.cmpi eq, %iota3A, %eq3A : vector<101x2048xi32>
    %get3A_6 = arith.constant 0 : index
    %get3A_7 = arith.constant 0 : index
    %get3A_8 = vector.load %arg2[%get3A_6, %get3A_7] : memref<2048x1xi32, #tpu.memory_space<vmem>>, vector<2048x1xi32>
    %iota3A_9 = tpu.iota {dimensions = array<i32: 1>} : vector<2048x101xi32>
    %eq3A_10 = vector.broadcast %get3A_8 : vector<2048x1xi32> to vector<2048x101xi32>
    %eq3A_11 = arith.cmpi eq, %iota3A_9, %eq3A_10 : vector<2048x101xi32>
    %get3A_12 = arith.constant 0 : index
    %get3A_13 = arith.constant 0 : index
    %get3A_14 = vector.load %arg3[%get3A_12, %get3A_13] : memref<2048x101xf32, #tpu.memory_space<vmem>>, vector<2048x101xf32>
    %jit3A = arith.constant 0.000000e+00 : f32
    %broadcast_in_dim3A = vector.broadcast %jit3A : f32 to vector<2048x101xf32>
    %select_n3A = arith.select %eq3A_11, %get3A_14, %broadcast_in_dim3A : vector<2048x101xi1>, vector<2048x101xf32>
    %reduce_sum3A = arith.constant dense<0.000000e+00> : vector<2048xf32>
    %reduce_sum3A_15 = vector.multi_reduction <add>, %select_n3A, %reduce_sum3A [1] : vector<2048x101xf32> to vector<2048xf32>
    %broadcast_in_dim3A_16 = vector.shape_cast %reduce_sum3A_15 : vector<2048xf32> to vector<2048x1xf32>
    %swap3A = arith.constant 0 : index
    %swap3A_17 = arith.constant 0 : index
    %swap3A_18 = vector.load %arg6[%swap3A, %swap3A_17] : memref<2048x1xf32, #tpu.memory_space<vmem>>, vector<2048x1xf32>
    tpu.vector_store %arg6[%swap3A, %swap3A_17], %broadcast_in_dim3A_16 {strides = array<i32>} : memref<2048x1xf32, #tpu.memory_space<vmem>>, vector<2048x1xf32>,
    %get3A_19 = arith.constant 0 : index
    %get3A_20 = arith.constant 0 : index
    %get3A_21 = vector.load %arg4[%get3A_19, %get3A_20] : memref<101x2048xf32, #tpu.memory_space<vmem>>, vector<101x2048xf32>
    %jit3A_22 = arith.constant 0.000000e+00 : f32
    %broadcast_in_dim3A_23 = vector.broadcast %jit3A_22 : f32 to vector<101x2048xf32>
    %select_n3A_24 = arith.select %eq3A_5, %get3A_21, %broadcast_in_dim3A_23 : vector<101x2048xi1>, vector<101x2048xf32>
    %reduce_sum3A_25 = arith.constant dense<0.000000e+00> : vector<2048xf32>
    %reduce_sum3A_26 = vector.multi_reduction <add>, %select_n3A_24, %reduce_sum3A_25 [0] : vector<101x2048xf32> to vector<2048xf32>
    %broadcast_in_dim3A_27 = vector.shape_cast %reduce_sum3A_26 : vector<2048xf32> to vector<1x2048xf32>
    %swap3A_28 = arith.constant 0 : index
    %swap3A_29 = arith.constant 0 : index
    %swap3A_30 = vector.load %arg7[%swap3A_28, %swap3A_29] : memref<1x2048xf32, #tpu.memory_space<vmem>>, vector<1x2048xf32>
    tpu.vector_store %arg7[%swap3A_28, %swap3A_29], %broadcast_in_dim3A_27 {strides = array<i32>} : memref<1x2048xf32, #tpu.memory_space<vmem>>, vector<1x2048xf32>,
    %jit3A_31 = arith.constant 2 : i32
    %eq3A_32 = arith.constant 0 : i32
    %eq3A_33 = arith.cmpi eq, %jit3A_31, %eq3A_32 : i32
    %jit3A_34 = arith.constant 1 : i32
    %select_n3A_35 = arith.select %eq3A_33, %jit3A_34, %jit3A_31 : i32
    %rem3A = vector.broadcast %select_n3A_35 : i32 to vector<1x2048xi32>
    %rem3A_36 = arith.remsi %get3A_1, %rem3A : vector<1x2048xi32>
    %ne3A = arith.constant 0 : i32
    %ne3A_37 = vector.broadcast %ne3A : i32 to vector<1x2048xi32>
    %ne3A_38 = arith.cmpi ne, %rem3A_36, %ne3A_37 : vector<1x2048xi32>
    %lt3A = arith.constant 0 : i32
    %lt3A_39 = vector.broadcast %lt3A : i32 to vector<1x2048xi32>
    %lt3A_40 = arith.cmpi slt, %rem3A_36, %lt3A_39 : vector<1x2048xi32>
    %lt3A_41 = arith.constant 0 : i32
    %lt3A_42 = arith.cmpi slt, %select_n3A_35, %lt3A_41 : i32
    %ne3A_43 = vector.broadcast %lt3A_42 : i1 to vector<1x2048xi1>
    %ne3A_44 = vector.broadcast %ne3A_43 : vector<1x2048xi1> to vector<1x2048xi1>
    %ne3A_45 = arith.xori %lt3A_40, %ne3A_44 : vector<1x2048xi1>
    %and3A = arith.andi %ne3A_45, %ne3A_38 : vector<1x2048xi1>
    %add3A = vector.broadcast %select_n3A_35 : i32 to vector<1x2048xi32>
    %add3A_46 = arith.addi %rem3A_36, %add3A : vector<1x2048xi32>
    %select_n3A_47 = arith.select %and3A, %add3A_46, %rem3A_36 : vector<1x2048xi1>, vector<1x2048xi32>
    %eq3A_48 = arith.constant 0 : i32
    %eq3A_49 = vector.broadcast %eq3A_48 : i32 to vector<1x2048xi32>
    %eq3A_50 = arith.cmpi eq, %select_n3A_47, %eq3A_49 : vector<1x2048xi32>
    %ne3A_51 = arith.constant 0 : i32
    %ne3A_52 = vector.broadcast %ne3A_51 : i32 to vector<1x2048xi32>
    %ne3A_53 = arith.cmpi ne, %get3A_1, %ne3A_52 : vector<1x2048xi32>
    %and3A_54 = arith.andi %eq3A_50, %ne3A_53 : vector<1x2048xi1>
    %sub3A = arith.constant 1 : i32
    %sub3A_55 = vector.broadcast %sub3A : i32 to vector<1x2048xi32>
    %sub3A_56 = arith.subi %get3A_1, %sub3A_55 : vector<1x2048xi32>
    %eq3A_57 = vector.broadcast %sub3A_56 : vector<1x2048xi32> to vector<101x2048xi32>
    %eq3A_58 = arith.cmpi eq, %iota3A, %eq3A_57 : vector<101x2048xi32>
    %or3A = arith.ori %eq3A_5, %eq3A_58 : vector<101x2048xi1>
    %and3A_59 = vector.broadcast %and3A_54 : vector<1x2048xi1> to vector<101x2048xi1>
    %and3A_60 = arith.andi %and3A_59, %or3A : vector<101x2048xi1>
    %convert_element_type3A = arith.extui %and3A_60 : vector<101x2048xi1> to vector<101x2048xi8>
    %or3A_61 = arith.ori %get3A_4, %convert_element_type3A : vector<101x2048xi8>
    %swap3A_62 = arith.constant 0 : index
    %swap3A_63 = arith.constant 0 : index
    %swap3A_64 = vector.load %arg8[%swap3A_62, %swap3A_63] : memref<101x2048xi8, #tpu.memory_space<vmem>>, vector<101x2048xi8>
    tpu.vector_store %arg8[%swap3A_62, %swap3A_63], %or3A_61 {strides = array<i32>} : memref<101x2048xi8, #tpu.memory_space<vmem>>, vector<101x2048xi8>,
    return
  }
  func.func @transform_0(%arg0: i32) -> (i32, i32) {
    %c0_i32 = arith.constant 0 : i32
    %c0_i32_0 = arith.constant 0 : i32
    return %c0_i32, %arg0 : i32, i32
  }
  func.func @transform_1(%arg0: i32) -> (i32, i32) {
    %c0_i32 = arith.constant 0 : i32
    %c0_i32_0 = arith.constant 0 : i32
    return %arg0, %c0_i32 : i32, i32
  }
  func.func @transform_2(%arg0: i32) -> (i32, i32) {
    %c0_i32 = arith.constant 0 : i32
    %c0_i32_0 = arith.constant 0 : i32
    return %arg0, %c0_i32 : i32, i32
  }
  func.func @transform_3(%arg0: i32) -> (i32, i32) {
    %c0_i32 = arith.constant 0 : i32
    %c0_i32_0 = arith.constant 0 : i32
    return %c0_i32, %arg0 : i32, i32
  }
  func.func @transform_4(%arg0: i32) -> (i32, i32) {
    %c0_i32 = arith.constant 0 : i32
    %c0_i32_0 = arith.constant 0 : i32
    return %c0_i32, %arg0 : i32, i32
  }
  func.func @transform_5(%arg0: i32) -> (i32, i32) {
    %c0_i32 = arith.constant 0 : i32
    %c0_i32_0 = arith.constant 0 : i32
    return %arg0, %c0_i32 : i32, i32
  }
  func.func @transform_6(%arg0: i32) -> (i32, i32) {
    %c0_i32 = arith.constant 0 : i32
    %c0_i32_0 = arith.constant 0 : i32
    return %c0_i32, %arg0 : i32, i32
  }
  func.func @transform_7(%arg0: i32) -> (i32, i32) {
    %c0_i32 = arith.constant 0 : i32
    %c0_i32_0 = arith.constant 0 : i32
    return %c0_i32, %arg0 : i32, i32
  }
}

module attributes {stable_mosaic.version = 14 : i64} {
  func.func @_tc_math_body(%arg0: memref<1x4096xi32, #tpu.memory_space<vmem>>, %arg1: memref<1x4096xi32, #tpu.memory_space<vmem>>, %arg2: memref<1x4096xf32, #tpu.memory_space<vmem>>, %arg3: memref<1x4096xf32, #tpu.memory_space<vmem>>, %arg4: memref<1x4096xf32, #tpu.memory_space<vmem>>, %arg5: memref<1x4096xf32, #tpu.memory_space<vmem>>, %arg6: memref<1x4096xf32, #tpu.memory_space<vmem>>, %arg7: memref<1x4096xf32, #tpu.memory_space<vmem>>, %arg8: memref<1x4096xf32, #tpu.memory_space<vmem>>) attributes {dimension_semantics = [], scalar_prefetch = 0 : i64, scratch_operands = 0 : i64, tpu.core_type = #tpu.core_type<tc>} {
    %get3A = arith.constant 0 : index
    %get3A_0 = arith.constant 0 : index
    %get3A_1 = vector.load %arg0[%get3A, %get3A_0] : memref<1x4096xi32, #tpu.memory_space<vmem>>, vector<1x4096xi32>
    %get3A_2 = arith.constant 0 : index
    %get3A_3 = arith.constant 0 : index
    %get3A_4 = vector.load %arg1[%get3A_2, %get3A_3] : memref<1x4096xi32, #tpu.memory_space<vmem>>, vector<1x4096xi32>
    %get3A_5 = arith.constant 0 : index
    %get3A_6 = arith.constant 0 : index
    %get3A_7 = vector.load %arg2[%get3A_5, %get3A_6] : memref<1x4096xf32, #tpu.memory_space<vmem>>, vector<1x4096xf32>
    %get3A_8 = arith.constant 0 : index
    %get3A_9 = arith.constant 0 : index
    %get3A_10 = vector.load %arg4[%get3A_8, %get3A_9] : memref<1x4096xf32, #tpu.memory_space<vmem>>, vector<1x4096xf32>
    %add3A = arith.addf %get3A_7, %get3A_10 : vector<1x4096xf32>
    %get3A_11 = arith.constant 0 : index
    %get3A_12 = arith.constant 0 : index
    %get3A_13 = vector.load %arg5[%get3A_11, %get3A_12] : memref<1x4096xf32, #tpu.memory_space<vmem>>, vector<1x4096xf32>
    %max3A = arith.maximumf %add3A, %get3A_13 : vector<1x4096xf32>
    %eq3A = arith.constant 0 : i32
    %eq3A_14 = vector.broadcast %eq3A : i32 to vector<1x4096xi32>
    %eq3A_15 = arith.cmpi eq, %get3A_1, %eq3A_14 : vector<1x4096xi32>
    %ne3A = arith.constant 0 : i32
    %ne3A_16 = vector.broadcast %ne3A : i32 to vector<1x4096xi32>
    %ne3A_17 = arith.cmpi ne, %get3A_4, %ne3A_16 : vector<1x4096xi32>
    %and3A = arith.andi %eq3A_15, %ne3A_17 : vector<1x4096xi1>
    %jit3A = arith.constant 0.000000e+00 : f32
    %broadcast_in_dim3A = vector.broadcast %jit3A : f32 to vector<1x4096xf32>
    %select_n3A = arith.select %and3A, %broadcast_in_dim3A, %max3A : vector<1x4096xi1>, vector<1x4096xf32>
    %swap3A = arith.constant 0 : index
    %swap3A_18 = arith.constant 0 : index
    %swap3A_19 = vector.load %arg7[%swap3A, %swap3A_18] : memref<1x4096xf32, #tpu.memory_space<vmem>>, vector<1x4096xf32>
    tpu.vector_store %arg7[%swap3A, %swap3A_18], %select_n3A {strides = array<i32>} : memref<1x4096xf32, #tpu.memory_space<vmem>>, vector<1x4096xf32>,
    %get3A_20 = arith.constant 0 : index
    %get3A_21 = arith.constant 0 : index
    %get3A_22 = vector.load %arg3[%get3A_20, %get3A_21] : memref<1x4096xf32, #tpu.memory_space<vmem>>, vector<1x4096xf32>
    %get3A_23 = arith.constant 0 : index
    %get3A_24 = arith.constant 0 : index
    %get3A_25 = vector.load %arg6[%get3A_23, %get3A_24] : memref<1x4096xf32, #tpu.memory_space<vmem>>, vector<1x4096xf32>
    %add3A_26 = arith.addf %get3A_22, %get3A_25 : vector<1x4096xf32>
    %jit3A_27 = arith.constant 0.000000e+00 : f32
    %broadcast_in_dim3A_28 = vector.broadcast %jit3A_27 : f32 to vector<1x4096xf32>
    %select_n3A_29 = arith.select %and3A, %broadcast_in_dim3A_28, %add3A_26 : vector<1x4096xi1>, vector<1x4096xf32>
    %swap3A_30 = arith.constant 0 : index
    %swap3A_31 = arith.constant 0 : index
    %swap3A_32 = vector.load %arg8[%swap3A_30, %swap3A_31] : memref<1x4096xf32, #tpu.memory_space<vmem>>, vector<1x4096xf32>
    tpu.vector_store %arg8[%swap3A_30, %swap3A_31], %select_n3A_29 {strides = array<i32>} : memref<1x4096xf32, #tpu.memory_space<vmem>>, vector<1x4096xf32>,
    return
  }
}

</mosaic_0001>

<sc_bundles>
// kernel: kernel.5.cloned.1.call-start
scs
__scs_entry_jumppad:
0x0: {  	(pc) =	sbr.rel $0x88, $3  }
0x1: {  	(tag) =	ssettag $0x0;
	lr =	simm.s32 $0x1  }
0x2: {  	[smem:$0x3F99] =	sst lr;
	_ =	strace $0xD0000000  }
0x3: {  	_ = 	snop  }
0x4: {  	_ = 	snop  }
0x5: {  	_ = 	snop  }
0x6: {  	_ = 	snop  }
0x7: {  	_ = 	snop  }
__scs_overlays_trampoline_lowered:
0x8: {  	[smem:$0x3FA8] =	sst s0  }
0x9: {  	[smem:$0x3FA9] =	sst s1  }
0xa: {  	[smem:$0x3FAA] =	sst s2  }
0xb: {  	[smem:$0x3FAB] =	sst s3  }
0xc: {  	[smem:$0x3FAC] =	sst s4  }
0xd: {  	[smem:$0x3FAD] =	sst s5  }
0xe: {  	[smem:$0x3FAE] =	sst s6  }
0xf: {  	[smem:$0x3FAF] =	sst s7  }
0x10: {  	[smem:$0x3FB0] =	sst s8  }
0x11: {  	[smem:$0x3FB1] =	sst s9;
	s0 =	simm.s32 @!p0 $0x0  }
0x12: {  	s1 =	sld [smem:$0x3F97];
	s0 =	simm.s32 @p0 $0x1  }
0x13: {  	[smem:$0x3FB2] =	sst s0;
	s0 =	simm.s32 @!p1 $0x0  }
0x14: {  	s2 =	sld [smem:$0x3F96];
	s0 =	simm.s32 @p1 $0x1  }
0x15: {  	[smem:$0x3FB3] =	sst s0;
	s0 =	simm.s32 @!p2 $0x0  }
0x16: {  	s3 =	sld [smem:$0x3FDB];
	s0 =	simm.s32 @p2 $0x1  }
0x17: {  	s4 =	simm.s32 $0x1BF5;
	[smem:$0x3FB5] =	sst s0  }
0x18: {  	s0 =	sld [smem:$0x3F98];
	_ =	swait.ge [sflag:s4], $0x0  }
0x19: {  	s7 =	sld [smem:$0x3F99]  }
0x1a: {  	s8 =	sadd.s32 $0xFFFFE003, lr  }
0x1b: {  	s9 =	sadd.s32 $0xFFFFFEF7, lr;
	s5 =	simm.s32 $0xFFFFFFFF;
	p2 =	slt.u32 s8, $0xFFFFF086  }
0x1c: {  	p1 =	slt.u32 s9, $0xF7A;
	s5 =	simm.s32 @!p2 $0x0  }
0x1d: {  	s5 =	simm.s32 @p1 $0x1;
	p0 =	seq.s32 s7, s2  }
0x1e: {  	s7 =	smul.u32 @!p0 $0xF7A, s2;
	p2 =	seq.s32 @!p0 s5, $0x0  }
0x1f: {  	s9 =	smul.u32 $0xF7A, s1;
	s8 =	simm.s32 @!p0 $0x1BF5;
	p2 =	por !p2, p0  }
0x20: {  	[sflag:s8] =	ssyncset.s32 @!p0 $0xFFFFF086;
	s6 =	sadd.s32 @!p0 s3, s7;
	s7 =	simm.s32 @!p0 $0x108  }
0x21: {  	s3 =	sadd.s32 s3, s9;
	s6 =	sadd.s32 @!p0 $0x88, s6;
	s7 =	simm.s32 @p2 $0x1082  }
0x22: {  	[simem:s7], [sflag:s8] =	dma.local @!p0 [hbm:s6], $0xF7A  }
0x23: {  	s9 =	sor.u32 $0xD0000000, s2;
	s6 =	simm.s32 $0x108;
	_ =	swait.ge @!p0 [sflag:s8], $0x0  }
0x24: {  	s3 =	sadd.s32 $0x88, s3;
	s6 =	simm.s32 @!p1 $0x1082;
	[sflag:s4] =	ssyncset.s32 $0xFFFFF086  }
0x25: {  	[simem:s6], [sflag:s4] =	dma.local [hbm:s3], $0xF7A  }
0x26: {  	[smem:$0x3F99] =	sst s1;
	(tag) =	ssettag s2;
	_ =	strace s9  }
0x27: {  	s1 =	sld [smem:$0x3FA9]  }
0x28: {  	s2 =	sld [smem:$0x3FAA]  }
0x29: {  	s4 =	sld [smem:$0x3FAC]  }
0x2a: {  	p0 =	seq.s32 s5, $0x0;
	s5 =	sld [smem:$0x3FAD]  }
0x2b: {  	s6 =	sld [smem:$0x3FAE]  }
0x2c: {  	s7 =	sld [smem:$0x3FAF]  }
0x2d: {  	s3 =	simm.s32 $0x108;
	s8 =	sld [smem:$0x3FB0]  }
0x2e: {  	s3 =	simm.s32 @!p0 $0x1082;
	s9 =	sld [smem:$0x3FB1]  }
0x2f: {  	lr =	sadd.s32 s0, s3;
	s0 =	sld [smem:$0x3FA8]  }
0x30: {  	s3 =	sld [smem:$0x3FAB]  }
0x31: {  	[smem:$0x3FB4] =	sst s10  }
0x32: {  	s10 =	sld [smem:$0x3FB2];
	_ =	sdelay $0x3  }
0x33: {  	p0 =	seq.s32 s10, $0x1;
	s10 =	sld [smem:$0x3FB4];
	_ =	sdelay $0x3  }
0x34: {  	[smem:$0x3FB4] =	sst s10  }
0x35: {  	s10 =	sld [smem:$0x3FB3];
	_ =	sdelay $0x3  }
0x36: {  	p1 =	seq.s32 s10, $0x1;
	s10 =	sld [smem:$0x3FB4];
	_ =	sdelay $0x3  }
0x37: {  	[smem:$0x3FB4] =	sst s10  }
0x38: {  	s10 =	sld [smem:$0x3FB5]  }
0x39: {  	_ = 	snop;
	(pc) =	sbr.ind lr, $3  }
0x3a: {  	_ = 	snop  }
0x3b: {  	_ = 	snop  }
0x3c: {  	p2 =	seq.s32 s10, $0x1;
	s10 =	sld [smem:$0x3FB4]  }
0x3d: {  	_ =	shalt  }
0x3e: {  	_ =	shalt  }
0x3f: {  	_ =	shalt  }
0x40: {  	_ =	shalt  }
0x41: {  	_ =	shalt  }
0x42: {  	_ =	shalt  }
0x43: {  	_ =	shalt  }
0x44: {  	_ =	shalt  }
0x45: {  	_ =	shalt  }
0x46: {  	_ =	shalt  }
0x47: {  	_ =	shalt  }
0x48: {  	_ =	shalt  }
0x49: {  	_ =	shalt  }
0x4a: {  	_ =	shalt  }
0x4b: {  	_ =	shalt  }
0x4c: {  	_ =	shalt  }
0x4d: {  	_ =	shalt  }
0x4e: {  	_ =	shalt  }
0x4f: {  	_ =	shalt  }
0x50: {  	_ =	shalt  }
0x51: {  	_ =	shalt  }
0x52: {  	_ =	shalt  }
0x53: {  	_ =	shalt  }
0x54: {  	_ =	shalt  }
0x55: {  	_ =	shalt  }
0x56: {  	_ =	shalt  }
0x57: {  	_ =	shalt  }
0x58: {  	_ =	shalt  }
0x59: {  	_ =	shalt  }
0x5a: {  	_ =	shalt  }
0x5b: {  	_ =	shalt  }
0x5c: {  	_ =	shalt  }
0x5d: {  	_ =	shalt  }
0x5e: {  	_ =	shalt  }
0x5f: {  	_ =	shalt  }
0x60: {  	_ =	shalt  }
0x61: {  	_ =	shalt  }
0x62: {  	_ =	shalt  }
0x63: {  	_ =	shalt  }
0x64: {  	_ =	shalt  }
0x65: {  	_ =	shalt  }
0x66: {  	_ =	shalt  }
0x67: {  	_ =	shalt  }
0x68: {  	_ =	shalt  }
0x69: {  	_ =	shalt  }
0x6a: {  	_ =	shalt  }
0x6b: {  	_ =	shalt  }
0x6c: {  	_ =	shalt  }
0x6d: {  	_ =	shalt  }
0x6e: {  	_ =	shalt  }
0x6f: {  	_ =	shalt  }
0x70: {  	_ =	shalt  }
0x71: {  	_ =	shalt  }
0x72: {  	_ =	shalt  }
0x73: {  	_ =	shalt  }
0x74: {  	_ =	shalt  }
0x75: {  	_ =	shalt  }
0x76: {  	_ =	shalt  }
0x77: {  	_ =	shalt  }
0x78: {  	_ =	shalt  }
0x79: {  	_ =	shalt  }
0x7a: {  	_ =	shalt  }
0x7b: {  	_ =	shalt  }
0x7c: {  	_ =	shalt  }
0x7d: {  	_ =	shalt  }
0x7e: {  	_ =	shalt  }
0x7f: {  	_ =	shalt  }
0x80: {  	_ =	shalt  }
0x81: {  	_ =	shalt  }
0x82: {  	_ =	shalt  }
0x83: {  	_ =	shalt  }
0x84: {  	_ =	shalt  }
0x85: {  	_ =	shalt  }
0x86: {  	_ =	shalt  }
0x87: {  	_ =	shalt  }
.Lfunc_end0:
.L_simem_size_0:
called_computation_lowered:
.L_overlay_start_0:
0x88: {  	s2 =	sld [smem:$0x3FD9]  }
0x89: {  	s3 =	sld [smem:$0x3FFE];
	_ =	sdelay $0x1  }
0x8a: {  	s1 =	srdreg.scid  }
0x8b: {  	s0 =	sand.u32 $0x1, s1  }
0x8c: {  	s15 =	sshll.u32 s0, $0xA;
	s2 =	sadd.s32 s3, s2  }
0x8d: {  	s2 =	sadd.s32 s2, s15  }
0x8e: {  	[smem:$0x3FC0] =	sst s2  }
0x8f: {  	_ = 	snop  }
0x90: {  	s2 =	sld [smem:$0x3FD0]  }
0x91: {  	s16 =	sld [smem:$0x3FC9]  }
0x92: {  	s4 =	sld [smem:$0x3FC8]  }
0x93: {  	s6 =	simm.s32 $0xA;
	s7 =	simm.s32 $0x10;
	s5 =	sld [smem:$0x3FC5]  }
0x94: {  	[smem:s7], [sflag:s6] =	dma.local [hbm:s2], $0x1  }
0x95: {  	_ =	swait.eq [sflag:s6], $0x1  }
0x96: {  	[sflag:s6] =	ssyncset.done $0x0  }
0x97: {  	[sflag:s6] =	ssyncadd.s32 $0xFFFFFFFF  }
0x98: {  	s17 =	sld [smem:$0x11];
	(tm) =	ssettm $0x1  }
0x99: {  	s18 =	sld [smem:$0x3FFB];
	_ =	sdelay $0x3  }
0x9a: {  	_ =	strace s18  }
0x9b: {  	s6 =	sld [smem:$0x3FFC];
	_ =	sdelay $0x3  }
0x9c: {  	_ =	strace s6  }
0x9d: {  	s6 =	sld [smem:$0x3FFD];
	_ =	sdelay $0x3  }
0x9e: {  	_ =	strace s6  }
0x9f: {  	_ =	strace $0x8FFFFFFF  }
0xa0: {  	s19 =	sld [smem:$0x3FDB];
	_ =	sdelay $0x1  }
0xa1: {  	s20 =	simm.s32 $_scs_section_size  }
0xa2: {  	s8 =	simm.s32 $_size__tile_overlayer_lowered;
	s9 =	simm.s32 $_tile_overlayer_lowered  }
0xa3: {  	s23 =	simm.s32 $0x1BFF;
	s22 =	sshll.u32 s9, $0x1;
	s6 =	sadd.s32 s20, s19  }
0xa4: {  	s10 =	simm.s32 $0x0;
	s21 =	sshll.u32 s8, $0x1;
	s8 =	sadd.s32 s22, s6  }
0xa5: {  	[timem:s10], [sflag:s23] =	dma.local [hbm:s8], s21  }
0xa6: {  	_ =	swait.ge [sflag:s23], s21  }
0xa7: {  	s7 =	ssub.s32 $0x0, s21;
	[sflag:s23] =	ssyncset.done $0x0  }
0xa8: {  	[sflag:s23] =	ssyncadd.s32 s7;
	_ =	sdelay $0x1  }
0xa9: {  	s24 =	simm.s32 $0x1B8B  }
0xaa: {  	_ =	swait.ge [sflag:s24], $0x1  }
0xab: {  	[sflag:s24] =	ssyncset.done $0x0  }
0xac: {  	s25 =	simm.s32 $0x1B8E;
	[sflag:s24] =	ssyncadd.s32 $0xFFFFFFFF  }
0xad: {  	s26 =	simm.s32 $execute0_lowered;
	[smem:$0x3FD2] =	sst s25  }
0xae: {  	s7 =	sshll.u32 s26, $0x1;
	_ =	strace $0x80000046;
	[dreg:$0x1] =	wrdreg $0xFFFFFFFF  }
0xaf: {  	s28 =	simm.s32 $_size_execute0_lowered;
	s6 =	sadd.s32 s6, s7;
	[dreg:$0x0] =	wrdreg $0x0  }
0xb0: {  	s7 =	sshll.u32 s28, $0x1;
	[dreg:$0x2] =	wrdreg s6  }
0xb1: {  	[dreg:$0x3] =	wrdreg s7  }
0xb2: {  	[dreg:$0x4] =	wrdreg $0xC0  }
0xb3: {  	_ =	task [dreg:s10], $0x5FFFF  }
0xb4: {  	[dreg:$0x1] =	wrdreg $0xFFFFFFFF  }
0xb5: {  	[dreg:$0x0] =	wrdreg $0x60  }
0xb6: {  	[dreg:$0x2] =	wrdreg s16  }
0xb7: {  	[dreg:$0x3] =	wrdreg s4  }
0xb8: {  	[dreg:$0x4] =	wrdreg s5  }
0xb9: {  	[dreg:$0x5] =	wrdreg s17  }
0xba: {  	[dreg:$0x6] =	wrdreg $0x9  }
0xbb: {  	_ =	task.clear_ibuf [dreg:s10], $0x7FFFF;
	_ =	strace $0x90000046  }
0xbc: {  	s29 =	simm.s32 $0x9;
	_ =	strace $0x80000048  }
0xbd: {  	_ =	swait.ge [sflag:s29], $0x1  }
0xbe: {  	[sflag:s29] =	ssyncadd.s32 $0xFFFFFFFF  }
0xbf: {  	_ =	strace $0x90000048  }
0xc0: {  	_ =	sfence  }
0xc1: {  	s30 =	sld [smem:$0x0];
	_ =	sdelay $0x2  }
0xc2: {  	s31 =	sshll.u32 s1, $0xD;
	s1 =	sshrl.u32 s1, $0x2  }
0xc3: {  	s3 =	sand.u32 $0x4000, s31;
	s1 =	sadd.s32 s1, s30  }
0xc4: {  	s0 =	sor.u32 s3, s0;
	s1 =	sshll.u32 s1, $0x11  }
0xc5: {  	s0 =	sor.u32 s1, s0  }
0xc6: {  	s0 =	sadd.s32 $0x8F2B, s0  }
0xc7: {  	[sflag:s0] =	ssyncadd.remote.s32 $0x1  }
0xc8: {  	_ =	sfence.sel $0xFFFF  }
0xc9: {  	[dreg:$0x0] =	wrdreg $0xFFFFFFFF;
	(pc) =	sbr.abs _section_cstart, $3  }
0xca: {  	[dreg:$0x1] =	wrdreg $0xFFFFFFFF  }
0xcb: {  	_ =	task.clear_ibuf [dreg:s10], $0x2FFFF;
	_ =	strace $0x9FFFFFFF  }
0xcc: {  	(tm) =	ssettm $0x7FFFFFFF  }
0xcd: {  	_ =	shalt  }
tec
execute0_lowered:
.L_overlay_start_1:
0x0: {  	(tag) =	ssettag $0x1  }
0x1: {  	s5 =	rddreg [dreg:$0x0]  }
0x2: {  	s6 =	rddreg [dreg:$0x1]  }
0x3: {  	s11 =	rddreg [dreg:$0x2]  }
0x4: {  	s1 =	srdreg.scid;
	s7 =	rddreg [dreg:$0x3]  }
0x5: {  	s2 =	simm.s32 $0x0;
	s4 =	sand.u32 $0x1, s1;
	s1 =	rddreg [dreg:$0x4]  }
0x6: {  	s25 =	simm.s32 $0x80;
	[smem:$0x7FF] =	sst s2  }
0x7: {  	s26 =	simm.s32 $0x100;
	_ =	strace $0x80000047;
	[dreg:$0x9] =	wrdreg s25  }
0x8: {  	s28 =	simm.s32 $0x110;
	[dreg:$0xa] =	wrdreg s26  }
0x9: {  	s29 =	simm.s32 $0x120;
	[dreg:$0xb] =	wrdreg s28  }
0xa: {  	s30 =	simm.s32 $0x130;
	[dreg:$0xc] =	wrdreg s29  }
0xb: {  	s31 =	simm.s32 $0x140;
	[dreg:$0xd] =	wrdreg s30  }
0xc: {  	s9 =	simm.s32 $0x180;
	[dreg:$0xe] =	wrdreg s31  }
0xd: {  	s10 =	simm.s32 $0x190;
	[dreg:$0x12] =	wrdreg s9  }
0xe: {  	s12 =	simm.s32 $0x1A0;
	[dreg:$0x13] =	wrdreg s10  }
0xf: {  	s13 =	simm.s32 $0x1B0;
	[dreg:$0x14] =	wrdreg s12  }
0x10: {  	s14 =	simm.s32 $0x1C0;
	[dreg:$0x15] =	wrdreg s13  }
0x11: {  	s15 =	simm.s32 $0x1D0;
	[dreg:$0x16] =	wrdreg s14  }
0x12: {  	s16 =	simm.s32 $0x1E0;
	[dreg:$0x17] =	wrdreg s15  }
0x13: {  	s17 =	simm.s32 $0x1F0;
	[dreg:$0x18] =	wrdreg s16  }
0x14: {  	s18 =	simm.s32 $0x200;
	[dreg:$0x19] =	wrdreg s17  }
0x15: {  	s19 =	simm.s32 $0x210;
	[dreg:$0x1a] =	wrdreg s18  }
0x16: {  	s20 =	simm.s32 $0x220;
	[dreg:$0x1b] =	wrdreg s19  }
0x17: {  	s21 =	simm.s32 $0x230;
	[dreg:$0x1c] =	wrdreg s20  }
0x18: {  	[dreg:$0x1d] =	wrdreg s21;
	s25 =	simm.s32 $0x270  }
0x19: {  	s26 =	simm.s32 $0x280;
	[smem:$0x794] =	sst s25  }
0x1a: {  	s28 =	simm.s32 $0x290;
	[smem:$0x795] =	sst s26  }
0x1b: {  	s29 =	simm.s32 $0x2A0;
	[smem:$0x796] =	sst s28  }
0x1c: {  	s30 =	simm.s32 $0x2B0;
	[smem:$0x797] =	sst s29  }
0x1d: {  	s31 =	simm.s32 $0x2C0;
	[smem:$0x798] =	sst s30  }
0x1e: {  	s9 =	simm.s32 $0x300;
	[smem:$0x799] =	sst s31  }
0x1f: {  	s10 =	simm.s32 $0x310;
	[smem:$0x79D] =	sst s9  }
0x20: {  	s12 =	simm.s32 $0x320;
	[smem:$0x79E] =	sst s10  }
0x21: {  	s13 =	simm.s32 $0x330;
	[smem:$0x79F] =	sst s12  }
0x22: {  	s14 =	simm.s32 $0x340;
	[smem:$0x7A0] =	sst s13  }
0x23: {  	s15 =	simm.s32 $0x350;
	[smem:$0x7A1] =	sst s14  }
0x24: {  	s16 =	simm.s32 $0x360;
	[smem:$0x7A2] =	sst s15  }
0x25: {  	s17 =	simm.s32 $0x370;
	[smem:$0x7A3] =	sst s16  }
0x26: {  	s18 =	simm.s32 $0x380;
	[smem:$0x7A4] =	sst s17  }
0x27: {  	s19 =	simm.s32 $0x390;
	[smem:$0x7A5] =	sst s18  }
0x28: {  	s20 =	simm.s32 $0x3A0;
	[smem:$0x7A6] =	sst s19  }
0x29: {  	s21 =	simm.s32 $0x3B0;
	[smem:$0x7A7] =	sst s20  }
0x2a: {  	[smem:$0x7A8] =	sst s21;
	s25 =	simm.s32 $0x3F0  }
0x2b: {  	s26 =	simm.s32 $0x400;
	[smem:$0x7AC] =	sst s25  }
0x2c: {  	s28 =	simm.s32 $0x410;
	[smem:$0x7AD] =	sst s26  }
0x2d: {  	s29 =	simm.s32 $0x420;
	[smem:$0x7AE] =	sst s28  }
0x2e: {  	s30 =	simm.s32 $0x430;
	[smem:$0x7AF] =	sst s29  }
0x2f: {  	s31 =	simm.s32 $0x440;
	[smem:$0x7B0] =	sst s30  }
0x30: {  	s9 =	simm.s32 $0x480;
	[smem:$0x7B1] =	sst s31  }
0x31: {  	s10 =	simm.s32 $0x490;
	[smem:$0x7B5] =	sst s9  }
0x32: {  	s12 =	simm.s32 $0x4A0;
	[smem:$0x7B6] =	sst s10  }
0x33: {  	s13 =	simm.s32 $0x4B0;
	[smem:$0x7B7] =	sst s12  }
0x34: {  	s14 =	simm.s32 $0x4C0;
	[smem:$0x7B8] =	sst s13  }
0x35: {  	s15 =	simm.s32 $0x4D0;
	[smem:$0x7B9] =	sst s14  }
0x36: {  	s16 =	simm.s32 $0x4E0;
	[smem:$0x7BA] =	sst s15  }
0x37: {  	s17 =	simm.s32 $0x4F0;
	[smem:$0x7BB] =	sst s16  }
0x38: {  	s0 =	stileid.u32;
	s18 =	simm.s32 $0x500;
	[smem:$0x7BC] =	sst s17  }
0x39: {  	s3 =	sshll.u32 s0, $0x8;
	s19 =	simm.s32 $0x510;
	[smem:$0x7BD] =	sst s18  }
0x3a: {  	s8 =	sshll.u32 s4, $0x7;
	s20 =	simm.s32 $0x520;
	[smem:$0x7BE] =	sst s19  }
0x3b: {  	s3 =	sor.u32 s8, s3;
	s21 =	simm.s32 $0x530;
	[smem:$0x7BF] =	sst s20  }
0x3c: {  	s23 =	sshll.u32 s3, $0x3;
	[smem:$0x7C0] =	sst s21  }
0x3d: {  	s25 =	simm.s32 $0x570;
	[dreg:$0x7] =	wrdreg s23  }
0x3e: {  	s26 =	simm.s32 $0x580;
	[smem:$0x7C4] =	sst s25  }
0x3f: {  	s28 =	simm.s32 $0x590;
	[smem:$0x7C5] =	sst s26  }
0x40: {  	s29 =	simm.s32 $0x5A0;
	[smem:$0x7C6] =	sst s28  }
0x41: {  	s30 =	simm.s32 $0x5B0;
	[smem:$0x7C7] =	sst s29  }
0x42: {  	s31 =	simm.s32 $0x5C0;
	[smem:$0x7C8] =	sst s30  }
0x43: {  	s9 =	simm.s32 $0x600;
	[smem:$0x7C9] =	sst s31  }
0x44: {  	s10 =	simm.s32 $0x610;
	[smem:$0x7CD] =	sst s9  }
0x45: {  	s12 =	simm.s32 $0x620;
	[smem:$0x7CE] =	sst s10  }
0x46: {  	s13 =	simm.s32 $0x630;
	[smem:$0x7CF] =	sst s12  }
0x47: {  	s14 =	simm.s32 $0x640;
	[smem:$0x7D0] =	sst s13  }
0x48: {  	s15 =	simm.s32 $0x650;
	[smem:$0x7D1] =	sst s14  }
0x49: {  	s16 =	simm.s32 $0x660;
	[smem:$0x7D2] =	sst s15  }
0x4a: {  	s17 =	simm.s32 $0x670;
	[smem:$0x7D3] =	sst s16  }
0x4b: {  	s18 =	simm.s32 $0x680;
	[smem:$0x7D4] =	sst s17  }
0x4c: {  	s19 =	simm.s32 $0x690;
	[smem:$0x7D5] =	sst s18  }
0x4d: {  	s20 =	simm.s32 $0x6A0;
	[smem:$0x7D6] =	sst s19  }
0x4e: {  	s8 =	sshrl.u32 s3, $0x3;
	s21 =	simm.s32 $0x6B0;
	[smem:$0x7D7] =	sst s20  }
0x4f: {  	s5 =	sadd.s32 s5, s8;
	[smem:$0x7D8] =	sst s21  }
0x50: {  	s22 =	sadd.s32 s6, s8;
	[dreg:$0x5] =	wrdreg s5  }
0x51: {  	s24 =	sadd.s32 s7, s8;
	[dreg:$0x6] =	wrdreg s22  }
0x52: {  	s6 =	simm.s32 $0x150;
	[dreg:$0x8] =	wrdreg s24  }
0x53: {  	s7 =	simm.s32 $0x160;
	[dreg:$0xf] =	wrdreg s6  }
0x54: {  	s8 =	simm.s32 $0x170;
	[dreg:$0x10] =	wrdreg s7  }
0x55: {  	s23 =	simm.s32 $0x250;
	[dreg:$0x11] =	wrdreg s8  }
0x56: {  	s25 =	simm.s32 $0x6F0;
	[dreg:$0x1f] =	wrdreg s23  }
0x57: {  	s26 =	simm.s32 $0x700;
	[smem:$0x7DC] =	sst s25  }
0x58: {  	s28 =	simm.s32 $0x710;
	[smem:$0x7DD] =	sst s26  }
0x59: {  	s29 =	simm.s32 $0x720;
	[smem:$0x7DE] =	sst s28  }
0x5a: {  	s30 =	simm.s32 $0x730;
	[smem:$0x7DF] =	sst s29  }
0x5b: {  	s31 =	simm.s32 $0x740;
	[smem:$0x7E0] =	sst s30  }
0x5c: {  	s9 =	simm.s32 $0x780;
	[smem:$0x7E1] =	sst s31  }
0x5d: {  	s10 =	simm.s32 $0x790;
	[smem:$0x7E5] =	sst s9  }
0x5e: {  	s12 =	simm.s32 $0x7A0;
	[smem:$0x7E6] =	sst s10  }
0x5f: {  	s13 =	simm.s32 $0x7B0;
	[smem:$0x7E7] =	sst s12  }
0x60: {  	s14 =	simm.s32 $0x7C0;
	[smem:$0x7E8] =	sst s13  }
0x61: {  	s15 =	simm.s32 $0x7D0;
	[smem:$0x7E9] =	sst s14  }
0x62: {  	s16 =	simm.s32 $0x7E0;
	[smem:$0x7EA] =	sst s15  }
0x63: {  	s17 =	simm.s32 $0x7F0;
	[smem:$0x7EB] =	sst s16  }
0x64: {  	s18 =	simm.s32 $0x800;
	[smem:$0x7EC] =	sst s17  }
0x65: {  	s19 =	simm.s32 $0x810;
	[smem:$0x7ED] =	sst s18  }
0x66: {  	s20 =	simm.s32 $0x820;
	[smem:$0x7EE] =	sst s19  }
0x67: {  	s21 =	simm.s32 $0x830;
	[smem:$0x7EF] =	sst s20  }
0x68: {  	s22 =	simm.s32 $0x240;
	[smem:$0x7F0] =	sst s21  }
0x69: {  	s24 =	simm.s32 $0x260;
	[dreg:$0x1e] =	wrdreg s22  }
0x6a: {  	s6 =	simm.s32 $0x2D0;
	[smem:$0x793] =	sst s24  }
0x6b: {  	s7 =	simm.s32 $0x2E0;
	[smem:$0x79A] =	sst s6  }
0x6c: {  	s8 =	simm.s32 $0x2F0;
	[smem:$0x79B] =	sst s7  }
0x6d: {  	s23 =	simm.s32 $0x3D0;
	[smem:$0x79C] =	sst s8  }
0x6e: {  	s25 =	simm.s32 $0x860;
	[smem:$0x7AA] =	sst s23  }
0x6f: {  	s26 =	simm.s32 $0x870;
	[smem:$0x7F3] =	sst s25  }
0x70: {  	s28 =	simm.s32 $0x880;
	[smem:$0x7F4] =	sst s26  }
0x71: {  	s29 =	simm.s32 $0x890;
	[smem:$0x7F5] =	sst s28  }
0x72: {  	s9 =	simm.s32 $0x8A0;
	[smem:$0x7F6] =	sst s29  }
0x73: {  	s10 =	simm.s32 $0x8B0;
	[smem:$0x7F7] =	sst s9  }
0x74: {  	s13 =	simm.s32 $0x8C0;
	[smem:$0x7F8] =	sst s10  }
0x75: {  	s30 =	simm.s32 $0x8D0;
	[smem:$0x7F9] =	sst s13  }
0x76: {  	s31 =	simm.s32 $0x8E0;
	[smem:$0x7FA] =	sst s30  }
0x77: {  	s14 =	simm.s32 $0x8F0;
	[smem:$0x7FB] =	sst s31  }
0x78: {  	s15 =	simm.s32 $0x900;
	[smem:$0x7FC] =	sst s14  }
0x79: {  	s22 =	simm.s32 $0x3C0;
	[smem:$0x7FD] =	sst s15  }
0x7a: {  	s24 =	simm.s32 $0x3E0;
	[smem:$0x7A9] =	sst s22  }
0x7b: {  	s6 =	simm.s32 $0x450;
	[smem:$0x7AB] =	sst s24  }
0x7c: {  	s7 =	simm.s32 $0x460;
	[smem:$0x7B2] =	sst s6  }
0x7d: {  	s8 =	simm.s32 $0x470;
	[smem:$0x7B3] =	sst s7  }
0x7e: {  	s23 =	simm.s32 $0x550;
	[smem:$0x7B4] =	sst s8  }
0x7f: {  	s22 =	simm.s32 $0x540;
	[smem:$0x7C2] =	sst s23  }
0x80: {  	s24 =	simm.s32 $0x560;
	[smem:$0x7C1] =	sst s22  }
0x81: {  	s6 =	simm.s32 $0x5D0;
	[smem:$0x7C3] =	sst s24  }
0x82: {  	s4 =	ssub.s32 $0x2, s4;
	s7 =	simm.s32 $0x5E0;
	[smem:$0x7CA] =	sst s6  }
0x83: {  	s5 =	sadd.s32 $0x2, s11;
	s8 =	simm.s32 $0x5F0;
	[smem:$0x7CB] =	sst s7  }
0x84: {  	s9 =	sadd.s32 $0xA, s11;
	s23 =	simm.s32 $0x6D0;
	[smem:$0x7CC] =	sst s8  }
0x85: {  	s10 =	sadd.s32 $0xC, s11;
	s22 =	simm.s32 $0x6C0;
	[smem:$0x7DA] =	sst s23  }
0x86: {  	s13 =	simm.s32 $0x1;
	s24 =	simm.s32 $0x6E0;
	[smem:$0x7D9] =	sst s22  }
0x87: {  	s14 =	simm.s32 $0x2;
	s6 =	simm.s32 $0x750;
	[smem:$0x7DB] =	sst s24  }
0x88: {  	s15 =	simm.s32 $0x3;
	s7 =	simm.s32 $0x760;
	[smem:$0x7E2] =	sst s6  }
0x89: {  	vm0 =	vmmov $0x1;
	vm1 =	vmmov $0x3;
	vm2 =	vmmov $0x7;
	s8 =	simm.s32 $0x770;
	s23 =	sshrl.u32 s4, $0x1;
	[smem:$0x7E3] =	sst s7  }
0x8a: {  	vm3 =	vmmov $0xf;
	vm4 =	vmmov $0x1f;
	vm5 =	vmmov $0x3f;
	[smem:$0x7E4] =	sst s8;
	s22 =	simm.s32 $0x840;
	s24 =	simm.s32 $0x850  }
0x8b: {  	vm6 =	vmmov $0x7f;
	vm7 =	vmmov $0xff;
	vm8 =	vmmov $0x1ff;
	s12 =	ssub.s32 s4, s23;
	s4 =	sadd.s32 s11, s3;
	s6 =	sadd.s32 $0x4, s11  }
0x8c: {  	vm9 =	vmmov $0x3ff;
	vm10 =	vmmov $0x7ff;
	vm11 =	vmmov $0xfff;
	s7 =	sadd.s32 $0x6, s11;
	s8 =	sadd.s32 $0x8, s11;
	[smem:$0x7F1] =	sst s22  }
0x8d: {  	vm12 =	vmmov $0x1fff;
	vm13 =	vmmov $0x3fff;
	vm14 =	vmmov $0x7fff;
	s11 =	sadd.s32 $0xE, s11;
	[smem:$0x7F2] =	sst s24;
	s12 =	smax.u32 s12, $0x1  }
.LBB2_1:
0x8e: {  	s16 =	rddreg [dreg:$0x5]  }
0x8f: {  	s17 =	rddreg [dreg:$0x6]  }
0x90: {  	[tilespmem:s2], [sflag:$0x1] =	stream.linear.gather [hbm4b:s16+s2], $0x80, $0x38;
	[tilespmem:$0x980] =	vst v63  }
0x91: {  	s18 =	rddreg [dreg:$0x9]  }
0x92: {  	[tilespmem:s18], [sflag:$0x1] =	stream.linear.gather [hbm4b:s17+s2], $0x80, $0x38;
	[tilespmem:$0x980] =	vst v63  }
0x93: {  	_ =	swait.ge [sflag:s13], $0x80  }
0x94: {  	[sflag:s13] =	ssyncset.done $0x0  }
0x95: {  	[sflag:s13] =	ssyncadd.s32 $0xFFFFFF80  }
0x96: {  	_ =	swait.ge [sflag:s13], $0x80  }
0x97: {  	[sflag:s13] =	ssyncset.done $0x0  }
0x98: {  	[sflag:s13] =	ssyncadd.s32 $0xFFFFFF80  }
0x99: {  	v0 =	vld [tilespmem:$0x0]  }
0x9a: {  	v1 =	vld [tilespmem:$0x80];
	_ =	sdelay $0x4  }
0x9b: {  	(v2sf) =	vpush v0, $0x0;
	v1 =	vmul.u32 $0x68000, v1;
	_ =	sdelay $0x1  }
0x9c: {  	(v2sf) =	vpush v1, $0x0  }
0x9d: {  	(v2sf) =	vpush v0, $0x1  }
0x9e: {  	(v2sf) =	vpush v1, $0x1;
	_ =	sdelay $0xa  }
0x9f: {  	s24 =	spop (v2sf);
	(v2sf) =	vpush v0, $0x2;
	_ =	sdelay $0x1  }
0xa0: {  	s26 =	spop (v2sf);
	(v2sf) =	vpush v1, $0x2  }
0xa1: {  	s29 =	spop (v2sf);
	(v2sf) =	vpush v0, $0x3  }
0xa2: {  	s25 =	sshll.u32 s24, $0xC;
	s31 =	spop (v2sf);
	(v2sf) =	vpush v1, $0x3  }
0xa3: {  	s16 =	sshll.u32 s24, $0x7;
	s17 =	sand.u32 $0xFFFF8000, s25  }
0xa4: {  	s16 =	sand.u32 $0x380, s16;
	s17 =	sadd.s32 s17, s26  }
0xa5: {  	s16 =	sor.u32 s16, s17  }
0xa6: {  	s16 =	sshrl.u32 s16, $0x3  }
0xa7: {  	s28 =	rddreg [dreg:$0xa];
	s30 =	sshll.u32 s29, $0xC;
	s16 =	sadd.s32 s16, s4  }
0xa8: {  	[tilespmem:s28], [sflag:$0x2] =	stream.linear.gather [hbm4b:s16+s2], $0x10, $0x38;
	[tilespmem:$0x980] =	vst v63  }
0xa9: {  	s17 =	sand.u32 $0xFFFF8000, s30;
	s16 =	sshll.u32 s29, $0x7  }
0xaa: {  	s17 =	sadd.s32 s17, s31;
	s16 =	sand.u32 $0x380, s16  }
0xab: {  	s16 =	sor.u32 s16, s17  }
0xac: {  	s16 =	sshrl.u32 s16, $0x3  }
0xad: {  	s19 =	rddreg [dreg:$0xb];
	s16 =	sadd.s32 s16, s4;
	s20 =	spop (v2sf);
	(v2sf) =	vpush v0, $0x4  }
0xae: {  	[tilespmem:s19], [sflag:$0x2] =	stream.linear.gather [hbm4b:s16+s2], $0x10, $0x38;
	[tilespmem:$0x980] =	vst v63  }
0xaf: {  	s22 =	spop (v2sf);
	(v2sf) =	vpush v1, $0x4  }
0xb0: {  	s24 =	spop (v2sf);
	(v2sf) =	vpush v0, $0x5  }
0xb1: {  	s21 =	sshll.u32 s20, $0xC;
	s26 =	spop (v2sf);
	(v2sf) =	vpush v1, $0x5  }
0xb2: {  	s16 =	sshll.u32 s20, $0x7;
	s17 =	sand.u32 $0xFFFF8000, s21  }
0xb3: {  	s16 =	sand.u32 $0x380, s16;
	s17 =	sadd.s32 s17, s22  }
0xb4: {  	s16 =	sor.u32 s16, s17  }
0xb5: {  	s16 =	sshrl.u32 s16, $0x3  }
0xb6: {  	s23 =	rddreg [dreg:$0xc];
	s25 =	sshll.u32 s24, $0xC;
	s16 =	sadd.s32 s16, s4  }
0xb7: {  	[tilespmem:s23], [sflag:$0x2] =	stream.linear.gather [hbm4b:s16+s2], $0x10, $0x38;
	[tilespmem:$0x980] =	vst v63  }
0xb8: {  	s17 =	sand.u32 $0xFFFF8000, s25;
	s16 =	sshll.u32 s24, $0x7  }
0xb9: {  	s17 =	sadd.s32 s17, s26;
	s16 =	sand.u32 $0x380, s16  }
0xba: {  	s16 =	sor.u32 s16, s17  }
0xbb: {  	s16 =	sshrl.u32 s16, $0x3  }
0xbc: {  	s28 =	rddreg [dreg:$0xd];
	s16 =	sadd.s32 s16, s4;
	s29 =	spop (v2sf);
	(v2sf) =	vpush v0, $0x6  }
0xbd: {  	[tilespmem:s28], [sflag:$0x2] =	stream.linear.gather [hbm4b:s16+s2], $0x10, $0x38;
	[tilespmem:$0x980] =	vst v63  }
0xbe: {  	s31 =	spop (v2sf);
	(v2sf) =	vpush v1, $0x6  }
0xbf: {  	s20 =	spop (v2sf);
	(v2sf) =	vpush v0, $0x7  }
0xc0: {  	s30 =	sshll.u32 s29, $0xC;
	s22 =	spop (v2sf);
	(v2sf) =	vpush v1, $0x7  }
0xc1: {  	s16 =	sshll.u32 s29, $0x7;
	s17 =	sand.u32 $0xFFFF8000, s30  }
0xc2: {  	s16 =	sand.u32 $0x380, s16;
	s17 =	sadd.s32 s17, s31  }
0xc3: {  	s16 =	sor.u32 s16, s17  }
0xc4: {  	s16 =	sshrl.u32 s16, $0x3  }
0xc5: {  	s19 =	rddreg [dreg:$0xe];
	s21 =	sshll.u32 s20, $0xC;
	s16 =	sadd.s32 s16, s4  }
0xc6: {  	[tilespmem:s19], [sflag:$0x2] =	stream.linear.gather [hbm4b:s16+s2], $0x10, $0x38;
	[tilespmem:$0x980] =	vst v63  }
0xc7: {  	s17 =	sand.u32 $0xFFFF8000, s21;
	s16 =	sshll.u32 s20, $0x7  }
0xc8: {  	s17 =	sadd.s32 s17, s22;
	s16 =	sand.u32 $0x380, s16  }
0xc9: {  	s16 =	sor.u32 s16, s17  }
0xca: {  	s16 =	sshrl.u32 s16, $0x3  }
0xcb: {  	s23 =	rddreg [dreg:$0xf];
	s16 =	sadd.s32 s16, s4;
	s24 =	spop (v2sf);
	(v2sf) =	vpush v0, $0x8  }
0xcc: {  	[tilespmem:s23], [sflag:$0x2] =	stream.linear.gather [hbm4b:s16+s2], $0x10, $0x38;
	[tilespmem:$0x980] =	vst v63  }
0xcd: {  	s26 =	spop (v2sf);
	(v2sf) =	vpush v1, $0x8  }
0xce: {  	s29 =	spop (v2sf);
	(v2sf) =	vpush v0, $0x9  }
0xcf: {  	s25 =	sshll.u32 s24, $0xC;
	s31 =	spop (v2sf);
	(v2sf) =	vpush v1, $0x9  }
0xd0: {  	s16 =	sshll.u32 s24, $0x7;
	s17 =	sand.u32 $0xFFFF8000, s25  }
0xd1: {  	s16 =	sand.u32 $0x380, s16;
	s17 =	sadd.s32 s17, s26  }
0xd2: {  	s16 =	sor.u32 s16, s17  }
0xd3: {  	s16 =	sshrl.u32 s16, $0x3  }
0xd4: {  	s28 =	rddreg [dreg:$0x10];
	s30 =	sshll.u32 s29, $0xC;
	s16 =	sadd.s32 s16, s4  }
0xd5: {  	[tilespmem:s28], [sflag:$0x2] =	stream.linear.gather [hbm4b:s16+s2], $0x10, $0x38;
	[tilespmem:$0x980] =	vst v63  }
0xd6: {  	s17 =	sand.u32 $0xFFFF8000, s30;
	s16 =	sshll.u32 s29, $0x7  }
0xd7: {  	s17 =	sadd.s32 s17, s31;
	s16 =	sand.u32 $0x380, s16  }
0xd8: {  	s16 =	sor.u32 s16, s17  }
0xd9: {  	s16 =	sshrl.u32 s16, $0x3  }
0xda: {  	s19 =	rddreg [dreg:$0x11];
	s16 =	sadd.s32 s16, s4;
	s20 =	spop (v2sf);
	(v2sf) =	vpush v0, $0xA  }
0xdb: {  	[tilespmem:s19], [sflag:$0x2] =	stream.linear.gather [hbm4b:s16+s2], $0x10, $0x38;
	[tilespmem:$0x980] =	vst v63  }
0xdc: {  	s22 =	spop (v2sf);
	(v2sf) =	vpush v1, $0xA  }
0xdd: {  	s24 =	spop (v2sf);
	(v2sf) =	vpush v0, $0xB  }
0xde: {  	s21 =	sshll.u32 s20, $0xC;
	s26 =	spop (v2sf);
	(v2sf) =	vpush v1, $0xB  }
0xdf: {  	s16 =	sshll.u32 s20, $0x7;
	s17 =	sand.u32 $0xFFFF8000, s21  }
0xe0: {  	s16 =	sand.u32 $0x380, s16;
	s17 =	sadd.s32 s17, s22  }
0xe1: {  	s16 =	sor.u32 s16, s17  }
0xe2: {  	s16 =	sshrl.u32 s16, $0x3  }
0xe3: {  	s23 =	rddreg [dreg:$0x12];
	s25 =	sshll.u32 s24, $0xC;
	s16 =	sadd.s32 s16, s4  }
0xe4: {  	[tilespmem:s23], [sflag:$0x2] =	stream.linear.gather [hbm4b:s16+s2], $0x10, $0x38;
	[tilespmem:$0x980] =	vst v63  }
0xe5: {  	s17 =	sand.u32 $0xFFFF8000, s25;
	s16 =	sshll.u32 s24, $0x7  }
0xe6: {  	s17 =	sadd.s32 s17, s26;
	s16 =	sand.u32 $0x380, s16  }
0xe7: {  	s16 =	sor.u32 s16, s17  }
0xe8: {  	s16 =	sshrl.u32 s16, $0x3  }
0xe9: {  	s28 =	rddreg [dreg:$0x13];
	s16 =	sadd.s32 s16, s4;
	s29 =	spop (v2sf);
	(v2sf) =	vpush v0, $0xC  }
0xea: {  	[tilespmem:s28], [sflag:$0x2] =	stream.linear.gather [hbm4b:s16+s2], $0x10, $0x38;
	[tilespmem:$0x980] =	vst v63  }
0xeb: {  	s31 =	spop (v2sf);
	(v2sf) =	vpush v1, $0xC  }
0xec: {  	s20 =	spop (v2sf);
	(v2sf) =	vpush v0, $0xD  }
0xed: {  	s30 =	sshll.u32 s29, $0xC;
	s22 =	spop (v2sf);
	(v2sf) =	vpush v1, $0xD  }
0xee: {  	s16 =	sshll.u32 s29, $0x7;
	s17 =	sand.u32 $0xFFFF8000, s30  }
0xef: {  	s16 =	sand.u32 $0x380, s16;
	s17 =	sadd.s32 s17, s31  }
0xf0: {  	s16 =	sor.u32 s16, s17  }
0xf1: {  	s16 =	sshrl.u32 s16, $0x3  }
0xf2: {  	s19 =	rddreg [dreg:$0x14];
	s21 =	sshll.u32 s20, $0xC;
	s16 =	sadd.s32 s16, s4  }
0xf3: {  	[tilespmem:s19], [sflag:$0x2] =	stream.linear.gather [hbm4b:s16+s2], $0x10, $0x38;
	[tilespmem:$0x980] =	vst v63  }
0xf4: {  	s17 =	sand.u32 $0xFFFF8000, s21;
	s16 =	sshll.u32 s20, $0x7  }
0xf5: {  	s17 =	sadd.s32 s17, s22;
	s16 =	sand.u32 $0x380, s16  }
0xf6: {  	s16 =	sor.u32 s16, s17  }
0xf7: {  	s16 =	sshrl.u32 s16, $0x3  }
0xf8: {  	s23 =	rddreg [dreg:$0x15];
	s16 =	sadd.s32 s16, s4;
	s24 =	spop (v2sf);
	(v2sf) =	vpush v0, $0xE  }
0xf9: {  	[tilespmem:s23], [sflag:$0x2] =	stream.linear.gather [hbm4b:s16+s2], $0x10, $0x38;
	[tilespmem:$0x980] =	vst v63  }
0xfa: {  	s25 =	sshll.u32 s24, $0xC;
	s26 =	spop (v2sf);
	(v2sf) =	vpush v1, $0xE  }
0xfb: {  	s16 =	sshll.u32 s24, $0x7;
	s17 =	sand.u32 $0xFFFF8000, s25;
	s29 =	spop (v2sf);
	(v2sf) =	vpush v1, $0xF  }
0xfc: {  	s16 =	sand.u32 $0x380, s16;
	s17 =	sadd.s32 s17, s26;
	s31 =	spop (v2sf);
	(v2sf) =	vpush v0, $0xF  }
0xfd: {  	s16 =	sor.u32 s16, s17  }
0xfe: {  	s16 =	sshrl.u32 s16, $0x3  }
0xff: {  	s28 =	rddreg [dreg:$0x16];
	s30 =	sshll.u32 s29, $0xC;
	s16 =	sadd.s32 s16, s4  }
0x100: {  	[tilespmem:s28], [sflag:$0x2] =	stream.linear.gather [hbm4b:s16+s2], $0x10, $0x38;
	[tilespmem:$0x980] =	vst v63  }
0x101: {  	s17 =	sand.u32 $0xFFFF8000, s30;
	s16 =	sshll.u32 s29, $0x7  }
0x102: {  	s17 =	sadd.s32 s17, s31;
	s16 =	sand.u32 $0x380, s16  }
0x103: {  	s16 =	sor.u32 s16, s17  }
0x104: {  	s16 =	sshrl.u32 s16, $0x3  }
0x105: {  	s19 =	rddreg [dreg:$0x17];
	s16 =	sadd.s32 s16, s4  }
0x106: {  	[tilespmem:s19], [sflag:$0x2] =	stream.linear.gather [hbm4b:s16+s2], $0x10, $0x38;
	[tilespmem:$0x980] =	vst v63  }
0x107: {  	s20 =	spop (v2sf)  }
0x108: {  	s21 =	sshll.u32 s20, $0xC  }
0x109: {  	s16 =	sshll.u32 s20, $0x7;
	s17 =	sand.u32 $0xFFFF8000, s21;
	s22 =	spop (v2sf)  }
0x10a: {  	s16 =	sand.u32 $0x380, s16;
	s17 =	sadd.s32 s17, s22;
	s24 =	spop (v2sf)  }
0x10b: {  	s16 =	sor.u32 s16, s17;
	s25 =	spop (v2sf)  }
0x10c: {  	s23 =	rddreg [dreg:$0x18];
	s16 =	sshrl.u32 s16, $0x3;
	s26 =	sshll.u32 s25, $0xC  }
0x10d: {  	s17 =	sshll.u32 s25, $0x7;
	s16 =	sadd.s32 s16, s4;
	s18 =	sand.u32 $0xFFFF8000, s26  }
0x10e: {  	[tilespmem:s23], [sflag:$0x2] =	stream.linear.gather [hbm4b:s16+s2], $0x10, $0x38;
	[tilespmem:$0x980] =	vst v63  }
0x10f: {  	s17 =	sand.u32 $0x380, s17;
	s16 =	sadd.s32 s18, s24  }
0x110: {  	s16 =	sor.u32 s17, s16  }
0x111: {  	s16 =	sshrl.u32 s16, $0x3  }
0x112: {  	s28 =	rddreg [dreg:$0x19];
	s16 =	sadd.s32 s16, s4  }
0x113: {  	[tilespmem:s28], [sflag:$0x2] =	stream.linear.gather [hbm4b:s16+s2], $0x10, $0x38;
	[tilespmem:$0x980] =	vst v63  }
0x114: {  	v43 =	vld [tilespmem:$0x10]  }
0x115: {  	v44 =	vld [tilespmem:$0x90];
	_ =	sdelay $0x4  }
0x116: {  	(v2sf) =	vpush v43, $0x0;
	v1 =	vmul.u32 $0x68000, v44;
	_ =	sdelay $0x1  }
0x117: {  	(v2sf) =	vpush v1, $0x0;
	_ =	sdelay $0x3  }
0x118: {  	(v2sf) =	vpush v43, $0x1  }
0x119: {  	(v2sf) =	vpush v1, $0x1;
	_ =	sdelay $0x7  }
0x11a: {  	s29 =	spop (v2sf)  }
0x11b: {  	(v2sf) =	vpush v43, $0x2;
	s30 =	sshll.u32 s29, $0xC  }
0x11c: {  	s16 =	sshll.u32 s29, $0x7;
	s17 =	sand.u32 $0xFFFF8000, s30;
	s31 =	spop (v2sf)  }
0x11d: {  	s16 =	sand.u32 $0x380, s16;
	(v2sf) =	vpush v1, $0x2;
	s17 =	sadd.s32 s17, s31  }
0x11e: {  	s16 =	sor.u32 s16, s17  }
0x11f: {  	s16 =	sshrl.u32 s16, $0x3  }
0x120: {  	s19 =	rddreg [dreg:$0x1a];
	s20 =	spop (v2sf);
	s16 =	sor.u32 s16, s3  }
0x121: {  	(v2sf) =	vpush v43, $0x3;
	s21 =	sshll.u32 s20, $0xC;
	s22 =	spop (v2sf);
	s16 =	sadd.s32 s16, s5  }
0x122: {  	(v2sf) =	vpush v1, $0x3;
	[tilespmem:s19], [sflag:$0x2] =	stream.linear.gather [hbm4b:s16+s2], $0x10, $0x38;
	[tilespmem:$0x980] =	vst v63  }
0x123: {  	s17 =	sand.u32 $0xFFFF8000, s21;
	s16 =	sshll.u32 s20, $0x7  }
0x124: {  	s17 =	sadd.s32 s17, s22;
	s16 =	sand.u32 $0x380, s16  }
0x125: {  	s16 =	sor.u32 s16, s17  }
0x126: {  	s16 =	sshrl.u32 s16, $0x3  }
0x127: {  	s16 =	sor.u32 s16, s3  }
0x128: {  	s23 =	rddreg [dreg:$0x1b];
	s16 =	sadd.s32 s16, s5  }
0x129: {  	[tilespmem:s23], [sflag:$0x2] =	stream.linear.gather [hbm4b:s16+s2], $0x10, $0x38;
	[tilespmem:$0x980] =	vst v63  }
0x12a: {  	s24 =	spop (v2sf)  }
0x12b: {  	(v2sf) =	vpush v43, $0x4;
	s25 =	sshll.u32 s24, $0xC  }
0x12c: {  	s16 =	sshll.u32 s24, $0x7;
	s17 =	sand.u32 $0xFFFF8000, s25;
	s26 =	spop (v2sf)  }
0x12d: {  	s16 =	sand.u32 $0x380, s16;
	(v2sf) =	vpush v1, $0x4;
	s17 =	sadd.s32 s17, s26  }
0x12e: {  	s16 =	sor.u32 s16, s17  }
0x12f: {  	s16 =	sshrl.u32 s16, $0x3  }
0x130: {  	s28 =	rddreg [dreg:$0x1c];
	s29 =	spop (v2sf);
	s16 =	sor.u32 s16, s3  }
0x131: {  	(v2sf) =	vpush v43, $0x5;
	s30 =	sshll.u32 s29, $0xC;
	s31 =	spop (v2sf);
	s16 =	sadd.s32 s16, s5  }
0x132: {  	(v2sf) =	vpush v1, $0x5;
	[tilespmem:s28], [sflag:$0x2] =	stream.linear.gather [hbm4b:s16+s2], $0x10, $0x38;
	[tilespmem:$0x980] =	vst v63  }
0x133: {  	s17 =	sand.u32 $0xFFFF8000, s30;
	s16 =	sshll.u32 s29, $0x7  }
0x134: {  	s17 =	sadd.s32 s17, s31;
	s16 =	sand.u32 $0x380, s16  }
0x135: {  	s16 =	sor.u32 s16, s17  }
0x136: {  	s16 =	sshrl.u32 s16, $0x3  }
0x137: {  	s16 =	sor.u32 s16, s3  }
0x138: {  	s19 =	rddreg [dreg:$0x1d];
	s16 =	sadd.s32 s16, s5  }
0x139: {  	[tilespmem:s19], [sflag:$0x2] =	stream.linear.gather [hbm4b:s16+s2], $0x10, $0x38;
	[tilespmem:$0x980] =	vst v63  }
0x13a: {  	s20 =	spop (v2sf)  }
0x13b: {  	(v2sf) =	vpush v43, $0x6;
	s21 =	sshll.u32 s20, $0xC  }
0x13c: {  	s16 =	sshll.u32 s20, $0x7;
	s17 =	sand.u32 $0xFFFF8000, s21;
	s22 =	spop (v2sf)  }
0x13d: {  	s16 =	sand.u32 $0x380, s16;
	(v2sf) =	vpush v1, $0x6;
	s17 =	sadd.s32 s17, s22  }
0x13e: {  	s16 =	sor.u32 s16, s17  }
0x13f: {  	s16 =	sshrl.u32 s16, $0x3  }
0x140: {  	s23 =	rddreg [dreg:$0x1e];
	s24 =	spop (v2sf);
	s16 =	sor.u32 s16, s3  }
0x141: {  	(v2sf) =	vpush v43, $0x7;
	s25 =	sshll.u32 s24, $0xC;
	s26 =	spop (v2sf);
	s16 =	sadd.s32 s16, s5  }
0x142: {  	(v2sf) =	vpush v1, $0x7;
	[tilespmem:s23], [sflag:$0x2] =	stream.linear.gather [hbm4b:s16+s2], $0x10, $0x38;
	[tilespmem:$0x980] =	vst v63  }
0x143: {  	s17 =	sand.u32 $0xFFFF8000, s25;
	s16 =	sshll.u32 s24, $0x7  }
0x144: {  	s17 =	sadd.s32 s17, s26;
	s16 =	sand.u32 $0x380, s16  }
0x145: {  	s16 =	sor.u32 s16, s17  }
0x146: {  	s16 =	sshrl.u32 s16, $0x3  }
0x147: {  	s16 =	sor.u32 s16, s3  }
0x148: {  	s28 =	rddreg [dreg:$0x1f];
	s16 =	sadd.s32 s16, s5  }
0x149: {  	[tilespmem:s28], [sflag:$0x2] =	stream.linear.gather [hbm4b:s16+s2], $0x10, $0x38;
	[tilespmem:$0x980] =	vst v63  }
0x14a: {  	s29 =	spop (v2sf)  }
0x14b: {  	(v2sf) =	vpush v43, $0x8;
	s30 =	sshll.u32 s29, $0xC  }
0x14c: {  	s16 =	sshll.u32 s29, $0x7;
	s17 =	sand.u32 $0xFFFF8000, s30;
	s31 =	spop (v2sf)  }
0x14d: {  	s16 =	sand.u32 $0x380, s16;
	(v2sf) =	vpush v1, $0x8;
	s17 =	sadd.s32 s17, s31  }
0x14e: {  	s16 =	sor.u32 s16, s17  }
0x14f: {  	s19 =	sld [smem:$0x793];
	s16 =	sshrl.u32 s16, $0x3  }
0x150: {  	s20 =	spop (v2sf);
	s16 =	sor.u32 s16, s3  }
0x151: {  	(v2sf) =	vpush v43, $0x9;
	s21 =	sshll.u32 s20, $0xC;
	s22 =	spop (v2sf);
	s16 =	sadd.s32 s16, s5  }
0x152: {  	(v2sf) =	vpush v1, $0x9;
	[tilespmem:s19], [sflag:$0x2] =	stream.linear.gather [hbm4b:s16+s2], $0x10, $0x38;
	[tilespmem:$0x980] =	vst v63  }
0x153: {  	s17 =	sand.u32 $0xFFFF8000, s21;
	s16 =	sshll.u32 s20, $0x7  }
0x154: {  	s17 =	sadd.s32 s17, s22;
	s16 =	sand.u32 $0x380, s16  }
0x155: {  	s16 =	sor.u32 s16, s17  }
0x156: {  	s23 =	sld [smem:$0x794];
	s16 =	sshrl.u32 s16, $0x3  }
0x157: {  	s16 =	sor.u32 s16, s3  }
0x158: {  	s16 =	sadd.s32 s16, s5  }
0x159: {  	[tilespmem:s23], [sflag:$0x2] =	stream.linear.gather [hbm4b:s16+s2], $0x10, $0x38;
	[tilespmem:$0x980] =	vst v63  }
0x15a: {  	s24 =	spop (v2sf)  }
0x15b: {  	(v2sf) =	vpush v43, $0xA;
	s25 =	sshll.u32 s24, $0xC  }
0x15c: {  	s16 =	sshll.u32 s24, $0x7;
	s17 =	sand.u32 $0xFFFF8000, s25;
	s26 =	spop (v2sf)  }
0x15d: {  	s16 =	sand.u32 $0x380, s16;
	(v2sf) =	vpush v1, $0xA;
	s17 =	sadd.s32 s17, s26  }
0x15e: {  	s16 =	sor.u32 s16, s17  }
0x15f: {  	s28 =	sld [smem:$0x795];
	s16 =	sshrl.u32 s16, $0x3  }
0x160: {  	s29 =	spop (v2sf);
	s16 =	sor.u32 s16, s3  }
0x161: {  	(v2sf) =	vpush v43, $0xB;
	s30 =	sshll.u32 s29, $0xC;
	s31 =	spop (v2sf);
	s16 =	sadd.s32 s16, s5  }
0x162: {  	(v2sf) =	vpush v1, $0xB;
	[tilespmem:s28], [sflag:$0x2] =	stream.linear.gather [hbm4b:s16+s2], $0x10, $0x38;
	[tilespmem:$0x980] =	vst v63  }
0x163: {  	s17 =	sand.u32 $0xFFFF8000, s30;
	s16 =	sshll.u32 s29, $0x7  }
0x164: {  	s17 =	sadd.s32 s17, s31;
	s16 =	sand.u32 $0x380, s16  }
0x165: {  	s16 =	sor.u32 s16, s17  }
0x166: {  	s19 =	sld [smem:$0x796];
	s16 =	sshrl.u32 s16, $0x3  }
0x167: {  	s16 =	sor.u32 s16, s3  }
0x168: {  	s16 =	sadd.s32 s16, s5  }
0x169: {  	[tilespmem:s19], [sflag:$0x2] =	stream.linear.gather [hbm4b:s16+s2], $0x10, $0x38;
	[tilespmem:$0x980] =	vst v63  }
0x16a: {  	s20 =	spop (v2sf)  }
0x16b: {  	(v2sf) =	vpush v43, $0xC;
	s21 =	sshll.u32 s20, $0xC  }
0x16c: {  	s16 =	sshll.u32 s20, $0x7;
	s17 =	sand.u32 $0xFFFF8000, s21;
	s22 =	spop (v2sf)  }
0x16d: {  	s16 =	sand.u32 $0x380, s16;
	(v2sf) =	vpush v1, $0xC;
	s17 =	sadd.s32 s17, s22  }
0x16e: {  	s16 =	sor.u32 s16, s17  }
0x16f: {  	s23 =	sld [smem:$0x797];
	s16 =	sshrl.u32 s16, $0x3  }
0x170: {  	s24 =	spop (v2sf);
	(v2sf) =	vpush v43, $0xD;
	s16 =	sor.u32 s16, s3  }
0x171: {  	s25 =	sshll.u32 s24, $0xC;
	s26 =	spop (v2sf);
	(v2sf) =	vpush v1, $0xD;
	s16 =	sadd.s32 s16, s5  }
0x172: {  	[tilespmem:s23], [sflag:$0x2] =	stream.linear.gather [hbm4b:s16+s2], $0x10, $0x38;
	[tilespmem:$0x980] =	vst v63  }
0x173: {  	s17 =	sand.u32 $0xFFFF8000, s25;
	s16 =	sshll.u32 s24, $0x7  }
0x174: {  	s17 =	sadd.s32 s17, s26;
	s16 =	sand.u32 $0x380, s16  }
0x175: {  	s16 =	sor.u32 s16, s17  }
0x176: {  	s28 =	sld [smem:$0x798];
	s16 =	sshrl.u32 s16, $0x3  }
0x177: {  	s16 =	sor.u32 s16, s3  }
0x178: {  	s16 =	sadd.s32 s16, s5  }
0x179: {  	[tilespmem:s28], [sflag:$0x2] =	stream.linear.gather [hbm4b:s16+s2], $0x10, $0x38;
	[tilespmem:$0x980] =	vst v63  }
0x17a: {  	s29 =	spop (v2sf)  }
0x17b: {  	(v2sf) =	vpush v43, $0xE;
	s30 =	sshll.u32 s29, $0xC  }
0x17c: {  	s16 =	sshll.u32 s29, $0x7;
	s17 =	sand.u32 $0xFFFF8000, s30;
	s31 =	spop (v2sf)  }
0x17d: {  	s16 =	sand.u32 $0x380, s16;
	(v2sf) =	vpush v1, $0xE;
	s17 =	sadd.s32 s17, s31  }
0x17e: {  	s16 =	sor.u32 s16, s17  }
0x17f: {  	s19 =	sld [smem:$0x799];
	s20 =	spop (v2sf);
	(v2sf) =	vpush v1, $0xF;
	s16 =	sshrl.u32 s16, $0x3  }
0x180: {  	s22 =	spop (v2sf);
	(v2sf) =	vpush v43, $0xF;
	s16 =	sor.u32 s16, s3  }
0x181: {  	s21 =	sshll.u32 s20, $0xC;
	s16 =	sadd.s32 s16, s5  }
0x182: {  	[tilespmem:s19], [sflag:$0x2] =	stream.linear.gather [hbm4b:s16+s2], $0x10, $0x38;
	[tilespmem:$0x980] =	vst v63  }
0x183: {  	s17 =	sand.u32 $0xFFFF8000, s21;
	s16 =	sshll.u32 s20, $0x7  }
0x184: {  	s17 =	sadd.s32 s17, s22;
	s16 =	sand.u32 $0x380, s16  }
0x185: {  	s16 =	sor.u32 s16, s17  }
0x186: {  	s23 =	sld [smem:$0x79A];
	s16 =	sshrl.u32 s16, $0x3  }
0x187: {  	s16 =	sor.u32 s16, s3  }
0x188: {  	s16 =	sadd.s32 s16, s5  }
0x189: {  	[tilespmem:s23], [sflag:$0x2] =	stream.linear.gather [hbm4b:s16+s2], $0x10, $0x38;
	[tilespmem:$0x980] =	vst v63  }
0x18a: {  	s24 =	spop (v2sf)  }
0x18b: {  	s25 =	sshll.u32 s24, $0xC  }
0x18c: {  	s16 =	sshll.u32 s24, $0x7;
	s17 =	sand.u32 $0xFFFF8000, s25;
	s26 =	spop (v2sf)  }
0x18d: {  	s16 =	sand.u32 $0x380, s16;
	s17 =	sadd.s32 s17, s26  }
0x18e: {  	s29 =	spop (v2sf);
	s16 =	sor.u32 s16, s17  }
0x18f: {  	s28 =	sld [smem:$0x79B];
	s30 =	spop (v2sf);
	s16 =	sshrl.u32 s16, $0x3  }
0x190: {  	s31 =	sshll.u32 s30, $0xC;
	s16 =	sor.u32 s16, s3  }
0x191: {  	s17 =	sshll.u32 s30, $0x7;
	s18 =	sand.u32 $0xFFFF8000, s31;
	s16 =	sadd.s32 s16, s5  }
0x192: {  	[tilespmem:s28], [sflag:$0x2] =	stream.linear.gather [hbm4b:s16+s2], $0x10, $0x38;
	[tilespmem:$0x980] =	vst v63  }
0x193: {  	s17 =	sand.u32 $0x380, s17;
	s16 =	sadd.s32 s18, s29  }
0x194: {  	s16 =	sor.u32 s17, s16  }
0x195: {  	s19 =	sld [smem:$0x79C];
	s16 =	sshrl.u32 s16, $0x3  }
0x196: {  	s16 =	sor.u32 s16, s3  }
0x197: {  	s16 =	sadd.s32 s16, s5  }
0x198: {  	[tilespmem:s19], [sflag:$0x2] =	stream.linear.gather [hbm4b:s16+s2], $0x10, $0x38;
	[tilespmem:$0x980] =	vst v63  }
0x199: {  	v45 =	vld [tilespmem:$0x20]  }
0x19a: {  	v46 =	vld [tilespmem:$0xA0];
	_ =	sdelay $0x4  }
0x19b: {  	(v2sf) =	vpush v45, $0x0;
	v1 =	vmul.u32 $0x68000, v46;
	_ =	sdelay $0x1  }
0x19c: {  	(v2sf) =	vpush v1, $0x0;
	_ =	sdelay $0x3  }
0x19d: {  	(v2sf) =	vpush v45, $0x1  }
0x19e: {  	(v2sf) =	vpush v1, $0x1;
	_ =	sdelay $0x7  }
0x19f: {  	s20 =	spop (v2sf)  }
0x1a0: {  	(v2sf) =	vpush v45, $0x2;
	s21 =	sshll.u32 s20, $0xC  }
0x1a1: {  	s16 =	sshll.u32 s20, $0x7;
	s17 =	sand.u32 $0xFFFF8000, s21;
	s22 =	spop (v2sf)  }
0x1a2: {  	s16 =	sand.u32 $0x380, s16;
	(v2sf) =	vpush v1, $0x2;
	s17 =	sadd.s32 s17, s22  }
0x1a3: {  	s16 =	sor.u32 s16, s17  }
0x1a4: {  	s23 =	sld [smem:$0x79D];
	s16 =	sshrl.u32 s16, $0x3  }
0x1a5: {  	s24 =	spop (v2sf);
	s16 =	sor.u32 s16, s3  }
0x1a6: {  	(v2sf) =	vpush v45, $0x3;
	s25 =	sshll.u32 s24, $0xC;
	s26 =	spop (v2sf);
	s16 =	sadd.s32 s16, s6  }
0x1a7: {  	(v2sf) =	vpush v1, $0x3;
	[tilespmem:s23], [sflag:$0x2] =	stream.linear.gather [hbm4b:s16+s2], $0x10, $0x38;
	[tilespmem:$0x980] =	vst v63  }
0x1a8: {  	s17 =	sand.u32 $0xFFFF8000, s25;
	s16 =	sshll.u32 s24, $0x7  }
0x1a9: {  	s17 =	sadd.s32 s17, s26;
	s16 =	sand.u32 $0x380, s16  }
0x1aa: {  	s16 =	sor.u32 s16, s17  }
0x1ab: {  	s28 =	sld [smem:$0x79E];
	s16 =	sshrl.u32 s16, $0x3  }
0x1ac: {  	s16 =	sor.u32 s16, s3  }
0x1ad: {  	s16 =	sadd.s32 s16, s6  }
0x1ae: {  	[tilespmem:s28], [sflag:$0x2] =	stream.linear.gather [hbm4b:s16+s2], $0x10, $0x38;
	[tilespmem:$0x980] =	vst v63  }
0x1af: {  	s29 =	spop (v2sf)  }
0x1b0: {  	(v2sf) =	vpush v45, $0x4;
	s30 =	sshll.u32 s29, $0xC  }
0x1b1: {  	s16 =	sshll.u32 s29, $0x7;
	s17 =	sand.u32 $0xFFFF8000, s30;
	s31 =	spop (v2sf)  }
0x1b2: {  	s16 =	sand.u32 $0x380, s16;
	(v2sf) =	vpush v1, $0x4;
	s17 =	sadd.s32 s17, s31  }
0x1b3: {  	s16 =	sor.u32 s16, s17  }
0x1b4: {  	s19 =	sld [smem:$0x79F];
	s16 =	sshrl.u32 s16, $0x3  }
0x1b5: {  	s20 =	spop (v2sf);
	s16 =	sor.u32 s16, s3  }
0x1b6: {  	(v2sf) =	vpush v45, $0x5;
	s21 =	sshll.u32 s20, $0xC;
	s22 =	spop (v2sf);
	s16 =	sadd.s32 s16, s6  }
0x1b7: {  	(v2sf) =	vpush v1, $0x5;
	[tilespmem:s19], [sflag:$0x2] =	stream.linear.gather [hbm4b:s16+s2], $0x10, $0x38;
	[tilespmem:$0x980] =	vst v63  }
0x1b8: {  	s17 =	sand.u32 $0xFFFF8000, s21;
	s16 =	sshll.u32 s20, $0x7  }
0x1b9: {  	s17 =	sadd.s32 s17, s22;
	s16 =	sand.u32 $0x380, s16  }
0x1ba: {  	s16 =	sor.u32 s16, s17  }
0x1bb: {  	s23 =	sld [smem:$0x7A0];
	s16 =	sshrl.u32 s16, $0x3  }
0x1bc: {  	s16 =	sor.u32 s16, s3  }
0x1bd: {  	s16 =	sadd.s32 s16, s6  }
0x1be: {  	[tilespmem:s23], [sflag:$0x2] =	stream.linear.gather [hbm4b:s16+s2], $0x10, $0x38;
	[tilespmem:$0x980] =	vst v63  }
0x1bf: {  	s24 =	spop (v2sf)  }
0x1c0: {  	(v2sf) =	vpush v45, $0x6;
	s25 =	sshll.u32 s24, $0xC  }
0x1c1: {  	s16 =	sshll.u32 s24, $0x7;
	s17 =	sand.u32 $0xFFFF8000, s25;
	s26 =	spop (v2sf)  }
0x1c2: {  	s16 =	sand.u32 $0x380, s16;
	(v2sf) =	vpush v1, $0x6;
	s17 =	sadd.s32 s17, s26  }
0x1c3: {  	s16 =	sor.u32 s16, s17  }
0x1c4: {  	s28 =	sld [smem:$0x7A1];
	s16 =	sshrl.u32 s16, $0x3  }
0x1c5: {  	s29 =	spop (v2sf);
	s16 =	sor.u32 s16, s3  }
0x1c6: {  	(v2sf) =	vpush v45, $0x7;
	s30 =	sshll.u32 s29, $0xC;
	s31 =	spop (v2sf);
	s16 =	sadd.s32 s16, s6  }
0x1c7: {  	(v2sf) =	vpush v1, $0x7;
	[tilespmem:s28], [sflag:$0x2] =	stream.linear.gather [hbm4b:s16+s2], $0x10, $0x38;
	[tilespmem:$0x980] =	vst v63  }
0x1c8: {  	s17 =	sand.u32 $0xFFFF8000, s30;
	s16 =	sshll.u32 s29, $0x7  }
0x1c9: {  	s17 =	sadd.s32 s17, s31;
	s16 =	sand.u32 $0x380, s16  }
0x1ca: {  	s16 =	sor.u32 s16, s17  }
0x1cb: {  	s19 =	sld [smem:$0x7A2];
	s16 =	sshrl.u32 s16, $0x3  }
0x1cc: {  	s16 =	sor.u32 s16, s3  }
0x1cd: {  	s16 =	sadd.s32 s16, s6  }
0x1ce: {  	[tilespmem:s19], [sflag:$0x2] =	stream.linear.gather [hbm4b:s16+s2], $0x10, $0x38;
	[tilespmem:$0x980] =	vst v63  }
0x1cf: {  	s20 =	spop (v2sf)  }
0x1d0: {  	(v2sf) =	vpush v45, $0x8;
	s21 =	sshll.u32 s20, $0xC  }
0x1d1: {  	s16 =	sshll.u32 s20, $0x7;
	s17 =	sand.u32 $0xFFFF8000, s21;
	s22 =	spop (v2sf)  }
0x1d2: {  	s16 =	sand.u32 $0x380, s16;
	(v2sf) =	vpush v1, $0x8;
	s17 =	sadd.s32 s17, s22  }
0x1d3: {  	s16 =	sor.u32 s16, s17  }
0x1d4: {  	s23 =	sld [smem:$0x7A3];
	s16 =	sshrl.u32 s16, $0x3  }
0x1d5: {  	s24 =	spop (v2sf);
	s16 =	sor.u32 s16, s3  }
0x1d6: {  	(v2sf) =	vpush v45, $0x9;
	s25 =	sshll.u32 s24, $0xC;
	s26 =	spop (v2sf);
	s16 =	sadd.s32 s16, s6  }
0x1d7: {  	(v2sf) =	vpush v1, $0x9;
	[tilespmem:s23], [sflag:$0x2] =	stream.linear.gather [hbm4b:s16+s2], $0x10, $0x38;
	[tilespmem:$0x980] =	vst v63  }
0x1d8: {  	s17 =	sand.u32 $0xFFFF8000, s25;
	s16 =	sshll.u32 s24, $0x7  }
0x1d9: {  	s17 =	sadd.s32 s17, s26;
	s16 =	sand.u32 $0x380, s16  }
0x1da: {  	s16 =	sor.u32 s16, s17  }
0x1db: {  	s28 =	sld [smem:$0x7A4];
	s16 =	sshrl.u32 s16, $0x3  }
0x1dc: {  	s16 =	sor.u32 s16, s3  }
0x1dd: {  	s16 =	sadd.s32 s16, s6  }
0x1de: {  	[tilespmem:s28], [sflag:$0x2] =	stream.linear.gather [hbm4b:s16+s2], $0x10, $0x38;
	[tilespmem:$0x980] =	vst v63  }
0x1df: {  	s29 =	spop (v2sf)  }
0x1e0: {  	(v2sf) =	vpush v45, $0xA;
	s30 =	sshll.u32 s29, $0xC  }
0x1e1: {  	s16 =	sshll.u32 s29, $0x7;
	s17 =	sand.u32 $0xFFFF8000, s30;
	s31 =	spop (v2sf)  }
0x1e2: {  	s16 =	sand.u32 $0x380, s16;
	(v2sf) =	vpush v1, $0xA;
	s17 =	sadd.s32 s17, s31  }
0x1e3: {  	s16 =	sor.u32 s16, s17  }
0x1e4: {  	s19 =	sld [smem:$0x7A5];
	s16 =	sshrl.u32 s16, $0x3  }
0x1e5: {  	s20 =	spop (v2sf);
	s16 =	sor.u32 s16, s3  }
0x1e6: {  	(v2sf) =	vpush v45, $0xB;
	s21 =	sshll.u32 s20, $0xC;
	s22 =	spop (v2sf);
	s16 =	sadd.s32 s16, s6  }
0x1e7: {  	(v2sf) =	vpush v1, $0xB;
	[tilespmem:s19], [sflag:$0x2] =	stream.linear.gather [hbm4b:s16+s2], $0x10, $0x38;
	[tilespmem:$0x980] =	vst v63  }
0x1e8: {  	s17 =	sand.u32 $0xFFFF8000, s21;
	s16 =	sshll.u32 s20, $0x7  }
0x1e9: {  	s17 =	sadd.s32 s17, s22;
	s16 =	sand.u32 $0x380, s16  }
0x1ea: {  	s16 =	sor.u32 s16, s17  }
0x1eb: {  	s23 =	sld [smem:$0x7A6];
	s16 =	sshrl.u32 s16, $0x3  }
0x1ec: {  	s16 =	sor.u32 s16, s3  }
0x1ed: {  	s16 =	sadd.s32 s16, s6  }
0x1ee: {  	[tilespmem:s23], [sflag:$0x2] =	stream.linear.gather [hbm4b:s16+s2], $0x10, $0x38;
	[tilespmem:$0x980] =	vst v63  }
0x1ef: {  	s24 =	spop (v2sf)  }
0x1f0: {  	(v2sf) =	vpush v45, $0xC;
	s25 =	sshll.u32 s24, $0xC  }
0x1f1: {  	s16 =	sshll.u32 s24, $0x7;
	s17 =	sand.u32 $0xFFFF8000, s25;
	s26 =	spop (v2sf)  }
0x1f2: {  	s16 =	sand.u32 $0x380, s16;
	(v2sf) =	vpush v1, $0xC;
	s17 =	sadd.s32 s17, s26  }
0x1f3: {  	s16 =	sor.u32 s16, s17  }
0x1f4: {  	s28 =	sld [smem:$0x7A7];
	s16 =	sshrl.u32 s16, $0x3  }
0x1f5: {  	s29 =	spop (v2sf);
	(v2sf) =	vpush v45, $0xD;
	s16 =	sor.u32 s16, s3  }
0x1f6: {  	s30 =	sshll.u32 s29, $0xC;
	s31 =	spop (v2sf);
	(v2sf) =	vpush v1, $0xD;
	s16 =	sadd.s32 s16, s6  }
0x1f7: {  	[tilespmem:s28], [sflag:$0x2] =	stream.linear.gather [hbm4b:s16+s2], $0x10, $0x38;
	[tilespmem:$0x980] =	vst v63  }
0x1f8: {  	s17 =	sand.u32 $0xFFFF8000, s30;
	s16 =	sshll.u32 s29, $0x7  }
0x1f9: {  	s17 =	sadd.s32 s17, s31;
	s16 =	sand.u32 $0x380, s16  }
0x1fa: {  	s16 =	sor.u32 s16, s17  }
0x1fb: {  	s19 =	sld [smem:$0x7A8];
	s16 =	sshrl.u32 s16, $0x3  }
0x1fc: {  	s16 =	sor.u32 s16, s3  }
0x1fd: {  	s16 =	sadd.s32 s16, s6  }
0x1fe: {  	[tilespmem:s19], [sflag:$0x2] =	stream.linear.gather [hbm4b:s16+s2], $0x10, $0x38;
	[tilespmem:$0x980] =	vst v63  }
0x1ff: {  	s20 =	spop (v2sf)  }
0x200: {  	(v2sf) =	vpush v45, $0xE;
	s21 =	sshll.u32 s20, $0xC  }
0x201: {  	s16 =	sshll.u32 s20, $0x7;
	s17 =	sand.u32 $0xFFFF8000, s21;
	s22 =	spop (v2sf)  }
0x202: {  	s16 =	sand.u32 $0x380, s16;
	(v2sf) =	vpush v1, $0xE;
	s17 =	sadd.s32 s17, s22  }
0x203: {  	s16 =	sor.u32 s16, s17  }
0x204: {  	s23 =	sld [smem:$0x7A9];
	s24 =	spop (v2sf);
	(v2sf) =	vpush v1, $0xF;
	s16 =	sshrl.u32 s16, $0x3  }
0x205: {  	s26 =	spop (v2sf);
	(v2sf) =	vpush v45, $0xF;
	s16 =	sor.u32 s16, s3  }
0x206: {  	s25 =	sshll.u32 s24, $0xC;
	s16 =	sadd.s32 s16, s6  }
0x207: {  	[tilespmem:s23], [sflag:$0x2] =	stream.linear.gather [hbm4b:s16+s2], $0x10, $0x38;
	[tilespmem:$0x980] =	vst v63  }
0x208: {  	s17 =	sand.u32 $0xFFFF8000, s25;
	s16 =	sshll.u32 s24, $0x7  }
0x209: {  	s17 =	sadd.s32 s17, s26;
	s16 =	sand.u32 $0x380, s16  }
0x20a: {  	s16 =	sor.u32 s16, s17  }
0x20b: {  	s28 =	sld [smem:$0x7AA];
	s16 =	sshrl.u32 s16, $0x3  }
0x20c: {  	s16 =	sor.u32 s16, s3  }
0x20d: {  	s16 =	sadd.s32 s16, s6  }
0x20e: {  	[tilespmem:s28], [sflag:$0x2] =	stream.linear.gather [hbm4b:s16+s2], $0x10, $0x38;
	[tilespmem:$0x980] =	vst v63  }
0x20f: {  	s29 =	spop (v2sf)  }
0x210: {  	s30 =	sshll.u32 s29, $0xC  }
0x211: {  	s16 =	sshll.u32 s29, $0x7;
	s17 =	sand.u32 $0xFFFF8000, s30;
	s31 =	spop (v2sf)  }
0x212: {  	s16 =	sand.u32 $0x380, s16;
	s17 =	sadd.s32 s17, s31  }
0x213: {  	s20 =	spop (v2sf);
	s16 =	sor.u32 s16, s17  }
0x214: {  	s19 =	sld [smem:$0x7AB];
	s21 =	spop (v2sf);
	s16 =	sshrl.u32 s16, $0x3  }
0x215: {  	s22 =	sshll.u32 s21, $0xC;
	s16 =	sor.u32 s16, s3  }
0x216: {  	s17 =	sshll.u32 s21, $0x7;
	s18 =	sand.u32 $0xFFFF8000, s22;
	s16 =	sadd.s32 s16, s6  }
0x217: {  	[tilespmem:s19], [sflag:$0x2] =	stream.linear.gather [hbm4b:s16+s2], $0x10, $0x38;
	[tilespmem:$0x980] =	vst v63  }
0x218: {  	s17 =	sand.u32 $0x380, s17;
	s16 =	sadd.s32 s18, s20  }
0x219: {  	s16 =	sor.u32 s17, s16  }
0x21a: {  	s23 =	sld [smem:$0x7AC];
	s16 =	sshrl.u32 s16, $0x3  }
0x21b: {  	s16 =	sor.u32 s16, s3  }
0x21c: {  	s16 =	sadd.s32 s16, s6  }
0x21d: {  	[tilespmem:s23], [sflag:$0x2] =	stream.linear.gather [hbm4b:s16+s2], $0x10, $0x38;
	[tilespmem:$0x980] =	vst v63  }
0x21e: {  	v47 =	vld [tilespmem:$0x30]  }
0x21f: {  	v48 =	vld [tilespmem:$0xB0];
	_ =	sdelay $0x4  }
0x220: {  	(v2sf) =	vpush v47, $0x0;
	v1 =	vmul.u32 $0x68000, v48;
	_ =	sdelay $0x1  }
0x221: {  	(v2sf) =	vpush v1, $0x0;
	_ =	sdelay $0x3  }
0x222: {  	(v2sf) =	vpush v47, $0x1  }
0x223: {  	(v2sf) =	vpush v1, $0x1;
	_ =	sdelay $0x7  }
0x224: {  	s24 =	spop (v2sf)  }
0x225: {  	(v2sf) =	vpush v47, $0x2;
	s25 =	sshll.u32 s24, $0xC  }
0x226: {  	s16 =	sshll.u32 s24, $0x7;
	s17 =	sand.u32 $0xFFFF8000, s25;
	s26 =	spop (v2sf)  }
0x227: {  	s16 =	sand.u32 $0x380, s16;
	(v2sf) =	vpush v1, $0x2;
	s17 =	sadd.s32 s17, s26  }
0x228: {  	s16 =	sor.u32 s16, s17  }
0x229: {  	s28 =	sld [smem:$0x7AD];
	s16 =	sshrl.u32 s16, $0x3  }
0x22a: {  	s29 =	spop (v2sf);
	s16 =	sor.u32 s16, s3  }
0x22b: {  	(v2sf) =	vpush v47, $0x3;
	s30 =	sshll.u32 s29, $0xC;
	s31 =	spop (v2sf);
	s16 =	sadd.s32 s16, s7  }
0x22c: {  	(v2sf) =	vpush v1, $0x3;
	[tilespmem:s28], [sflag:$0x2] =	stream.linear.gather [hbm4b:s16+s2], $0x10, $0x38;
	[tilespmem:$0x980] =	vst v63  }
0x22d: {  	s17 =	sand.u32 $0xFFFF8000, s30;
	s16 =	sshll.u32 s29, $0x7  }
0x22e: {  	s17 =	sadd.s32 s17, s31;
	s16 =	sand.u32 $0x380, s16  }
0x22f: {  	s16 =	sor.u32 s16, s17  }
0x230: {  	s19 =	sld [smem:$0x7AE];
	s16 =	sshrl.u32 s16, $0x3  }
0x231: {  	s16 =	sor.u32 s16, s3  }
0x232: {  	s16 =	sadd.s32 s16, s7  }
0x233: {  	[tilespmem:s19], [sflag:$0x2] =	stream.linear.gather [hbm4b:s16+s2], $0x10, $0x38;
	[tilespmem:$0x980] =	vst v63  }
0x234: {  	s20 =	spop (v2sf)  }
0x235: {  	(v2sf) =	vpush v47, $0x4;
	s21 =	sshll.u32 s20, $0xC  }
0x236: {  	s16 =	sshll.u32 s20, $0x7;
	s17 =	sand.u32 $0xFFFF8000, s21;
	s22 =	spop (v2sf)  }
0x237: {  	s16 =	sand.u32 $0x380, s16;
	(v2sf) =	vpush v1, $0x4;
	s17 =	sadd.s32 s17, s22  }
0x238: {  	s16 =	sor.u32 s16, s17  }
0x239: {  	s23 =	sld [smem:$0x7AF];
	s16 =	sshrl.u32 s16, $0x3  }
0x23a: {  	s24 =	spop (v2sf);
	s16 =	sor.u32 s16, s3  }
0x23b: {  	(v2sf) =	vpush v47, $0x5;
	s25 =	sshll.u32 s24, $0xC;
	s26 =	spop (v2sf);
	s16 =	sadd.s32 s16, s7  }
0x23c: {  	(v2sf) =	vpush v1, $0x5;
	[tilespmem:s23], [sflag:$0x2] =	stream.linear.gather [hbm4b:s16+s2], $0x10, $0x38;
	[tilespmem:$0x980] =	vst v63  }
0x23d: {  	s17 =	sand.u32 $0xFFFF8000, s25;
	s16 =	sshll.u32 s24, $0x7  }
0x23e: {  	s17 =	sadd.s32 s17, s26;
	s16 =	sand.u32 $0x380, s16  }
0x23f: {  	s16 =	sor.u32 s16, s17  }
0x240: {  	s28 =	sld [smem:$0x7B0];
	s16 =	sshrl.u32 s16, $0x3  }
0x241: {  	s16 =	sor.u32 s16, s3  }
0x242: {  	s16 =	sadd.s32 s16, s7  }
0x243: {  	[tilespmem:s28], [sflag:$0x2] =	stream.linear.gather [hbm4b:s16+s2], $0x10, $0x38;
	[tilespmem:$0x980] =	vst v63  }
0x244: {  	s29 =	spop (v2sf)  }
0x245: {  	(v2sf) =	vpush v47, $0x6;
	s30 =	sshll.u32 s29, $0xC  }
0x246: {  	s16 =	sshll.u32 s29, $0x7;
	s17 =	sand.u32 $0xFFFF8000, s30;
	s31 =	spop (v2sf)  }
0x247: {  	s16 =	sand.u32 $0x380, s16;
	(v2sf) =	vpush v1, $0x6;
	s17 =	sadd.s32 s17, s31  }
0x248: {  	s16 =	sor.u32 s16, s17  }
0x249: {  	s19 =	sld [smem:$0x7B1];
	s16 =	sshrl.u32 s16, $0x3  }
0x24a: {  	s20 =	spop (v2sf);
	s16 =	sor.u32 s16, s3  }
0x24b: {  	(v2sf) =	vpush v47, $0x7;
	s21 =	sshll.u32 s20, $0xC;
	s22 =	spop (v2sf);
	s16 =	sadd.s32 s16, s7  }
0x24c: {  	(v2sf) =	vpush v1, $0x7;
	[tilespmem:s19], [sflag:$0x2] =	stream.linear.gather [hbm4b:s16+s2], $0x10, $0x38;
	[tilespmem:$0x980] =	vst v63  }
0x24d: {  	s17 =	sand.u32 $0xFFFF8000, s21;
	s16 =	sshll.u32 s20, $0x7  }
0x24e: {  	s17 =	sadd.s32 s17, s22;
	s16 =	sand.u32 $0x380, s16  }
0x24f: {  	s16 =	sor.u32 s16, s17  }
0x250: {  	s23 =	sld [smem:$0x7B2];
	s16 =	sshrl.u32 s16, $0x3  }
0x251: {  	s16 =	sor.u32 s16, s3  }
0x252: {  	s16 =	sadd.s32 s16, s7  }
0x253: {  	[tilespmem:s23], [sflag:$0x2] =	stream.linear.gather [hbm4b:s16+s2], $0x10, $0x38;
	[tilespmem:$0x980] =	vst v63  }
0x254: {  	s24 =	spop (v2sf)  }
0x255: {  	(v2sf) =	vpush v47, $0x8;
	s25 =	sshll.u32 s24, $0xC  }
0x256: {  	s16 =	sshll.u32 s24, $0x7;
	s17 =	sand.u32 $0xFFFF8000, s25;
	s26 =	spop (v2sf)  }
0x257: {  	s16 =	sand.u32 $0x380, s16;
	(v2sf) =	vpush v1, $0x8;
	s17 =	sadd.s32 s17, s26  }
0x258: {  	s16 =	sor.u32 s16, s17  }
0x259: {  	s28 =	sld [smem:$0x7B3];
	s16 =	sshrl.u32 s16, $0x3  }
0x25a: {  	s29 =	spop (v2sf);
	s16 =	sor.u32 s16, s3  }
0x25b: {  	(v2sf) =	vpush v47, $0x9;
	s30 =	sshll.u32 s29, $0xC;
	s31 =	spop (v2sf);
	s16 =	sadd.s32 s16, s7  }
0x25c: {  	(v2sf) =	vpush v1, $0x9;
	[tilespmem:s28], [sflag:$0x2] =	stream.linear.gather [hbm4b:s16+s2], $0x10, $0x38;
	[tilespmem:$0x980] =	vst v63  }
0x25d: {  	s17 =	sand.u32 $0xFFFF8000, s30;
	s16 =	sshll.u32 s29, $0x7  }
0x25e: {  	s17 =	sadd.s32 s17, s31;
	s16 =	sand.u32 $0x380, s16  }
0x25f: {  	s16 =	sor.u32 s16, s17  }
0x260: {  	s19 =	sld [smem:$0x7B4];
	s16 =	sshrl.u32 s16, $0x3  }
0x261: {  	s16 =	sor.u32 s16, s3  }
0x262: {  	s16 =	sadd.s32 s16, s7  }
0x263: {  	[tilespmem:s19], [sflag:$0x2] =	stream.linear.gather [hbm4b:s16+s2], $0x10, $0x38;
	[tilespmem:$0x980] =	vst v63  }
0x264: {  	s20 =	spop (v2sf)  }
0x265: {  	(v2sf) =	vpush v47, $0xA;
	s21 =	sshll.u32 s20, $0xC  }
0x266: {  	s16 =	sshll.u32 s20, $0x7;
	s17 =	sand.u32 $0xFFFF8000, s21;
	s22 =	spop (v2sf)  }
0x267: {  	s16 =	sand.u32 $0x380, s16;
	(v2sf) =	vpush v1, $0xA;
	s17 =	sadd.s32 s17, s22  }
0x268: {  	s16 =	sor.u32 s16, s17  }
0x269: {  	s23 =	sld [smem:$0x7B5];
	s16 =	sshrl.u32 s16, $0x3  }
0x26a: {  	s24 =	spop (v2sf);
	s16 =	sor.u32 s16, s3  }
0x26b: {  	(v2sf) =	vpush v47, $0xB;
	s25 =	sshll.u32 s24, $0xC;
	s26 =	spop (v2sf);
	s16 =	sadd.s32 s16, s7  }
0x26c: {  	(v2sf) =	vpush v1, $0xB;
	[tilespmem:s23], [sflag:$0x2] =	stream.linear.gather [hbm4b:s16+s2], $0x10, $0x38;
	[tilespmem:$0x980] =	vst v63  }
0x26d: {  	s17 =	sand.u32 $0xFFFF8000, s25;
	s16 =	sshll.u32 s24, $0x7  }
0x26e: {  	s17 =	sadd.s32 s17, s26;
	s16 =	sand.u32 $0x380, s16  }
0x26f: {  	s16 =	sor.u32 s16, s17  }
0x270: {  	s28 =	sld [smem:$0x7B6];
	s16 =	sshrl.u32 s16, $0x3  }
0x271: {  	s16 =	sor.u32 s16, s3  }
0x272: {  	s16 =	sadd.s32 s16, s7  }
0x273: {  	[tilespmem:s28], [sflag:$0x2] =	stream.linear.gather [hbm4b:s16+s2], $0x10, $0x38;
	[tilespmem:$0x980] =	vst v63  }
0x274: {  	s29 =	spop (v2sf)  }
0x275: {  	(v2sf) =	vpush v47, $0xC;
	s30 =	sshll.u32 s29, $0xC  }
0x276: {  	s16 =	sshll.u32 s29, $0x7;
	s17 =	sand.u32 $0xFFFF8000, s30;
	s31 =	spop (v2sf)  }
0x277: {  	s16 =	sand.u32 $0x380, s16;
	(v2sf) =	vpush v1, $0xC;
	s17 =	sadd.s32 s17, s31  }
0x278: {  	s16 =	sor.u32 s16, s17  }
0x279: {  	s19 =	sld [smem:$0x7B7];
	s16 =	sshrl.u32 s16, $0x3  }
0x27a: {  	s20 =	spop (v2sf);
	(v2sf) =	vpush v47, $0xD;
	s16 =	sor.u32 s16, s3  }
0x27b: {  	s21 =	sshll.u32 s20, $0xC;
	s22 =	spop (v2sf);
	(v2sf) =	vpush v1, $0xD;
	s16 =	sadd.s32 s16, s7  }
0x27c: {  	[tilespmem:s19], [sflag:$0x2] =	stream.linear.gather [hbm4b:s16+s2], $0x10, $0x38;
	[tilespmem:$0x980] =	vst v63  }
0x27d: {  	s17 =	sand.u32 $0xFFFF8000, s21;
	s16 =	sshll.u32 s20, $0x7  }
0x27e: {  	s17 =	sadd.s32 s17, s22;
	s16 =	sand.u32 $0x380, s16  }
0x27f: {  	s16 =	sor.u32 s16, s17  }
0x280: {  	s23 =	sld [smem:$0x7B8];
	s16 =	sshrl.u32 s16, $0x3  }
0x281: {  	s16 =	sor.u32 s16, s3  }
0x282: {  	s16 =	sadd.s32 s16, s7  }
0x283: {  	[tilespmem:s23], [sflag:$0x2] =	stream.linear.gather [hbm4b:s16+s2], $0x10, $0x38;
	[tilespmem:$0x980] =	vst v63  }
0x284: {  	s24 =	spop (v2sf)  }
0x285: {  	(v2sf) =	vpush v47, $0xE;
	s25 =	sshll.u32 s24, $0xC  }
0x286: {  	s16 =	sshll.u32 s24, $0x7;
	s17 =	sand.u32 $0xFFFF8000, s25;
	s26 =	spop (v2sf)  }
0x287: {  	s16 =	sand.u32 $0x380, s16;
	(v2sf) =	vpush v1, $0xE;
	s17 =	sadd.s32 s17, s26  }
0x288: {  	s16 =	sor.u32 s16, s17  }
0x289: {  	s28 =	sld [smem:$0x7B9];
	s29 =	spop (v2sf);
	(v2sf) =	vpush v1, $0xF;
	s16 =	sshrl.u32 s16, $0x3  }
0x28a: {  	s31 =	spop (v2sf);
	(v2sf) =	vpush v47, $0xF;
	s16 =	sor.u32 s16, s3  }
0x28b: {  	s30 =	sshll.u32 s29, $0xC;
	s16 =	sadd.s32 s16, s7  }
0x28c: {  	[tilespmem:s28], [sflag:$0x2] =	stream.linear.gather [hbm4b:s16+s2], $0x10, $0x38;
	[tilespmem:$0x980] =	vst v63  }
0x28d: {  	s17 =	sand.u32 $0xFFFF8000, s30;
	s16 =	sshll.u32 s29, $0x7  }
0x28e: {  	s17 =	sadd.s32 s17, s31;
	s16 =	sand.u32 $0x380, s16  }
0x28f: {  	s16 =	sor.u32 s16, s17  }
0x290: {  	s19 =	sld [smem:$0x7BA];
	s16 =	sshrl.u32 s16, $0x3  }
0x291: {  	s16 =	sor.u32 s16, s3  }
0x292: {  	s16 =	sadd.s32 s16, s7  }
0x293: {  	[tilespmem:s19], [sflag:$0x2] =	stream.linear.gather [hbm4b:s16+s2], $0x10, $0x38;
	[tilespmem:$0x980] =	vst v63  }
0x294: {  	s20 =	spop (v2sf)  }
0x295: {  	s21 =	sshll.u32 s20, $0xC  }
0x296: {  	s16 =	sshll.u32 s20, $0x7;
	s17 =	sand.u32 $0xFFFF8000, s21;
	s22 =	spop (v2sf)  }
0x297: {  	s16 =	sand.u32 $0x380, s16;
	s17 =	sadd.s32 s17, s22  }
0x298: {  	s24 =	spop (v2sf);
	s16 =	sor.u32 s16, s17  }
0x299: {  	s23 =	sld [smem:$0x7BB];
	s25 =	spop (v2sf);
	s16 =	sshrl.u32 s16, $0x3  }
0x29a: {  	s26 =	sshll.u32 s25, $0xC;
	s16 =	sor.u32 s16, s3  }
0x29b: {  	s17 =	sshll.u32 s25, $0x7;
	s18 =	sand.u32 $0xFFFF8000, s26;
	s16 =	sadd.s32 s16, s7  }
0x29c: {  	[tilespmem:s23], [sflag:$0x2] =	stream.linear.gather [hbm4b:s16+s2], $0x10, $0x38;
	[tilespmem:$0x980] =	vst v63  }
0x29d: {  	s17 =	sand.u32 $0x380, s17;
	s16 =	sadd.s32 s18, s24  }
0x29e: {  	s16 =	sor.u32 s17, s16  }
0x29f: {  	s28 =	sld [smem:$0x7BC];
	s16 =	sshrl.u32 s16, $0x3  }
0x2a0: {  	s16 =	sor.u32 s16, s3  }
0x2a1: {  	s16 =	sadd.s32 s16, s7  }
0x2a2: {  	[tilespmem:s28], [sflag:$0x2] =	stream.linear.gather [hbm4b:s16+s2], $0x10, $0x38;
	[tilespmem:$0x980] =	vst v63  }
0x2a3: {  	v49 =	vld [tilespmem:$0x40]  }
0x2a4: {  	v50 =	vld [tilespmem:$0xC0];
	_ =	sdelay $0x4  }
0x2a5: {  	(v2sf) =	vpush v49, $0x0;
	v1 =	vmul.u32 $0x68000, v50;
	_ =	sdelay $0x1  }
0x2a6: {  	(v2sf) =	vpush v1, $0x0;
	_ =	sdelay $0x3  }
0x2a7: {  	(v2sf) =	vpush v49, $0x1;
	_ =	sdelay $0x2  }
0x2a8: {  	(v2sf) =	vpush v1, $0x1;
	_ =	sdelay $0x5  }
0x2a9: {  	s29 =	spop (v2sf)  }
0x2aa: {  	(v2sf) =	vpush v49, $0x2;
	s30 =	sshll.u32 s29, $0xC  }
0x2ab: {  	s16 =	sshll.u32 s29, $0x7;
	s17 =	sand.u32 $0xFFFF8000, s30;
	s31 =	spop (v2sf)  }
0x2ac: {  	s16 =	sand.u32 $0x380, s16;
	(v2sf) =	vpush v1, $0x2;
	s17 =	sadd.s32 s17, s31  }
0x2ad: {  	s16 =	sor.u32 s16, s17  }
0x2ae: {  	s19 =	sld [smem:$0x7BD];
	s16 =	sshrl.u32 s16, $0x3  }
0x2af: {  	s20 =	spop (v2sf);
	s16 =	sor.u32 s16, s3  }
0x2b0: {  	(v2sf) =	vpush v49, $0x3;
	s21 =	sshll.u32 s20, $0xC;
	s16 =	sadd.s32 s16, s8  }
0x2b1: {  	[tilespmem:s19], [sflag:$0x2] =	stream.linear.gather [hbm4b:s16+s2], $0x10, $0x38;
	[tilespmem:$0x980] =	vst v63  }
0x2b2: {  	s22 =	spop (v2sf);
	s17 =	sand.u32 $0xFFFF8000, s21;
	s16 =	sshll.u32 s20, $0x7  }
0x2b3: {  	(v2sf) =	vpush v1, $0x3;
	s17 =	sadd.s32 s17, s22;
	s16 =	sand.u32 $0x380, s16  }
0x2b4: {  	s16 =	sor.u32 s16, s17  }
0x2b5: {  	s23 =	sld [smem:$0x7BE];
	s16 =	sshrl.u32 s16, $0x3  }
0x2b6: {  	s16 =	sor.u32 s16, s3  }
0x2b7: {  	s16 =	sadd.s32 s16, s8  }
0x2b8: {  	[tilespmem:s23], [sflag:$0x2] =	stream.linear.gather [hbm4b:s16+s2], $0x10, $0x38;
	[tilespmem:$0x980] =	vst v63  }
0x2b9: {  	s24 =	spop (v2sf)  }
0x2ba: {  	(v2sf) =	vpush v49, $0x4;
	s25 =	sshll.u32 s24, $0xC  }
0x2bb: {  	s16 =	sshll.u32 s24, $0x7;
	s17 =	sand.u32 $0xFFFF8000, s25;
	s26 =	spop (v2sf)  }
0x2bc: {  	s16 =	sand.u32 $0x380, s16;
	(v2sf) =	vpush v1, $0x4;
	s17 =	sadd.s32 s17, s26  }
0x2bd: {  	s16 =	sor.u32 s16, s17  }
0x2be: {  	s28 =	sld [smem:$0x7BF];
	s16 =	sshrl.u32 s16, $0x3  }
0x2bf: {  	s29 =	spop (v2sf);
	s16 =	sor.u32 s16, s3  }
0x2c0: {  	(v2sf) =	vpush v49, $0x5;
	s30 =	sshll.u32 s29, $0xC;
	s16 =	sadd.s32 s16, s8  }
0x2c1: {  	[tilespmem:s28], [sflag:$0x2] =	stream.linear.gather [hbm4b:s16+s2], $0x10, $0x38;
	[tilespmem:$0x980] =	vst v63  }
0x2c2: {  	s31 =	spop (v2sf);
	s17 =	sand.u32 $0xFFFF8000, s30;
	s16 =	sshll.u32 s29, $0x7  }
0x2c3: {  	(v2sf) =	vpush v1, $0x5;
	s17 =	sadd.s32 s17, s31;
	s16 =	sand.u32 $0x380, s16  }
0x2c4: {  	s16 =	sor.u32 s16, s17  }
0x2c5: {  	s19 =	sld [smem:$0x7C0];
	s16 =	sshrl.u32 s16, $0x3  }
0x2c6: {  	s16 =	sor.u32 s16, s3  }
0x2c7: {  	s16 =	sadd.s32 s16, s8  }
0x2c8: {  	[tilespmem:s19], [sflag:$0x2] =	stream.linear.gather [hbm4b:s16+s2], $0x10, $0x38;
	[tilespmem:$0x980] =	vst v63  }
0x2c9: {  	s20 =	spop (v2sf)  }
0x2ca: {  	(v2sf) =	vpush v49, $0x6;
	s21 =	sshll.u32 s20, $0xC  }
0x2cb: {  	s16 =	sshll.u32 s20, $0x7;
	s17 =	sand.u32 $0xFFFF8000, s21;
	s22 =	spop (v2sf)  }
0x2cc: {  	s16 =	sand.u32 $0x380, s16;
	(v2sf) =	vpush v1, $0x6;
	s17 =	sadd.s32 s17, s22  }
0x2cd: {  	s16 =	sor.u32 s16, s17  }
0x2ce: {  	s23 =	sld [smem:$0x7C1];
	s16 =	sshrl.u32 s16, $0x3  }
0x2cf: {  	s24 =	spop (v2sf);
	s16 =	sor.u32 s16, s3  }
0x2d0: {  	(v2sf) =	vpush v49, $0x7;
	s19 =	sshll.u32 s24, $0xC;
	s16 =	sadd.s32 s16, s8  }
0x2d1: {  	[tilespmem:s23], [sflag:$0x2] =	stream.linear.gather [hbm4b:s16+s2], $0x10, $0x38;
	[tilespmem:$0x980] =	vst v63  }
0x2d2: {  	s25 =	spop (v2sf);
	s19 =	sand.u32 $0xFFFF8000, s19;
	s16 =	sshll.u32 s24, $0x7  }
0x2d3: {  	(v2sf) =	vpush v1, $0x7;
	s17 =	sadd.s32 s19, s25;
	s16 =	sand.u32 $0x380, s16  }
0x2d4: {  	s16 =	sor.u32 s16, s17  }
0x2d5: {  	s26 =	sld [smem:$0x7C2];
	s16 =	sshrl.u32 s16, $0x3  }
0x2d6: {  	s16 =	sor.u32 s16, s3  }
0x2d7: {  	s16 =	sadd.s32 s16, s8  }
0x2d8: {  	[tilespmem:s26], [sflag:$0x2] =	stream.linear.gather [hbm4b:s16+s2], $0x10, $0x38;
	[tilespmem:$0x980] =	vst v63  }
0x2d9: {  	s28 =	spop (v2sf)  }
0x2da: {  	(v2sf) =	vpush v49, $0x8;
	s29 =	sshll.u32 s28, $0xC  }
0x2db: {  	s16 =	sshll.u32 s28, $0x7;
	s17 =	sand.u32 $0xFFFF8000, s29;
	s30 =	spop (v2sf)  }
0x2dc: {  	s16 =	sand.u32 $0x380, s16;
	(v2sf) =	vpush v1, $0x8;
	s17 =	sadd.s32 s17, s30  }
0x2dd: {  	s16 =	sor.u32 s16, s17  }
0x2de: {  	s31 =	sld [smem:$0x7C3];
	s16 =	sshrl.u32 s16, $0x3  }
0x2df: {  	s18 =	spop (v2sf);
	s16 =	sor.u32 s16, s3  }
0x2e0: {  	(v2sf) =	vpush v49, $0x9;
	s19 =	sshll.u32 s18, $0xC;
	s16 =	sadd.s32 s16, s8  }
0x2e1: {  	[tilespmem:s31], [sflag:$0x2] =	stream.linear.gather [hbm4b:s16+s2], $0x10, $0x38;
	[tilespmem:$0x980] =	vst v63  }
0x2e2: {  	s20 =	spop (v2sf);
	s17 =	sand.u32 $0xFFFF8000, s19;
	s16 =	sshll.u32 s18, $0x7  }
0x2e3: {  	(v2sf) =	vpush v1, $0x9;
	s17 =	sadd.s32 s17, s20;
	s16 =	sand.u32 $0x380, s16  }
0x2e4: {  	s16 =	sor.u32 s16, s17  }
0x2e5: {  	s21 =	sld [smem:$0x7C4];
	s16 =	sshrl.u32 s16, $0x3  }
0x2e6: {  	s16 =	sor.u32 s16, s3  }
0x2e7: {  	s16 =	sadd.s32 s16, s8  }
0x2e8: {  	[tilespmem:s21], [sflag:$0x2] =	stream.linear.gather [hbm4b:s16+s2], $0x10, $0x38;
	[tilespmem:$0x980] =	vst v63  }
0x2e9: {  	s22 =	spop (v2sf)  }
0x2ea: {  	(v2sf) =	vpush v49, $0xA;
	s23 =	sshll.u32 s22, $0xC  }
0x2eb: {  	s16 =	sshll.u32 s22, $0x7;
	s17 =	sand.u32 $0xFFFF8000, s23;
	s24 =	spop (v2sf)  }
0x2ec: {  	s16 =	sand.u32 $0x380, s16;
	(v2sf) =	vpush v1, $0xA;
	s17 =	sadd.s32 s17, s24  }
0x2ed: {  	s16 =	sor.u32 s16, s17  }
0x2ee: {  	s25 =	sld [smem:$0x7C5];
	s16 =	sshrl.u32 s16, $0x3  }
0x2ef: {  	s26 =	spop (v2sf);
	s16 =	sor.u32 s16, s3  }
0x2f0: {  	(v2sf) =	vpush v49, $0xB;
	s28 =	sshll.u32 s26, $0xC;
	s16 =	sadd.s32 s16, s8  }
0x2f1: {  	[tilespmem:s25], [sflag:$0x2] =	stream.linear.gather [hbm4b:s16+s2], $0x10, $0x38;
	[tilespmem:$0x980] =	vst v63  }
0x2f2: {  	s29 =	spop (v2sf);
	s17 =	sand.u32 $0xFFFF8000, s28;
	s16 =	sshll.u32 s26, $0x7  }
0x2f3: {  	(v2sf) =	vpush v1, $0xB;
	s17 =	sadd.s32 s17, s29;
	s16 =	sand.u32 $0x380, s16  }
0x2f4: {  	s16 =	sor.u32 s16, s17  }
0x2f5: {  	s30 =	sld [smem:$0x7C6];
	s16 =	sshrl.u32 s16, $0x3  }
0x2f6: {  	s16 =	sor.u32 s16, s3  }
0x2f7: {  	s16 =	sadd.s32 s16, s8  }
0x2f8: {  	[tilespmem:s30], [sflag:$0x2] =	stream.linear.gather [hbm4b:s16+s2], $0x10, $0x38;
	[tilespmem:$0x980] =	vst v63  }
0x2f9: {  	s31 =	spop (v2sf)  }
0x2fa: {  	(v2sf) =	vpush v49, $0xC;
	s18 =	sshll.u32 s31, $0xC  }
0x2fb: {  	s16 =	sshll.u32 s31, $0x7;
	s17 =	sand.u32 $0xFFFF8000, s18;
	s19 =	spop (v2sf)  }
0x2fc: {  	s16 =	sand.u32 $0x380, s16;
	(v2sf) =	vpush v1, $0xC;
	s17 =	sadd.s32 s17, s19  }
0x2fd: {  	s16 =	sor.u32 s16, s17  }
0x2fe: {  	s20 =	sld [smem:$0x7C7];
	s16 =	sshrl.u32 s16, $0x3  }
0x2ff: {  	s21 =	spop (v2sf);
	s16 =	sor.u32 s16, s3  }
0x300: {  	s22 =	sshll.u32 s21, $0xC;
	s16 =	sadd.s32 s16, s8  }
0x301: {  	[tilespmem:s20], [sflag:$0x2] =	stream.linear.gather [hbm4b:s16+s2], $0x10, $0x38;
	[tilespmem:$0x980] =	vst v63  }
0x302: {  	s23 =	spop (v2sf);
	s17 =	sand.u32 $0xFFFF8000, s22;
	s16 =	sshll.u32 s21, $0x7  }
0x303: {  	(v2sf) =	vpush v49, $0xD;
	s17 =	sadd.s32 s17, s23;
	s16 =	sand.u32 $0x380, s16  }
0x304: {  	s16 =	sor.u32 s16, s17  }
0x305: {  	s24 =	sld [smem:$0x7C8];
	(v2sf) =	vpush v1, $0xD;
	s16 =	sshrl.u32 s16, $0x3  }
0x306: {  	s16 =	sor.u32 s16, s3  }
0x307: {  	s16 =	sadd.s32 s16, s8  }
0x308: {  	[tilespmem:s24], [sflag:$0x2] =	stream.linear.gather [hbm4b:s16+s2], $0x10, $0x38;
	[tilespmem:$0x980] =	vst v63  }
0x309: {  	s25 =	spop (v2sf);
	(v2sf) =	vpush v49, $0xE  }
0x30a: {  	s26 =	sshll.u32 s25, $0xC  }
0x30b: {  	s16 =	sshll.u32 s25, $0x7;
	s17 =	sand.u32 $0xFFFF8000, s26;
	s28 =	spop (v2sf)  }
0x30c: {  	s16 =	sand.u32 $0x380, s16;
	(v2sf) =	vpush v1, $0xE;
	s17 =	sadd.s32 s17, s28  }
0x30d: {  	s16 =	sor.u32 s16, s17  }
0x30e: {  	s29 =	sld [smem:$0x7C9];
	s16 =	sshrl.u32 s16, $0x3  }
0x30f: {  	s16 =	sor.u32 s16, s3  }
0x310: {  	s16 =	sadd.s32 s16, s8  }
0x311: {  	[tilespmem:s29], [sflag:$0x2] =	stream.linear.gather [hbm4b:s16+s2], $0x10, $0x38;
	[tilespmem:$0x980] =	vst v63  }
0x312: {  	s16 =	spop (v2sf)  }
0x313: {  	s30 =	sshll.u32 s16, $0xC;
	(v2sf) =	vpush v1, $0xF  }
0x314: {  	s31 =	spop (v2sf);
	s16 =	sshll.u32 s16, $0x7;
	s17 =	sand.u32 $0xFFFF8000, s30;
	(v2sf) =	vpush v49, $0xF  }
0x315: {  	s16 =	sand.u32 $0x380, s16;
	s17 =	sadd.s32 s17, s31  }
0x316: {  	s16 =	sor.u32 s16, s17  }
0x317: {  	s19 =	sld [smem:$0x7CA];
	s16 =	sshrl.u32 s16, $0x3  }
0x318: {  	s16 =	sor.u32 s16, s3;
	s20 =	spop (v2sf)  }
0x319: {  	s16 =	sadd.s32 s16, s8;
	s21 =	sshll.u32 s20, $0xC  }
0x31a: {  	[tilespmem:s19], [sflag:$0x2] =	stream.linear.gather [hbm4b:s16+s2], $0x10, $0x38;
	[tilespmem:$0x980] =	vst v63  }
0x31b: {  	s17 =	sand.u32 $0xFFFF8000, s21;
	s22 =	spop (v2sf);
	s16 =	sshll.u32 s20, $0x7  }
0x31c: {  	s17 =	sadd.s32 s17, s22;
	s16 =	sand.u32 $0x380, s16  }
0x31d: {  	s16 =	sor.u32 s16, s17  }
0x31e: {  	s23 =	sld [smem:$0x7CB];
	s16 =	sshrl.u32 s16, $0x3  }
0x31f: {  	s16 =	sor.u32 s16, s3  }
0x320: {  	s16 =	sadd.s32 s16, s8  }
0x321: {  	[tilespmem:s23], [sflag:$0x2] =	stream.linear.gather [hbm4b:s16+s2], $0x10, $0x38;
	[tilespmem:$0x980] =	vst v63  }
0x322: {  	s24 =	spop (v2sf)  }
0x323: {  	s25 =	spop (v2sf)  }
0x324: {  	s26 =	sshll.u32 s25, $0xC  }
0x325: {  	s17 =	sshll.u32 s25, $0x7;
	s18 =	sand.u32 $0xFFFF8000, s26  }
0x326: {  	s17 =	sand.u32 $0x380, s17;
	s16 =	sadd.s32 s18, s24  }
0x327: {  	s16 =	sor.u32 s17, s16  }
0x328: {  	s28 =	sld [smem:$0x7CC];
	s16 =	sshrl.u32 s16, $0x3  }
0x329: {  	s16 =	sor.u32 s16, s3  }
0x32a: {  	s16 =	sadd.s32 s16, s8  }
0x32b: {  	[tilespmem:s28], [sflag:$0x2] =	stream.linear.gather [hbm4b:s16+s2], $0x10, $0x38;
	[tilespmem:$0x980] =	vst v63  }
0x32c: {  	v51 =	vld [tilespmem:$0x50]  }
0x32d: {  	v52 =	vld [tilespmem:$0xD0];
	_ =	sdelay $0x4  }
0x32e: {  	(v2sf) =	vpush v51, $0x0;
	v1 =	vmul.u32 $0x68000, v52;
	_ =	sdelay $0x1  }
0x32f: {  	(v2sf) =	vpush v1, $0x0;
	_ =	sdelay $0x3  }
0x330: {  	(v2sf) =	vpush v51, $0x1  }
0x331: {  	(v2sf) =	vpush v1, $0x1;
	_ =	sdelay $0x7  }
0x332: {  	s29 =	spop (v2sf)  }
0x333: {  	(v2sf) =	vpush v51, $0x2;
	s30 =	sshll.u32 s29, $0xC  }
0x334: {  	s16 =	sshll.u32 s29, $0x7;
	s17 =	sand.u32 $0xFFFF8000, s30;
	s31 =	spop (v2sf)  }
0x335: {  	s16 =	sand.u32 $0x380, s16;
	(v2sf) =	vpush v1, $0x2;
	s17 =	sadd.s32 s17, s31  }
0x336: {  	s16 =	sor.u32 s16, s17  }
0x337: {  	s19 =	sld [smem:$0x7CD];
	s16 =	sshrl.u32 s16, $0x3  }
0x338: {  	s20 =	spop (v2sf);
	s16 =	sor.u32 s16, s3  }
0x339: {  	(v2sf) =	vpush v51, $0x3;
	s21 =	sshll.u32 s20, $0xC;
	s22 =	spop (v2sf);
	s16 =	sadd.s32 s16, s9  }
0x33a: {  	(v2sf) =	vpush v1, $0x3;
	[tilespmem:s19], [sflag:$0x2] =	stream.linear.gather [hbm4b:s16+s2], $0x10, $0x38;
	[tilespmem:$0x980] =	vst v63  }
0x33b: {  	s17 =	sand.u32 $0xFFFF8000, s21;
	s16 =	sshll.u32 s20, $0x7  }
0x33c: {  	s17 =	sadd.s32 s17, s22;
	s16 =	sand.u32 $0x380, s16  }
0x33d: {  	s16 =	sor.u32 s16, s17  }
0x33e: {  	s23 =	sld [smem:$0x7CE];
	s16 =	sshrl.u32 s16, $0x3  }
0x33f: {  	s16 =	sor.u32 s16, s3  }
0x340: {  	s16 =	sadd.s32 s16, s9  }
0x341: {  	[tilespmem:s23], [sflag:$0x2] =	stream.linear.gather [hbm4b:s16+s2], $0x10, $0x38;
	[tilespmem:$0x980] =	vst v63  }
0x342: {  	s24 =	spop (v2sf)  }
0x343: {  	(v2sf) =	vpush v51, $0x4;
	s25 =	sshll.u32 s24, $0xC  }
0x344: {  	s16 =	sshll.u32 s24, $0x7;
	s17 =	sand.u32 $0xFFFF8000, s25;
	s26 =	spop (v2sf)  }
0x345: {  	s16 =	sand.u32 $0x380, s16;
	(v2sf) =	vpush v1, $0x4;
	s17 =	sadd.s32 s17, s26  }
0x346: {  	s16 =	sor.u32 s16, s17  }
0x347: {  	s28 =	sld [smem:$0x7CF];
	s16 =	sshrl.u32 s16, $0x3  }
0x348: {  	s29 =	spop (v2sf);
	s16 =	sor.u32 s16, s3  }
0x349: {  	(v2sf) =	vpush v51, $0x5;
	s30 =	sshll.u32 s29, $0xC;
	s31 =	spop (v2sf);
	s16 =	sadd.s32 s16, s9  }
0x34a: {  	(v2sf) =	vpush v1, $0x5;
	[tilespmem:s28], [sflag:$0x2] =	stream.linear.gather [hbm4b:s16+s2], $0x10, $0x38;
	[tilespmem:$0x980] =	vst v63  }
0x34b: {  	s17 =	sand.u32 $0xFFFF8000, s30;
	s16 =	sshll.u32 s29, $0x7  }
0x34c: {  	s17 =	sadd.s32 s17, s31;
	s16 =	sand.u32 $0x380, s16  }
0x34d: {  	s16 =	sor.u32 s16, s17  }
0x34e: {  	s19 =	sld [smem:$0x7D0];
	s16 =	sshrl.u32 s16, $0x3  }
0x34f: {  	s16 =	sor.u32 s16, s3  }
0x350: {  	s16 =	sadd.s32 s16, s9  }
0x351: {  	[tilespmem:s19], [sflag:$0x2] =	stream.linear.gather [hbm4b:s16+s2], $0x10, $0x38;
	[tilespmem:$0x980] =	vst v63  }
0x352: {  	s20 =	spop (v2sf)  }
0x353: {  	(v2sf) =	vpush v51, $0x6;
	s21 =	sshll.u32 s20, $0xC  }
0x354: {  	s16 =	sshll.u32 s20, $0x7;
	s17 =	sand.u32 $0xFFFF8000, s21;
	s22 =	spop (v2sf)  }
0x355: {  	s16 =	sand.u32 $0x380, s16;
	(v2sf) =	vpush v1, $0x6;
	s17 =	sadd.s32 s17, s22  }
0x356: {  	s16 =	sor.u32 s16, s17  }
0x357: {  	s23 =	sld [smem:$0x7D1];
	s16 =	sshrl.u32 s16, $0x3  }
0x358: {  	s24 =	spop (v2sf);
	s16 =	sor.u32 s16, s3  }
0x359: {  	(v2sf) =	vpush v51, $0x7;
	s25 =	sshll.u32 s24, $0xC;
	s26 =	spop (v2sf);
	s16 =	sadd.s32 s16, s9  }
0x35a: {  	(v2sf) =	vpush v1, $0x7;
	[tilespmem:s23], [sflag:$0x2] =	stream.linear.gather [hbm4b:s16+s2], $0x10, $0x38;
	[tilespmem:$0x980] =	vst v63  }
0x35b: {  	s17 =	sand.u32 $0xFFFF8000, s25;
	s16 =	sshll.u32 s24, $0x7  }
0x35c: {  	s17 =	sadd.s32 s17, s26;
	s16 =	sand.u32 $0x380, s16  }
0x35d: {  	s16 =	sor.u32 s16, s17  }
0x35e: {  	s28 =	sld [smem:$0x7D2];
	s16 =	sshrl.u32 s16, $0x3  }
0x35f: {  	s16 =	sor.u32 s16, s3  }
0x360: {  	s16 =	sadd.s32 s16, s9  }
0x361: {  	[tilespmem:s28], [sflag:$0x2] =	stream.linear.gather [hbm4b:s16+s2], $0x10, $0x38;
	[tilespmem:$0x980] =	vst v63  }
0x362: {  	s29 =	spop (v2sf)  }
0x363: {  	(v2sf) =	vpush v51, $0x8;
	s30 =	sshll.u32 s29, $0xC  }
0x364: {  	s16 =	sshll.u32 s29, $0x7;
	s17 =	sand.u32 $0xFFFF8000, s30;
	s31 =	spop (v2sf)  }
0x365: {  	s16 =	sand.u32 $0x380, s16;
	(v2sf) =	vpush v1, $0x8;
	s17 =	sadd.s32 s17, s31  }
0x366: {  	s16 =	sor.u32 s16, s17  }
0x367: {  	s19 =	sld [smem:$0x7D3];
	s16 =	sshrl.u32 s16, $0x3  }
0x368: {  	s20 =	spop (v2sf);
	s16 =	sor.u32 s16, s3  }
0x369: {  	(v2sf) =	vpush v51, $0x9;
	s21 =	sshll.u32 s20, $0xC;
	s22 =	spop (v2sf);
	s16 =	sadd.s32 s16, s9  }
0x36a: {  	(v2sf) =	vpush v1, $0x9;
	[tilespmem:s19], [sflag:$0x2] =	stream.linear.gather [hbm4b:s16+s2], $0x10, $0x38;
	[tilespmem:$0x980] =	vst v63  }
0x36b: {  	s17 =	sand.u32 $0xFFFF8000, s21;
	s16 =	sshll.u32 s20, $0x7  }
0x36c: {  	s17 =	sadd.s32 s17, s22;
	s16 =	sand.u32 $0x380, s16  }
0x36d: {  	s16 =	sor.u32 s16, s17  }
0x36e: {  	s23 =	sld [smem:$0x7D4];
	s16 =	sshrl.u32 s16, $0x3  }
0x36f: {  	s16 =	sor.u32 s16, s3  }
0x370: {  	s16 =	sadd.s32 s16, s9  }
0x371: {  	[tilespmem:s23], [sflag:$0x2] =	stream.linear.gather [hbm4b:s16+s2], $0x10, $0x38;
	[tilespmem:$0x980] =	vst v63  }
0x372: {  	s24 =	spop (v2sf)  }
0x373: {  	(v2sf) =	vpush v51, $0xA;
	s25 =	sshll.u32 s24, $0xC  }
0x374: {  	s16 =	sshll.u32 s24, $0x7;
	s17 =	sand.u32 $0xFFFF8000, s25;
	s26 =	spop (v2sf)  }
0x375: {  	s16 =	sand.u32 $0x380, s16;
	(v2sf) =	vpush v1, $0xA;
	s17 =	sadd.s32 s17, s26  }
0x376: {  	s16 =	sor.u32 s16, s17  }
0x377: {  	s28 =	sld [smem:$0x7D5];
	s16 =	sshrl.u32 s16, $0x3  }
0x378: {  	s29 =	spop (v2sf);
	s16 =	sor.u32 s16, s3  }
0x379: {  	(v2sf) =	vpush v51, $0xB;
	s30 =	sshll.u32 s29, $0xC;
	s31 =	spop (v2sf);
	s16 =	sadd.s32 s16, s9  }
0x37a: {  	(v2sf) =	vpush v1, $0xB;
	[tilespmem:s28], [sflag:$0x2] =	stream.linear.gather [hbm4b:s16+s2], $0x10, $0x38;
	[tilespmem:$0x980] =	vst v63  }
0x37b: {  	s17 =	sand.u32 $0xFFFF8000, s30;
	s16 =	sshll.u32 s29, $0x7  }
0x37c: {  	s17 =	sadd.s32 s17, s31;
	s16 =	sand.u32 $0x380, s16  }
0x37d: {  	s16 =	sor.u32 s16, s17  }
0x37e: {  	s19 =	sld [smem:$0x7D6];
	s16 =	sshrl.u32 s16, $0x3  }
0x37f: {  	s16 =	sor.u32 s16, s3  }
0x380: {  	s16 =	sadd.s32 s16, s9  }
0x381: {  	[tilespmem:s19], [sflag:$0x2] =	stream.linear.gather [hbm4b:s16+s2], $0x10, $0x38;
	[tilespmem:$0x980] =	vst v63  }
0x382: {  	s20 =	spop (v2sf)  }
0x383: {  	(v2sf) =	vpush v51, $0xC;
	s21 =	sshll.u32 s20, $0xC  }
0x384: {  	s16 =	sshll.u32 s20, $0x7;
	s17 =	sand.u32 $0xFFFF8000, s21;
	s22 =	spop (v2sf)  }
0x385: {  	s16 =	sand.u32 $0x380, s16;
	(v2sf) =	vpush v1, $0xC;
	s17 =	sadd.s32 s17, s22  }
0x386: {  	s16 =	sor.u32 s16, s17  }
0x387: {  	s23 =	sld [smem:$0x7D7];
	s16 =	sshrl.u32 s16, $0x3  }
0x388: {  	s24 =	spop (v2sf);
	(v2sf) =	vpush v51, $0xD;
	s16 =	sor.u32 s16, s3  }
0x389: {  	s25 =	sshll.u32 s24, $0xC;
	s26 =	spop (v2sf);
	(v2sf) =	vpush v1, $0xD;
	s16 =	sadd.s32 s16, s9  }
0x38a: {  	[tilespmem:s23], [sflag:$0x2] =	stream.linear.gather [hbm4b:s16+s2], $0x10, $0x38;
	[tilespmem:$0x980] =	vst v63  }
0x38b: {  	s17 =	sand.u32 $0xFFFF8000, s25;
	s16 =	sshll.u32 s24, $0x7  }
0x38c: {  	s17 =	sadd.s32 s17, s26;
	s16 =	sand.u32 $0x380, s16  }
0x38d: {  	s16 =	sor.u32 s16, s17  }
0x38e: {  	s28 =	sld [smem:$0x7D8];
	s16 =	sshrl.u32 s16, $0x3  }
0x38f: {  	s16 =	sor.u32 s16, s3  }
0x390: {  	s16 =	sadd.s32 s16, s9  }
0x391: {  	[tilespmem:s28], [sflag:$0x2] =	stream.linear.gather [hbm4b:s16+s2], $0x10, $0x38;
	[tilespmem:$0x980] =	vst v63  }
0x392: {  	s29 =	spop (v2sf)  }
0x393: {  	(v2sf) =	vpush v51, $0xE;
	s30 =	sshll.u32 s29, $0xC  }
0x394: {  	s16 =	sshll.u32 s29, $0x7;
	s17 =	sand.u32 $0xFFFF8000, s30;
	s31 =	spop (v2sf)  }
0x395: {  	s16 =	sand.u32 $0x380, s16;
	(v2sf) =	vpush v1, $0xE;
	s17 =	sadd.s32 s17, s31  }
0x396: {  	s16 =	sor.u32 s16, s17  }
0x397: {  	s19 =	sld [smem:$0x7D9];
	s20 =	spop (v2sf);
	(v2sf) =	vpush v1, $0xF;
	s16 =	sshrl.u32 s16, $0x3  }
0x398: {  	s22 =	spop (v2sf);
	(v2sf) =	vpush v51, $0xF;
	s16 =	sor.u32 s16, s3  }
0x399: {  	s21 =	sshll.u32 s20, $0xC;
	s16 =	sadd.s32 s16, s9  }
0x39a: {  	[tilespmem:s19], [sflag:$0x2] =	stream.linear.gather [hbm4b:s16+s2], $0x10, $0x38;
	[tilespmem:$0x980] =	vst v63  }
0x39b: {  	s17 =	sand.u32 $0xFFFF8000, s21;
	s16 =	sshll.u32 s20, $0x7  }
0x39c: {  	s17 =	sadd.s32 s17, s22;
	s16 =	sand.u32 $0x380, s16  }
0x39d: {  	s16 =	sor.u32 s16, s17  }
0x39e: {  	s23 =	sld [smem:$0x7DA];
	s16 =	sshrl.u32 s16, $0x3  }
0x39f: {  	s16 =	sor.u32 s16, s3  }
0x3a0: {  	s16 =	sadd.s32 s16, s9  }
0x3a1: {  	[tilespmem:s23], [sflag:$0x2] =	stream.linear.gather [hbm4b:s16+s2], $0x10, $0x38;
	[tilespmem:$0x980] =	vst v63  }
0x3a2: {  	s24 =	spop (v2sf)  }
0x3a3: {  	s25 =	sshll.u32 s24, $0xC  }
0x3a4: {  	s16 =	sshll.u32 s24, $0x7;
	s17 =	sand.u32 $0xFFFF8000, s25;
	s26 =	spop (v2sf)  }
0x3a5: {  	s16 =	sand.u32 $0x380, s16;
	s17 =	sadd.s32 s17, s26  }
0x3a6: {  	s29 =	spop (v2sf);
	s16 =	sor.u32 s16, s17  }
0x3a7: {  	s28 =	sld [smem:$0x7DB];
	s30 =	spop (v2sf);
	s16 =	sshrl.u32 s16, $0x3  }
0x3a8: {  	s31 =	sshll.u32 s30, $0xC;
	s16 =	sor.u32 s16, s3  }
0x3a9: {  	s17 =	sshll.u32 s30, $0x7;
	s18 =	sand.u32 $0xFFFF8000, s31;
	s16 =	sadd.s32 s16, s9  }
0x3aa: {  	[tilespmem:s28], [sflag:$0x2] =	stream.linear.gather [hbm4b:s16+s2], $0x10, $0x38;
	[tilespmem:$0x980] =	vst v63  }
0x3ab: {  	s17 =	sand.u32 $0x380, s17;
	s16 =	sadd.s32 s18, s29  }
0x3ac: {  	s16 =	sor.u32 s17, s16  }
0x3ad: {  	s19 =	sld [smem:$0x7DC];
	s16 =	sshrl.u32 s16, $0x3  }
0x3ae: {  	s16 =	sor.u32 s16, s3  }
0x3af: {  	s16 =	sadd.s32 s16, s9  }
0x3b0: {  	[tilespmem:s19], [sflag:$0x2] =	stream.linear.gather [hbm4b:s16+s2], $0x10, $0x38;
	[tilespmem:$0x980] =	vst v63  }
0x3b1: {  	v53 =	vld [tilespmem:$0x60]  }
0x3b2: {  	v54 =	vld [tilespmem:$0xE0];
	_ =	sdelay $0x4  }
0x3b3: {  	(v2sf) =	vpush v53, $0x0;
	v1 =	vmul.u32 $0x68000, v54;
	_ =	sdelay $0x1  }
0x3b4: {  	(v2sf) =	vpush v1, $0x0;
	_ =	sdelay $0x3  }
0x3b5: {  	(v2sf) =	vpush v53, $0x1  }
0x3b6: {  	(v2sf) =	vpush v1, $0x1;
	_ =	sdelay $0x7  }
0x3b7: {  	s20 =	spop (v2sf)  }
0x3b8: {  	(v2sf) =	vpush v53, $0x2;
	s21 =	sshll.u32 s20, $0xC  }
0x3b9: {  	s16 =	sshll.u32 s20, $0x7;
	s17 =	sand.u32 $0xFFFF8000, s21;
	s22 =	spop (v2sf)  }
0x3ba: {  	s16 =	sand.u32 $0x380, s16;
	(v2sf) =	vpush v1, $0x2;
	s17 =	sadd.s32 s17, s22  }
0x3bb: {  	s16 =	sor.u32 s16, s17  }
0x3bc: {  	s23 =	sld [smem:$0x7DD];
	s16 =	sshrl.u32 s16, $0x3  }
0x3bd: {  	s24 =	spop (v2sf);
	s16 =	sor.u32 s16, s3  }
0x3be: {  	(v2sf) =	vpush v53, $0x3;
	s25 =	sshll.u32 s24, $0xC;
	s26 =	spop (v2sf);
	s16 =	sadd.s32 s16, s10  }
0x3bf: {  	(v2sf) =	vpush v1, $0x3;
	[tilespmem:s23], [sflag:$0x2] =	stream.linear.gather [hbm4b:s16+s2], $0x10, $0x38;
	[tilespmem:$0x980] =	vst v63  }
0x3c0: {  	s17 =	sand.u32 $0xFFFF8000, s25;
	s16 =	sshll.u32 s24, $0x7  }
0x3c1: {  	s17 =	sadd.s32 s17, s26;
	s16 =	sand.u32 $0x380, s16  }
0x3c2: {  	s16 =	sor.u32 s16, s17  }
0x3c3: {  	s28 =	sld [smem:$0x7DE];
	s16 =	sshrl.u32 s16, $0x3  }
0x3c4: {  	s16 =	sor.u32 s16, s3  }
0x3c5: {  	s16 =	sadd.s32 s16, s10  }
0x3c6: {  	[tilespmem:s28], [sflag:$0x2] =	stream.linear.gather [hbm4b:s16+s2], $0x10, $0x38;
	[tilespmem:$0x980] =	vst v63  }
0x3c7: {  	s29 =	spop (v2sf)  }
0x3c8: {  	(v2sf) =	vpush v53, $0x4;
	s30 =	sshll.u32 s29, $0xC  }
0x3c9: {  	s16 =	sshll.u32 s29, $0x7;
	s17 =	sand.u32 $0xFFFF8000, s30;
	s31 =	spop (v2sf)  }
0x3ca: {  	s16 =	sand.u32 $0x380, s16;
	(v2sf) =	vpush v1, $0x4;
	s17 =	sadd.s32 s17, s31  }
0x3cb: {  	s16 =	sor.u32 s16, s17  }
0x3cc: {  	s19 =	sld [smem:$0x7DF];
	s16 =	sshrl.u32 s16, $0x3  }
0x3cd: {  	s20 =	spop (v2sf);
	s16 =	sor.u32 s16, s3  }
0x3ce: {  	(v2sf) =	vpush v53, $0x5;
	s21 =	sshll.u32 s20, $0xC;
	s22 =	spop (v2sf);
	s16 =	sadd.s32 s16, s10  }
0x3cf: {  	(v2sf) =	vpush v1, $0x5;
	[tilespmem:s19], [sflag:$0x2] =	stream.linear.gather [hbm4b:s16+s2], $0x10, $0x38;
	[tilespmem:$0x980] =	vst v63  }
0x3d0: {  	s17 =	sand.u32 $0xFFFF8000, s21;
	s16 =	sshll.u32 s20, $0x7  }
0x3d1: {  	s17 =	sadd.s32 s17, s22;
	s16 =	sand.u32 $0x380, s16  }
0x3d2: {  	s16 =	sor.u32 s16, s17  }
0x3d3: {  	s23 =	sld [smem:$0x7E0];
	s16 =	sshrl.u32 s16, $0x3  }
0x3d4: {  	s16 =	sor.u32 s16, s3  }
0x3d5: {  	s16 =	sadd.s32 s16, s10  }
0x3d6: {  	[tilespmem:s23], [sflag:$0x2] =	stream.linear.gather [hbm4b:s16+s2], $0x10, $0x38;
	[tilespmem:$0x980] =	vst v63  }
0x3d7: {  	s24 =	spop (v2sf)  }
0x3d8: {  	(v2sf) =	vpush v53, $0x6;
	s25 =	sshll.u32 s24, $0xC  }
0x3d9: {  	s16 =	sshll.u32 s24, $0x7;
	s17 =	sand.u32 $0xFFFF8000, s25;
	s26 =	spop (v2sf)  }
0x3da: {  	s16 =	sand.u32 $0x380, s16;
	(v2sf) =	vpush v1, $0x6;
	s17 =	sadd.s32 s17, s26  }
0x3db: {  	s16 =	sor.u32 s16, s17  }
0x3dc: {  	s28 =	sld [smem:$0x7E1];
	s16 =	sshrl.u32 s16, $0x3  }
0x3dd: {  	s29 =	spop (v2sf);
	s16 =	sor.u32 s16, s3  }
0x3de: {  	(v2sf) =	vpush v53, $0x7;
	s30 =	sshll.u32 s29, $0xC;
	s31 =	spop (v2sf);
	s16 =	sadd.s32 s16, s10  }
0x3df: {  	(v2sf) =	vpush v1, $0x7;
	[tilespmem:s28], [sflag:$0x2] =	stream.linear.gather [hbm4b:s16+s2], $0x10, $0x38;
	[tilespmem:$0x980] =	vst v63  }
0x3e0: {  	s17 =	sand.u32 $0xFFFF8000, s30;
	s16 =	sshll.u32 s29, $0x7  }
0x3e1: {  	s17 =	sadd.s32 s17, s31;
	s16 =	sand.u32 $0x380, s16  }
0x3e2: {  	s16 =	sor.u32 s16, s17  }
0x3e3: {  	s19 =	sld [smem:$0x7E2];
	s16 =	sshrl.u32 s16, $0x3  }
0x3e4: {  	s16 =	sor.u32 s16, s3  }
0x3e5: {  	s16 =	sadd.s32 s16, s10  }
0x3e6: {  	[tilespmem:s19], [sflag:$0x2] =	stream.linear.gather [hbm4b:s16+s2], $0x10, $0x38;
	[tilespmem:$0x980] =	vst v63  }
0x3e7: {  	s20 =	spop (v2sf)  }
0x3e8: {  	(v2sf) =	vpush v53, $0x8;
	s21 =	sshll.u32 s20, $0xC  }
0x3e9: {  	s16 =	sshll.u32 s20, $0x7;
	s17 =	sand.u32 $0xFFFF8000, s21;
	s22 =	spop (v2sf)  }
0x3ea: {  	s16 =	sand.u32 $0x380, s16;
	(v2sf) =	vpush v1, $0x8;
	s17 =	sadd.s32 s17, s22  }
0x3eb: {  	s16 =	sor.u32 s16, s17  }
0x3ec: {  	s23 =	sld [smem:$0x7E3];
	s16 =	sshrl.u32 s16, $0x3  }
0x3ed: {  	s24 =	spop (v2sf);
	s16 =	sor.u32 s16, s3  }
0x3ee: {  	(v2sf) =	vpush v53, $0x9;
	s25 =	sshll.u32 s24, $0xC;
	s26 =	spop (v2sf);
	s16 =	sadd.s32 s16, s10  }
0x3ef: {  	(v2sf) =	vpush v1, $0x9;
	[tilespmem:s23], [sflag:$0x2] =	stream.linear.gather [hbm4b:s16+s2], $0x10, $0x38;
	[tilespmem:$0x980] =	vst v63  }
0x3f0: {  	s17 =	sand.u32 $0xFFFF8000, s25;
	s16 =	sshll.u32 s24, $0x7  }
0x3f1: {  	s17 =	sadd.s32 s17, s26;
	s16 =	sand.u32 $0x380, s16  }
0x3f2: {  	s16 =	sor.u32 s16, s17  }
0x3f3: {  	s28 =	sld [smem:$0x7E4];
	s16 =	sshrl.u32 s16, $0x3  }
0x3f4: {  	s16 =	sor.u32 s16, s3  }
0x3f5: {  	s16 =	sadd.s32 s16, s10  }
0x3f6: {  	[tilespmem:s28], [sflag:$0x2] =	stream.linear.gather [hbm4b:s16+s2], $0x10, $0x38;
	[tilespmem:$0x980] =	vst v63  }
0x3f7: {  	s29 =	spop (v2sf)  }
0x3f8: {  	(v2sf) =	vpush v53, $0xA;
	s30 =	sshll.u32 s29, $0xC  }
0x3f9: {  	s16 =	sshll.u32 s29, $0x7;
	s17 =	sand.u32 $0xFFFF8000, s30;
	s31 =	spop (v2sf)  }
0x3fa: {  	s16 =	sand.u32 $0x380, s16;
	(v2sf) =	vpush v1, $0xA;
	s17 =	sadd.s32 s17, s31  }
0x3fb: {  	s16 =	sor.u32 s16, s17  }
0x3fc: {  	s19 =	sld [smem:$0x7E5];
	s16 =	sshrl.u32 s16, $0x3  }
0x3fd: {  	s20 =	spop (v2sf);
	s16 =	sor.u32 s16, s3  }
0x3fe: {  	(v2sf) =	vpush v53, $0xB;
	s21 =	sshll.u32 s20, $0xC;
	s22 =	spop (v2sf);
	s16 =	sadd.s32 s16, s10  }
0x3ff: {  	(v2sf) =	vpush v1, $0xB;
	[tilespmem:s19], [sflag:$0x2] =	stream.linear.gather [hbm4b:s16+s2], $0x10, $0x38;
	[tilespmem:$0x980] =	vst v63  }
0x400: {  	s17 =	sand.u32 $0xFFFF8000, s21;
	s16 =	sshll.u32 s20, $0x7  }
0x401: {  	s17 =	sadd.s32 s17, s22;
	s16 =	sand.u32 $0x380, s16  }
0x402: {  	s16 =	sor.u32 s16, s17  }
0x403: {  	s23 =	sld [smem:$0x7E6];
	s16 =	sshrl.u32 s16, $0x3  }
0x404: {  	s16 =	sor.u32 s16, s3  }
0x405: {  	s16 =	sadd.s32 s16, s10  }
0x406: {  	[tilespmem:s23], [sflag:$0x2] =	stream.linear.gather [hbm4b:s16+s2], $0x10, $0x38;
	[tilespmem:$0x980] =	vst v63  }
0x407: {  	s24 =	spop (v2sf)  }
0x408: {  	(v2sf) =	vpush v53, $0xC;
	s25 =	sshll.u32 s24, $0xC  }
0x409: {  	s16 =	sshll.u32 s24, $0x7;
	s17 =	sand.u32 $0xFFFF8000, s25;
	s26 =	spop (v2sf)  }
0x40a: {  	s16 =	sand.u32 $0x380, s16;
	(v2sf) =	vpush v1, $0xC;
	s17 =	sadd.s32 s17, s26  }
0x40b: {  	s16 =	sor.u32 s16, s17  }
0x40c: {  	s28 =	sld [smem:$0x7E7];
	s16 =	sshrl.u32 s16, $0x3  }
0x40d: {  	s29 =	spop (v2sf);
	(v2sf) =	vpush v53, $0xD;
	s16 =	sor.u32 s16, s3  }
0x40e: {  	s30 =	sshll.u32 s29, $0xC;
	s31 =	spop (v2sf);
	(v2sf) =	vpush v1, $0xD;
	s16 =	sadd.s32 s16, s10  }
0x40f: {  	[tilespmem:s28], [sflag:$0x2] =	stream.linear.gather [hbm4b:s16+s2], $0x10, $0x38;
	[tilespmem:$0x980] =	vst v63  }
0x410: {  	s17 =	sand.u32 $0xFFFF8000, s30;
	s16 =	sshll.u32 s29, $0x7  }
0x411: {  	s17 =	sadd.s32 s17, s31;
	s16 =	sand.u32 $0x380, s16  }
0x412: {  	s16 =	sor.u32 s16, s17  }
0x413: {  	s19 =	sld [smem:$0x7E8];
	s16 =	sshrl.u32 s16, $0x3  }
0x414: {  	s16 =	sor.u32 s16, s3  }
0x415: {  	s16 =	sadd.s32 s16, s10  }
0x416: {  	[tilespmem:s19], [sflag:$0x2] =	stream.linear.gather [hbm4b:s16+s2], $0x10, $0x38;
	[tilespmem:$0x980] =	vst v63  }
0x417: {  	s20 =	spop (v2sf)  }
0x418: {  	(v2sf) =	vpush v53, $0xE;
	s21 =	sshll.u32 s20, $0xC  }
0x419: {  	s16 =	sshll.u32 s20, $0x7;
	s17 =	sand.u32 $0xFFFF8000, s21;
	s22 =	spop (v2sf)  }
0x41a: {  	s16 =	sand.u32 $0x380, s16;
	(v2sf) =	vpush v1, $0xE;
	s17 =	sadd.s32 s17, s22  }
0x41b: {  	s16 =	sor.u32 s16, s17  }
0x41c: {  	s23 =	sld [smem:$0x7E9];
	s24 =	spop (v2sf);
	(v2sf) =	vpush v1, $0xF;
	s16 =	sshrl.u32 s16, $0x3  }
0x41d: {  	s26 =	spop (v2sf);
	(v2sf) =	vpush v53, $0xF;
	s16 =	sor.u32 s16, s3  }
0x41e: {  	s25 =	sshll.u32 s24, $0xC;
	s16 =	sadd.s32 s16, s10  }
0x41f: {  	[tilespmem:s23], [sflag:$0x2] =	stream.linear.gather [hbm4b:s16+s2], $0x10, $0x38;
	[tilespmem:$0x980] =	vst v63  }
0x420: {  	s17 =	sand.u32 $0xFFFF8000, s25;
	s16 =	sshll.u32 s24, $0x7  }
0x421: {  	s17 =	sadd.s32 s17, s26;
	s16 =	sand.u32 $0x380, s16  }
0x422: {  	s16 =	sor.u32 s16, s17  }
0x423: {  	s28 =	sld [smem:$0x7EA];
	s16 =	sshrl.u32 s16, $0x3  }
0x424: {  	s16 =	sor.u32 s16, s3  }
0x425: {  	s16 =	sadd.s32 s16, s10  }
0x426: {  	[tilespmem:s28], [sflag:$0x2] =	stream.linear.gather [hbm4b:s16+s2], $0x10, $0x38;
	[tilespmem:$0x980] =	vst v63  }
0x427: {  	s29 =	spop (v2sf)  }
0x428: {  	s30 =	sshll.u32 s29, $0xC  }
0x429: {  	s16 =	sshll.u32 s29, $0x7;
	s17 =	sand.u32 $0xFFFF8000, s30;
	s31 =	spop (v2sf)  }
0x42a: {  	s16 =	sand.u32 $0x380, s16;
	s17 =	sadd.s32 s17, s31  }
0x42b: {  	s20 =	spop (v2sf);
	s16 =	sor.u32 s16, s17  }
0x42c: {  	s19 =	sld [smem:$0x7EB];
	s21 =	spop (v2sf);
	s16 =	sshrl.u32 s16, $0x3  }
0x42d: {  	s22 =	sshll.u32 s21, $0xC;
	s16 =	sor.u32 s16, s3  }
0x42e: {  	s17 =	sshll.u32 s21, $0x7;
	s18 =	sand.u32 $0xFFFF8000, s22;
	s16 =	sadd.s32 s16, s10  }
0x42f: {  	[tilespmem:s19], [sflag:$0x2] =	stream.linear.gather [hbm4b:s16+s2], $0x10, $0x38;
	[tilespmem:$0x980] =	vst v63  }
0x430: {  	s17 =	sand.u32 $0x380, s17;
	s16 =	sadd.s32 s18, s20  }
0x431: {  	s16 =	sor.u32 s17, s16  }
0x432: {  	s23 =	sld [smem:$0x7EC];
	s16 =	sshrl.u32 s16, $0x3  }
0x433: {  	s16 =	sor.u32 s16, s3  }
0x434: {  	s16 =	sadd.s32 s16, s10  }
0x435: {  	[tilespmem:s23], [sflag:$0x2] =	stream.linear.gather [hbm4b:s16+s2], $0x10, $0x38;
	[tilespmem:$0x980] =	vst v63  }
0x436: {  	v55 =	vld [tilespmem:$0x70]  }
0x437: {  	v56 =	vld [tilespmem:$0xF0];
	_ =	sdelay $0x4  }
0x438: {  	(v2sf) =	vpush v55, $0x0;
	v1 =	vmul.u32 $0x68000, v56;
	_ =	sdelay $0x1  }
0x439: {  	(v2sf) =	vpush v1, $0x0;
	_ =	sdelay $0x3  }
0x43a: {  	(v2sf) =	vpush v55, $0x1  }
0x43b: {  	(v2sf) =	vpush v1, $0x1;
	_ =	sdelay $0x7  }
0x43c: {  	s24 =	spop (v2sf)  }
0x43d: {  	(v2sf) =	vpush v55, $0x2;
	s25 =	sshll.u32 s24, $0xC  }
0x43e: {  	s16 =	sshll.u32 s24, $0x7;
	s17 =	sand.u32 $0xFFFF8000, s25;
	s26 =	spop (v2sf)  }
0x43f: {  	s16 =	sand.u32 $0x380, s16;
	(v2sf) =	vpush v1, $0x2;
	s17 =	sadd.s32 s17, s26  }
0x440: {  	s16 =	sor.u32 s16, s17  }
0x441: {  	s28 =	sld [smem:$0x7ED];
	s16 =	sshrl.u32 s16, $0x3  }
0x442: {  	s29 =	spop (v2sf);
	s16 =	sor.u32 s16, s3  }
0x443: {  	(v2sf) =	vpush v55, $0x3;
	s30 =	sshll.u32 s29, $0xC;
	s31 =	spop (v2sf);
	s16 =	sadd.s32 s16, s11  }
0x444: {  	(v2sf) =	vpush v1, $0x3;
	[tilespmem:s28], [sflag:$0x2] =	stream.linear.gather [hbm4b:s16+s2], $0x10, $0x38;
	[tilespmem:$0x980] =	vst v63  }
0x445: {  	s17 =	sand.u32 $0xFFFF8000, s30;
	s16 =	sshll.u32 s29, $0x7  }
0x446: {  	s17 =	sadd.s32 s17, s31;
	s16 =	sand.u32 $0x380, s16  }
0x447: {  	s16 =	sor.u32 s16, s17  }
0x448: {  	s19 =	sld [smem:$0x7EE];
	s16 =	sshrl.u32 s16, $0x3  }
0x449: {  	s16 =	sor.u32 s16, s3  }
0x44a: {  	s16 =	sadd.s32 s16, s11  }
0x44b: {  	[tilespmem:s19], [sflag:$0x2] =	stream.linear.gather [hbm4b:s16+s2], $0x10, $0x38;
	[tilespmem:$0x980] =	vst v63  }
0x44c: {  	s20 =	spop (v2sf)  }
0x44d: {  	(v2sf) =	vpush v55, $0x4;
	s21 =	sshll.u32 s20, $0xC  }
0x44e: {  	s16 =	sshll.u32 s20, $0x7;
	s17 =	sand.u32 $0xFFFF8000, s21;
	s22 =	spop (v2sf)  }
0x44f: {  	s16 =	sand.u32 $0x380, s16;
	(v2sf) =	vpush v1, $0x4;
	s17 =	sadd.s32 s17, s22  }
0x450: {  	s16 =	sor.u32 s16, s17  }
0x451: {  	s23 =	sld [smem:$0x7EF];
	s16 =	sshrl.u32 s16, $0x3  }
0x452: {  	s24 =	spop (v2sf);
	s16 =	sor.u32 s16, s3  }
0x453: {  	(v2sf) =	vpush v55, $0x5;
	s25 =	sshll.u32 s24, $0xC;
	s26 =	spop (v2sf);
	s16 =	sadd.s32 s16, s11  }
0x454: {  	(v2sf) =	vpush v1, $0x5;
	[tilespmem:s23], [sflag:$0x2] =	stream.linear.gather [hbm4b:s16+s2], $0x10, $0x38;
	[tilespmem:$0x980] =	vst v63  }
0x455: {  	s17 =	sand.u32 $0xFFFF8000, s25;
	s16 =	sshll.u32 s24, $0x7  }
0x456: {  	s17 =	sadd.s32 s17, s26;
	s16 =	sand.u32 $0x380, s16  }
0x457: {  	s16 =	sor.u32 s16, s17  }
0x458: {  	s28 =	sld [smem:$0x7F0];
	s16 =	sshrl.u32 s16, $0x3  }
0x459: {  	s16 =	sor.u32 s16, s3  }
0x45a: {  	s16 =	sadd.s32 s16, s11  }
0x45b: {  	[tilespmem:s28], [sflag:$0x2] =	stream.linear.gather [hbm4b:s16+s2], $0x10, $0x38;
	[tilespmem:$0x980] =	vst v63  }
0x45c: {  	s29 =	spop (v2sf)  }
0x45d: {  	(v2sf) =	vpush v55, $0x6;
	s30 =	sshll.u32 s29, $0xC  }
0x45e: {  	s16 =	sshll.u32 s29, $0x7;
	s17 =	sand.u32 $0xFFFF8000, s30;
	s31 =	spop (v2sf)  }
0x45f: {  	s16 =	sand.u32 $0x380, s16;
	(v2sf) =	vpush v1, $0x6;
	s17 =	sadd.s32 s17, s31  }
0x460: {  	s16 =	sor.u32 s16, s17  }
0x461: {  	s19 =	sld [smem:$0x7F1];
	s16 =	sshrl.u32 s16, $0x3  }
0x462: {  	s20 =	spop (v2sf);
	s16 =	sor.u32 s16, s3  }
0x463: {  	(v2sf) =	vpush v55, $0x7;
	s21 =	sshll.u32 s20, $0xC;
	s22 =	spop (v2sf);
	s16 =	sadd.s32 s16, s11  }
0x464: {  	(v2sf) =	vpush v1, $0x7;
	[tilespmem:s19], [sflag:$0x2] =	stream.linear.gather [hbm4b:s16+s2], $0x10, $0x38;
	[tilespmem:$0x980] =	vst v63  }
0x465: {  	s17 =	sand.u32 $0xFFFF8000, s21;
	s16 =	sshll.u32 s20, $0x7  }
0x466: {  	s17 =	sadd.s32 s17, s22;
	s16 =	sand.u32 $0x380, s16  }
0x467: {  	s16 =	sor.u32 s16, s17  }
0x468: {  	s23 =	sld [smem:$0x7F2];
	s16 =	sshrl.u32 s16, $0x3  }
0x469: {  	s16 =	sor.u32 s16, s3  }
0x46a: {  	s16 =	sadd.s32 s16, s11  }
0x46b: {  	[tilespmem:s23], [sflag:$0x2] =	stream.linear.gather [hbm4b:s16+s2], $0x10, $0x38;
	[tilespmem:$0x980] =	vst v63  }
0x46c: {  	s24 =	spop (v2sf)  }
0x46d: {  	(v2sf) =	vpush v55, $0x8;
	s25 =	sshll.u32 s24, $0xC  }
0x46e: {  	s16 =	sshll.u32 s24, $0x7;
	s17 =	sand.u32 $0xFFFF8000, s25;
	s26 =	spop (v2sf)  }
0x46f: {  	s16 =	sand.u32 $0x380, s16;
	(v2sf) =	vpush v1, $0x8;
	s17 =	sadd.s32 s17, s26  }
0x470: {  	s16 =	sor.u32 s16, s17  }
0x471: {  	s28 =	sld [smem:$0x7F3];
	s16 =	sshrl.u32 s16, $0x3  }
0x472: {  	s29 =	spop (v2sf);
	s16 =	sor.u32 s16, s3  }
0x473: {  	(v2sf) =	vpush v55, $0x9;
	s30 =	sshll.u32 s29, $0xC;
	s31 =	spop (v2sf);
	s16 =	sadd.s32 s16, s11  }
0x474: {  	(v2sf) =	vpush v1, $0x9;
	[tilespmem:s28], [sflag:$0x2] =	stream.linear.gather [hbm4b:s16+s2], $0x10, $0x38;
	[tilespmem:$0x980] =	vst v63  }
0x475: {  	s17 =	sand.u32 $0xFFFF8000, s30;
	s16 =	sshll.u32 s29, $0x7  }
0x476: {  	s17 =	sadd.s32 s17, s31;
	s16 =	sand.u32 $0x380, s16  }
0x477: {  	s16 =	sor.u32 s16, s17  }
0x478: {  	s19 =	sld [smem:$0x7F4];
	s16 =	sshrl.u32 s16, $0x3  }
0x479: {  	s16 =	sor.u32 s16, s3  }
0x47a: {  	s16 =	sadd.s32 s16, s11  }
0x47b: {  	[tilespmem:s19], [sflag:$0x2] =	stream.linear.gather [hbm4b:s16+s2], $0x10, $0x38;
	[tilespmem:$0x980] =	vst v63  }
0x47c: {  	s20 =	spop (v2sf)  }
0x47d: {  	(v2sf) =	vpush v55, $0xA;
	s21 =	sshll.u32 s20, $0xC  }
0x47e: {  	s16 =	sshll.u32 s20, $0x7;
	s17 =	sand.u32 $0xFFFF8000, s21;
	s22 =	spop (v2sf)  }
0x47f: {  	s16 =	sand.u32 $0x380, s16;
	(v2sf) =	vpush v1, $0xA;
	s17 =	sadd.s32 s17, s22  }
0x480: {  	s16 =	sor.u32 s16, s17  }
0x481: {  	s23 =	sld [smem:$0x7F5];
	s16 =	sshrl.u32 s16, $0x3  }
0x482: {  	s24 =	spop (v2sf);
	s16 =	sor.u32 s16, s3  }
0x483: {  	(v2sf) =	vpush v55, $0xB;
	s25 =	sshll.u32 s24, $0xC;
	s26 =	spop (v2sf);
	s16 =	sadd.s32 s16, s11  }
0x484: {  	(v2sf) =	vpush v1, $0xB;
	[tilespmem:s23], [sflag:$0x2] =	stream.linear.gather [hbm4b:s16+s2], $0x10, $0x38;
	[tilespmem:$0x980] =	vst v63  }
0x485: {  	s17 =	sand.u32 $0xFFFF8000, s25;
	s16 =	sshll.u32 s24, $0x7  }
0x486: {  	s17 =	sadd.s32 s17, s26;
	s16 =	sand.u32 $0x380, s16  }
0x487: {  	s16 =	sor.u32 s16, s17  }
0x488: {  	s28 =	sld [smem:$0x7F6];
	s16 =	sshrl.u32 s16, $0x3  }
0x489: {  	s16 =	sor.u32 s16, s3  }
0x48a: {  	s16 =	sadd.s32 s16, s11  }
0x48b: {  	[tilespmem:s28], [sflag:$0x2] =	stream.linear.gather [hbm4b:s16+s2], $0x10, $0x38;
	[tilespmem:$0x980] =	vst v63  }
0x48c: {  	s29 =	spop (v2sf)  }
0x48d: {  	(v2sf) =	vpush v55, $0xC;
	s30 =	sshll.u32 s29, $0xC  }
0x48e: {  	s16 =	sshll.u32 s29, $0x7;
	s17 =	sand.u32 $0xFFFF8000, s30;
	s31 =	spop (v2sf)  }
0x48f: {  	s16 =	sand.u32 $0x380, s16;
	(v2sf) =	vpush v1, $0xC;
	s17 =	sadd.s32 s17, s31  }
0x490: {  	s16 =	sor.u32 s16, s17  }
0x491: {  	s19 =	sld [smem:$0x7F7];
	s16 =	sshrl.u32 s16, $0x3  }
0x492: {  	s20 =	spop (v2sf);
	(v2sf) =	vpush v55, $0xD;
	s16 =	sor.u32 s16, s3  }
0x493: {  	s21 =	sshll.u32 s20, $0xC;
	s22 =	spop (v2sf);
	(v2sf) =	vpush v1, $0xD;
	s16 =	sadd.s32 s16, s11  }
0x494: {  	[tilespmem:s19], [sflag:$0x2] =	stream.linear.gather [hbm4b:s16+s2], $0x10, $0x38;
	[tilespmem:$0x980] =	vst v63  }
0x495: {  	s17 =	sand.u32 $0xFFFF8000, s21;
	s16 =	sshll.u32 s20, $0x7  }
0x496: {  	s17 =	sadd.s32 s17, s22;
	s16 =	sand.u32 $0x380, s16  }
0x497: {  	s16 =	sor.u32 s16, s17  }
0x498: {  	s23 =	sld [smem:$0x7F8];
	s16 =	sshrl.u32 s16, $0x3  }
0x499: {  	s16 =	sor.u32 s16, s3  }
0x49a: {  	s16 =	sadd.s32 s16, s11  }
0x49b: {  	[tilespmem:s23], [sflag:$0x2] =	stream.linear.gather [hbm4b:s16+s2], $0x10, $0x38;
	[tilespmem:$0x980] =	vst v63  }
0x49c: {  	s24 =	spop (v2sf)  }
0x49d: {  	(v2sf) =	vpush v55, $0xE;
	s25 =	sshll.u32 s24, $0xC  }
0x49e: {  	s16 =	sshll.u32 s24, $0x7;
	s17 =	sand.u32 $0xFFFF8000, s25;
	s26 =	spop (v2sf)  }
0x49f: {  	s16 =	sand.u32 $0x380, s16;
	(v2sf) =	vpush v1, $0xE;
	s17 =	sadd.s32 s17, s26  }
0x4a0: {  	s16 =	sor.u32 s16, s17  }
0x4a1: {  	s28 =	sld [smem:$0x7F9];
	s29 =	spop (v2sf);
	(v2sf) =	vpush v1, $0xF;
	s16 =	sshrl.u32 s16, $0x3  }
0x4a2: {  	s31 =	spop (v2sf);
	(v2sf) =	vpush v55, $0xF;
	s16 =	sor.u32 s16, s3  }
0x4a3: {  	s30 =	sshll.u32 s29, $0xC;
	s16 =	sadd.s32 s16, s11  }
0x4a4: {  	[tilespmem:s28], [sflag:$0x2] =	stream.linear.gather [hbm4b:s16+s2], $0x10, $0x38;
	[tilespmem:$0x980] =	vst v63  }
0x4a5: {  	s17 =	sand.u32 $0xFFFF8000, s30;
	s16 =	sshll.u32 s29, $0x7  }
0x4a6: {  	s17 =	sadd.s32 s17, s31;
	s16 =	sand.u32 $0x380, s16  }
0x4a7: {  	s16 =	sor.u32 s16, s17  }
0x4a8: {  	s18 =	sld [smem:$0x7FA];
	s16 =	sshrl.u32 s16, $0x3  }
0x4a9: {  	s16 =	sor.u32 s16, s3  }
0x4aa: {  	s16 =	sadd.s32 s16, s11  }
0x4ab: {  	[tilespmem:s18], [sflag:$0x2] =	stream.linear.gather [hbm4b:s16+s2], $0x10, $0x38;
	[tilespmem:$0x980] =	vst v63  }
0x4ac: {  	s19 =	spop (v2sf)  }
0x4ad: {  	s20 =	sshll.u32 s19, $0xC  }
0x4ae: {  	s18 =	sshll.u32 s19, $0x7;
	s21 =	spop (v2sf);
	s16 =	sand.u32 $0xFFFF8000, s20  }
0x4af: {  	s22 =	sand.u32 $0x380, s18;
	s16 =	sadd.s32 s16, s21  }
0x4b0: {  	s24 =	spop (v2sf);
	s16 =	sor.u32 s22, s16  }
0x4b1: {  	s23 =	sld [smem:$0x7FB];
	s25 =	spop (v2sf);
	s16 =	sshrl.u32 s16, $0x3  }
0x4b2: {  	s26 =	sshll.u32 s25, $0xC;
	s16 =	sor.u32 s16, s3  }
0x4b3: {  	s17 =	sand.u32 $0xFFFF8000, s26;
	s16 =	sadd.s32 s16, s11  }
0x4b4: {  	[tilespmem:s23], [sflag:$0x2] =	stream.linear.gather [hbm4b:s16+s2], $0x10, $0x38;
	[tilespmem:$0x980] =	vst v63  }
0x4b5: {  	s28 =	rddreg [dreg:$0x7];
	s17 =	sadd.s32 s17, s24;
	s16 =	sshll.u32 s25, $0x7  }
0x4b6: {  	s17 =	sor.u32 s28, s17;
	s16 =	sand.u32 $0x380, s16  }
0x4b7: {  	s29 =	sld [smem:$0x7FC];
	s16 =	sor.u32 s16, s17  }
0x4b8: {  	s16 =	sshrl.u32 s16, $0x3  }
0x4b9: {  	s16 =	sadd.s32 s16, s11  }
0x4ba: {  	[tilespmem:s29], [sflag:$0x2] =	stream.linear.gather [hbm4b:s16+s2], $0x10, $0x38;
	[tilespmem:$0x980] =	vst v63  }
0x4bb: {  	_ =	swait.ge [sflag:s14], $0x800  }
0x4bc: {  	[sflag:s14] =	ssyncset.done $0x0  }
0x4bd: {  	[sflag:s14] =	ssyncadd.s32 $0xFFFFF800  }
0x4be: {  	v7 =	vld [tilespmem:$0x100]  }
0x4bf: {  	v6 =	vld [tilespmem:$0x110]  }
0x4c0: {  	v8 =	vld [tilespmem:$0x120]  }
0x4c1: {  	v10 =	vld [tilespmem:$0x130]  }
0x4c2: {  	v11 =	vld [tilespmem:$0x140]  }
0x4c3: {  	v13 =	vld [tilespmem:$0x150]  }
0x4c4: {  	v15 =	vld [tilespmem:$0x160]  }
0x4c5: {  	v16 =	vld [tilespmem:$0x170]  }
0x4c6: {  	v18 =	vld [tilespmem:$0x180]  }
0x4c7: {  	v39 =	vld [tilespmem:$0x190]  }
0x4c8: {  	v41 =	vld [tilespmem:$0x1A0]  }
0x4c9: {  	v44 =	vld [tilespmem:$0x1B0]  }
0x4ca: {  	v47 =	vld [tilespmem:$0x1C0]  }
0x4cb: {  	v58 =	vld [tilespmem:$0x1D0]  }
0x4cc: {  	v57 =	vld [tilespmem:$0x1E0]  }
0x4cd: {  	v59 =	vld [tilespmem:$0x1F0]  }
0x4ce: {  	v19 =	vld [tilespmem:$0x200]  }
0x4cf: {  	v20 =	vld [tilespmem:$0x210]  }
0x4d0: {  	v21 =	vld [tilespmem:$0x220]  }
0x4d1: {  	v22 =	vld [tilespmem:$0x230]  }
0x4d2: {  	v23 =	vld [tilespmem:$0x240]  }
0x4d3: {  	v24 =	vld [tilespmem:$0x250]  }
0x4d4: {  	v25 =	vld [tilespmem:$0x260]  }
0x4d5: {  	v26 =	vld [tilespmem:$0x270]  }
0x4d6: {  	v27 =	vld [tilespmem:$0x280]  }
0x4d7: {  	v28 =	vld [tilespmem:$0x290]  }
0x4d8: {  	v29 =	vld [tilespmem:$0x2A0]  }
0x4d9: {  	v30 =	vld [tilespmem:$0x2B0]  }
0x4da: {  	v31 =	vld [tilespmem:$0x2C0]  }
0x4db: {  	v32 =	vld [tilespmem:$0x2D0]  }
0x4dc: {  	v33 =	vld [tilespmem:$0x2E0]  }
0x4dd: {  	v40 =	vld [tilespmem:$0x2F0]  }
0x4de: {  	v35 =	vld [tilespmem:$0x300]  }
0x4df: {  	v36 =	vld [tilespmem:$0x310]  }
0x4e0: {  	v37 =	vld [tilespmem:$0x320]  }
0x4e1: {  	v38 =	vld [tilespmem:$0x330]  }
0x4e2: {  	v43 =	vld [tilespmem:$0x340]  }
0x4e3: {  	v46 =	vld [tilespmem:$0x350]  }
0x4e4: {  	v62 =	vld [tilespmem:$0x360]  }
0x4e5: {  	v60 =	vld [tilespmem:$0x370]  }
0x4e6: {  	v61 =	vld [tilespmem:$0x380]  }
0x4e7: {  	v63 =	vld [tilespmem:$0x390]  }
0x4e8: {  	v4 =	vld [tilespmem:$0x3A0]  }
0x4e9: {  	v5 =	vld [tilespmem:$0x3B0]  }
0x4ea: {  	v9 =	vld [tilespmem:$0x3C0]  }
0x4eb: {  	v12 =	vld [tilespmem:$0x3D0]  }
0x4ec: {  	v14 =	vld [tilespmem:$0x3E0]  }
0x4ed: {  	v17 =	vld [tilespmem:$0x3F0]  }
0x4ee: {  	v48 =	vld [tilespmem:$0x400]  }
0x4ef: {  	v49 =	vld [tilespmem:$0x410]  }
0x4f0: {  	v50 =	vld [tilespmem:$0x420]  }
0x4f1: {  	v51 =	vld [tilespmem:$0x430]  }
0x4f2: {  	v52 =	vld [tilespmem:$0x440]  }
0x4f3: {  	v53 =	vld [tilespmem:$0x450]  }
0x4f4: {  	v54 =	vld [tilespmem:$0x460]  }
0x4f5: {  	v55 =	vld [tilespmem:$0x470]  }
0x4f6: {  	v56 =	vld [tilespmem:$0x480]  }
0x4f7: {  	v34 =	vld [tilespmem:$0x4A0]  }
0x4f8: {  	v42 =	vld [tilespmem:$0x4B0]  }
0x4f9: {  	v45 =	vld [tilespmem:$0x4C0]  }
0x4fa: {  	v1 =	vld [tilespmem:$0x500]  }
0x4fb: {  	v0 =	vld [tilespmem:$0x510]  }
0x4fc: {  	v2 =	vld [tilespmem:$0x520]  }
0x4fd: {  	v3 =	vld [tilespmem:$0x530]  }
0x4fe: {  	[tilespmem:$0x1FE80] =	vst v57;
	v57 =	vld [tilespmem:$0x490]  }
0x4ff: {  	[tilespmem:$0x1FE90] =	vst v59;
	v59 =	vld [tilespmem:$0x4D0]  }
0x500: {  	[tilespmem:$0x1FEA0] =	vst v60;
	v60 =	vld [tilespmem:$0x4E0]  }
0x501: {  	[tilespmem:$0x1FEB0] =	vst v61;
	v61 =	vld [tilespmem:$0x4F0]  }
0x502: {  	[tilespmem:$0x1FED0] =	vst v4;
	v4 =	vld [tilespmem:$0x540]  }
0x503: {  	[tilespmem:$0x1FEE0] =	vst v5;
	v5 =	vld [tilespmem:$0x550]  }
0x504: {  	[tilespmem:$0x1FF00] =	vst v9;
	v9 =	vld [tilespmem:$0x560]  }
0x505: {  	[tilespmem:$0x1FF20] =	vst v12;
	v12 =	vld [tilespmem:$0x570]  }
0x506: {  	[tilespmem:$0x1FF40] =	vst v14;
	v14 =	vld [tilespmem:$0x580]  }
0x507: {  	[tilespmem:$0x1FF60] =	vst v17;
	v17 =	vld [tilespmem:$0x590]  }
0x508: {  	[tilespmem:$0x1FEF0] =	vst v34;
	v34 =	vld [tilespmem:$0x5A0]  }
0x509: {  	[tilespmem:$0x1FF10] =	vst v42;
	v42 =	vld [tilespmem:$0x5B0]  }
0x50a: {  	[tilespmem:$0x1FF30] =	vst v45;
	v45 =	vld [tilespmem:$0x5C0]  }
0x50b: {  	[tilespmem:$0x1FEC0] =	vst v63;
	v63 =	vld [tilespmem:$0x620]  }
0x50c: {  	v6 =	vsel vm0, v7, v6;
	v7 =	vld [tilespmem:$0x670]  }
0x50d: {  	v0 =	vsel vm0, v1, v0;
	v1 =	vld [tilespmem:$0x770]  }
0x50e: {  	v6 =	vsel vm1, v6, v8;
	v0 =	vsel vm1, v0, v2;
	v2 =	vld [tilespmem:$0x780]  }
0x50f: {  	v6 =	vsel vm2, v6, v10;
	v0 =	vsel vm2, v0, v3;
	v3 =	vld [tilespmem:$0x790]  }
0x510: {  	v6 =	vsel vm3, v6, v11;
	v11 =	vld [tilespmem:$0x6D0]  }
0x511: {  	[tilespmem:$0x1FFB0] =	vst v63;
	v63 =	vld [tilespmem:$0x630]  }
0x512: {  	v6 =	vsel vm4, v6, v13;
	v13 =	vld [tilespmem:$0x6B0]  }
0x513: {  	[tilespmem:$0x1FF50] =	vst v59;
	v59 =	vld [tilespmem:$0x5D0]  }
0x514: {  	[tilespmem:$0x1FF70] =	vst v60;
	v60 =	vld [tilespmem:$0x5E0]  }
0x515: {  	[tilespmem:$0x1FF80] =	vst v61;
	v61 =	vld [tilespmem:$0x600]  }
0x516: {  	v0 =	vsel vm3, v0, v4;
	[tilespmem:$0x1FFC0] =	vst v63;
	v63 =	vld [tilespmem:$0x640]  }
0x517: {  	v4 =	vld [tilespmem:$0x7A0];
	v0 =	vsel vm4, v0, v5  }
0x518: {  	v5 =	vld [tilespmem:$0x7B0];
	v0 =	vsel vm5, v0, v9  }
0x519: {  	v9 =	vld [tilespmem:$0x7C0];
	v0 =	vsel vm6, v0, v12  }
0x51a: {  	v12 =	vld [tilespmem:$0x7D0];
	v0 =	vsel vm7, v0, v14  }
0x51b: {  	v0 =	vsel vm8, v0, v17;
	[tilespmem:$0x1FFD0] =	vst v63;
	v63 =	vld [tilespmem:$0x650]  }
0x51c: {  	v14 =	vld [tilespmem:$0x7E0];
	v0 =	vsel vm9, v0, v34  }
0x51d: {  	[tilespmem:$0x1FF90] =	vst v60;
	v60 =	vld [tilespmem:$0x5F0];
	v0 =	vsel vm10, v0, v42  }
0x51e: {  	v17 =	vld [tilespmem:$0x7F0];
	v0 =	vsel vm11, v0, v45  }
0x51f: {  	v0 =	vsel vm12, v0, v59;
	v59 =	vld [tilespmem:$0x1FF90]  }
0x520: {  	[tilespmem:$0x1FFE0] =	vst v63;
	v63 =	vld [tilespmem:$0x660]  }
0x521: {  	v42 =	vld [tilespmem:$0x850]  }
0x522: {  	v45 =	vld [tilespmem:$0x860]  }
0x523: {  	[tilespmem:$0x1FFA0] =	vst v60;
	v60 =	vld [tilespmem:$0x610]  }
0x524: {  	v0 =	vsel vm13, v0, v59;
	v59 =	vld [tilespmem:$0x8F0]  }
0x525: {  	[tilespmem:$0x1FFF0] =	vst v63;
	v63 =	vsel vm0, v19, v20;
	v19 =	vld [tilespmem:$0x680]  }
0x526: {  	v20 =	vld [tilespmem:$0x690]  }
0x527: {  	v8 =	vsel vm1, v63, v21;
	v21 =	vld [tilespmem:$0x6A0]  }
0x528: {  	v63 =	vld [tilespmem:$0x840]  }
0x529: {  	v8 =	vsel vm2, v8, v22;
	v22 =	vld [tilespmem:$0x710]  }
0x52a: {  	v8 =	vsel vm3, v8, v23;
	v23 =	vsel vm5, v6, v15;
	v6 =	vld [tilespmem:$0x6C0]  }
0x52b: {  	v10 =	vsel vm6, v23, v16;
	v23 =	vld [tilespmem:$0x720]  }
0x52c: {  	v8 =	vsel vm4, v8, v24;
	v24 =	vld [tilespmem:$0x730]  }
0x52d: {  	v8 =	vsel vm5, v8, v25;
	v25 =	vsel vm7, v10, v18;
	v18 =	vld [tilespmem:$0x700]  }
0x52e: {  	v15 =	vsel vm8, v25, v39;
	v25 =	vld [tilespmem:$0x740]  }
0x52f: {  	v36 =	vsel vm0, v35, v36;
	v39 =	vld [tilespmem:$0x1FEB0]  }
0x530: {  	v8 =	vsel vm6, v8, v26;
	v26 =	vsel vm1, v36, v37;
	v37 =	vsel vm0, v48, v49;
	v48 =	vld [tilespmem:$0x800]  }
0x531: {  	v49 =	vld [tilespmem:$0x1FF20]  }
0x532: {  	v26 =	vsel vm2, v26, v38;
	v38 =	vld [tilespmem:$0x1FEA0]  }
0x533: {  	v27 =	vsel vm7, v8, v27;
	v15 =	vsel vm9, v15, v41;
	v41 =	vld [tilespmem:$0x1FED0]  }
0x534: {  	v16 =	vsel vm8, v27, v28;
	v27 =	vld [tilespmem:$0x750]  }
0x535: {  	v26 =	vsel vm3, v26, v43;
	v43 =	vld [tilespmem:$0x1FEE0]  }
0x536: {  	v15 =	vsel vm10, v15, v44;
	v44 =	vld [tilespmem:$0x1FEF0]  }
0x537: {  	v28 =	vsel vm1, v37, v50;
	v50 =	vld [tilespmem:$0x1FF30]  }
0x538: {  	v16 =	vsel vm9, v16, v29;
	v29 =	vld [tilespmem:$0x760]  }
0x539: {  	v26 =	vsel vm4, v26, v46;
	v46 =	vld [tilespmem:$0x1FF00]  }
0x53a: {  	v15 =	vsel vm11, v15, v47;
	v47 =	vld [tilespmem:$0x1FF10]  }
0x53b: {  	v28 =	vsel vm2, v28, v51;
	v51 =	vld [tilespmem:$0x810]  }
0x53c: {  	v28 =	vsel vm3, v28, v52;
	v52 =	vld [tilespmem:$0x1FF40]  }
0x53d: {  	v16 =	vsel vm10, v16, v30;
	v15 =	vsel vm12, v15, v58;
	v58 =	vld [tilespmem:$0x1FF80]  }
0x53e: {  	v16 =	vsel vm11, v16, v31;
	v31 =	vld [tilespmem:$0x1FE80]  }
0x53f: {  	v28 =	vsel vm4, v28, v53;
	v53 =	vld [tilespmem:$0x1FF50]  }
0x540: {  	v16 =	vsel vm12, v16, v32;
	v32 =	vld [tilespmem:$0x1FE90]  }
0x541: {  	v28 =	vsel vm5, v28, v54;
	v54 =	vld [tilespmem:$0x820];
	v16 =	vsel vm13, v16, v33  }
0x542: {  	v16 =	vsel vm14, v16, v40;
	v40 =	vld [tilespmem:$0x1FEC0]  }
0x543: {  	v26 =	vsel vm5, v26, v62;
	v18 =	vsel vm0, v18, v22;
	v28 =	vsel vm6, v28, v55;
	v55 =	vld [tilespmem:$0x1FF60]  }
0x544: {  	v18 =	vsel vm1, v18, v23;
	v26 =	vsel vm6, v26, v38;
	v28 =	vsel vm7, v28, v56;
	v56 =	vld [tilespmem:$0x1FF70]  }
0x545: {  	v18 =	vsel vm2, v18, v24;
	v26 =	vsel vm7, v26, v39;
	v28 =	vsel vm8, v28, v57;
	v57 =	vld [tilespmem:$0x830]  }
0x546: {  	v18 =	vsel vm3, v18, v25;
	v28 =	vsel vm9, v28, v44;
	v44 =	vsel vm0, v48, v51;
	v48 =	vld [tilespmem:$0x1FFE0]  }
0x547: {  	v18 =	vsel vm4, v18, v27;
	v51 =	vld [tilespmem:$0x890];
	v26 =	vsel vm8, v26, v40  }
0x548: {  	v62 =	vsel vm0, v61, v60;
	v18 =	vsel vm5, v18, v29;
	v26 =	vsel vm9, v26, v41;
	v41 =	vld [tilespmem:$0x1FFB0]  }
0x549: {  	v15 =	vsel vm13, v15, v31;
	v1 =	vsel vm6, v18, v1;
	v26 =	vsel vm10, v26, v43;
	v43 =	vld [tilespmem:$0x1FFC0]  }
0x54a: {  	v28 =	vsel vm10, v28, v47;
	v1 =	vsel vm7, v1, v2;
	v26 =	vsel vm11, v26, v46;
	v46 =	vld [tilespmem:$0x1FFD0]  }
0x54b: {  	v15 =	vsel vm14, v15, v32;
	v47 =	vld [tilespmem:$0x870];
	v28 =	vsel vm11, v28, v50;
	v1 =	vsel vm8, v1, v3  }
0x54c: {  	v23 =	vsel vm1, v44, v54;
	v50 =	vld [tilespmem:$0x1FFF0];
	v28 =	vsel vm12, v28, v53;
	v1 =	vsel vm9, v1, v4  }
0x54d: {  	v23 =	vsel vm2, v23, v57;
	v26 =	vsel vm12, v26, v49;
	v49 =	vld [tilespmem:$0x880];
	v34 =	vsel vm1, v62, v41  }
0x54e: {  	v54 =	vld [tilespmem:$0x8B0];
	v28 =	vsel vm13, v28, v56;
	v23 =	vsel vm3, v23, v63;
	v34 =	vsel vm2, v34, v43  }
0x54f: {  	v22 =	vsel vm4, v23, v42;
	v26 =	vsel vm13, v26, v52;
	v52 =	vld [tilespmem:$0x8A0];
	v31 =	vsel vm3, v34, v46  }
0x550: {  	v40 =	vld [tilespmem:$0x1FFA0];
	v1 =	vsel vm10, v1, v5;
	v53 =	vsel vm5, v22, v45;
	v31 =	vsel vm4, v31, v48  }
0x551: {  	v56 =	vld [tilespmem:$0x8C0];
	v26 =	vsel vm14, v26, v55;
	v55 =	vsel vm6, v53, v47;
	v31 =	vsel vm5, v31, v50  }
0x552: {  	v57 =	vld [tilespmem:$0x8D0];
	v28 =	vsel vm14, v28, v58;
	v2 =	vsel vm7, v55, v49;
	v7 =	vsel vm6, v31, v7  }
0x553: {  	v58 =	vld [tilespmem:$0x8E0];
	v1 =	vsel vm11, v1, v9;
	v2 =	vsel vm8, v2, v51;
	v7 =	vsel vm7, v7, v19  }
0x554: {  	v10 =	vld [tilespmem:$0x6E0];
	[tilespmem:$0x910] =	vst v16;
	v1 =	vsel vm12, v1, v12;
	v2 =	vsel vm9, v2, v52;
	v7 =	vsel vm8, v7, v20  }
0x555: {  	v8 =	vld [tilespmem:$0x6F0];
	[tilespmem:$0x900] =	vst v15;
	v1 =	vsel vm13, v1, v14;
	v2 =	vsel vm10, v2, v54;
	v7 =	vsel vm9, v7, v21  }
0x556: {  	[tilespmem:$0x930] =	vst v28;
	v0 =	vsel vm14, v0, v40;
	v2 =	vsel vm11, v2, v56;
	v7 =	vsel vm10, v7, v13  }
0x557: {  	v61 =	vsel vm14, v1, v17;
	[tilespmem:$0x940] =	vst v0;
	v2 =	vsel vm12, v2, v57;
	v6 =	vsel vm11, v7, v6  }
0x558: {  	[tilespmem:$0x960] =	vst v61;
	v62 =	vsel vm13, v2, v58;
	v6 =	vsel vm12, v6, v11  }
0x559: {  	s31 =	sld [smem:$0x7FD];
	[tilespmem:$0x920] =	vst v26;
	v63 =	vsel vm14, v62, v59;
	v6 =	vsel vm13, v6, v10  }
0x55a: {  	p0 =	sne.s32 s12, $0x1;
	[tilespmem:$0x970] =	vst v63;
	v60 =	vsel vm14, v6, v8  }
.Ltmp0:
0x55b: {  	s30 =	rddreg [dreg:$0x8];
	[tilespmem:$0x950] =	vst v60;
	(pc) =	sbr.rel @p0 .LBB2_1-.Ltmp0, $4  }
0x55c: {  	[hbm4b:s30+s2] =	stream.linear.scatter [tilespmem:s31], [sflag:$0x3], $0x80, $0x38;
	[tilespmem:$0x980] =	vst v63  }
0x55d: {  	_ =	swait.ge [sflag:s15], $0x80  }
0x55e: {  	[sflag:s15] =	ssyncset.done $0x0  }
0x55f: {  	s12 =	sadd.s32 $0xFFFFFFFF, s12;
	[sflag:s15] =	ssyncadd.s32 $0xFFFFFF80  }
0x560: {  	_ =	sfence.sel $0x180000  }
0x561: {  	[bflag:$0x0] =	sbarrier.arrive $0xFFFF  }
0x562: {  	p0 =	sne.s32 s0, $0x0;
	_ =	strace $0x90000047  }
0x563: {  	s0 =	sadd.s32 @!p0 $0x100000, s1;
	[bflag:$0x2] =	sbarrier.arrive $0xFFFF  }
0x564: {  	[sflag:s0] =	ssyncadd.tile.s32 @!p0 $0x1;
	_ =	shalt  }
.Lfunc_end2:
_tile_overlayer_lowered:
.L_overlay_start_2:
0x565: {  	(tag) =	ssettag $0x2  }
0x566: {  	s0 =	rddreg [dreg:$0x0];
	s2 =	stileid.u32  }
0x567: {  	s1 =	rddreg [dreg:$0x1];
	p0 =	sne.s32 s2, $0x0  }
0x568: {  	s3 =	rddreg [dreg:$0x2];
	[bflag:$0x3] =	sbarrier.arrive $0xFFFF;
	s2 =	simm.s32 @!p0 $0x1C03  }
0x569: {  	[timem:s3], [sflag:s2] =	dma.local @!p0 [hbm:s0], s1  }
0x56a: {  	s0 =	simm.s32 @!p0 $0x3  }
0x56b: {  	_ =	swait.ge @!p0 [sflag:s0], s1  }
0x56c: {  	s1 =	ssub.s32 @!p0 $0x0, s1;
	[sflag:s0] =	ssyncset.done @!p0 $0x0  }
0x56d: {  	[sflag:s0] =	ssyncadd.s32 @!p0 s1  }
0x56e: {  	[bflag:$0x3] =	sbarrier.arrive $0xFFFF  }
0x56f: {  	_ =	shalt  }

</sc_bundles>
